<compile_context>
chip_gen: v7x
topology: tpu7x:2x2x1
jax: 0.10.2.dev20260603
libtpu: 0.0.44.dev20260713+nightly
codegen_flags: <defaults>
</compile_context>

<pallas_src>
import jax
import jax.numpy as jnp
from jax import lax
from jax.experimental import pallas as pl
from jax.experimental.pallas import tpu as pltpu
from jax.experimental.pallas import tpu_sc as plsc

N = 10000
E = 320000
HD = 128
H = 4
D = 32
NEG = 0.2

_NC = 2
_NS = 16
_NW = _NC * _NS
_EPT = E // _NW
_C = 80
_NCH = _EPT // _C
_NP = 10240
_RPT = _NP // _NS
_ZR = 128

_BN = 400
_GRID = N // _BN



def _sc_body(feat_h, eler_h, eidx_h, o0, o1, d0, d1,
             acc, den,
             f_v0, a_v0, b_v0, ex_v0, eidx0, dscat0,
             f_v1, a_v1, b_v1, ex_v1, eidx1, dscat1,
             sem_a0, sem_b0, sem_f0, sem_s0,
             sem_a1, sem_b1, sem_f1, sem_s1):
    c = lax.axis_index("c")
    s = lax.axis_index("s")
    wid = c * _NS + s

    bufs = ((f_v0, a_v0, b_v0, ex_v0, eidx0, dscat0,
             sem_a0, sem_b0, sem_f0, sem_s0),
            (f_v1, a_v1, b_v1, ex_v1, eidx1, dscat1,
             sem_a1, sem_b1, sem_f1, sem_s1))

    zero16 = jnp.zeros((16,), jnp.float32)

    def _zb(i, carry):
        r = i // (HD // 16)
        col = (i % (HD // 16)) * 16
        f_v0[r, pl.ds(col, 16)] = zero16
        return carry

    lax.fori_loop(0, _C * (HD // 16), _zb, 0)

    def _ze(i, carry):
        ex_v0[i, :] = zero16
        ex_v1[i, :] = zero16
        return carry

    lax.fori_loop(0, _C, _ze, 0)

    row0 = s * _RPT

    def _zc(i, carry):
        pltpu.sync_copy(f_v0, acc.at[pl.ds(row0 + i * _C, _C), :])
        return carry

    lax.fori_loop(0, _RPT // _C, _zc, 0)

    def _zd(i, carry):
        pltpu.sync_copy(ex_v0, den.at[pl.ds(row0 + i * _C, _C), :])
        return carry

    lax.fori_loop(0, _RPT // _C, _zd, 0)

    plsc.subcore_barrier()

    iota = lax.iota(jnp.int32, 16)
    qi = iota // H
    ri = iota % H

    def _gathers(b, kc, first=False):
        f_v, a_v, b_v, ex_v, eidx, dscat, sem_a, sem_b, sem_f, sem_s = bufs[b]
        if not first:
            pltpu.make_async_copy(f_v, acc.at[dscat], sem_s).wait()
        base = wid * _EPT + kc * _C
        pltpu.sync_copy(eidx_h.at[:, pl.ds(base, _C)], eidx)
        pltpu.async_copy(eler_h.at[eidx.at[0]], a_v, sem_a)
        pltpu.async_copy(eler_h.at[eidx.at[1]], b_v, sem_b)
        pltpu.async_copy(feat_h.at[eidx.at[0]], f_v, sem_f)

    def _process(b):
        f_v, a_v, b_v, ex_v, eidx, dscat, sem_a, sem_b, sem_f, sem_s = bufs[b]
        pltpu.make_async_copy(eler_h.at[eidx.at[0]], a_v, sem_a).wait()
        pltpu.make_async_copy(eler_h.at[eidx.at[1]], b_v, sem_b).wait()
        pltpu.make_async_copy(feat_h.at[eidx.at[0]], f_v, sem_f).wait()

        def _cpi(j, carry):
            dscat[pl.ds(j * 16, 16)] = eidx[1, pl.ds(j * 16, 16)]
            return carry

        lax.fori_loop(0, _C // 16, _cpi, 0)

        def _grp(g, carry2):
            rowv = g * 4 + qi
            vel = plsc.load_gather(a_v, [rowv, ri])
            ver = plsc.load_gather(b_v, [rowv, ri + 4])
            e = vel + ver
            e = jnp.where(e > 0, e, e * NEG)
            exv = jnp.exp(e)
            plsc.store_scatter(ex_v, [rowv, ri], exv)
            for j in range(4):
                row = g * 4 + j
                for h in range(H):
                    sc = exv[j * 4 + h]
                    for half in range(2):
                        col = (h * 2 + half) * 16
                        f_v[row, pl.ds(col, 16)] = (
                            f_v[row, pl.ds(col, 16)] * sc)
            return carry2

        lax.fori_loop(0, _C // 4, _grp, 0)

        pltpu.sync_copy(ex_v, den.at[dscat], add=True)
        pltpu.async_copy(f_v, acc.at[dscat], sem_s, add=True)

    _gathers(0, 0, first=True)
    _gathers(1, 1, first=True)
    last = _NCH - 1

    def _pair(k2, carry):
        _process(0)
        _process(1)
        _gathers(0, jnp.minimum(2 * k2 + 2, last))
        _gathers(1, jnp.minimum(2 * k2 + 3, last))
        return carry

    lax.fori_loop(0, (_NCH - 1) // 2, _pair, 0)

    _process(0)
    pltpu.make_async_copy(f_v0, acc.at[dscat0], sem_s0).wait()
    pltpu.make_async_copy(eler_h.at[eidx1.at[0]], a_v1, sem_a1).wait()
    pltpu.make_async_copy(eler_h.at[eidx1.at[1]], b_v1, sem_b1).wait()
    pltpu.make_async_copy(feat_h.at[eidx1.at[0]], f_v1, sem_f1).wait()

    plsc.subcore_barrier()

    def _wo(out_h, den_h):
        def _w(i, carry):
            r = pl.ds(row0 + i * _C, _C)
            pltpu.sync_copy(acc.at[r, :], f_v0)
            pltpu.sync_copy(f_v0, out_h.at[r, :])
            pltpu.sync_copy(den.at[r, :], ex_v0)
            pltpu.sync_copy(ex_v0, den_h.at[r, :])
            return carry
        lax.fori_loop(0, _RPT // _C, _w, 0)

    @pl.when(c == 0)
    def _():
        _wo(o0, d0)

    @pl.when(c == 1)
    def _():
        _wo(o1, d1)


_sc_layer = pl.kernel(
    _sc_body,
    out_type=(
        jax.ShapeDtypeStruct((_NP, HD), jnp.float32),
        jax.ShapeDtypeStruct((_NP, HD), jnp.float32),
        jax.ShapeDtypeStruct((_NP, 16), jnp.float32),
        jax.ShapeDtypeStruct((_NP, 16), jnp.float32),
    ),
    mesh=plsc.VectorSubcoreMesh(core_axis_name="c", subcore_axis_name="s",
                                num_cores=_NC, num_subcores=_NS),
    compiler_params=pltpu.CompilerParams(use_tc_tiling_on_sc=False,
                                         needs_layout_passes=False),
    scratch_types=[
        pltpu.VMEM_SHARED((_NP, HD), jnp.float32),
        pltpu.VMEM_SHARED((_NP, 16), jnp.float32),
        pltpu.VMEM((_C, HD), jnp.float32),
        pltpu.VMEM((_C, 16), jnp.float32),
        pltpu.VMEM((_C, 16), jnp.float32),
        pltpu.VMEM((_C, 16), jnp.float32),
        pltpu.VMEM((2, _C), jnp.int32),
        pltpu.VMEM((_C,), jnp.int32),
        pltpu.VMEM((_C, HD), jnp.float32),
        pltpu.VMEM((_C, 16), jnp.float32),
        pltpu.VMEM((_C, 16), jnp.float32),
        pltpu.VMEM((_C, 16), jnp.float32),
        pltpu.VMEM((2, _C), jnp.int32),
        pltpu.VMEM((_C,), jnp.int32),
        pltpu.SemaphoreType.DMA,
        pltpu.SemaphoreType.DMA,
        pltpu.SemaphoreType.DMA,
        pltpu.SemaphoreType.DMA,
        pltpu.SemaphoreType.DMA,
        pltpu.SemaphoreType.DMA,
        pltpu.SemaphoreType.DMA,
        pltpu.SemaphoreType.DMA,
    ],
)



def _expand_mat():
    r = lax.broadcasted_iota(jnp.int32, (H, HD), 0)
    col = lax.broadcasted_iota(jnp.int32, (H, HD), 1)
    return (col // D == r).astype(jnp.float32)


def _tcA_body(x_ref, w_ref, aa_ref, feat_ref, eler_ref):
    f = jnp.dot(x_ref[...], w_ref[...], preferred_element_type=jnp.float32)
    feat_ref[...] = f
    eler_ref[...] = jnp.dot(f, aa_ref[...], preferred_element_type=jnp.float32)


_tcA = pl.pallas_call(
    _tcA_body,
    grid=(_GRID,),
    in_specs=[
        pl.BlockSpec((_BN, HD), lambda i: (i, 0)),
        pl.BlockSpec((HD, HD), lambda i: (0, 0)),
        pl.BlockSpec((HD, 16), lambda i: (0, 0)),
    ],
    out_specs=[
        pl.BlockSpec((_BN, HD), lambda i: (i, 0)),
        pl.BlockSpec((_BN, 16), lambda i: (i, 0)),
    ],
    out_shape=[
        jax.ShapeDtypeStruct((N, HD), jnp.float32),
        jax.ShapeDtypeStruct((N, 16), jnp.float32),
    ],
)


def _norm_relu(o0, o1, dn0, dn1):
    num = o0[...] + o1[...]
    den = dn0[..., :H] + dn1[..., :H] + 1e-9
    rb = jnp.dot(1.0 / den, _expand_mat(), preferred_element_type=jnp.float32)
    return jnp.maximum(num, 0.0) * rb


def _tcB_body(o0, o1, dn0, dn1, w_ref, aa_ref, feat_ref, eler_ref):
    h = _norm_relu(o0, o1, dn0, dn1)
    f = jnp.dot(h, w_ref[...], preferred_element_type=jnp.float32)
    feat_ref[...] = f
    eler_ref[...] = jnp.dot(f, aa_ref[...], preferred_element_type=jnp.float32)


_tcB = pl.pallas_call(
    _tcB_body,
    grid=(_GRID,),
    in_specs=[
        pl.BlockSpec((_BN, HD), lambda i: (i, 0)),
        pl.BlockSpec((_BN, HD), lambda i: (i, 0)),
        pl.BlockSpec((_BN, 16), lambda i: (i, 0)),
        pl.BlockSpec((_BN, 16), lambda i: (i, 0)),
        pl.BlockSpec((HD, HD), lambda i: (0, 0)),
        pl.BlockSpec((HD, 16), lambda i: (0, 0)),
    ],
    out_specs=[
        pl.BlockSpec((_BN, HD), lambda i: (i, 0)),
        pl.BlockSpec((_BN, 16), lambda i: (i, 0)),
    ],
    out_shape=[
        jax.ShapeDtypeStruct((N, HD), jnp.float32),
        jax.ShapeDtypeStruct((N, 16), jnp.float32),
    ],
)


def _tcC_body(o0, o1, dn0, dn1, out_ref):
    h = _norm_relu(o0, o1, dn0, dn1)
    r = lax.broadcasted_iota(jnp.int32, (HD, D), 0)
    cc = lax.broadcasted_iota(jnp.int32, (HD, D), 1)
    m = ((r % D) == cc).astype(jnp.float32) * (1.0 / H)
    out_ref[...] = jnp.dot(h, m, preferred_element_type=jnp.float32)


_tcC = pl.pallas_call(
    _tcC_body,
    grid=(_GRID,),
    in_specs=[
        pl.BlockSpec((_BN, HD), lambda i: (i, 0)),
        pl.BlockSpec((_BN, HD), lambda i: (i, 0)),
        pl.BlockSpec((_BN, 16), lambda i: (i, 0)),
        pl.BlockSpec((_BN, 16), lambda i: (i, 0)),
    ],
    out_specs=pl.BlockSpec((_BN, D), lambda i: (i, 0)),
    out_shape=jax.ShapeDtypeStruct((N, D), jnp.float32),
)


def _build_aa(al, ar):
    k = jnp.arange(HD)
    mh = (k[:, None] // D == jnp.arange(H)[None, :]).astype(jnp.float32)
    alf = al.reshape(-1)[:, None]
    arf = ar.reshape(-1)[:, None]
    return jnp.concatenate(
        [mh * alf, mh * arf, jnp.zeros((HD, 8), jnp.float32)], axis=1)


def kernel(x, edge_index, W1, al1, ar1, W2, al2, ar2):
    aa1 = _build_aa(al1, ar1)
    aa2 = _build_aa(al2, ar2)
    feat1, eler1 = _tcA(x, W1, aa1)
    o0, o1, d0, d1 = _sc_layer(feat1, eler1, edge_index)
    feat2, eler2 = _tcB(o0, o1, d0, d1, W2, aa2)
    p0, p1, q0, q1 = _sc_layer(feat2, eler2, edge_index)
    return _tcC(p0, p1, q0, q1)

# --- scband reference (transcript-rebuilt; emitter-appended) ---
"""Pipeline reference for scband-gat-18751827214390 (READ-ONLY COPY).

The authoritative reference and input builder live on the scoring server;
editing this copy changes nothing except your own understanding.
"""

import jax, jax.numpy as jnp
import numpy as np

N = 10000
E = 320000
IN_DIM = 128
H = 4
D = 32
NEG_SLOPE = 0.2


def setup_inputs(seed: int = 0) -> dict:
    key = jax.random.key(seed)
    ks = jax.random.split(key, 8)
    x = jax.random.normal(ks[0], (N, IN_DIM), dtype=jnp.float32)
    edge_index = jax.random.randint(ks[1], (2, E), 0, N, dtype=jnp.int32)
    W1 = jax.random.normal(ks[2], (IN_DIM, H * D), dtype=jnp.float32) * 0.1
    al1 = jax.random.normal(ks[3], (H, D), dtype=jnp.float32) * 0.1
    ar1 = jax.random.normal(ks[4], (H, D), dtype=jnp.float32) * 0.1
    W2 = jax.random.normal(ks[5], (H * D, H * D), dtype=jnp.float32) * 0.1
    al2 = jax.random.normal(ks[6], (H, D), dtype=jnp.float32) * 0.1
    ar2 = jax.random.normal(ks[7], (H, D), dtype=jnp.float32) * 0.1
    return {"x": x, "edge_index": edge_index, "W1": W1, "al1": al1, "ar1": ar1,
            "W2": W2, "al2": al2, "ar2": ar2}


def _gat_layer(x, src, dst, W, al, ar):
    # linear projection -> per-head features
    feat = (x @ W).reshape(-1, H, D)  # [N, H, D]
    # attention logits (DGL GATConv style: a^T [Wh_i || Wh_j] split into el/er)
    el = (feat * al[None, :, :]).sum(-1)  # [N, H]
    er = (feat * ar[None, :, :]).sum(-1)  # [N, H]
    e = el[src] + er[dst]  # [E, H]
    e = jnp.where(e > 0, e, NEG_SLOPE * e)  # leaky_relu
    # edge softmax over incoming edges of each dst node
    emax = jax.ops.segment_max(e, dst, num_segments=N)  # [N, H]
    emax = jnp.where(jnp.isfinite(emax), emax, 0.0)
    ex = jnp.exp(e - emax[dst])
    denom = jax.ops.segment_sum(ex, dst, num_segments=N)  # [N, H]
    alpha = ex / (denom[dst] + 1e-9)  # [E, H]
    # message passing: gather src features, weight by alpha, scatter-add to dst
    msg = feat[src] * alpha[:, :, None]  # [E, H, D]
    out = jax.ops.segment_sum(msg, dst, num_segments=N)  # [N, H, D]
    return jax.nn.relu(out)


def reference(x, edge_index, W1, al1, ar1, W2, al2, ar2):
    src = edge_index[0]
    dst = edge_index[1]
    h = _gat_layer(x, src, dst, W1, al1, ar1)  # [N, H, D]
    h = h.reshape(N, H * D)  # flatten(1) between layers
    h = _gat_layer(h, src, dst, W2, al2, ar2)  # [N, H, D]
    h = h.mean(axis=1)  # mean over heads at last layer -> [N, D]
    return h

if __name__ == "__main__":
    import jax
    _d = setup_inputs()
    print(jax.jit(kernel)(*tuple(_d.values())))

</pallas_src>

<mosaic_0001>
#map = affine_map<(d0, d1) -> (0, 0)>
module attributes {stable_mosaic.version = 14 : i64} {
  func.func @_sc_body(%arg0: i32, %arg1: i32, %arg2: memref<10000x128xf32, #tpu.memory_space<hbm>>, %arg3: memref<10000x16xf32, #tpu.memory_space<hbm>>, %arg4: memref<2x320000xi32, #tpu.memory_space<hbm>>, %arg5: memref<10240x128xf32, #tpu.memory_space<hbm>>, %arg6: memref<10240x128xf32, #tpu.memory_space<hbm>>, %arg7: memref<10240x16xf32, #tpu.memory_space<hbm>>, %arg8: memref<10240x16xf32, #tpu.memory_space<hbm>>, %arg9: memref<10240x128xf32, #tpu.memory_space<vmem_shared>>, %arg10: memref<10240x16xf32, #tpu.memory_space<vmem_shared>>, %arg11: memref<80x128xf32, #tpu.memory_space<vmem>>, %arg12: memref<80x16xf32, #tpu.memory_space<vmem>>, %arg13: memref<80x16xf32, #tpu.memory_space<vmem>>, %arg14: memref<80x16xf32, #tpu.memory_space<vmem>>, %arg15: memref<2x80xi32, #tpu.memory_space<vmem>>, %arg16: memref<80xi32, #tpu.memory_space<vmem>>, %arg17: memref<80x128xf32, #tpu.memory_space<vmem>>, %arg18: memref<80x16xf32, #tpu.memory_space<vmem>>, %arg19: memref<80x16xf32, #tpu.memory_space<vmem>>, %arg20: memref<80x16xf32, #tpu.memory_space<vmem>>, %arg21: memref<2x80xi32, #tpu.memory_space<vmem>>, %arg22: memref<80xi32, #tpu.memory_space<vmem>>, %arg23: memref<!tpu.dma_semaphore, #tpu.memory_space<semaphore_mem>>, %arg24: memref<!tpu.dma_semaphore, #tpu.memory_space<semaphore_mem>>, %arg25: memref<!tpu.dma_semaphore, #tpu.memory_space<semaphore_mem>>, %arg26: memref<!tpu.dma_semaphore, #tpu.memory_space<semaphore_mem>>, %arg27: memref<!tpu.dma_semaphore, #tpu.memory_space<semaphore_mem>>, %arg28: memref<!tpu.dma_semaphore, #tpu.memory_space<semaphore_mem>>, %arg29: memref<!tpu.dma_semaphore, #tpu.memory_space<semaphore_mem>>, %arg30: memref<!tpu.dma_semaphore, #tpu.memory_space<semaphore_mem>>) attributes {dimension_semantics = [#tpu.dimension_semantics<core_parallel>, #tpu.dimension_semantics<subcore_parallel>], iteration_bounds = array<i64: 2, 16>, scalar_prefetch = 0 : i64, scratch_operands = 22 : i64, tpu.core_type = #tpu.core_type<sc_vector_subcore>, window_params = [{transform_indices = #map}, {transform_indices = #map}, {transform_indices = #map}, {transform_indices = #map}, {transform_indices = #map}, {transform_indices = #map}, {transform_indices = #map}]} {
    %mul3A = arith.constant 16 : i32
    %mul3A_0 = arith.muli %arg0, %mul3A : i32
    %add3A = arith.addi %mul3A_0, %arg1 : i32
    %broadcast_in_dim3A = arith.constant 0.000000e+00 : f32
    %broadcast_in_dim3A_1 = vector.broadcast %broadcast_in_dim3A : f32 to vector<16xf32>
    %scan3A = arith.constant 0 : i32
    %scan3A_2 = arith.constant 0 : i32
    %scan3A_3 = arith.constant 640 : i32
    %scan3A_4 = arith.addi %scan3A_2, %scan3A_3 : i32
    %scan3A_5 = arith.constant 1 : i32
    scf.for %scan3A_193 = %scan3A_2 to %scan3A_4 step %scan3A_5  : i32 {
      %jit3A_194 = arith.constant 8 : i32
      %div3A_195 = arith.divsi %scan3A_193, %jit3A_194 : i32
      %sign3A_196 = arith.constant 0 : i32
      %sign3A_197 = arith.cmpi sgt, %scan3A_193, %sign3A_196 : i32
      %sign3A_198 = arith.extui %sign3A_197 : i1 to i32
      %sign3A_199 = arith.constant 0 : i32
      %sign3A_200 = arith.cmpi slt, %scan3A_193, %sign3A_199 : i32
      %sign3A_201 = arith.extui %sign3A_200 : i1 to i32
      %sign3A_202 = arith.subi %sign3A_198, %sign3A_201 : i32
      %sign3A_203 = arith.constant 0 : i32
      %sign3A_204 = arith.cmpi sgt, %jit3A_194, %sign3A_203 : i32
      %sign3A_205 = arith.extui %sign3A_204 : i1 to i32
      %sign3A_206 = arith.constant 0 : i32
      %sign3A_207 = arith.cmpi slt, %jit3A_194, %sign3A_206 : i32
      %sign3A_208 = arith.extui %sign3A_207 : i1 to i32
      %sign3A_209 = arith.subi %sign3A_205, %sign3A_208 : i32
      %ne3A_210 = arith.cmpi ne, %sign3A_202, %sign3A_209 : i32
      %rem3A_211 = arith.remsi %scan3A_193, %jit3A_194 : i32
      %ne3A_212 = arith.constant 0 : i32
      %ne3A_213 = arith.cmpi ne, %rem3A_211, %ne3A_212 : i32
      %and3A_214 = arith.andi %ne3A_210, %ne3A_213 : i1
      %sub3A_215 = arith.constant 1 : i32
      %sub3A_216 = arith.subi %div3A_195, %sub3A_215 : i32
      %select_n3A_217 = arith.select %and3A_214, %sub3A_216, %div3A_195 : i32
      %jit3A_218 = arith.constant 8 : i32
      %eq3A_219 = arith.constant 0 : i32
      %eq3A_220 = arith.cmpi eq, %jit3A_218, %eq3A_219 : i32
      %jit3A_221 = arith.constant 1 : i32
      %select_n3A_222 = arith.select %eq3A_220, %jit3A_221, %jit3A_218 : i32
      %rem3A_223 = arith.remsi %scan3A_193, %select_n3A_222 : i32
      %ne3A_224 = arith.constant 0 : i32
      %ne3A_225 = arith.cmpi ne, %rem3A_223, %ne3A_224 : i32
      %lt3A_226 = arith.constant 0 : i32
      %lt3A_227 = arith.cmpi slt, %rem3A_223, %lt3A_226 : i32
      %lt3A_228 = arith.constant 0 : i32
      %lt3A_229 = arith.cmpi slt, %select_n3A_222, %lt3A_228 : i32
      %ne3A_230 = arith.xori %lt3A_227, %lt3A_229 : i1
      %and3A_231 = arith.andi %ne3A_230, %ne3A_225 : i1
      %add3A_232 = arith.addi %rem3A_223, %select_n3A_222 : i32
      %select_n3A_233 = arith.select %and3A_231, %add3A_232, %rem3A_223 : i32
      %mul3A_234 = arith.constant 16 : i32
      %mul3A_235 = arith.muli %select_n3A_233, %mul3A_234 : i32
      %swap3A = arith.index_cast %select_n3A_217 : i32 to index
      %swap3A_236 = arith.index_cast %mul3A_235 : i32 to index
      %swap3A_237 = tpu.vector_load %arg11[%swap3A, %swap3A_236] {strides = array<i32>} : memref<80x128xf32, #tpu.memory_space<vmem>>, vector<16xf32>,
      tpu.vector_store %arg11[%swap3A, %swap3A_236], %broadcast_in_dim3A_1 {strides = array<i32>} : memref<80x128xf32, #tpu.memory_space<vmem>>, vector<16xf32>,
    }
    %scan3A_6 = arith.constant 640 : i32
    %scan3A_7 = arith.constant 0 : i32
    %scan3A_8 = arith.constant 0 : i32
    %scan3A_9 = arith.constant 80 : i32
    %scan3A_10 = arith.addi %scan3A_8, %scan3A_9 : i32
    %scan3A_11 = arith.constant 1 : i32
    scf.for %scan3A_193 = %scan3A_8 to %scan3A_10 step %scan3A_11  : i32 {
      %swap3A = arith.index_cast %scan3A_193 : i32 to index
      %swap3A_194 = arith.constant 0 : index
      %swap3A_195 = tpu.vector_load %arg14[%swap3A, %swap3A_194] {strides = array<i32>} : memref<80x16xf32, #tpu.memory_space<vmem>>, vector<16xf32>,
      tpu.vector_store %arg14[%swap3A, %swap3A_194], %broadcast_in_dim3A_1 {strides = array<i32>} : memref<80x16xf32, #tpu.memory_space<vmem>>, vector<16xf32>,
      %swap3A_196 = arith.index_cast %scan3A_193 : i32 to index
      %swap3A_197 = arith.constant 0 : index
      %swap3A_198 = tpu.vector_load %arg20[%swap3A_196, %swap3A_197] {strides = array<i32>} : memref<80x16xf32, #tpu.memory_space<vmem>>, vector<16xf32>,
      tpu.vector_store %arg20[%swap3A_196, %swap3A_197], %broadcast_in_dim3A_1 {strides = array<i32>} : memref<80x16xf32, #tpu.memory_space<vmem>>, vector<16xf32>,
    }
    %scan3A_12 = arith.constant 80 : i32
    %mul3A_13 = arith.constant 640 : i32
    %mul3A_14 = arith.muli %arg1, %mul3A_13 : i32
    %scan3A_15 = arith.constant 0 : i32
    %scan3A_16 = arith.constant 0 : i32
    %scan3A_17 = arith.constant 8 : i32
    %scan3A_18 = arith.addi %scan3A_16, %scan3A_17 : i32
    %scan3A_19 = arith.constant 1 : i32
    scf.for %scan3A_193 = %scan3A_16 to %scan3A_18 step %scan3A_19  : i32 {
      %mul3A_194 = arith.constant 80 : i32
      %mul3A_195 = arith.muli %scan3A_193, %mul3A_194 : i32
      %add3A_196 = arith.addi %mul3A_14, %mul3A_195 : i32
      "tpu.region"() ({
        %run_scoped3A = tpu.sem_alloc : memref<!tpu.dma_semaphore, #tpu.memory_space<semaphore_mem>>
        %dma_start3A_197 = arith.constant 0 : i32
        %dma_start3A_198 = tpu.memref_slice %arg9[%add3A_196, %dma_start3A_197] : memref<10240x128xf32, #tpu.memory_space<vmem_shared>> -> memref<80x128xf32, #tpu.memory_space<vmem_shared>>
        %dma_start3A_199 = arith.constant 0 : i32
        %dma_start3A_200 = tpu.memref_slice %arg9[%add3A_196, %dma_start3A_199] : memref<10240x128xf32, #tpu.memory_space<vmem_shared>> -> memref<80x128xf32, #tpu.memory_space<vmem_shared>>
        tpu.enqueue_dma source(%arg11 : memref<80x128xf32, #tpu.memory_space<vmem>>) target(%dma_start3A_200 : memref<80x128xf32, #tpu.memory_space<vmem_shared>>) target_semaphore(%run_scoped3A : memref<!tpu.dma_semaphore, #tpu.memory_space<semaphore_mem>>)
        %dma_wait3A_201 = arith.constant 0 : i32
        %dma_wait3A_202 = tpu.memref_slice %arg9[%add3A_196, %dma_wait3A_201] : memref<10240x128xf32, #tpu.memory_space<vmem_shared>> -> memref<80x128xf32, #tpu.memory_space<vmem_shared>>
        %dma_wait3A_203 = arith.constant 0 : i32
        %dma_wait3A_204 = tpu.memref_slice %arg9[%add3A_196, %dma_wait3A_203] : memref<10240x128xf32, #tpu.memory_space<vmem_shared>> -> memref<80x128xf32, #tpu.memory_space<vmem_shared>>
        tpu.wait_dma2 semaphore(%run_scoped3A : memref<!tpu.dma_semaphore, #tpu.memory_space<semaphore_mem>>) src(%arg11 : memref<80x128xf32, #tpu.memory_space<vmem>>) dst(%dma_wait3A_204 : memref<80x128xf32, #tpu.memory_space<vmem_shared>>)
        tpu.yield
      }) : () -> ()
    }
    %scan3A_20 = arith.constant 8 : i32
    %scan3A_21 = arith.constant 0 : i32
    %scan3A_22 = arith.constant 0 : i32
    %scan3A_23 = arith.constant 8 : i32
    %scan3A_24 = arith.addi %scan3A_22, %scan3A_23 : i32
    %scan3A_25 = arith.constant 1 : i32
    scf.for %scan3A_193 = %scan3A_22 to %scan3A_24 step %scan3A_25  : i32 {
      %mul3A_194 = arith.constant 80 : i32
      %mul3A_195 = arith.muli %scan3A_193, %mul3A_194 : i32
      %add3A_196 = arith.addi %mul3A_14, %mul3A_195 : i32
      "tpu.region"() ({
        %run_scoped3A = tpu.sem_alloc : memref<!tpu.dma_semaphore, #tpu.memory_space<semaphore_mem>>
        %dma_start3A_197 = arith.constant 0 : i32
        %dma_start3A_198 = tpu.memref_slice %arg10[%add3A_196, %dma_start3A_197] : memref<10240x16xf32, #tpu.memory_space<vmem_shared>> -> memref<80x16xf32, #tpu.memory_space<vmem_shared>>
        %dma_start3A_199 = arith.constant 0 : i32
        %dma_start3A_200 = tpu.memref_slice %arg10[%add3A_196, %dma_start3A_199] : memref<10240x16xf32, #tpu.memory_space<vmem_shared>> -> memref<80x16xf32, #tpu.memory_space<vmem_shared>>
        tpu.enqueue_dma source(%arg14 : memref<80x16xf32, #tpu.memory_space<vmem>>) target(%dma_start3A_200 : memref<80x16xf32, #tpu.memory_space<vmem_shared>>) target_semaphore(%run_scoped3A : memref<!tpu.dma_semaphore, #tpu.memory_space<semaphore_mem>>)
        %dma_wait3A_201 = arith.constant 0 : i32
        %dma_wait3A_202 = tpu.memref_slice %arg10[%add3A_196, %dma_wait3A_201] : memref<10240x16xf32, #tpu.memory_space<vmem_shared>> -> memref<80x16xf32, #tpu.memory_space<vmem_shared>>
        %dma_wait3A_203 = arith.constant 0 : i32
        %dma_wait3A_204 = tpu.memref_slice %arg10[%add3A_196, %dma_wait3A_203] : memref<10240x16xf32, #tpu.memory_space<vmem_shared>> -> memref<80x16xf32, #tpu.memory_space<vmem_shared>>
        tpu.wait_dma2 semaphore(%run_scoped3A : memref<!tpu.dma_semaphore, #tpu.memory_space<semaphore_mem>>) src(%arg14 : memref<80x16xf32, #tpu.memory_space<vmem>>) dst(%dma_wait3A_204 : memref<80x16xf32, #tpu.memory_space<vmem_shared>>)
        tpu.yield
      }) : () -> ()
    }
    %scan3A_26 = arith.constant 8 : i32
    %barrier3A = arith.constant 0 : index
    tpu.barrier barrier_id(%barrier3A)
    %iota3A = tpu.iota {dimensions = array<i32: 0>} : vector<16xi32>
    %jit3A = arith.constant 4 : i32
    %div3A = vector.broadcast %jit3A : i32 to vector<16xi32>
    %div3A_27 = arith.divsi %iota3A, %div3A : vector<16xi32>
    %sign3A = arith.constant 0 : i32
    %sign3A_28 = vector.broadcast %sign3A : i32 to vector<16xi32>
    %sign3A_29 = arith.cmpi sgt, %iota3A, %sign3A_28 : vector<16xi32>
    %sign3A_30 = arith.extui %sign3A_29 : vector<16xi1> to vector<16xi32>
    %sign3A_31 = arith.constant 0 : i32
    %sign3A_32 = vector.broadcast %sign3A_31 : i32 to vector<16xi32>
    %sign3A_33 = arith.cmpi slt, %iota3A, %sign3A_32 : vector<16xi32>
    %sign3A_34 = arith.extui %sign3A_33 : vector<16xi1> to vector<16xi32>
    %sign3A_35 = arith.subi %sign3A_30, %sign3A_34 : vector<16xi32>
    %sign3A_36 = arith.constant 0 : i32
    %sign3A_37 = arith.cmpi sgt, %jit3A, %sign3A_36 : i32
    %sign3A_38 = arith.extui %sign3A_37 : i1 to i32
    %sign3A_39 = arith.constant 0 : i32
    %sign3A_40 = arith.cmpi slt, %jit3A, %sign3A_39 : i32
    %sign3A_41 = arith.extui %sign3A_40 : i1 to i32
    %sign3A_42 = arith.subi %sign3A_38, %sign3A_41 : i32
    %ne3A = vector.broadcast %sign3A_42 : i32 to vector<16xi32>
    %ne3A_43 = arith.cmpi ne, %sign3A_35, %ne3A : vector<16xi32>
    %rem3A = vector.broadcast %jit3A : i32 to vector<16xi32>
    %rem3A_44 = arith.remsi %iota3A, %rem3A : vector<16xi32>
    %ne3A_45 = arith.constant 0 : i32
    %ne3A_46 = vector.broadcast %ne3A_45 : i32 to vector<16xi32>
    %ne3A_47 = arith.cmpi ne, %rem3A_44, %ne3A_46 : vector<16xi32>
    %and3A = arith.andi %ne3A_43, %ne3A_47 : vector<16xi1>
    %sub3A = arith.constant 1 : i32
    %sub3A_48 = vector.broadcast %sub3A : i32 to vector<16xi32>
    %sub3A_49 = arith.subi %div3A_27, %sub3A_48 : vector<16xi32>
    %select_n3A = arith.select %and3A, %sub3A_49, %div3A_27 : vector<16xi1>, vector<16xi32>
    %jit3A_50 = arith.constant 4 : i32
    %eq3A = arith.constant 0 : i32
    %eq3A_51 = arith.cmpi eq, %jit3A_50, %eq3A : i32
    %jit3A_52 = arith.constant 1 : i32
    %select_n3A_53 = arith.select %eq3A_51, %jit3A_52, %jit3A_50 : i32
    %rem3A_54 = vector.broadcast %select_n3A_53 : i32 to vector<16xi32>
    %rem3A_55 = arith.remsi %iota3A, %rem3A_54 : vector<16xi32>
    %ne3A_56 = arith.constant 0 : i32
    %ne3A_57 = vector.broadcast %ne3A_56 : i32 to vector<16xi32>
    %ne3A_58 = arith.cmpi ne, %rem3A_55, %ne3A_57 : vector<16xi32>
    %lt3A = arith.constant 0 : i32
    %lt3A_59 = vector.broadcast %lt3A : i32 to vector<16xi32>
    %lt3A_60 = arith.cmpi slt, %rem3A_55, %lt3A_59 : vector<16xi32>
    %lt3A_61 = arith.constant 0 : i32
    %lt3A_62 = arith.cmpi slt, %select_n3A_53, %lt3A_61 : i32
    %ne3A_63 = vector.broadcast %lt3A_62 : i1 to vector<16xi1>
    %ne3A_64 = vector.broadcast %ne3A_63 : vector<16xi1> to vector<16xi1>
    %ne3A_65 = arith.xori %lt3A_60, %ne3A_64 : vector<16xi1>
    %and3A_66 = arith.andi %ne3A_65, %ne3A_58 : vector<16xi1>
    %add3A_67 = vector.broadcast %select_n3A_53 : i32 to vector<16xi32>
    %add3A_68 = arith.addi %rem3A_55, %add3A_67 : vector<16xi32>
    %select_n3A_69 = arith.select %and3A_66, %add3A_68, %rem3A_55 : vector<16xi1>, vector<16xi32>
    %mul3A_70 = arith.constant 10000 : i32
    %mul3A_71 = arith.muli %add3A, %mul3A_70 : i32
    %add3A_72 = arith.constant 0 : i32
    %add3A_73 = arith.addi %mul3A_71, %add3A_72 : i32
    "tpu.region"() ({
      %run_scoped3A = tpu.sem_alloc : memref<!tpu.dma_semaphore, #tpu.memory_space<semaphore_mem>>
      %dma_start3A_193 = arith.constant 0 : i32
      %dma_start3A_194 = tpu.memref_slice %arg4[%dma_start3A_193, %add3A_73] : memref<2x320000xi32, #tpu.memory_space<hbm>> -> memref<2x80xi32, #tpu.memory_space<hbm>>
      %dma_start3A_195 = arith.constant 0 : i32
      %dma_start3A_196 = tpu.memref_slice %arg4[%dma_start3A_195, %add3A_73] : memref<2x320000xi32, #tpu.memory_space<hbm>> -> memref<2x80xi32, #tpu.memory_space<hbm>>
      tpu.enqueue_dma source(%dma_start3A_196 : memref<2x80xi32, #tpu.memory_space<hbm>>) target(%arg15 : memref<2x80xi32, #tpu.memory_space<vmem>>) target_semaphore(%run_scoped3A : memref<!tpu.dma_semaphore, #tpu.memory_space<semaphore_mem>>)
      %dma_wait3A_197 = arith.constant 0 : i32
      %dma_wait3A_198 = tpu.memref_slice %arg4[%dma_wait3A_197, %add3A_73] : memref<2x320000xi32, #tpu.memory_space<hbm>> -> memref<2x80xi32, #tpu.memory_space<hbm>>
      %dma_wait3A_199 = arith.constant 0 : i32
      %dma_wait3A_200 = tpu.memref_slice %arg4[%dma_wait3A_199, %add3A_73] : memref<2x320000xi32, #tpu.memory_space<hbm>> -> memref<2x80xi32, #tpu.memory_space<hbm>>
      tpu.wait_dma2 semaphore(%run_scoped3A : memref<!tpu.dma_semaphore, #tpu.memory_space<semaphore_mem>>) src(%dma_wait3A_200 : memref<2x80xi32, #tpu.memory_space<hbm>>) dst(%arg15 : memref<2x80xi32, #tpu.memory_space<vmem>>)
      tpu.yield
    }) : () -> ()
    %dma_start3A = arith.constant 0 : i32
    %dma_start3A_74 = arith.constant 0 : i32
    %dma_start3A_75 = tpu.memref_slice %arg15[%dma_start3A, %dma_start3A_74] : memref<2x80xi32, #tpu.memory_space<vmem>> -> memref<1x80xi32, #tpu.memory_space<vmem>>
    %dma_start3A_76 = tpu.memref_squeeze %dma_start3A_75 : memref<1x80xi32, #tpu.memory_space<vmem>> -> memref<80xi32, #tpu.memory_space<vmem>>
    %dma_start3A_77 = arith.constant 0 : i32
    %dma_start3A_78 = arith.constant 0 : i32
    %dma_start3A_79 = tpu.memref_slice %arg3[%dma_start3A_77, %dma_start3A_78] : memref<10000x16xf32, #tpu.memory_space<hbm>> -> memref<10000x16xf32, #tpu.memory_space<hbm>>
    tpu.enqueue_indirect_dma source(%dma_start3A_79 : memref<10000x16xf32, #tpu.memory_space<hbm>>) target(%arg12 : memref<80x16xf32, #tpu.memory_space<vmem>>) offsets(%dma_start3A_76 : memref<80xi32, #tpu.memory_space<vmem>>) semaphore(%arg23 : memref<!tpu.dma_semaphore, #tpu.memory_space<semaphore_mem>>)
    %dma_start3A_80 = arith.constant 1 : i32
    %dma_start3A_81 = arith.constant 0 : i32
    %dma_start3A_82 = tpu.memref_slice %arg15[%dma_start3A_80, %dma_start3A_81] : memref<2x80xi32, #tpu.memory_space<vmem>> -> memref<1x80xi32, #tpu.memory_space<vmem>>
    %dma_start3A_83 = tpu.memref_squeeze %dma_start3A_82 : memref<1x80xi32, #tpu.memory_space<vmem>> -> memref<80xi32, #tpu.memory_space<vmem>>
    %dma_start3A_84 = arith.constant 0 : i32
    %dma_start3A_85 = arith.constant 0 : i32
    %dma_start3A_86 = tpu.memref_slice %arg3[%dma_start3A_84, %dma_start3A_85] : memref<10000x16xf32, #tpu.memory_space<hbm>> -> memref<10000x16xf32, #tpu.memory_space<hbm>>
    tpu.enqueue_indirect_dma source(%dma_start3A_86 : memref<10000x16xf32, #tpu.memory_space<hbm>>) target(%arg13 : memref<80x16xf32, #tpu.memory_space<vmem>>) offsets(%dma_start3A_83 : memref<80xi32, #tpu.memory_space<vmem>>) semaphore(%arg24 : memref<!tpu.dma_semaphore, #tpu.memory_space<semaphore_mem>>)
    %dma_start3A_87 = arith.constant 0 : i32
    %dma_start3A_88 = arith.constant 0 : i32
    %dma_start3A_89 = tpu.memref_slice %arg15[%dma_start3A_87, %dma_start3A_88] : memref<2x80xi32, #tpu.memory_space<vmem>> -> memref<1x80xi32, #tpu.memory_space<vmem>>
    %dma_start3A_90 = tpu.memref_squeeze %dma_start3A_89 : memref<1x80xi32, #tpu.memory_space<vmem>> -> memref<80xi32, #tpu.memory_space<vmem>>
    %dma_start3A_91 = arith.constant 0 : i32
    %dma_start3A_92 = arith.constant 0 : i32
    %dma_start3A_93 = tpu.memref_slice %arg2[%dma_start3A_91, %dma_start3A_92] : memref<10000x128xf32, #tpu.memory_space<hbm>> -> memref<10000x128xf32, #tpu.memory_space<hbm>>
    tpu.enqueue_indirect_dma source(%dma_start3A_93 : memref<10000x128xf32, #tpu.memory_space<hbm>>) target(%arg11 : memref<80x128xf32, #tpu.memory_space<vmem>>) offsets(%dma_start3A_90 : memref<80xi32, #tpu.memory_space<vmem>>) semaphore(%arg25 : memref<!tpu.dma_semaphore, #tpu.memory_space<semaphore_mem>>)
    %mul3A_94 = arith.constant 10000 : i32
    %mul3A_95 = arith.muli %add3A, %mul3A_94 : i32
    %add3A_96 = arith.constant 80 : i32
    %add3A_97 = arith.addi %mul3A_95, %add3A_96 : i32
    "tpu.region"() ({
      %run_scoped3A = tpu.sem_alloc : memref<!tpu.dma_semaphore, #tpu.memory_space<semaphore_mem>>
      %dma_start3A_193 = arith.constant 0 : i32
      %dma_start3A_194 = tpu.memref_slice %arg4[%dma_start3A_193, %add3A_97] : memref<2x320000xi32, #tpu.memory_space<hbm>> -> memref<2x80xi32, #tpu.memory_space<hbm>>
      %dma_start3A_195 = arith.constant 0 : i32
      %dma_start3A_196 = tpu.memref_slice %arg4[%dma_start3A_195, %add3A_97] : memref<2x320000xi32, #tpu.memory_space<hbm>> -> memref<2x80xi32, #tpu.memory_space<hbm>>
      tpu.enqueue_dma source(%dma_start3A_196 : memref<2x80xi32, #tpu.memory_space<hbm>>) target(%arg21 : memref<2x80xi32, #tpu.memory_space<vmem>>) target_semaphore(%run_scoped3A : memref<!tpu.dma_semaphore, #tpu.memory_space<semaphore_mem>>)
      %dma_wait3A_197 = arith.constant 0 : i32
      %dma_wait3A_198 = tpu.memref_slice %arg4[%dma_wait3A_197, %add3A_97] : memref<2x320000xi32, #tpu.memory_space<hbm>> -> memref<2x80xi32, #tpu.memory_space<hbm>>
      %dma_wait3A_199 = arith.constant 0 : i32
      %dma_wait3A_200 = tpu.memref_slice %arg4[%dma_wait3A_199, %add3A_97] : memref<2x320000xi32, #tpu.memory_space<hbm>> -> memref<2x80xi32, #tpu.memory_space<hbm>>
      tpu.wait_dma2 semaphore(%run_scoped3A : memref<!tpu.dma_semaphore, #tpu.memory_space<semaphore_mem>>) src(%dma_wait3A_200 : memref<2x80xi32, #tpu.memory_space<hbm>>) dst(%arg21 : memref<2x80xi32, #tpu.memory_space<vmem>>)
      tpu.yield
    }) : () -> ()
    %dma_start3A_98 = arith.constant 0 : i32
    %dma_start3A_99 = arith.constant 0 : i32
    %dma_start3A_100 = tpu.memref_slice %arg21[%dma_start3A_98, %dma_start3A_99] : memref<2x80xi32, #tpu.memory_space<vmem>> -> memref<1x80xi32, #tpu.memory_space<vmem>>
    %dma_start3A_101 = tpu.memref_squeeze %dma_start3A_100 : memref<1x80xi32, #tpu.memory_space<vmem>> -> memref<80xi32, #tpu.memory_space<vmem>>
    %dma_start3A_102 = arith.constant 0 : i32
    %dma_start3A_103 = arith.constant 0 : i32
    %dma_start3A_104 = tpu.memref_slice %arg3[%dma_start3A_102, %dma_start3A_103] : memref<10000x16xf32, #tpu.memory_space<hbm>> -> memref<10000x16xf32, #tpu.memory_space<hbm>>
    tpu.enqueue_indirect_dma source(%dma_start3A_104 : memref<10000x16xf32, #tpu.memory_space<hbm>>) target(%arg18 : memref<80x16xf32, #tpu.memory_space<vmem>>) offsets(%dma_start3A_101 : memref<80xi32, #tpu.memory_space<vmem>>) semaphore(%arg27 : memref<!tpu.dma_semaphore, #tpu.memory_space<semaphore_mem>>)
    %dma_start3A_105 = arith.constant 1 : i32
    %dma_start3A_106 = arith.constant 0 : i32
    %dma_start3A_107 = tpu.memref_slice %arg21[%dma_start3A_105, %dma_start3A_106] : memref<2x80xi32, #tpu.memory_space<vmem>> -> memref<1x80xi32, #tpu.memory_space<vmem>>
    %dma_start3A_108 = tpu.memref_squeeze %dma_start3A_107 : memref<1x80xi32, #tpu.memory_space<vmem>> -> memref<80xi32, #tpu.memory_space<vmem>>
    %dma_start3A_109 = arith.constant 0 : i32
    %dma_start3A_110 = arith.constant 0 : i32
    %dma_start3A_111 = tpu.memref_slice %arg3[%dma_start3A_109, %dma_start3A_110] : memref<10000x16xf32, #tpu.memory_space<hbm>> -> memref<10000x16xf32, #tpu.memory_space<hbm>>
    tpu.enqueue_indirect_dma source(%dma_start3A_111 : memref<10000x16xf32, #tpu.memory_space<hbm>>) target(%arg19 : memref<80x16xf32, #tpu.memory_space<vmem>>) offsets(%dma_start3A_108 : memref<80xi32, #tpu.memory_space<vmem>>) semaphore(%arg28 : memref<!tpu.dma_semaphore, #tpu.memory_space<semaphore_mem>>)
    %dma_start3A_112 = arith.constant 0 : i32
    %dma_start3A_113 = arith.constant 0 : i32
    %dma_start3A_114 = tpu.memref_slice %arg21[%dma_start3A_112, %dma_start3A_113] : memref<2x80xi32, #tpu.memory_space<vmem>> -> memref<1x80xi32, #tpu.memory_space<vmem>>
    %dma_start3A_115 = tpu.memref_squeeze %dma_start3A_114 : memref<1x80xi32, #tpu.memory_space<vmem>> -> memref<80xi32, #tpu.memory_space<vmem>>
    %dma_start3A_116 = arith.constant 0 : i32
    %dma_start3A_117 = arith.constant 0 : i32
    %dma_start3A_118 = tpu.memref_slice %arg2[%dma_start3A_116, %dma_start3A_117] : memref<10000x128xf32, #tpu.memory_space<hbm>> -> memref<10000x128xf32, #tpu.memory_space<hbm>>
    tpu.enqueue_indirect_dma source(%dma_start3A_118 : memref<10000x128xf32, #tpu.memory_space<hbm>>) target(%arg17 : memref<80x128xf32, #tpu.memory_space<vmem>>) offsets(%dma_start3A_115 : memref<80xi32, #tpu.memory_space<vmem>>) semaphore(%arg29 : memref<!tpu.dma_semaphore, #tpu.memory_space<semaphore_mem>>)
    %scan3A_119 = arith.constant 0 : i32
    %scan3A_120 = arith.constant 0 : i32
    %scan3A_121 = arith.constant 62 : i32
    %scan3A_122 = arith.addi %scan3A_120, %scan3A_121 : i32
    %scan3A_123 = arith.constant 1 : i32
    scf.for %scan3A_193 = %scan3A_120 to %scan3A_122 step %scan3A_123  : i32 {
      %dma_wait3A_194 = arith.constant 0 : i32
      %dma_wait3A_195 = arith.constant 0 : i32
      %dma_wait3A_196 = tpu.memref_slice %arg15[%dma_wait3A_194, %dma_wait3A_195] : memref<2x80xi32, #tpu.memory_space<vmem>> -> memref<1x80xi32, #tpu.memory_space<vmem>>
      %dma_wait3A_197 = tpu.memref_squeeze %dma_wait3A_196 : memref<1x80xi32, #tpu.memory_space<vmem>> -> memref<80xi32, #tpu.memory_space<vmem>>
      %dma_wait3A_198 = arith.constant 0 : i32
      %dma_wait3A_199 = arith.constant 0 : i32
      %dma_wait3A_200 = tpu.memref_slice %arg3[%dma_wait3A_198, %dma_wait3A_199] : memref<10000x16xf32, #tpu.memory_space<hbm>> -> memref<10000x16xf32, #tpu.memory_space<hbm>>
      tpu.wait_indirect_dma semaphore(%arg23 : memref<!tpu.dma_semaphore, #tpu.memory_space<semaphore_mem>>) src(%dma_wait3A_200 : memref<10000x16xf32, #tpu.memory_space<hbm>>) dst(%arg12 : memref<80x16xf32, #tpu.memory_space<vmem>>)
      %dma_wait3A_201 = arith.constant 1 : i32
      %dma_wait3A_202 = arith.constant 0 : i32
      %dma_wait3A_203 = tpu.memref_slice %arg15[%dma_wait3A_201, %dma_wait3A_202] : memref<2x80xi32, #tpu.memory_space<vmem>> -> memref<1x80xi32, #tpu.memory_space<vmem>>
      %dma_wait3A_204 = tpu.memref_squeeze %dma_wait3A_203 : memref<1x80xi32, #tpu.memory_space<vmem>> -> memref<80xi32, #tpu.memory_space<vmem>>
      %dma_wait3A_205 = arith.constant 0 : i32
      %dma_wait3A_206 = arith.constant 0 : i32
      %dma_wait3A_207 = tpu.memref_slice %arg3[%dma_wait3A_205, %dma_wait3A_206] : memref<10000x16xf32, #tpu.memory_space<hbm>> -> memref<10000x16xf32, #tpu.memory_space<hbm>>
      tpu.wait_indirect_dma semaphore(%arg24 : memref<!tpu.dma_semaphore, #tpu.memory_space<semaphore_mem>>) src(%dma_wait3A_207 : memref<10000x16xf32, #tpu.memory_space<hbm>>) dst(%arg13 : memref<80x16xf32, #tpu.memory_space<vmem>>)
      %dma_wait3A_208 = arith.constant 0 : i32
      %dma_wait3A_209 = arith.constant 0 : i32
      %dma_wait3A_210 = tpu.memref_slice %arg15[%dma_wait3A_208, %dma_wait3A_209] : memref<2x80xi32, #tpu.memory_space<vmem>> -> memref<1x80xi32, #tpu.memory_space<vmem>>
      %dma_wait3A_211 = tpu.memref_squeeze %dma_wait3A_210 : memref<1x80xi32, #tpu.memory_space<vmem>> -> memref<80xi32, #tpu.memory_space<vmem>>
      %dma_wait3A_212 = arith.constant 0 : i32
      %dma_wait3A_213 = arith.constant 0 : i32
      %dma_wait3A_214 = tpu.memref_slice %arg2[%dma_wait3A_212, %dma_wait3A_213] : memref<10000x128xf32, #tpu.memory_space<hbm>> -> memref<10000x128xf32, #tpu.memory_space<hbm>>
      tpu.wait_indirect_dma semaphore(%arg25 : memref<!tpu.dma_semaphore, #tpu.memory_space<semaphore_mem>>) src(%dma_wait3A_214 : memref<10000x128xf32, #tpu.memory_space<hbm>>) dst(%arg11 : memref<80x128xf32, #tpu.memory_space<vmem>>)
      %scan3A_215 = arith.constant 0 : i32
      %scan3A_216 = arith.constant 0 : i32
      %scan3A_217 = arith.constant 5 : i32
      %scan3A_218 = arith.addi %scan3A_216, %scan3A_217 : i32
      %scan3A_219 = arith.constant 1 : i32
      scf.for %scan3A_335 = %scan3A_216 to %scan3A_218 step %scan3A_219  : i32 {
        %mul3A_336 = arith.constant 16 : i32
        %mul3A_337 = arith.muli %scan3A_335, %mul3A_336 : i32
        %get3A = arith.constant 1 : i32
        %get3A_338 = arith.index_cast %get3A : i32 to index
        %get3A_339 = arith.index_cast %mul3A_337 : i32 to index
        %get3A_340 = tpu.vector_load %arg15[%get3A_338, %get3A_339] {strides = array<i32>} : memref<2x80xi32, #tpu.memory_space<vmem>>, vector<16xi32>,
        %mul3A_341 = arith.constant 16 : i32
        %mul3A_342 = arith.muli %scan3A_335, %mul3A_341 : i32
        %swap3A = arith.index_cast %mul3A_342 : i32 to index
        %swap3A_343 = tpu.vector_load %arg16[%swap3A] {strides = array<i32>} : memref<80xi32, #tpu.memory_space<vmem>>, vector<16xi32>,
        tpu.vector_store %arg16[%swap3A], %get3A_340 {strides = array<i32>} : memref<80xi32, #tpu.memory_space<vmem>>, vector<16xi32>,
      }
      %scan3A_220 = arith.constant 5 : i32
      %scan3A_221 = arith.constant 0 : i32
      %scan3A_222 = arith.constant 0 : i32
      %scan3A_223 = arith.constant 20 : i32
      %scan3A_224 = arith.addi %scan3A_222, %scan3A_223 : i32
      %scan3A_225 = arith.constant 1 : i32
      scf.for %scan3A_335 = %scan3A_222 to %scan3A_224 step %scan3A_225  : i32 {
        %mul3A_336 = arith.constant 4 : i32
        %mul3A_337 = arith.muli %scan3A_335, %mul3A_336 : i32
        %add3A_338 = vector.broadcast %mul3A_337 : i32 to vector<16xi32>
        %add3A_339 = arith.addi %add3A_338, %select_n3A : vector<16xi32>
        %gather3A = tpu.vector_load_idx %arg12[%add3A_339, %select_n3A_69] : memref<80x16xf32, #tpu.memory_space<vmem>>[vector<16xi32>, vector<16xi32>], vector<16xf32>,
        %add3A_340 = arith.constant 4 : i32
        %add3A_341 = vector.broadcast %add3A_340 : i32 to vector<16xi32>
        %add3A_342 = arith.addi %select_n3A_69, %add3A_341 : vector<16xi32>
        %gather3A_343 = tpu.vector_load_idx %arg13[%add3A_339, %add3A_342] : memref<80x16xf32, #tpu.memory_space<vmem>>[vector<16xi32>, vector<16xi32>], vector<16xf32>,
        %add3A_344 = arith.addf %gather3A, %gather3A_343 : vector<16xf32>
        %gt3A = arith.constant 0.000000e+00 : f32
        %gt3A_345 = vector.broadcast %gt3A : f32 to vector<16xf32>
        %gt3A_346 = arith.cmpf ogt, %add3A_344, %gt3A_345 : vector<16xf32>
        %mul3A_347 = arith.constant 2.000000e-01 : f32
        %mul3A_348 = vector.broadcast %mul3A_347 : f32 to vector<16xf32>
        %mul3A_349 = arith.mulf %add3A_344, %mul3A_348 : vector<16xf32>
        %select_n3A_350 = arith.select %gt3A_346, %add3A_344, %mul3A_349 : vector<16xi1>, vector<16xf32>
        %exp3A = math.exp %select_n3A_350 : vector<16xf32>
        tpu.vector_store_idx %arg14[%add3A_339, %select_n3A_69], %exp3A : memref<80x16xf32, #tpu.memory_space<vmem>>[vector<16xi32>, vector<16xi32>], vector<16xf32>,
        %mul3A_351 = arith.constant 4 : i32
        %mul3A_352 = arith.muli %scan3A_335, %mul3A_351 : i32
        %add3A_353 = arith.constant 0 : i32
        %add3A_354 = arith.addi %mul3A_352, %add3A_353 : i32
        %slice3A = vector.extract_strided_slice %exp3A {offsets = [0], sizes = [1], strides = [1]} : vector<16xf32> to vector<1xf32>
        %squeeze3A = vector.extract %slice3A[0] : f32 from vector<1xf32>
        %get3A = arith.index_cast %add3A_354 : i32 to index
        %get3A_355 = arith.constant 0 : index
        %get3A_356 = tpu.vector_load %arg11[%get3A, %get3A_355] {strides = array<i32>} : memref<80x128xf32, #tpu.memory_space<vmem>>, vector<16xf32>,
        %mul3A_357 = vector.broadcast %squeeze3A : f32 to vector<16xf32>
        %mul3A_358 = arith.mulf %get3A_356, %mul3A_357 : vector<16xf32>
        %swap3A = arith.index_cast %add3A_354 : i32 to index
        %swap3A_359 = arith.constant 0 : index
        %swap3A_360 = tpu.vector_load %arg11[%swap3A, %swap3A_359] {strides = array<i32>} : memref<80x128xf32, #tpu.memory_space<vmem>>, vector<16xf32>,
        tpu.vector_store %arg11[%swap3A, %swap3A_359], %mul3A_358 {strides = array<i32>} : memref<80x128xf32, #tpu.memory_space<vmem>>, vector<16xf32>,
        %get3A_361 = arith.index_cast %add3A_354 : i32 to index
        %get3A_362 = arith.constant 16 : index
        %get3A_363 = tpu.vector_load %arg11[%get3A_361, %get3A_362] {strides = array<i32>} : memref<80x128xf32, #tpu.memory_space<vmem>>, vector<16xf32>,
        %mul3A_364 = vector.broadcast %squeeze3A : f32 to vector<16xf32>
        %mul3A_365 = arith.mulf %get3A_363, %mul3A_364 : vector<16xf32>
        %swap3A_366 = arith.index_cast %add3A_354 : i32 to index
        %swap3A_367 = arith.constant 16 : index
        %swap3A_368 = tpu.vector_load %arg11[%swap3A_366, %swap3A_367] {strides = array<i32>} : memref<80x128xf32, #tpu.memory_space<vmem>>, vector<16xf32>,
        tpu.vector_store %arg11[%swap3A_366, %swap3A_367], %mul3A_365 {strides = array<i32>} : memref<80x128xf32, #tpu.memory_space<vmem>>, vector<16xf32>,
        %slice3A_369 = vector.extract_strided_slice %exp3A {offsets = [1], sizes = [1], strides = [1]} : vector<16xf32> to vector<1xf32>
        %squeeze3A_370 = vector.extract %slice3A_369[0] : f32 from vector<1xf32>
        %get3A_371 = arith.index_cast %add3A_354 : i32 to index
        %get3A_372 = arith.constant 32 : index
        %get3A_373 = tpu.vector_load %arg11[%get3A_371, %get3A_372] {strides = array<i32>} : memref<80x128xf32, #tpu.memory_space<vmem>>, vector<16xf32>,
        %mul3A_374 = vector.broadcast %squeeze3A_370 : f32 to vector<16xf32>
        %mul3A_375 = arith.mulf %get3A_373, %mul3A_374 : vector<16xf32>
        %swap3A_376 = arith.index_cast %add3A_354 : i32 to index
        %swap3A_377 = arith.constant 32 : index
        %swap3A_378 = tpu.vector_load %arg11[%swap3A_376, %swap3A_377] {strides = array<i32>} : memref<80x128xf32, #tpu.memory_space<vmem>>, vector<16xf32>,
        tpu.vector_store %arg11[%swap3A_376, %swap3A_377], %mul3A_375 {strides = array<i32>} : memref<80x128xf32, #tpu.memory_space<vmem>>, vector<16xf32>,
        %get3A_379 = arith.index_cast %add3A_354 : i32 to index
        %get3A_380 = arith.constant 48 : index
        %get3A_381 = tpu.vector_load %arg11[%get3A_379, %get3A_380] {strides = array<i32>} : memref<80x128xf32, #tpu.memory_space<vmem>>, vector<16xf32>,
        %mul3A_382 = vector.broadcast %squeeze3A_370 : f32 to vector<16xf32>
        %mul3A_383 = arith.mulf %get3A_381, %mul3A_382 : vector<16xf32>
        %swap3A_384 = arith.index_cast %add3A_354 : i32 to index
        %swap3A_385 = arith.constant 48 : index
        %swap3A_386 = tpu.vector_load %arg11[%swap3A_384, %swap3A_385] {strides = array<i32>} : memref<80x128xf32, #tpu.memory_space<vmem>>, vector<16xf32>,
        tpu.vector_store %arg11[%swap3A_384, %swap3A_385], %mul3A_383 {strides = array<i32>} : memref<80x128xf32, #tpu.memory_space<vmem>>, vector<16xf32>,
        %slice3A_387 = vector.extract_strided_slice %exp3A {offsets = [2], sizes = [1], strides = [1]} : vector<16xf32> to vector<1xf32>
        %squeeze3A_388 = vector.extract %slice3A_387[0] : f32 from vector<1xf32>
        %get3A_389 = arith.index_cast %add3A_354 : i32 to index
        %get3A_390 = arith.constant 64 : index
        %get3A_391 = tpu.vector_load %arg11[%get3A_389, %get3A_390] {strides = array<i32>} : memref<80x128xf32, #tpu.memory_space<vmem>>, vector<16xf32>,
        %mul3A_392 = vector.broadcast %squeeze3A_388 : f32 to vector<16xf32>
        %mul3A_393 = arith.mulf %get3A_391, %mul3A_392 : vector<16xf32>
        %swap3A_394 = arith.index_cast %add3A_354 : i32 to index
        %swap3A_395 = arith.constant 64 : index
        %swap3A_396 = tpu.vector_load %arg11[%swap3A_394, %swap3A_395] {strides = array<i32>} : memref<80x128xf32, #tpu.memory_space<vmem>>, vector<16xf32>,
        tpu.vector_store %arg11[%swap3A_394, %swap3A_395], %mul3A_393 {strides = array<i32>} : memref<80x128xf32, #tpu.memory_space<vmem>>, vector<16xf32>,
        %get3A_397 = arith.index_cast %add3A_354 : i32 to index
        %get3A_398 = arith.constant 80 : index
        %get3A_399 = tpu.vector_load %arg11[%get3A_397, %get3A_398] {strides = array<i32>} : memref<80x128xf32, #tpu.memory_space<vmem>>, vector<16xf32>,
        %mul3A_400 = vector.broadcast %squeeze3A_388 : f32 to vector<16xf32>
        %mul3A_401 = arith.mulf %get3A_399, %mul3A_400 : vector<16xf32>
        %swap3A_402 = arith.index_cast %add3A_354 : i32 to index
        %swap3A_403 = arith.constant 80 : index
        %swap3A_404 = tpu.vector_load %arg11[%swap3A_402, %swap3A_403] {strides = array<i32>} : memref<80x128xf32, #tpu.memory_space<vmem>>, vector<16xf32>,
        tpu.vector_store %arg11[%swap3A_402, %swap3A_403], %mul3A_401 {strides = array<i32>} : memref<80x128xf32, #tpu.memory_space<vmem>>, vector<16xf32>,
        %slice3A_405 = vector.extract_strided_slice %exp3A {offsets = [3], sizes = [1], strides = [1]} : vector<16xf32> to vector<1xf32>
        %squeeze3A_406 = vector.extract %slice3A_405[0] : f32 from vector<1xf32>
        %get3A_407 = arith.index_cast %add3A_354 : i32 to index
        %get3A_408 = arith.constant 96 : index
        %get3A_409 = tpu.vector_load %arg11[%get3A_407, %get3A_408] {strides = array<i32>} : memref<80x128xf32, #tpu.memory_space<vmem>>, vector<16xf32>,
        %mul3A_410 = vector.broadcast %squeeze3A_406 : f32 to vector<16xf32>
        %mul3A_411 = arith.mulf %get3A_409, %mul3A_410 : vector<16xf32>
        %swap3A_412 = arith.index_cast %add3A_354 : i32 to index
        %swap3A_413 = arith.constant 96 : index
        %swap3A_414 = tpu.vector_load %arg11[%swap3A_412, %swap3A_413] {strides = array<i32>} : memref<80x128xf32, #tpu.memory_space<vmem>>, vector<16xf32>,
        tpu.vector_store %arg11[%swap3A_412, %swap3A_413], %mul3A_411 {strides = array<i32>} : memref<80x128xf32, #tpu.memory_space<vmem>>, vector<16xf32>,
        %get3A_415 = arith.index_cast %add3A_354 : i32 to index
        %get3A_416 = arith.constant 112 : index
        %get3A_417 = tpu.vector_load %arg11[%get3A_415, %get3A_416] {strides = array<i32>} : memref<80x128xf32, #tpu.memory_space<vmem>>, vector<16xf32>,
        %mul3A_418 = vector.broadcast %squeeze3A_406 : f32 to vector<16xf32>
        %mul3A_419 = arith.mulf %get3A_417, %mul3A_418 : vector<16xf32>
        %swap3A_420 = arith.index_cast %add3A_354 : i32 to index
        %swap3A_421 = arith.constant 112 : index
        %swap3A_422 = tpu.vector_load %arg11[%swap3A_420, %swap3A_421] {strides = array<i32>} : memref<80x128xf32, #tpu.memory_space<vmem>>, vector<16xf32>,
        tpu.vector_store %arg11[%swap3A_420, %swap3A_421], %mul3A_419 {strides = array<i32>} : memref<80x128xf32, #tpu.memory_space<vmem>>, vector<16xf32>,
        %mul3A_423 = arith.constant 4 : i32
        %mul3A_424 = arith.muli %scan3A_335, %mul3A_423 : i32
        %add3A_425 = arith.constant 1 : i32
        %add3A_426 = arith.addi %mul3A_424, %add3A_425 : i32
        %slice3A_427 = vector.extract_strided_slice %exp3A {offsets = [4], sizes = [1], strides = [1]} : vector<16xf32> to vector<1xf32>
        %squeeze3A_428 = vector.extract %slice3A_427[0] : f32 from vector<1xf32>
        %get3A_429 = arith.index_cast %add3A_426 : i32 to index
        %get3A_430 = arith.constant 0 : index
        %get3A_431 = tpu.vector_load %arg11[%get3A_429, %get3A_430] {strides = array<i32>} : memref<80x128xf32, #tpu.memory_space<vmem>>, vector<16xf32>,
        %mul3A_432 = vector.broadcast %squeeze3A_428 : f32 to vector<16xf32>
        %mul3A_433 = arith.mulf %get3A_431, %mul3A_432 : vector<16xf32>
        %swap3A_434 = arith.index_cast %add3A_426 : i32 to index
        %swap3A_435 = arith.constant 0 : index
        %swap3A_436 = tpu.vector_load %arg11[%swap3A_434, %swap3A_435] {strides = array<i32>} : memref<80x128xf32, #tpu.memory_space<vmem>>, vector<16xf32>,
        tpu.vector_store %arg11[%swap3A_434, %swap3A_435], %mul3A_433 {strides = array<i32>} : memref<80x128xf32, #tpu.memory_space<vmem>>, vector<16xf32>,
        %get3A_437 = arith.index_cast %add3A_426 : i32 to index
        %get3A_438 = arith.constant 16 : index
        %get3A_439 = tpu.vector_load %arg11[%get3A_437, %get3A_438] {strides = array<i32>} : memref<80x128xf32, #tpu.memory_space<vmem>>, vector<16xf32>,
        %mul3A_440 = vector.broadcast %squeeze3A_428 : f32 to vector<16xf32>
        %mul3A_441 = arith.mulf %get3A_439, %mul3A_440 : vector<16xf32>
        %swap3A_442 = arith.index_cast %add3A_426 : i32 to index
        %swap3A_443 = arith.constant 16 : index
        %swap3A_444 = tpu.vector_load %arg11[%swap3A_442, %swap3A_443] {strides = array<i32>} : memref<80x128xf32, #tpu.memory_space<vmem>>, vector<16xf32>,
        tpu.vector_store %arg11[%swap3A_442, %swap3A_443], %mul3A_441 {strides = array<i32>} : memref<80x128xf32, #tpu.memory_space<vmem>>, vector<16xf32>,
        %slice3A_445 = vector.extract_strided_slice %exp3A {offsets = [5], sizes = [1], strides = [1]} : vector<16xf32> to vector<1xf32>
        %squeeze3A_446 = vector.extract %slice3A_445[0] : f32 from vector<1xf32>
        %get3A_447 = arith.index_cast %add3A_426 : i32 to index
        %get3A_448 = arith.constant 32 : index
        %get3A_449 = tpu.vector_load %arg11[%get3A_447, %get3A_448] {strides = array<i32>} : memref<80x128xf32, #tpu.memory_space<vmem>>, vector<16xf32>,
        %mul3A_450 = vector.broadcast %squeeze3A_446 : f32 to vector<16xf32>
        %mul3A_451 = arith.mulf %get3A_449, %mul3A_450 : vector<16xf32>
        %swap3A_452 = arith.index_cast %add3A_426 : i32 to index
        %swap3A_453 = arith.constant 32 : index
        %swap3A_454 = tpu.vector_load %arg11[%swap3A_452, %swap3A_453] {strides = array<i32>} : memref<80x128xf32, #tpu.memory_space<vmem>>, vector<16xf32>,
        tpu.vector_store %arg11[%swap3A_452, %swap3A_453], %mul3A_451 {strides = array<i32>} : memref<80x128xf32, #tpu.memory_space<vmem>>, vector<16xf32>,
        %get3A_455 = arith.index_cast %add3A_426 : i32 to index
        %get3A_456 = arith.constant 48 : index
        %get3A_457 = tpu.vector_load %arg11[%get3A_455, %get3A_456] {strides = array<i32>} : memref<80x128xf32, #tpu.memory_space<vmem>>, vector<16xf32>,
        %mul3A_458 = vector.broadcast %squeeze3A_446 : f32 to vector<16xf32>
        %mul3A_459 = arith.mulf %get3A_457, %mul3A_458 : vector<16xf32>
        %swap3A_460 = arith.index_cast %add3A_426 : i32 to index
        %swap3A_461 = arith.constant 48 : index
        %swap3A_462 = tpu.vector_load %arg11[%swap3A_460, %swap3A_461] {strides = array<i32>} : memref<80x128xf32, #tpu.memory_space<vmem>>, vector<16xf32>,
        tpu.vector_store %arg11[%swap3A_460, %swap3A_461], %mul3A_459 {strides = array<i32>} : memref<80x128xf32, #tpu.memory_space<vmem>>, vector<16xf32>,
        %slice3A_463 = vector.extract_strided_slice %exp3A {offsets = [6], sizes = [1], strides = [1]} : vector<16xf32> to vector<1xf32>
        %squeeze3A_464 = vector.extract %slice3A_463[0] : f32 from vector<1xf32>
        %get3A_465 = arith.index_cast %add3A_426 : i32 to index
        %get3A_466 = arith.constant 64 : index
        %get3A_467 = tpu.vector_load %arg11[%get3A_465, %get3A_466] {strides = array<i32>} : memref<80x128xf32, #tpu.memory_space<vmem>>, vector<16xf32>,
        %mul3A_468 = vector.broadcast %squeeze3A_464 : f32 to vector<16xf32>
        %mul3A_469 = arith.mulf %get3A_467, %mul3A_468 : vector<16xf32>
        %swap3A_470 = arith.index_cast %add3A_426 : i32 to index
        %swap3A_471 = arith.constant 64 : index
        %swap3A_472 = tpu.vector_load %arg11[%swap3A_470, %swap3A_471] {strides = array<i32>} : memref<80x128xf32, #tpu.memory_space<vmem>>, vector<16xf32>,
        tpu.vector_store %arg11[%swap3A_470, %swap3A_471], %mul3A_469 {strides = array<i32>} : memref<80x128xf32, #tpu.memory_space<vmem>>, vector<16xf32>,
        %get3A_473 = arith.index_cast %add3A_426 : i32 to index
        %get3A_474 = arith.constant 80 : index
        %get3A_475 = tpu.vector_load %arg11[%get3A_473, %get3A_474] {strides = array<i32>} : memref<80x128xf32, #tpu.memory_space<vmem>>, vector<16xf32>,
        %mul3A_476 = vector.broadcast %squeeze3A_464 : f32 to vector<16xf32>
        %mul3A_477 = arith.mulf %get3A_475, %mul3A_476 : vector<16xf32>
        %swap3A_478 = arith.index_cast %add3A_426 : i32 to index
        %swap3A_479 = arith.constant 80 : index
        %swap3A_480 = tpu.vector_load %arg11[%swap3A_478, %swap3A_479] {strides = array<i32>} : memref<80x128xf32, #tpu.memory_space<vmem>>, vector<16xf32>,
        tpu.vector_store %arg11[%swap3A_478, %swap3A_479], %mul3A_477 {strides = array<i32>} : memref<80x128xf32, #tpu.memory_space<vmem>>, vector<16xf32>,
        %slice3A_481 = vector.extract_strided_slice %exp3A {offsets = [7], sizes = [1], strides = [1]} : vector<16xf32> to vector<1xf32>
        %squeeze3A_482 = vector.extract %slice3A_481[0] : f32 from vector<1xf32>
        %get3A_483 = arith.index_cast %add3A_426 : i32 to index
        %get3A_484 = arith.constant 96 : index
        %get3A_485 = tpu.vector_load %arg11[%get3A_483, %get3A_484] {strides = array<i32>} : memref<80x128xf32, #tpu.memory_space<vmem>>, vector<16xf32>,
        %mul3A_486 = vector.broadcast %squeeze3A_482 : f32 to vector<16xf32>
        %mul3A_487 = arith.mulf %get3A_485, %mul3A_486 : vector<16xf32>
        %swap3A_488 = arith.index_cast %add3A_426 : i32 to index
        %swap3A_489 = arith.constant 96 : index
        %swap3A_490 = tpu.vector_load %arg11[%swap3A_488, %swap3A_489] {strides = array<i32>} : memref<80x128xf32, #tpu.memory_space<vmem>>, vector<16xf32>,
        tpu.vector_store %arg11[%swap3A_488, %swap3A_489], %mul3A_487 {strides = array<i32>} : memref<80x128xf32, #tpu.memory_space<vmem>>, vector<16xf32>,
        %get3A_491 = arith.index_cast %add3A_426 : i32 to index
        %get3A_492 = arith.constant 112 : index
        %get3A_493 = tpu.vector_load %arg11[%get3A_491, %get3A_492] {strides = array<i32>} : memref<80x128xf32, #tpu.memory_space<vmem>>, vector<16xf32>,
        %mul3A_494 = vector.broadcast %squeeze3A_482 : f32 to vector<16xf32>
        %mul3A_495 = arith.mulf %get3A_493, %mul3A_494 : vector<16xf32>
        %swap3A_496 = arith.index_cast %add3A_426 : i32 to index
        %swap3A_497 = arith.constant 112 : index
        %swap3A_498 = tpu.vector_load %arg11[%swap3A_496, %swap3A_497] {strides = array<i32>} : memref<80x128xf32, #tpu.memory_space<vmem>>, vector<16xf32>,
        tpu.vector_store %arg11[%swap3A_496, %swap3A_497], %mul3A_495 {strides = array<i32>} : memref<80x128xf32, #tpu.memory_space<vmem>>, vector<16xf32>,
        %mul3A_499 = arith.constant 4 : i32
        %mul3A_500 = arith.muli %scan3A_335, %mul3A_499 : i32
        %add3A_501 = arith.constant 2 : i32
        %add3A_502 = arith.addi %mul3A_500, %add3A_501 : i32
        %slice3A_503 = vector.extract_strided_slice %exp3A {offsets = [8], sizes = [1], strides = [1]} : vector<16xf32> to vector<1xf32>
        %squeeze3A_504 = vector.extract %slice3A_503[0] : f32 from vector<1xf32>
        %get3A_505 = arith.index_cast %add3A_502 : i32 to index
        %get3A_506 = arith.constant 0 : index
        %get3A_507 = tpu.vector_load %arg11[%get3A_505, %get3A_506] {strides = array<i32>} : memref<80x128xf32, #tpu.memory_space<vmem>>, vector<16xf32>,
        %mul3A_508 = vector.broadcast %squeeze3A_504 : f32 to vector<16xf32>
        %mul3A_509 = arith.mulf %get3A_507, %mul3A_508 : vector<16xf32>
        %swap3A_510 = arith.index_cast %add3A_502 : i32 to index
        %swap3A_511 = arith.constant 0 : index
        %swap3A_512 = tpu.vector_load %arg11[%swap3A_510, %swap3A_511] {strides = array<i32>} : memref<80x128xf32, #tpu.memory_space<vmem>>, vector<16xf32>,
        tpu.vector_store %arg11[%swap3A_510, %swap3A_511], %mul3A_509 {strides = array<i32>} : memref<80x128xf32, #tpu.memory_space<vmem>>, vector<16xf32>,
        %get3A_513 = arith.index_cast %add3A_502 : i32 to index
        %get3A_514 = arith.constant 16 : index
        %get3A_515 = tpu.vector_load %arg11[%get3A_513, %get3A_514] {strides = array<i32>} : memref<80x128xf32, #tpu.memory_space<vmem>>, vector<16xf32>,
        %mul3A_516 = vector.broadcast %squeeze3A_504 : f32 to vector<16xf32>
        %mul3A_517 = arith.mulf %get3A_515, %mul3A_516 : vector<16xf32>
        %swap3A_518 = arith.index_cast %add3A_502 : i32 to index
        %swap3A_519 = arith.constant 16 : index
        %swap3A_520 = tpu.vector_load %arg11[%swap3A_518, %swap3A_519] {strides = array<i32>} : memref<80x128xf32, #tpu.memory_space<vmem>>, vector<16xf32>,
        tpu.vector_store %arg11[%swap3A_518, %swap3A_519], %mul3A_517 {strides = array<i32>} : memref<80x128xf32, #tpu.memory_space<vmem>>, vector<16xf32>,
        %slice3A_521 = vector.extract_strided_slice %exp3A {offsets = [9], sizes = [1], strides = [1]} : vector<16xf32> to vector<1xf32>
        %squeeze3A_522 = vector.extract %slice3A_521[0] : f32 from vector<1xf32>
        %get3A_523 = arith.index_cast %add3A_502 : i32 to index
        %get3A_524 = arith.constant 32 : index
        %get3A_525 = tpu.vector_load %arg11[%get3A_523, %get3A_524] {strides = array<i32>} : memref<80x128xf32, #tpu.memory_space<vmem>>, vector<16xf32>,
        %mul3A_526 = vector.broadcast %squeeze3A_522 : f32 to vector<16xf32>
        %mul3A_527 = arith.mulf %get3A_525, %mul3A_526 : vector<16xf32>
        %swap3A_528 = arith.index_cast %add3A_502 : i32 to index
        %swap3A_529 = arith.constant 32 : index
        %swap3A_530 = tpu.vector_load %arg11[%swap3A_528, %swap3A_529] {strides = array<i32>} : memref<80x128xf32, #tpu.memory_space<vmem>>, vector<16xf32>,
        tpu.vector_store %arg11[%swap3A_528, %swap3A_529], %mul3A_527 {strides = array<i32>} : memref<80x128xf32, #tpu.memory_space<vmem>>, vector<16xf32>,
        %get3A_531 = arith.index_cast %add3A_502 : i32 to index
        %get3A_532 = arith.constant 48 : index
        %get3A_533 = tpu.vector_load %arg11[%get3A_531, %get3A_532] {strides = array<i32>} : memref<80x128xf32, #tpu.memory_space<vmem>>, vector<16xf32>,
        %mul3A_534 = vector.broadcast %squeeze3A_522 : f32 to vector<16xf32>
        %mul3A_535 = arith.mulf %get3A_533, %mul3A_534 : vector<16xf32>
        %swap3A_536 = arith.index_cast %add3A_502 : i32 to index
        %swap3A_537 = arith.constant 48 : index
        %swap3A_538 = tpu.vector_load %arg11[%swap3A_536, %swap3A_537] {strides = array<i32>} : memref<80x128xf32, #tpu.memory_space<vmem>>, vector<16xf32>,
        tpu.vector_store %arg11[%swap3A_536, %swap3A_537], %mul3A_535 {strides = array<i32>} : memref<80x128xf32, #tpu.memory_space<vmem>>, vector<16xf32>,
        %slice3A_539 = vector.extract_strided_slice %exp3A {offsets = [10], sizes = [1], strides = [1]} : vector<16xf32> to vector<1xf32>
        %squeeze3A_540 = vector.extract %slice3A_539[0] : f32 from vector<1xf32>
        %get3A_541 = arith.index_cast %add3A_502 : i32 to index
        %get3A_542 = arith.constant 64 : index
        %get3A_543 = tpu.vector_load %arg11[%get3A_541, %get3A_542] {strides = array<i32>} : memref<80x128xf32, #tpu.memory_space<vmem>>, vector<16xf32>,
        %mul3A_544 = vector.broadcast %squeeze3A_540 : f32 to vector<16xf32>
        %mul3A_545 = arith.mulf %get3A_543, %mul3A_544 : vector<16xf32>
        %swap3A_546 = arith.index_cast %add3A_502 : i32 to index
        %swap3A_547 = arith.constant 64 : index
        %swap3A_548 = tpu.vector_load %arg11[%swap3A_546, %swap3A_547] {strides = array<i32>} : memref<80x128xf32, #tpu.memory_space<vmem>>, vector<16xf32>,
        tpu.vector_store %arg11[%swap3A_546, %swap3A_547], %mul3A_545 {strides = array<i32>} : memref<80x128xf32, #tpu.memory_space<vmem>>, vector<16xf32>,
        %get3A_549 = arith.index_cast %add3A_502 : i32 to index
        %get3A_550 = arith.constant 80 : index
        %get3A_551 = tpu.vector_load %arg11[%get3A_549, %get3A_550] {strides = array<i32>} : memref<80x128xf32, #tpu.memory_space<vmem>>, vector<16xf32>,
        %mul3A_552 = vector.broadcast %squeeze3A_540 : f32 to vector<16xf32>
        %mul3A_553 = arith.mulf %get3A_551, %mul3A_552 : vector<16xf32>
        %swap3A_554 = arith.index_cast %add3A_502 : i32 to index
        %swap3A_555 = arith.constant 80 : index
        %swap3A_556 = tpu.vector_load %arg11[%swap3A_554, %swap3A_555] {strides = array<i32>} : memref<80x128xf32, #tpu.memory_space<vmem>>, vector<16xf32>,
        tpu.vector_store %arg11[%swap3A_554, %swap3A_555], %mul3A_553 {strides = array<i32>} : memref<80x128xf32, #tpu.memory_space<vmem>>, vector<16xf32>,
        %slice3A_557 = vector.extract_strided_slice %exp3A {offsets = [11], sizes = [1], strides = [1]} : vector<16xf32> to vector<1xf32>
        %squeeze3A_558 = vector.extract %slice3A_557[0] : f32 from vector<1xf32>
        %get3A_559 = arith.index_cast %add3A_502 : i32 to index
        %get3A_560 = arith.constant 96 : index
        %get3A_561 = tpu.vector_load %arg11[%get3A_559, %get3A_560] {strides = array<i32>} : memref<80x128xf32, #tpu.memory_space<vmem>>, vector<16xf32>,
        %mul3A_562 = vector.broadcast %squeeze3A_558 : f32 to vector<16xf32>
        %mul3A_563 = arith.mulf %get3A_561, %mul3A_562 : vector<16xf32>
        %swap3A_564 = arith.index_cast %add3A_502 : i32 to index
        %swap3A_565 = arith.constant 96 : index
        %swap3A_566 = tpu.vector_load %arg11[%swap3A_564, %swap3A_565] {strides = array<i32>} : memref<80x128xf32, #tpu.memory_space<vmem>>, vector<16xf32>,
        tpu.vector_store %arg11[%swap3A_564, %swap3A_565], %mul3A_563 {strides = array<i32>} : memref<80x128xf32, #tpu.memory_space<vmem>>, vector<16xf32>,
        %get3A_567 = arith.index_cast %add3A_502 : i32 to index
        %get3A_568 = arith.constant 112 : index
        %get3A_569 = tpu.vector_load %arg11[%get3A_567, %get3A_568] {strides = array<i32>} : memref<80x128xf32, #tpu.memory_space<vmem>>, vector<16xf32>,
        %mul3A_570 = vector.broadcast %squeeze3A_558 : f32 to vector<16xf32>
        %mul3A_571 = arith.mulf %get3A_569, %mul3A_570 : vector<16xf32>
        %swap3A_572 = arith.index_cast %add3A_502 : i32 to index
        %swap3A_573 = arith.constant 112 : index
        %swap3A_574 = tpu.vector_load %arg11[%swap3A_572, %swap3A_573] {strides = array<i32>} : memref<80x128xf32, #tpu.memory_space<vmem>>, vector<16xf32>,
        tpu.vector_store %arg11[%swap3A_572, %swap3A_573], %mul3A_571 {strides = array<i32>} : memref<80x128xf32, #tpu.memory_space<vmem>>, vector<16xf32>,
        %mul3A_575 = arith.constant 4 : i32
        %mul3A_576 = arith.muli %scan3A_335, %mul3A_575 : i32
        %add3A_577 = arith.constant 3 : i32
        %add3A_578 = arith.addi %mul3A_576, %add3A_577 : i32
        %slice3A_579 = vector.extract_strided_slice %exp3A {offsets = [12], sizes = [1], strides = [1]} : vector<16xf32> to vector<1xf32>
        %squeeze3A_580 = vector.extract %slice3A_579[0] : f32 from vector<1xf32>
        %get3A_581 = arith.index_cast %add3A_578 : i32 to index
        %get3A_582 = arith.constant 0 : index
        %get3A_583 = tpu.vector_load %arg11[%get3A_581, %get3A_582] {strides = array<i32>} : memref<80x128xf32, #tpu.memory_space<vmem>>, vector<16xf32>,
        %mul3A_584 = vector.broadcast %squeeze3A_580 : f32 to vector<16xf32>
        %mul3A_585 = arith.mulf %get3A_583, %mul3A_584 : vector<16xf32>
        %swap3A_586 = arith.index_cast %add3A_578 : i32 to index
        %swap3A_587 = arith.constant 0 : index
        %swap3A_588 = tpu.vector_load %arg11[%swap3A_586, %swap3A_587] {strides = array<i32>} : memref<80x128xf32, #tpu.memory_space<vmem>>, vector<16xf32>,
        tpu.vector_store %arg11[%swap3A_586, %swap3A_587], %mul3A_585 {strides = array<i32>} : memref<80x128xf32, #tpu.memory_space<vmem>>, vector<16xf32>,
        %get3A_589 = arith.index_cast %add3A_578 : i32 to index
        %get3A_590 = arith.constant 16 : index
        %get3A_591 = tpu.vector_load %arg11[%get3A_589, %get3A_590] {strides = array<i32>} : memref<80x128xf32, #tpu.memory_space<vmem>>, vector<16xf32>,
        %mul3A_592 = vector.broadcast %squeeze3A_580 : f32 to vector<16xf32>
        %mul3A_593 = arith.mulf %get3A_591, %mul3A_592 : vector<16xf32>
        %swap3A_594 = arith.index_cast %add3A_578 : i32 to index
        %swap3A_595 = arith.constant 16 : index
        %swap3A_596 = tpu.vector_load %arg11[%swap3A_594, %swap3A_595] {strides = array<i32>} : memref<80x128xf32, #tpu.memory_space<vmem>>, vector<16xf32>,
        tpu.vector_store %arg11[%swap3A_594, %swap3A_595], %mul3A_593 {strides = array<i32>} : memref<80x128xf32, #tpu.memory_space<vmem>>, vector<16xf32>,
        %slice3A_597 = vector.extract_strided_slice %exp3A {offsets = [13], sizes = [1], strides = [1]} : vector<16xf32> to vector<1xf32>
        %squeeze3A_598 = vector.extract %slice3A_597[0] : f32 from vector<1xf32>
        %get3A_599 = arith.index_cast %add3A_578 : i32 to index
        %get3A_600 = arith.constant 32 : index
        %get3A_601 = tpu.vector_load %arg11[%get3A_599, %get3A_600] {strides = array<i32>} : memref<80x128xf32, #tpu.memory_space<vmem>>, vector<16xf32>,
        %mul3A_602 = vector.broadcast %squeeze3A_598 : f32 to vector<16xf32>
        %mul3A_603 = arith.mulf %get3A_601, %mul3A_602 : vector<16xf32>
        %swap3A_604 = arith.index_cast %add3A_578 : i32 to index
        %swap3A_605 = arith.constant 32 : index
        %swap3A_606 = tpu.vector_load %arg11[%swap3A_604, %swap3A_605] {strides = array<i32>} : memref<80x128xf32, #tpu.memory_space<vmem>>, vector<16xf32>,
        tpu.vector_store %arg11[%swap3A_604, %swap3A_605], %mul3A_603 {strides = array<i32>} : memref<80x128xf32, #tpu.memory_space<vmem>>, vector<16xf32>,
        %get3A_607 = arith.index_cast %add3A_578 : i32 to index
        %get3A_608 = arith.constant 48 : index
        %get3A_609 = tpu.vector_load %arg11[%get3A_607, %get3A_608] {strides = array<i32>} : memref<80x128xf32, #tpu.memory_space<vmem>>, vector<16xf32>,
        %mul3A_610 = vector.broadcast %squeeze3A_598 : f32 to vector<16xf32>
        %mul3A_611 = arith.mulf %get3A_609, %mul3A_610 : vector<16xf32>
        %swap3A_612 = arith.index_cast %add3A_578 : i32 to index
        %swap3A_613 = arith.constant 48 : index
        %swap3A_614 = tpu.vector_load %arg11[%swap3A_612, %swap3A_613] {strides = array<i32>} : memref<80x128xf32, #tpu.memory_space<vmem>>, vector<16xf32>,
        tpu.vector_store %arg11[%swap3A_612, %swap3A_613], %mul3A_611 {strides = array<i32>} : memref<80x128xf32, #tpu.memory_space<vmem>>, vector<16xf32>,
        %slice3A_615 = vector.extract_strided_slice %exp3A {offsets = [14], sizes = [1], strides = [1]} : vector<16xf32> to vector<1xf32>
        %squeeze3A_616 = vector.extract %slice3A_615[0] : f32 from vector<1xf32>
        %get3A_617 = arith.index_cast %add3A_578 : i32 to index
        %get3A_618 = arith.constant 64 : index
        %get3A_619 = tpu.vector_load %arg11[%get3A_617, %get3A_618] {strides = array<i32>} : memref<80x128xf32, #tpu.memory_space<vmem>>, vector<16xf32>,
        %mul3A_620 = vector.broadcast %squeeze3A_616 : f32 to vector<16xf32>
        %mul3A_621 = arith.mulf %get3A_619, %mul3A_620 : vector<16xf32>
        %swap3A_622 = arith.index_cast %add3A_578 : i32 to index
        %swap3A_623 = arith.constant 64 : index
        %swap3A_624 = tpu.vector_load %arg11[%swap3A_622, %swap3A_623] {strides = array<i32>} : memref<80x128xf32, #tpu.memory_space<vmem>>, vector<16xf32>,
        tpu.vector_store %arg11[%swap3A_622, %swap3A_623], %mul3A_621 {strides = array<i32>} : memref<80x128xf32, #tpu.memory_space<vmem>>, vector<16xf32>,
        %get3A_625 = arith.index_cast %add3A_578 : i32 to index
        %get3A_626 = arith.constant 80 : index
        %get3A_627 = tpu.vector_load %arg11[%get3A_625, %get3A_626] {strides = array<i32>} : memref<80x128xf32, #tpu.memory_space<vmem>>, vector<16xf32>,
        %mul3A_628 = vector.broadcast %squeeze3A_616 : f32 to vector<16xf32>
        %mul3A_629 = arith.mulf %get3A_627, %mul3A_628 : vector<16xf32>
        %swap3A_630 = arith.index_cast %add3A_578 : i32 to index
        %swap3A_631 = arith.constant 80 : index
        %swap3A_632 = tpu.vector_load %arg11[%swap3A_630, %swap3A_631] {strides = array<i32>} : memref<80x128xf32, #tpu.memory_space<vmem>>, vector<16xf32>,
        tpu.vector_store %arg11[%swap3A_630, %swap3A_631], %mul3A_629 {strides = array<i32>} : memref<80x128xf32, #tpu.memory_space<vmem>>, vector<16xf32>,
        %slice3A_633 = vector.extract_strided_slice %exp3A {offsets = [15], sizes = [1], strides = [1]} : vector<16xf32> to vector<1xf32>
        %squeeze3A_634 = vector.extract %slice3A_633[0] : f32 from vector<1xf32>
        %get3A_635 = arith.index_cast %add3A_578 : i32 to index
        %get3A_636 = arith.constant 96 : index
        %get3A_637 = tpu.vector_load %arg11[%get3A_635, %get3A_636] {strides = array<i32>} : memref<80x128xf32, #tpu.memory_space<vmem>>, vector<16xf32>,
        %mul3A_638 = vector.broadcast %squeeze3A_634 : f32 to vector<16xf32>
        %mul3A_639 = arith.mulf %get3A_637, %mul3A_638 : vector<16xf32>
        %swap3A_640 = arith.index_cast %add3A_578 : i32 to index
        %swap3A_641 = arith.constant 96 : index
        %swap3A_642 = tpu.vector_load %arg11[%swap3A_640, %swap3A_641] {strides = array<i32>} : memref<80x128xf32, #tpu.memory_space<vmem>>, vector<16xf32>,
        tpu.vector_store %arg11[%swap3A_640, %swap3A_641], %mul3A_639 {strides = array<i32>} : memref<80x128xf32, #tpu.memory_space<vmem>>, vector<16xf32>,
        %get3A_643 = arith.index_cast %add3A_578 : i32 to index
        %get3A_644 = arith.constant 112 : index
        %get3A_645 = tpu.vector_load %arg11[%get3A_643, %get3A_644] {strides = array<i32>} : memref<80x128xf32, #tpu.memory_space<vmem>>, vector<16xf32>,
        %mul3A_646 = vector.broadcast %squeeze3A_634 : f32 to vector<16xf32>
        %mul3A_647 = arith.mulf %get3A_645, %mul3A_646 : vector<16xf32>
        %swap3A_648 = arith.index_cast %add3A_578 : i32 to index
        %swap3A_649 = arith.constant 112 : index
        %swap3A_650 = tpu.vector_load %arg11[%swap3A_648, %swap3A_649] {strides = array<i32>} : memref<80x128xf32, #tpu.memory_space<vmem>>, vector<16xf32>,
        tpu.vector_store %arg11[%swap3A_648, %swap3A_649], %mul3A_647 {strides = array<i32>} : memref<80x128xf32, #tpu.memory_space<vmem>>, vector<16xf32>,
      }
      %scan3A_226 = arith.constant 20 : i32
      "tpu.region"() ({
        %run_scoped3A = tpu.sem_alloc : memref<!tpu.dma_semaphore, #tpu.memory_space<semaphore_mem>>
        %dma_start3A_335 = arith.constant 0 : i32
        %dma_start3A_336 = arith.constant 0 : i32
        %dma_start3A_337 = tpu.memref_slice %arg10[%dma_start3A_335, %dma_start3A_336] : memref<10240x16xf32, #tpu.memory_space<vmem_shared>> -> memref<10240x16xf32, #tpu.memory_space<vmem_shared>>
        tpu.enqueue_indirect_dma source(%arg14 : memref<80x16xf32, #tpu.memory_space<vmem>>) target(%dma_start3A_337 : memref<10240x16xf32, #tpu.memory_space<vmem_shared>>) offsets(%arg16 : memref<80xi32, #tpu.memory_space<vmem>>) semaphore(%run_scoped3A : memref<!tpu.dma_semaphore, #tpu.memory_space<semaphore_mem>>) {add = true}
        %dma_wait3A_338 = arith.constant 0 : i32
        %dma_wait3A_339 = arith.constant 0 : i32
        %dma_wait3A_340 = tpu.memref_slice %arg10[%dma_wait3A_338, %dma_wait3A_339] : memref<10240x16xf32, #tpu.memory_space<vmem_shared>> -> memref<10240x16xf32, #tpu.memory_space<vmem_shared>>
        tpu.wait_indirect_dma semaphore(%run_scoped3A : memref<!tpu.dma_semaphore, #tpu.memory_space<semaphore_mem>>) src(%arg14 : memref<80x16xf32, #tpu.memory_space<vmem>>) dst(%dma_wait3A_340 : memref<10240x16xf32, #tpu.memory_space<vmem_shared>>)
        tpu.yield
      }) : () -> ()
      %dma_start3A_227 = arith.constant 0 : i32
      %dma_start3A_228 = arith.constant 0 : i32
      %dma_start3A_229 = tpu.memref_slice %arg9[%dma_start3A_227, %dma_start3A_228] : memref<10240x128xf32, #tpu.memory_space<vmem_shared>> -> memref<10240x128xf32, #tpu.memory_space<vmem_shared>>
      tpu.enqueue_indirect_dma source(%arg11 : memref<80x128xf32, #tpu.memory_space<vmem>>) target(%dma_start3A_229 : memref<10240x128xf32, #tpu.memory_space<vmem_shared>>) offsets(%arg16 : memref<80xi32, #tpu.memory_space<vmem>>) semaphore(%arg26 : memref<!tpu.dma_semaphore, #tpu.memory_space<semaphore_mem>>) {add = true}
      %dma_wait3A_230 = arith.constant 0 : i32
      %dma_wait3A_231 = arith.constant 0 : i32
      %dma_wait3A_232 = tpu.memref_slice %arg21[%dma_wait3A_230, %dma_wait3A_231] : memref<2x80xi32, #tpu.memory_space<vmem>> -> memref<1x80xi32, #tpu.memory_space<vmem>>
      %dma_wait3A_233 = tpu.memref_squeeze %dma_wait3A_232 : memref<1x80xi32, #tpu.memory_space<vmem>> -> memref<80xi32, #tpu.memory_space<vmem>>
      %dma_wait3A_234 = arith.constant 0 : i32
      %dma_wait3A_235 = arith.constant 0 : i32
      %dma_wait3A_236 = tpu.memref_slice %arg3[%dma_wait3A_234, %dma_wait3A_235] : memref<10000x16xf32, #tpu.memory_space<hbm>> -> memref<10000x16xf32, #tpu.memory_space<hbm>>
      tpu.wait_indirect_dma semaphore(%arg27 : memref<!tpu.dma_semaphore, #tpu.memory_space<semaphore_mem>>) src(%dma_wait3A_236 : memref<10000x16xf32, #tpu.memory_space<hbm>>) dst(%arg18 : memref<80x16xf32, #tpu.memory_space<vmem>>)
      %dma_wait3A_237 = arith.constant 1 : i32
      %dma_wait3A_238 = arith.constant 0 : i32
      %dma_wait3A_239 = tpu.memref_slice %arg21[%dma_wait3A_237, %dma_wait3A_238] : memref<2x80xi32, #tpu.memory_space<vmem>> -> memref<1x80xi32, #tpu.memory_space<vmem>>
      %dma_wait3A_240 = tpu.memref_squeeze %dma_wait3A_239 : memref<1x80xi32, #tpu.memory_space<vmem>> -> memref<80xi32, #tpu.memory_space<vmem>>
      %dma_wait3A_241 = arith.constant 0 : i32
      %dma_wait3A_242 = arith.constant 0 : i32
      %dma_wait3A_243 = tpu.memref_slice %arg3[%dma_wait3A_241, %dma_wait3A_242] : memref<10000x16xf32, #tpu.memory_space<hbm>> -> memref<10000x16xf32, #tpu.memory_space<hbm>>
      tpu.wait_indirect_dma semaphore(%arg28 : memref<!tpu.dma_semaphore, #tpu.memory_space<semaphore_mem>>) src(%dma_wait3A_243 : memref<10000x16xf32, #tpu.memory_space<hbm>>) dst(%arg19 : memref<80x16xf32, #tpu.memory_space<vmem>>)
      %dma_wait3A_244 = arith.constant 0 : i32
      %dma_wait3A_245 = arith.constant 0 : i32
      %dma_wait3A_246 = tpu.memref_slice %arg21[%dma_wait3A_244, %dma_wait3A_245] : memref<2x80xi32, #tpu.memory_space<vmem>> -> memref<1x80xi32, #tpu.memory_space<vmem>>
      %dma_wait3A_247 = tpu.memref_squeeze %dma_wait3A_246 : memref<1x80xi32, #tpu.memory_space<vmem>> -> memref<80xi32, #tpu.memory_space<vmem>>
      %dma_wait3A_248 = arith.constant 0 : i32
      %dma_wait3A_249 = arith.constant 0 : i32
      %dma_wait3A_250 = tpu.memref_slice %arg2[%dma_wait3A_248, %dma_wait3A_249] : memref<10000x128xf32, #tpu.memory_space<hbm>> -> memref<10000x128xf32, #tpu.memory_space<hbm>>
      tpu.wait_indirect_dma semaphore(%arg29 : memref<!tpu.dma_semaphore, #tpu.memory_space<semaphore_mem>>) src(%dma_wait3A_250 : memref<10000x128xf32, #tpu.memory_space<hbm>>) dst(%arg17 : memref<80x128xf32, #tpu.memory_space<vmem>>)
      %scan3A_251 = arith.constant 0 : i32
      %scan3A_252 = arith.constant 0 : i32
      %scan3A_253 = arith.constant 5 : i32
      %scan3A_254 = arith.addi %scan3A_252, %scan3A_253 : i32
      %scan3A_255 = arith.constant 1 : i32
      scf.for %scan3A_335 = %scan3A_252 to %scan3A_254 step %scan3A_255  : i32 {
        %mul3A_336 = arith.constant 16 : i32
        %mul3A_337 = arith.muli %scan3A_335, %mul3A_336 : i32
        %get3A = arith.constant 1 : i32
        %get3A_338 = arith.index_cast %get3A : i32 to index
        %get3A_339 = arith.index_cast %mul3A_337 : i32 to index
        %get3A_340 = tpu.vector_load %arg21[%get3A_338, %get3A_339] {strides = array<i32>} : memref<2x80xi32, #tpu.memory_space<vmem>>, vector<16xi32>,
        %mul3A_341 = arith.constant 16 : i32
        %mul3A_342 = arith.muli %scan3A_335, %mul3A_341 : i32
        %swap3A = arith.index_cast %mul3A_342 : i32 to index
        %swap3A_343 = tpu.vector_load %arg22[%swap3A] {strides = array<i32>} : memref<80xi32, #tpu.memory_space<vmem>>, vector<16xi32>,
        tpu.vector_store %arg22[%swap3A], %get3A_340 {strides = array<i32>} : memref<80xi32, #tpu.memory_space<vmem>>, vector<16xi32>,
      }
      %scan3A_256 = arith.constant 5 : i32
      %scan3A_257 = arith.constant 0 : i32
      %scan3A_258 = arith.constant 0 : i32
      %scan3A_259 = arith.constant 20 : i32
      %scan3A_260 = arith.addi %scan3A_258, %scan3A_259 : i32
      %scan3A_261 = arith.constant 1 : i32
      scf.for %scan3A_335 = %scan3A_258 to %scan3A_260 step %scan3A_261  : i32 {
        %mul3A_336 = arith.constant 4 : i32
        %mul3A_337 = arith.muli %scan3A_335, %mul3A_336 : i32
        %add3A_338 = vector.broadcast %mul3A_337 : i32 to vector<16xi32>
        %add3A_339 = arith.addi %add3A_338, %select_n3A : vector<16xi32>
        %gather3A = tpu.vector_load_idx %arg18[%add3A_339, %select_n3A_69] : memref<80x16xf32, #tpu.memory_space<vmem>>[vector<16xi32>, vector<16xi32>], vector<16xf32>,
        %add3A_340 = arith.constant 4 : i32
        %add3A_341 = vector.broadcast %add3A_340 : i32 to vector<16xi32>
        %add3A_342 = arith.addi %select_n3A_69, %add3A_341 : vector<16xi32>
        %gather3A_343 = tpu.vector_load_idx %arg19[%add3A_339, %add3A_342] : memref<80x16xf32, #tpu.memory_space<vmem>>[vector<16xi32>, vector<16xi32>], vector<16xf32>,
        %add3A_344 = arith.addf %gather3A, %gather3A_343 : vector<16xf32>
        %gt3A = arith.constant 0.000000e+00 : f32
        %gt3A_345 = vector.broadcast %gt3A : f32 to vector<16xf32>
        %gt3A_346 = arith.cmpf ogt, %add3A_344, %gt3A_345 : vector<16xf32>
        %mul3A_347 = arith.constant 2.000000e-01 : f32
        %mul3A_348 = vector.broadcast %mul3A_347 : f32 to vector<16xf32>
        %mul3A_349 = arith.mulf %add3A_344, %mul3A_348 : vector<16xf32>
        %select_n3A_350 = arith.select %gt3A_346, %add3A_344, %mul3A_349 : vector<16xi1>, vector<16xf32>
        %exp3A = math.exp %select_n3A_350 : vector<16xf32>
        tpu.vector_store_idx %arg20[%add3A_339, %select_n3A_69], %exp3A : memref<80x16xf32, #tpu.memory_space<vmem>>[vector<16xi32>, vector<16xi32>], vector<16xf32>,
        %mul3A_351 = arith.constant 4 : i32
        %mul3A_352 = arith.muli %scan3A_335, %mul3A_351 : i32
        %add3A_353 = arith.constant 0 : i32
        %add3A_354 = arith.addi %mul3A_352, %add3A_353 : i32
        %slice3A = vector.extract_strided_slice %exp3A {offsets = [0], sizes = [1], strides = [1]} : vector<16xf32> to vector<1xf32>
        %squeeze3A = vector.extract %slice3A[0] : f32 from vector<1xf32>
        %get3A = arith.index_cast %add3A_354 : i32 to index
        %get3A_355 = arith.constant 0 : index
        %get3A_356 = tpu.vector_load %arg17[%get3A, %get3A_355] {strides = array<i32>} : memref<80x128xf32, #tpu.memory_space<vmem>>, vector<16xf32>,
        %mul3A_357 = vector.broadcast %squeeze3A : f32 to vector<16xf32>
        %mul3A_358 = arith.mulf %get3A_356, %mul3A_357 : vector<16xf32>
        %swap3A = arith.index_cast %add3A_354 : i32 to index
        %swap3A_359 = arith.constant 0 : index
        %swap3A_360 = tpu.vector_load %arg17[%swap3A, %swap3A_359] {strides = array<i32>} : memref<80x128xf32, #tpu.memory_space<vmem>>, vector<16xf32>,
        tpu.vector_store %arg17[%swap3A, %swap3A_359], %mul3A_358 {strides = array<i32>} : memref<80x128xf32, #tpu.memory_space<vmem>>, vector<16xf32>,
        %get3A_361 = arith.index_cast %add3A_354 : i32 to index
        %get3A_362 = arith.constant 16 : index
        %get3A_363 = tpu.vector_load %arg17[%get3A_361, %get3A_362] {strides = array<i32>} : memref<80x128xf32, #tpu.memory_space<vmem>>, vector<16xf32>,
        %mul3A_364 = vector.broadcast %squeeze3A : f32 to vector<16xf32>
        %mul3A_365 = arith.mulf %get3A_363, %mul3A_364 : vector<16xf32>
        %swap3A_366 = arith.index_cast %add3A_354 : i32 to index
        %swap3A_367 = arith.constant 16 : index
        %swap3A_368 = tpu.vector_load %arg17[%swap3A_366, %swap3A_367] {strides = array<i32>} : memref<80x128xf32, #tpu.memory_space<vmem>>, vector<16xf32>,
        tpu.vector_store %arg17[%swap3A_366, %swap3A_367], %mul3A_365 {strides = array<i32>} : memref<80x128xf32, #tpu.memory_space<vmem>>, vector<16xf32>,
        %slice3A_369 = vector.extract_strided_slice %exp3A {offsets = [1], sizes = [1], strides = [1]} : vector<16xf32> to vector<1xf32>
        %squeeze3A_370 = vector.extract %slice3A_369[0] : f32 from vector<1xf32>
        %get3A_371 = arith.index_cast %add3A_354 : i32 to index
        %get3A_372 = arith.constant 32 : index
        %get3A_373 = tpu.vector_load %arg17[%get3A_371, %get3A_372] {strides = array<i32>} : memref<80x128xf32, #tpu.memory_space<vmem>>, vector<16xf32>,
        %mul3A_374 = vector.broadcast %squeeze3A_370 : f32 to vector<16xf32>
        %mul3A_375 = arith.mulf %get3A_373, %mul3A_374 : vector<16xf32>
        %swap3A_376 = arith.index_cast %add3A_354 : i32 to index
        %swap3A_377 = arith.constant 32 : index
        %swap3A_378 = tpu.vector_load %arg17[%swap3A_376, %swap3A_377] {strides = array<i32>} : memref<80x128xf32, #tpu.memory_space<vmem>>, vector<16xf32>,
        tpu.vector_store %arg17[%swap3A_376, %swap3A_377], %mul3A_375 {strides = array<i32>} : memref<80x128xf32, #tpu.memory_space<vmem>>, vector<16xf32>,
        %get3A_379 = arith.index_cast %add3A_354 : i32 to index
        %get3A_380 = arith.constant 48 : index
        %get3A_381 = tpu.vector_load %arg17[%get3A_379, %get3A_380] {strides = array<i32>} : memref<80x128xf32, #tpu.memory_space<vmem>>, vector<16xf32>,
        %mul3A_382 = vector.broadcast %squeeze3A_370 : f32 to vector<16xf32>
        %mul3A_383 = arith.mulf %get3A_381, %mul3A_382 : vector<16xf32>
        %swap3A_384 = arith.index_cast %add3A_354 : i32 to index
        %swap3A_385 = arith.constant 48 : index
        %swap3A_386 = tpu.vector_load %arg17[%swap3A_384, %swap3A_385] {strides = array<i32>} : memref<80x128xf32, #tpu.memory_space<vmem>>, vector<16xf32>,
        tpu.vector_store %arg17[%swap3A_384, %swap3A_385], %mul3A_383 {strides = array<i32>} : memref<80x128xf32, #tpu.memory_space<vmem>>, vector<16xf32>,
        %slice3A_387 = vector.extract_strided_slice %exp3A {offsets = [2], sizes = [1], strides = [1]} : vector<16xf32> to vector<1xf32>
        %squeeze3A_388 = vector.extract %slice3A_387[0] : f32 from vector<1xf32>
        %get3A_389 = arith.index_cast %add3A_354 : i32 to index
        %get3A_390 = arith.constant 64 : index
        %get3A_391 = tpu.vector_load %arg17[%get3A_389, %get3A_390] {strides = array<i32>} : memref<80x128xf32, #tpu.memory_space<vmem>>, vector<16xf32>,
        %mul3A_392 = vector.broadcast %squeeze3A_388 : f32 to vector<16xf32>
        %mul3A_393 = arith.mulf %get3A_391, %mul3A_392 : vector<16xf32>
        %swap3A_394 = arith.index_cast %add3A_354 : i32 to index
        %swap3A_395 = arith.constant 64 : index
        %swap3A_396 = tpu.vector_load %arg17[%swap3A_394, %swap3A_395] {strides = array<i32>} : memref<80x128xf32, #tpu.memory_space<vmem>>, vector<16xf32>,
        tpu.vector_store %arg17[%swap3A_394, %swap3A_395], %mul3A_393 {strides = array<i32>} : memref<80x128xf32, #tpu.memory_space<vmem>>, vector<16xf32>,
        %get3A_397 = arith.index_cast %add3A_354 : i32 to index
        %get3A_398 = arith.constant 80 : index
        %get3A_399 = tpu.vector_load %arg17[%get3A_397, %get3A_398] {strides = array<i32>} : memref<80x128xf32, #tpu.memory_space<vmem>>, vector<16xf32>,
        %mul3A_400 = vector.broadcast %squeeze3A_388 : f32 to vector<16xf32>
        %mul3A_401 = arith.mulf %get3A_399, %mul3A_400 : vector<16xf32>
        %swap3A_402 = arith.index_cast %add3A_354 : i32 to index
        %swap3A_403 = arith.constant 80 : index
        %swap3A_404 = tpu.vector_load %arg17[%swap3A_402, %swap3A_403] {strides = array<i32>} : memref<80x128xf32, #tpu.memory_space<vmem>>, vector<16xf32>,
        tpu.vector_store %arg17[%swap3A_402, %swap3A_403], %mul3A_401 {strides = array<i32>} : memref<80x128xf32, #tpu.memory_space<vmem>>, vector<16xf32>,
        %slice3A_405 = vector.extract_strided_slice %exp3A {offsets = [3], sizes = [1], strides = [1]} : vector<16xf32> to vector<1xf32>
        %squeeze3A_406 = vector.extract %slice3A_405[0] : f32 from vector<1xf32>
        %get3A_407 = arith.index_cast %add3A_354 : i32 to index
        %get3A_408 = arith.constant 96 : index
        %get3A_409 = tpu.vector_load %arg17[%get3A_407, %get3A_408] {strides = array<i32>} : memref<80x128xf32, #tpu.memory_space<vmem>>, vector<16xf32>,
        %mul3A_410 = vector.broadcast %squeeze3A_406 : f32 to vector<16xf32>
        %mul3A_411 = arith.mulf %get3A_409, %mul3A_410 : vector<16xf32>
        %swap3A_412 = arith.index_cast %add3A_354 : i32 to index
        %swap3A_413 = arith.constant 96 : index
        %swap3A_414 = tpu.vector_load %arg17[%swap3A_412, %swap3A_413] {strides = array<i32>} : memref<80x128xf32, #tpu.memory_space<vmem>>, vector<16xf32>,
        tpu.vector_store %arg17[%swap3A_412, %swap3A_413], %mul3A_411 {strides = array<i32>} : memref<80x128xf32, #tpu.memory_space<vmem>>, vector<16xf32>,
        %get3A_415 = arith.index_cast %add3A_354 : i32 to index
        %get3A_416 = arith.constant 112 : index
        %get3A_417 = tpu.vector_load %arg17[%get3A_415, %get3A_416] {strides = array<i32>} : memref<80x128xf32, #tpu.memory_space<vmem>>, vector<16xf32>,
        %mul3A_418 = vector.broadcast %squeeze3A_406 : f32 to vector<16xf32>
        %mul3A_419 = arith.mulf %get3A_417, %mul3A_418 : vector<16xf32>
        %swap3A_420 = arith.index_cast %add3A_354 : i32 to index
        %swap3A_421 = arith.constant 112 : index
        %swap3A_422 = tpu.vector_load %arg17[%swap3A_420, %swap3A_421] {strides = array<i32>} : memref<80x128xf32, #tpu.memory_space<vmem>>, vector<16xf32>,
        tpu.vector_store %arg17[%swap3A_420, %swap3A_421], %mul3A_419 {strides = array<i32>} : memref<80x128xf32, #tpu.memory_space<vmem>>, vector<16xf32>,
        %mul3A_423 = arith.constant 4 : i32
        %mul3A_424 = arith.muli %scan3A_335, %mul3A_423 : i32
        %add3A_425 = arith.constant 1 : i32
        %add3A_426 = arith.addi %mul3A_424, %add3A_425 : i32
        %slice3A_427 = vector.extract_strided_slice %exp3A {offsets = [4], sizes = [1], strides = [1]} : vector<16xf32> to vector<1xf32>
        %squeeze3A_428 = vector.extract %slice3A_427[0] : f32 from vector<1xf32>
        %get3A_429 = arith.index_cast %add3A_426 : i32 to index
        %get3A_430 = arith.constant 0 : index
        %get3A_431 = tpu.vector_load %arg17[%get3A_429, %get3A_430] {strides = array<i32>} : memref<80x128xf32, #tpu.memory_space<vmem>>, vector<16xf32>,
        %mul3A_432 = vector.broadcast %squeeze3A_428 : f32 to vector<16xf32>
        %mul3A_433 = arith.mulf %get3A_431, %mul3A_432 : vector<16xf32>
        %swap3A_434 = arith.index_cast %add3A_426 : i32 to index
        %swap3A_435 = arith.constant 0 : index
        %swap3A_436 = tpu.vector_load %arg17[%swap3A_434, %swap3A_435] {strides = array<i32>} : memref<80x128xf32, #tpu.memory_space<vmem>>, vector<16xf32>,
        tpu.vector_store %arg17[%swap3A_434, %swap3A_435], %mul3A_433 {strides = array<i32>} : memref<80x128xf32, #tpu.memory_space<vmem>>, vector<16xf32>,
        %get3A_437 = arith.index_cast %add3A_426 : i32 to index
        %get3A_438 = arith.constant 16 : index
        %get3A_439 = tpu.vector_load %arg17[%get3A_437, %get3A_438] {strides = array<i32>} : memref<80x128xf32, #tpu.memory_space<vmem>>, vector<16xf32>,
        %mul3A_440 = vector.broadcast %squeeze3A_428 : f32 to vector<16xf32>
        %mul3A_441 = arith.mulf %get3A_439, %mul3A_440 : vector<16xf32>
        %swap3A_442 = arith.index_cast %add3A_426 : i32 to index
        %swap3A_443 = arith.constant 16 : index
        %swap3A_444 = tpu.vector_load %arg17[%swap3A_442, %swap3A_443] {strides = array<i32>} : memref<80x128xf32, #tpu.memory_space<vmem>>, vector<16xf32>,
        tpu.vector_store %arg17[%swap3A_442, %swap3A_443], %mul3A_441 {strides = array<i32>} : memref<80x128xf32, #tpu.memory_space<vmem>>, vector<16xf32>,
        %slice3A_445 = vector.extract_strided_slice %exp3A {offsets = [5], sizes = [1], strides = [1]} : vector<16xf32> to vector<1xf32>
        %squeeze3A_446 = vector.extract %slice3A_445[0] : f32 from vector<1xf32>
        %get3A_447 = arith.index_cast %add3A_426 : i32 to index
        %get3A_448 = arith.constant 32 : index
        %get3A_449 = tpu.vector_load %arg17[%get3A_447, %get3A_448] {strides = array<i32>} : memref<80x128xf32, #tpu.memory_space<vmem>>, vector<16xf32>,
        %mul3A_450 = vector.broadcast %squeeze3A_446 : f32 to vector<16xf32>
        %mul3A_451 = arith.mulf %get3A_449, %mul3A_450 : vector<16xf32>
        %swap3A_452 = arith.index_cast %add3A_426 : i32 to index
        %swap3A_453 = arith.constant 32 : index
        %swap3A_454 = tpu.vector_load %arg17[%swap3A_452, %swap3A_453] {strides = array<i32>} : memref<80x128xf32, #tpu.memory_space<vmem>>, vector<16xf32>,
        tpu.vector_store %arg17[%swap3A_452, %swap3A_453], %mul3A_451 {strides = array<i32>} : memref<80x128xf32, #tpu.memory_space<vmem>>, vector<16xf32>,
        %get3A_455 = arith.index_cast %add3A_426 : i32 to index
        %get3A_456 = arith.constant 48 : index
        %get3A_457 = tpu.vector_load %arg17[%get3A_455, %get3A_456] {strides = array<i32>} : memref<80x128xf32, #tpu.memory_space<vmem>>, vector<16xf32>,
        %mul3A_458 = vector.broadcast %squeeze3A_446 : f32 to vector<16xf32>
        %mul3A_459 = arith.mulf %get3A_457, %mul3A_458 : vector<16xf32>
        %swap3A_460 = arith.index_cast %add3A_426 : i32 to index
        %swap3A_461 = arith.constant 48 : index
        %swap3A_462 = tpu.vector_load %arg17[%swap3A_460, %swap3A_461] {strides = array<i32>} : memref<80x128xf32, #tpu.memory_space<vmem>>, vector<16xf32>,
        tpu.vector_store %arg17[%swap3A_460, %swap3A_461], %mul3A_459 {strides = array<i32>} : memref<80x128xf32, #tpu.memory_space<vmem>>, vector<16xf32>,
        %slice3A_463 = vector.extract_strided_slice %exp3A {offsets = [6], sizes = [1], strides = [1]} : vector<16xf32> to vector<1xf32>
        %squeeze3A_464 = vector.extract %slice3A_463[0] : f32 from vector<1xf32>
        %get3A_465 = arith.index_cast %add3A_426 : i32 to index
        %get3A_466 = arith.constant 64 : index
        %get3A_467 = tpu.vector_load %arg17[%get3A_465, %get3A_466] {strides = array<i32>} : memref<80x128xf32, #tpu.memory_space<vmem>>, vector<16xf32>,
        %mul3A_468 = vector.broadcast %squeeze3A_464 : f32 to vector<16xf32>
        %mul3A_469 = arith.mulf %get3A_467, %mul3A_468 : vector<16xf32>
        %swap3A_470 = arith.index_cast %add3A_426 : i32 to index
        %swap3A_471 = arith.constant 64 : index
        %swap3A_472 = tpu.vector_load %arg17[%swap3A_470, %swap3A_471] {strides = array<i32>} : memref<80x128xf32, #tpu.memory_space<vmem>>, vector<16xf32>,
        tpu.vector_store %arg17[%swap3A_470, %swap3A_471], %mul3A_469 {strides = array<i32>} : memref<80x128xf32, #tpu.memory_space<vmem>>, vector<16xf32>,
        %get3A_473 = arith.index_cast %add3A_426 : i32 to index
        %get3A_474 = arith.constant 80 : index
        %get3A_475 = tpu.vector_load %arg17[%get3A_473, %get3A_474] {strides = array<i32>} : memref<80x128xf32, #tpu.memory_space<vmem>>, vector<16xf32>,
        %mul3A_476 = vector.broadcast %squeeze3A_464 : f32 to vector<16xf32>
        %mul3A_477 = arith.mulf %get3A_475, %mul3A_476 : vector<16xf32>
        %swap3A_478 = arith.index_cast %add3A_426 : i32 to index
        %swap3A_479 = arith.constant 80 : index
        %swap3A_480 = tpu.vector_load %arg17[%swap3A_478, %swap3A_479] {strides = array<i32>} : memref<80x128xf32, #tpu.memory_space<vmem>>, vector<16xf32>,
        tpu.vector_store %arg17[%swap3A_478, %swap3A_479], %mul3A_477 {strides = array<i32>} : memref<80x128xf32, #tpu.memory_space<vmem>>, vector<16xf32>,
        %slice3A_481 = vector.extract_strided_slice %exp3A {offsets = [7], sizes = [1], strides = [1]} : vector<16xf32> to vector<1xf32>
        %squeeze3A_482 = vector.extract %slice3A_481[0] : f32 from vector<1xf32>
        %get3A_483 = arith.index_cast %add3A_426 : i32 to index
        %get3A_484 = arith.constant 96 : index
        %get3A_485 = tpu.vector_load %arg17[%get3A_483, %get3A_484] {strides = array<i32>} : memref<80x128xf32, #tpu.memory_space<vmem>>, vector<16xf32>,
        %mul3A_486 = vector.broadcast %squeeze3A_482 : f32 to vector<16xf32>
        %mul3A_487 = arith.mulf %get3A_485, %mul3A_486 : vector<16xf32>
        %swap3A_488 = arith.index_cast %add3A_426 : i32 to index
        %swap3A_489 = arith.constant 96 : index
        %swap3A_490 = tpu.vector_load %arg17[%swap3A_488, %swap3A_489] {strides = array<i32>} : memref<80x128xf32, #tpu.memory_space<vmem>>, vector<16xf32>,
        tpu.vector_store %arg17[%swap3A_488, %swap3A_489], %mul3A_487 {strides = array<i32>} : memref<80x128xf32, #tpu.memory_space<vmem>>, vector<16xf32>,
        %get3A_491 = arith.index_cast %add3A_426 : i32 to index
        %get3A_492 = arith.constant 112 : index
        %get3A_493 = tpu.vector_load %arg17[%get3A_491, %get3A_492] {strides = array<i32>} : memref<80x128xf32, #tpu.memory_space<vmem>>, vector<16xf32>,
        %mul3A_494 = vector.broadcast %squeeze3A_482 : f32 to vector<16xf32>
        %mul3A_495 = arith.mulf %get3A_493, %mul3A_494 : vector<16xf32>
        %swap3A_496 = arith.index_cast %add3A_426 : i32 to index
        %swap3A_497 = arith.constant 112 : index
        %swap3A_498 = tpu.vector_load %arg17[%swap3A_496, %swap3A_497] {strides = array<i32>} : memref<80x128xf32, #tpu.memory_space<vmem>>, vector<16xf32>,
        tpu.vector_store %arg17[%swap3A_496, %swap3A_497], %mul3A_495 {strides = array<i32>} : memref<80x128xf32, #tpu.memory_space<vmem>>, vector<16xf32>,
        %mul3A_499 = arith.constant 4 : i32
        %mul3A_500 = arith.muli %scan3A_335, %mul3A_499 : i32
        %add3A_501 = arith.constant 2 : i32
        %add3A_502 = arith.addi %mul3A_500, %add3A_501 : i32
        %slice3A_503 = vector.extract_strided_slice %exp3A {offsets = [8], sizes = [1], strides = [1]} : vector<16xf32> to vector<1xf32>
        %squeeze3A_504 = vector.extract %slice3A_503[0] : f32 from vector<1xf32>
        %get3A_505 = arith.index_cast %add3A_502 : i32 to index
        %get3A_506 = arith.constant 0 : index
        %get3A_507 = tpu.vector_load %arg17[%get3A_505, %get3A_506] {strides = array<i32>} : memref<80x128xf32, #tpu.memory_space<vmem>>, vector<16xf32>,
        %mul3A_508 = vector.broadcast %squeeze3A_504 : f32 to vector<16xf32>
        %mul3A_509 = arith.mulf %get3A_507, %mul3A_508 : vector<16xf32>
        %swap3A_510 = arith.index_cast %add3A_502 : i32 to index
        %swap3A_511 = arith.constant 0 : index
        %swap3A_512 = tpu.vector_load %arg17[%swap3A_510, %swap3A_511] {strides = array<i32>} : memref<80x128xf32, #tpu.memory_space<vmem>>, vector<16xf32>,
        tpu.vector_store %arg17[%swap3A_510, %swap3A_511], %mul3A_509 {strides = array<i32>} : memref<80x128xf32, #tpu.memory_space<vmem>>, vector<16xf32>,
        %get3A_513 = arith.index_cast %add3A_502 : i32 to index
        %get3A_514 = arith.constant 16 : index
        %get3A_515 = tpu.vector_load %arg17[%get3A_513, %get3A_514] {strides = array<i32>} : memref<80x128xf32, #tpu.memory_space<vmem>>, vector<16xf32>,
        %mul3A_516 = vector.broadcast %squeeze3A_504 : f32 to vector<16xf32>
        %mul3A_517 = arith.mulf %get3A_515, %mul3A_516 : vector<16xf32>
        %swap3A_518 = arith.index_cast %add3A_502 : i32 to index
        %swap3A_519 = arith.constant 16 : index
        %swap3A_520 = tpu.vector_load %arg17[%swap3A_518, %swap3A_519] {strides = array<i32>} : memref<80x128xf32, #tpu.memory_space<vmem>>, vector<16xf32>,
        tpu.vector_store %arg17[%swap3A_518, %swap3A_519], %mul3A_517 {strides = array<i32>} : memref<80x128xf32, #tpu.memory_space<vmem>>, vector<16xf32>,
        %slice3A_521 = vector.extract_strided_slice %exp3A {offsets = [9], sizes = [1], strides = [1]} : vector<16xf32> to vector<1xf32>
        %squeeze3A_522 = vector.extract %slice3A_521[0] : f32 from vector<1xf32>
        %get3A_523 = arith.index_cast %add3A_502 : i32 to index
        %get3A_524 = arith.constant 32 : index
        %get3A_525 = tpu.vector_load %arg17[%get3A_523, %get3A_524] {strides = array<i32>} : memref<80x128xf32, #tpu.memory_space<vmem>>, vector<16xf32>,
        %mul3A_526 = vector.broadcast %squeeze3A_522 : f32 to vector<16xf32>
        %mul3A_527 = arith.mulf %get3A_525, %mul3A_526 : vector<16xf32>
        %swap3A_528 = arith.index_cast %add3A_502 : i32 to index
        %swap3A_529 = arith.constant 32 : index
        %swap3A_530 = tpu.vector_load %arg17[%swap3A_528, %swap3A_529] {strides = array<i32>} : memref<80x128xf32, #tpu.memory_space<vmem>>, vector<16xf32>,
        tpu.vector_store %arg17[%swap3A_528, %swap3A_529], %mul3A_527 {strides = array<i32>} : memref<80x128xf32, #tpu.memory_space<vmem>>, vector<16xf32>,
        %get3A_531 = arith.index_cast %add3A_502 : i32 to index
        %get3A_532 = arith.constant 48 : index
        %get3A_533 = tpu.vector_load %arg17[%get3A_531, %get3A_532] {strides = array<i32>} : memref<80x128xf32, #tpu.memory_space<vmem>>, vector<16xf32>,
        %mul3A_534 = vector.broadcast %squeeze3A_522 : f32 to vector<16xf32>
        %mul3A_535 = arith.mulf %get3A_533, %mul3A_534 : vector<16xf32>
        %swap3A_536 = arith.index_cast %add3A_502 : i32 to index
        %swap3A_537 = arith.constant 48 : index
        %swap3A_538 = tpu.vector_load %arg17[%swap3A_536, %swap3A_537] {strides = array<i32>} : memref<80x128xf32, #tpu.memory_space<vmem>>, vector<16xf32>,
        tpu.vector_store %arg17[%swap3A_536, %swap3A_537], %mul3A_535 {strides = array<i32>} : memref<80x128xf32, #tpu.memory_space<vmem>>, vector<16xf32>,
        %slice3A_539 = vector.extract_strided_slice %exp3A {offsets = [10], sizes = [1], strides = [1]} : vector<16xf32> to vector<1xf32>
        %squeeze3A_540 = vector.extract %slice3A_539[0] : f32 from vector<1xf32>
        %get3A_541 = arith.index_cast %add3A_502 : i32 to index
        %get3A_542 = arith.constant 64 : index
        %get3A_543 = tpu.vector_load %arg17[%get3A_541, %get3A_542] {strides = array<i32>} : memref<80x128xf32, #tpu.memory_space<vmem>>, vector<16xf32>,
        %mul3A_544 = vector.broadcast %squeeze3A_540 : f32 to vector<16xf32>
        %mul3A_545 = arith.mulf %get3A_543, %mul3A_544 : vector<16xf32>
        %swap3A_546 = arith.index_cast %add3A_502 : i32 to index
        %swap3A_547 = arith.constant 64 : index
        %swap3A_548 = tpu.vector_load %arg17[%swap3A_546, %swap3A_547] {strides = array<i32>} : memref<80x128xf32, #tpu.memory_space<vmem>>, vector<16xf32>,
        tpu.vector_store %arg17[%swap3A_546, %swap3A_547], %mul3A_545 {strides = array<i32>} : memref<80x128xf32, #tpu.memory_space<vmem>>, vector<16xf32>,
        %get3A_549 = arith.index_cast %add3A_502 : i32 to index
        %get3A_550 = arith.constant 80 : index
        %get3A_551 = tpu.vector_load %arg17[%get3A_549, %get3A_550] {strides = array<i32>} : memref<80x128xf32, #tpu.memory_space<vmem>>, vector<16xf32>,
        %mul3A_552 = vector.broadcast %squeeze3A_540 : f32 to vector<16xf32>
        %mul3A_553 = arith.mulf %get3A_551, %mul3A_552 : vector<16xf32>
        %swap3A_554 = arith.index_cast %add3A_502 : i32 to index
        %swap3A_555 = arith.constant 80 : index
        %swap3A_556 = tpu.vector_load %arg17[%swap3A_554, %swap3A_555] {strides = array<i32>} : memref<80x128xf32, #tpu.memory_space<vmem>>, vector<16xf32>,
        tpu.vector_store %arg17[%swap3A_554, %swap3A_555], %mul3A_553 {strides = array<i32>} : memref<80x128xf32, #tpu.memory_space<vmem>>, vector<16xf32>,
        %slice3A_557 = vector.extract_strided_slice %exp3A {offsets = [11], sizes = [1], strides = [1]} : vector<16xf32> to vector<1xf32>
        %squeeze3A_558 = vector.extract %slice3A_557[0] : f32 from vector<1xf32>
        %get3A_559 = arith.index_cast %add3A_502 : i32 to index
        %get3A_560 = arith.constant 96 : index
        %get3A_561 = tpu.vector_load %arg17[%get3A_559, %get3A_560] {strides = array<i32>} : memref<80x128xf32, #tpu.memory_space<vmem>>, vector<16xf32>,
        %mul3A_562 = vector.broadcast %squeeze3A_558 : f32 to vector<16xf32>
        %mul3A_563 = arith.mulf %get3A_561, %mul3A_562 : vector<16xf32>
        %swap3A_564 = arith.index_cast %add3A_502 : i32 to index
        %swap3A_565 = arith.constant 96 : index
        %swap3A_566 = tpu.vector_load %arg17[%swap3A_564, %swap3A_565] {strides = array<i32>} : memref<80x128xf32, #tpu.memory_space<vmem>>, vector<16xf32>,
        tpu.vector_store %arg17[%swap3A_564, %swap3A_565], %mul3A_563 {strides = array<i32>} : memref<80x128xf32, #tpu.memory_space<vmem>>, vector<16xf32>,
        %get3A_567 = arith.index_cast %add3A_502 : i32 to index
        %get3A_568 = arith.constant 112 : index
        %get3A_569 = tpu.vector_load %arg17[%get3A_567, %get3A_568] {strides = array<i32>} : memref<80x128xf32, #tpu.memory_space<vmem>>, vector<16xf32>,
        %mul3A_570 = vector.broadcast %squeeze3A_558 : f32 to vector<16xf32>
        %mul3A_571 = arith.mulf %get3A_569, %mul3A_570 : vector<16xf32>
        %swap3A_572 = arith.index_cast %add3A_502 : i32 to index
        %swap3A_573 = arith.constant 112 : index
        %swap3A_574 = tpu.vector_load %arg17[%swap3A_572, %swap3A_573] {strides = array<i32>} : memref<80x128xf32, #tpu.memory_space<vmem>>, vector<16xf32>,
        tpu.vector_store %arg17[%swap3A_572, %swap3A_573], %mul3A_571 {strides = array<i32>} : memref<80x128xf32, #tpu.memory_space<vmem>>, vector<16xf32>,
        %mul3A_575 = arith.constant 4 : i32
        %mul3A_576 = arith.muli %scan3A_335, %mul3A_575 : i32
        %add3A_577 = arith.constant 3 : i32
        %add3A_578 = arith.addi %mul3A_576, %add3A_577 : i32
        %slice3A_579 = vector.extract_strided_slice %exp3A {offsets = [12], sizes = [1], strides = [1]} : vector<16xf32> to vector<1xf32>
        %squeeze3A_580 = vector.extract %slice3A_579[0] : f32 from vector<1xf32>
        %get3A_581 = arith.index_cast %add3A_578 : i32 to index
        %get3A_582 = arith.constant 0 : index
        %get3A_583 = tpu.vector_load %arg17[%get3A_581, %get3A_582] {strides = array<i32>} : memref<80x128xf32, #tpu.memory_space<vmem>>, vector<16xf32>,
        %mul3A_584 = vector.broadcast %squeeze3A_580 : f32 to vector<16xf32>
        %mul3A_585 = arith.mulf %get3A_583, %mul3A_584 : vector<16xf32>
        %swap3A_586 = arith.index_cast %add3A_578 : i32 to index
        %swap3A_587 = arith.constant 0 : index
        %swap3A_588 = tpu.vector_load %arg17[%swap3A_586, %swap3A_587] {strides = array<i32>} : memref<80x128xf32, #tpu.memory_space<vmem>>, vector<16xf32>,
        tpu.vector_store %arg17[%swap3A_586, %swap3A_587], %mul3A_585 {strides = array<i32>} : memref<80x128xf32, #tpu.memory_space<vmem>>, vector<16xf32>,
        %get3A_589 = arith.index_cast %add3A_578 : i32 to index
        %get3A_590 = arith.constant 16 : index
        %get3A_591 = tpu.vector_load %arg17[%get3A_589, %get3A_590] {strides = array<i32>} : memref<80x128xf32, #tpu.memory_space<vmem>>, vector<16xf32>,
        %mul3A_592 = vector.broadcast %squeeze3A_580 : f32 to vector<16xf32>
        %mul3A_593 = arith.mulf %get3A_591, %mul3A_592 : vector<16xf32>
        %swap3A_594 = arith.index_cast %add3A_578 : i32 to index
        %swap3A_595 = arith.constant 16 : index
        %swap3A_596 = tpu.vector_load %arg17[%swap3A_594, %swap3A_595] {strides = array<i32>} : memref<80x128xf32, #tpu.memory_space<vmem>>, vector<16xf32>,
        tpu.vector_store %arg17[%swap3A_594, %swap3A_595], %mul3A_593 {strides = array<i32>} : memref<80x128xf32, #tpu.memory_space<vmem>>, vector<16xf32>,
        %slice3A_597 = vector.extract_strided_slice %exp3A {offsets = [13], sizes = [1], strides = [1]} : vector<16xf32> to vector<1xf32>
        %squeeze3A_598 = vector.extract %slice3A_597[0] : f32 from vector<1xf32>
        %get3A_599 = arith.index_cast %add3A_578 : i32 to index
        %get3A_600 = arith.constant 32 : index
        %get3A_601 = tpu.vector_load %arg17[%get3A_599, %get3A_600] {strides = array<i32>} : memref<80x128xf32, #tpu.memory_space<vmem>>, vector<16xf32>,
        %mul3A_602 = vector.broadcast %squeeze3A_598 : f32 to vector<16xf32>
        %mul3A_603 = arith.mulf %get3A_601, %mul3A_602 : vector<16xf32>
        %swap3A_604 = arith.index_cast %add3A_578 : i32 to index
        %swap3A_605 = arith.constant 32 : index
        %swap3A_606 = tpu.vector_load %arg17[%swap3A_604, %swap3A_605] {strides = array<i32>} : memref<80x128xf32, #tpu.memory_space<vmem>>, vector<16xf32>,
        tpu.vector_store %arg17[%swap3A_604, %swap3A_605], %mul3A_603 {strides = array<i32>} : memref<80x128xf32, #tpu.memory_space<vmem>>, vector<16xf32>,
        %get3A_607 = arith.index_cast %add3A_578 : i32 to index
        %get3A_608 = arith.constant 48 : index
        %get3A_609 = tpu.vector_load %arg17[%get3A_607, %get3A_608] {strides = array<i32>} : memref<80x128xf32, #tpu.memory_space<vmem>>, vector<16xf32>,
        %mul3A_610 = vector.broadcast %squeeze3A_598 : f32 to vector<16xf32>
        %mul3A_611 = arith.mulf %get3A_609, %mul3A_610 : vector<16xf32>
        %swap3A_612 = arith.index_cast %add3A_578 : i32 to index
        %swap3A_613 = arith.constant 48 : index
        %swap3A_614 = tpu.vector_load %arg17[%swap3A_612, %swap3A_613] {strides = array<i32>} : memref<80x128xf32, #tpu.memory_space<vmem>>, vector<16xf32>,
        tpu.vector_store %arg17[%swap3A_612, %swap3A_613], %mul3A_611 {strides = array<i32>} : memref<80x128xf32, #tpu.memory_space<vmem>>, vector<16xf32>,
        %slice3A_615 = vector.extract_strided_slice %exp3A {offsets = [14], sizes = [1], strides = [1]} : vector<16xf32> to vector<1xf32>
        %squeeze3A_616 = vector.extract %slice3A_615[0] : f32 from vector<1xf32>
        %get3A_617 = arith.index_cast %add3A_578 : i32 to index
        %get3A_618 = arith.constant 64 : index
        %get3A_619 = tpu.vector_load %arg17[%get3A_617, %get3A_618] {strides = array<i32>} : memref<80x128xf32, #tpu.memory_space<vmem>>, vector<16xf32>,
        %mul3A_620 = vector.broadcast %squeeze3A_616 : f32 to vector<16xf32>
        %mul3A_621 = arith.mulf %get3A_619, %mul3A_620 : vector<16xf32>
        %swap3A_622 = arith.index_cast %add3A_578 : i32 to index
        %swap3A_623 = arith.constant 64 : index
        %swap3A_624 = tpu.vector_load %arg17[%swap3A_622, %swap3A_623] {strides = array<i32>} : memref<80x128xf32, #tpu.memory_space<vmem>>, vector<16xf32>,
        tpu.vector_store %arg17[%swap3A_622, %swap3A_623], %mul3A_621 {strides = array<i32>} : memref<80x128xf32, #tpu.memory_space<vmem>>, vector<16xf32>,
        %get3A_625 = arith.index_cast %add3A_578 : i32 to index
        %get3A_626 = arith.constant 80 : index
        %get3A_627 = tpu.vector_load %arg17[%get3A_625, %get3A_626] {strides = array<i32>} : memref<80x128xf32, #tpu.memory_space<vmem>>, vector<16xf32>,
        %mul3A_628 = vector.broadcast %squeeze3A_616 : f32 to vector<16xf32>
        %mul3A_629 = arith.mulf %get3A_627, %mul3A_628 : vector<16xf32>
        %swap3A_630 = arith.index_cast %add3A_578 : i32 to index
        %swap3A_631 = arith.constant 80 : index
        %swap3A_632 = tpu.vector_load %arg17[%swap3A_630, %swap3A_631] {strides = array<i32>} : memref<80x128xf32, #tpu.memory_space<vmem>>, vector<16xf32>,
        tpu.vector_store %arg17[%swap3A_630, %swap3A_631], %mul3A_629 {strides = array<i32>} : memref<80x128xf32, #tpu.memory_space<vmem>>, vector<16xf32>,
        %slice3A_633 = vector.extract_strided_slice %exp3A {offsets = [15], sizes = [1], strides = [1]} : vector<16xf32> to vector<1xf32>
        %squeeze3A_634 = vector.extract %slice3A_633[0] : f32 from vector<1xf32>
        %get3A_635 = arith.index_cast %add3A_578 : i32 to index
        %get3A_636 = arith.constant 96 : index
        %get3A_637 = tpu.vector_load %arg17[%get3A_635, %get3A_636] {strides = array<i32>} : memref<80x128xf32, #tpu.memory_space<vmem>>, vector<16xf32>,
        %mul3A_638 = vector.broadcast %squeeze3A_634 : f32 to vector<16xf32>
        %mul3A_639 = arith.mulf %get3A_637, %mul3A_638 : vector<16xf32>
        %swap3A_640 = arith.index_cast %add3A_578 : i32 to index
        %swap3A_641 = arith.constant 96 : index
        %swap3A_642 = tpu.vector_load %arg17[%swap3A_640, %swap3A_641] {strides = array<i32>} : memref<80x128xf32, #tpu.memory_space<vmem>>, vector<16xf32>,
        tpu.vector_store %arg17[%swap3A_640, %swap3A_641], %mul3A_639 {strides = array<i32>} : memref<80x128xf32, #tpu.memory_space<vmem>>, vector<16xf32>,
        %get3A_643 = arith.index_cast %add3A_578 : i32 to index
        %get3A_644 = arith.constant 112 : index
        %get3A_645 = tpu.vector_load %arg17[%get3A_643, %get3A_644] {strides = array<i32>} : memref<80x128xf32, #tpu.memory_space<vmem>>, vector<16xf32>,
        %mul3A_646 = vector.broadcast %squeeze3A_634 : f32 to vector<16xf32>
        %mul3A_647 = arith.mulf %get3A_645, %mul3A_646 : vector<16xf32>
        %swap3A_648 = arith.index_cast %add3A_578 : i32 to index
        %swap3A_649 = arith.constant 112 : index
        %swap3A_650 = tpu.vector_load %arg17[%swap3A_648, %swap3A_649] {strides = array<i32>} : memref<80x128xf32, #tpu.memory_space<vmem>>, vector<16xf32>,
        tpu.vector_store %arg17[%swap3A_648, %swap3A_649], %mul3A_647 {strides = array<i32>} : memref<80x128xf32, #tpu.memory_space<vmem>>, vector<16xf32>,
      }
      %scan3A_262 = arith.constant 20 : i32
      "tpu.region"() ({
        %run_scoped3A = tpu.sem_alloc : memref<!tpu.dma_semaphore, #tpu.memory_space<semaphore_mem>>
        %dma_start3A_335 = arith.constant 0 : i32
        %dma_start3A_336 = arith.constant 0 : i32
        %dma_start3A_337 = tpu.memref_slice %arg10[%dma_start3A_335, %dma_start3A_336] : memref<10240x16xf32, #tpu.memory_space<vmem_shared>> -> memref<10240x16xf32, #tpu.memory_space<vmem_shared>>
        tpu.enqueue_indirect_dma source(%arg20 : memref<80x16xf32, #tpu.memory_space<vmem>>) target(%dma_start3A_337 : memref<10240x16xf32, #tpu.memory_space<vmem_shared>>) offsets(%arg22 : memref<80xi32, #tpu.memory_space<vmem>>) semaphore(%run_scoped3A : memref<!tpu.dma_semaphore, #tpu.memory_space<semaphore_mem>>) {add = true}
        %dma_wait3A_338 = arith.constant 0 : i32
        %dma_wait3A_339 = arith.constant 0 : i32
        %dma_wait3A_340 = tpu.memref_slice %arg10[%dma_wait3A_338, %dma_wait3A_339] : memref<10240x16xf32, #tpu.memory_space<vmem_shared>> -> memref<10240x16xf32, #tpu.memory_space<vmem_shared>>
        tpu.wait_indirect_dma semaphore(%run_scoped3A : memref<!tpu.dma_semaphore, #tpu.memory_space<semaphore_mem>>) src(%arg20 : memref<80x16xf32, #tpu.memory_space<vmem>>) dst(%dma_wait3A_340 : memref<10240x16xf32, #tpu.memory_space<vmem_shared>>)
        tpu.yield
      }) : () -> ()
      %dma_start3A_263 = arith.constant 0 : i32
      %dma_start3A_264 = arith.constant 0 : i32
      %dma_start3A_265 = tpu.memref_slice %arg9[%dma_start3A_263, %dma_start3A_264] : memref<10240x128xf32, #tpu.memory_space<vmem_shared>> -> memref<10240x128xf32, #tpu.memory_space<vmem_shared>>
      tpu.enqueue_indirect_dma source(%arg17 : memref<80x128xf32, #tpu.memory_space<vmem>>) target(%dma_start3A_265 : memref<10240x128xf32, #tpu.memory_space<vmem_shared>>) offsets(%arg22 : memref<80xi32, #tpu.memory_space<vmem>>) semaphore(%arg30 : memref<!tpu.dma_semaphore, #tpu.memory_space<semaphore_mem>>) {add = true}
      %mul3A_266 = arith.constant 2 : i32
      %mul3A_267 = arith.muli %mul3A_266, %scan3A_193 : i32
      %add3A_268 = arith.constant 2 : i32
      %add3A_269 = arith.addi %mul3A_267, %add3A_268 : i32
      %min3A = arith.constant 124 : i32
      %min3A_270 = arith.minsi %add3A_269, %min3A : i32
      %dma_wait3A_271 = arith.constant 0 : i32
      %dma_wait3A_272 = arith.constant 0 : i32
      %dma_wait3A_273 = tpu.memref_slice %arg9[%dma_wait3A_271, %dma_wait3A_272] : memref<10240x128xf32, #tpu.memory_space<vmem_shared>> -> memref<10240x128xf32, #tpu.memory_space<vmem_shared>>
      tpu.wait_indirect_dma semaphore(%arg26 : memref<!tpu.dma_semaphore, #tpu.memory_space<semaphore_mem>>) src(%arg11 : memref<80x128xf32, #tpu.memory_space<vmem>>) dst(%dma_wait3A_273 : memref<10240x128xf32, #tpu.memory_space<vmem_shared>>)
      %mul3A_274 = arith.constant 10000 : i32
      %mul3A_275 = arith.muli %add3A, %mul3A_274 : i32
      %mul3A_276 = arith.constant 80 : i32
      %mul3A_277 = arith.muli %min3A_270, %mul3A_276 : i32
      %add3A_278 = arith.addi %mul3A_275, %mul3A_277 : i32
      "tpu.region"() ({
        %run_scoped3A = tpu.sem_alloc : memref<!tpu.dma_semaphore, #tpu.memory_space<semaphore_mem>>
        %dma_start3A_335 = arith.constant 0 : i32
        %dma_start3A_336 = tpu.memref_slice %arg4[%dma_start3A_335, %add3A_278] : memref<2x320000xi32, #tpu.memory_space<hbm>> -> memref<2x80xi32, #tpu.memory_space<hbm>>
        %dma_start3A_337 = arith.constant 0 : i32
        %dma_start3A_338 = tpu.memref_slice %arg4[%dma_start3A_337, %add3A_278] : memref<2x320000xi32, #tpu.memory_space<hbm>> -> memref<2x80xi32, #tpu.memory_space<hbm>>
        tpu.enqueue_dma source(%dma_start3A_338 : memref<2x80xi32, #tpu.memory_space<hbm>>) target(%arg15 : memref<2x80xi32, #tpu.memory_space<vmem>>) target_semaphore(%run_scoped3A : memref<!tpu.dma_semaphore, #tpu.memory_space<semaphore_mem>>)
        %dma_wait3A_339 = arith.constant 0 : i32
        %dma_wait3A_340 = tpu.memref_slice %arg4[%dma_wait3A_339, %add3A_278] : memref<2x320000xi32, #tpu.memory_space<hbm>> -> memref<2x80xi32, #tpu.memory_space<hbm>>
        %dma_wait3A_341 = arith.constant 0 : i32
        %dma_wait3A_342 = tpu.memref_slice %arg4[%dma_wait3A_341, %add3A_278] : memref<2x320000xi32, #tpu.memory_space<hbm>> -> memref<2x80xi32, #tpu.memory_space<hbm>>
        tpu.wait_dma2 semaphore(%run_scoped3A : memref<!tpu.dma_semaphore, #tpu.memory_space<semaphore_mem>>) src(%dma_wait3A_342 : memref<2x80xi32, #tpu.memory_space<hbm>>) dst(%arg15 : memref<2x80xi32, #tpu.memory_space<vmem>>)
        tpu.yield
      }) : () -> ()
      %dma_start3A_279 = arith.constant 0 : i32
      %dma_start3A_280 = arith.constant 0 : i32
      %dma_start3A_281 = tpu.memref_slice %arg15[%dma_start3A_279, %dma_start3A_280] : memref<2x80xi32, #tpu.memory_space<vmem>> -> memref<1x80xi32, #tpu.memory_space<vmem>>
      %dma_start3A_282 = tpu.memref_squeeze %dma_start3A_281 : memref<1x80xi32, #tpu.memory_space<vmem>> -> memref<80xi32, #tpu.memory_space<vmem>>
      %dma_start3A_283 = arith.constant 0 : i32
      %dma_start3A_284 = arith.constant 0 : i32
      %dma_start3A_285 = tpu.memref_slice %arg3[%dma_start3A_283, %dma_start3A_284] : memref<10000x16xf32, #tpu.memory_space<hbm>> -> memref<10000x16xf32, #tpu.memory_space<hbm>>
      tpu.enqueue_indirect_dma source(%dma_start3A_285 : memref<10000x16xf32, #tpu.memory_space<hbm>>) target(%arg12 : memref<80x16xf32, #tpu.memory_space<vmem>>) offsets(%dma_start3A_282 : memref<80xi32, #tpu.memory_space<vmem>>) semaphore(%arg23 : memref<!tpu.dma_semaphore, #tpu.memory_space<semaphore_mem>>)
      %dma_start3A_286 = arith.constant 1 : i32
      %dma_start3A_287 = arith.constant 0 : i32
      %dma_start3A_288 = tpu.memref_slice %arg15[%dma_start3A_286, %dma_start3A_287] : memref<2x80xi32, #tpu.memory_space<vmem>> -> memref<1x80xi32, #tpu.memory_space<vmem>>
      %dma_start3A_289 = tpu.memref_squeeze %dma_start3A_288 : memref<1x80xi32, #tpu.memory_space<vmem>> -> memref<80xi32, #tpu.memory_space<vmem>>
      %dma_start3A_290 = arith.constant 0 : i32
      %dma_start3A_291 = arith.constant 0 : i32
      %dma_start3A_292 = tpu.memref_slice %arg3[%dma_start3A_290, %dma_start3A_291] : memref<10000x16xf32, #tpu.memory_space<hbm>> -> memref<10000x16xf32, #tpu.memory_space<hbm>>
      tpu.enqueue_indirect_dma source(%dma_start3A_292 : memref<10000x16xf32, #tpu.memory_space<hbm>>) target(%arg13 : memref<80x16xf32, #tpu.memory_space<vmem>>) offsets(%dma_start3A_289 : memref<80xi32, #tpu.memory_space<vmem>>) semaphore(%arg24 : memref<!tpu.dma_semaphore, #tpu.memory_space<semaphore_mem>>)
      %dma_start3A_293 = arith.constant 0 : i32
      %dma_start3A_294 = arith.constant 0 : i32
      %dma_start3A_295 = tpu.memref_slice %arg15[%dma_start3A_293, %dma_start3A_294] : memref<2x80xi32, #tpu.memory_space<vmem>> -> memref<1x80xi32, #tpu.memory_space<vmem>>
      %dma_start3A_296 = tpu.memref_squeeze %dma_start3A_295 : memref<1x80xi32, #tpu.memory_space<vmem>> -> memref<80xi32, #tpu.memory_space<vmem>>
      %dma_start3A_297 = arith.constant 0 : i32
      %dma_start3A_298 = arith.constant 0 : i32
      %dma_start3A_299 = tpu.memref_slice %arg2[%dma_start3A_297, %dma_start3A_298] : memref<10000x128xf32, #tpu.memory_space<hbm>> -> memref<10000x128xf32, #tpu.memory_space<hbm>>
      tpu.enqueue_indirect_dma source(%dma_start3A_299 : memref<10000x128xf32, #tpu.memory_space<hbm>>) target(%arg11 : memref<80x128xf32, #tpu.memory_space<vmem>>) offsets(%dma_start3A_296 : memref<80xi32, #tpu.memory_space<vmem>>) semaphore(%arg25 : memref<!tpu.dma_semaphore, #tpu.memory_space<semaphore_mem>>)
      %mul3A_300 = arith.constant 2 : i32
      %mul3A_301 = arith.muli %mul3A_300, %scan3A_193 : i32
      %add3A_302 = arith.constant 3 : i32
      %add3A_303 = arith.addi %mul3A_301, %add3A_302 : i32
      %min3A_304 = arith.constant 124 : i32
      %min3A_305 = arith.minsi %add3A_303, %min3A_304 : i32
      %dma_wait3A_306 = arith.constant 0 : i32
      %dma_wait3A_307 = arith.constant 0 : i32
      %dma_wait3A_308 = tpu.memref_slice %arg9[%dma_wait3A_306, %dma_wait3A_307] : memref<10240x128xf32, #tpu.memory_space<vmem_shared>> -> memref<10240x128xf32, #tpu.memory_space<vmem_shared>>
      tpu.wait_indirect_dma semaphore(%arg30 : memref<!tpu.dma_semaphore, #tpu.memory_space<semaphore_mem>>) src(%arg17 : memref<80x128xf32, #tpu.memory_space<vmem>>) dst(%dma_wait3A_308 : memref<10240x128xf32, #tpu.memory_space<vmem_shared>>)
      %mul3A_309 = arith.constant 10000 : i32
      %mul3A_310 = arith.muli %add3A, %mul3A_309 : i32
      %mul3A_311 = arith.constant 80 : i32
      %mul3A_312 = arith.muli %min3A_305, %mul3A_311 : i32
      %add3A_313 = arith.addi %mul3A_310, %mul3A_312 : i32
      "tpu.region"() ({
        %run_scoped3A = tpu.sem_alloc : memref<!tpu.dma_semaphore, #tpu.memory_space<semaphore_mem>>
        %dma_start3A_335 = arith.constant 0 : i32
        %dma_start3A_336 = tpu.memref_slice %arg4[%dma_start3A_335, %add3A_313] : memref<2x320000xi32, #tpu.memory_space<hbm>> -> memref<2x80xi32, #tpu.memory_space<hbm>>
        %dma_start3A_337 = arith.constant 0 : i32
        %dma_start3A_338 = tpu.memref_slice %arg4[%dma_start3A_337, %add3A_313] : memref<2x320000xi32, #tpu.memory_space<hbm>> -> memref<2x80xi32, #tpu.memory_space<hbm>>
        tpu.enqueue_dma source(%dma_start3A_338 : memref<2x80xi32, #tpu.memory_space<hbm>>) target(%arg21 : memref<2x80xi32, #tpu.memory_space<vmem>>) target_semaphore(%run_scoped3A : memref<!tpu.dma_semaphore, #tpu.memory_space<semaphore_mem>>)
        %dma_wait3A_339 = arith.constant 0 : i32
        %dma_wait3A_340 = tpu.memref_slice %arg4[%dma_wait3A_339, %add3A_313] : memref<2x320000xi32, #tpu.memory_space<hbm>> -> memref<2x80xi32, #tpu.memory_space<hbm>>
        %dma_wait3A_341 = arith.constant 0 : i32
        %dma_wait3A_342 = tpu.memref_slice %arg4[%dma_wait3A_341, %add3A_313] : memref<2x320000xi32, #tpu.memory_space<hbm>> -> memref<2x80xi32, #tpu.memory_space<hbm>>
        tpu.wait_dma2 semaphore(%run_scoped3A : memref<!tpu.dma_semaphore, #tpu.memory_space<semaphore_mem>>) src(%dma_wait3A_342 : memref<2x80xi32, #tpu.memory_space<hbm>>) dst(%arg21 : memref<2x80xi32, #tpu.memory_space<vmem>>)
        tpu.yield
      }) : () -> ()
      %dma_start3A_314 = arith.constant 0 : i32
      %dma_start3A_315 = arith.constant 0 : i32
      %dma_start3A_316 = tpu.memref_slice %arg21[%dma_start3A_314, %dma_start3A_315] : memref<2x80xi32, #tpu.memory_space<vmem>> -> memref<1x80xi32, #tpu.memory_space<vmem>>
      %dma_start3A_317 = tpu.memref_squeeze %dma_start3A_316 : memref<1x80xi32, #tpu.memory_space<vmem>> -> memref<80xi32, #tpu.memory_space<vmem>>
      %dma_start3A_318 = arith.constant 0 : i32
      %dma_start3A_319 = arith.constant 0 : i32
      %dma_start3A_320 = tpu.memref_slice %arg3[%dma_start3A_318, %dma_start3A_319] : memref<10000x16xf32, #tpu.memory_space<hbm>> -> memref<10000x16xf32, #tpu.memory_space<hbm>>
      tpu.enqueue_indirect_dma source(%dma_start3A_320 : memref<10000x16xf32, #tpu.memory_space<hbm>>) target(%arg18 : memref<80x16xf32, #tpu.memory_space<vmem>>) offsets(%dma_start3A_317 : memref<80xi32, #tpu.memory_space<vmem>>) semaphore(%arg27 : memref<!tpu.dma_semaphore, #tpu.memory_space<semaphore_mem>>)
      %dma_start3A_321 = arith.constant 1 : i32
      %dma_start3A_322 = arith.constant 0 : i32
      %dma_start3A_323 = tpu.memref_slice %arg21[%dma_start3A_321, %dma_start3A_322] : memref<2x80xi32, #tpu.memory_space<vmem>> -> memref<1x80xi32, #tpu.memory_space<vmem>>
      %dma_start3A_324 = tpu.memref_squeeze %dma_start3A_323 : memref<1x80xi32, #tpu.memory_space<vmem>> -> memref<80xi32, #tpu.memory_space<vmem>>
      %dma_start3A_325 = arith.constant 0 : i32
      %dma_start3A_326 = arith.constant 0 : i32
      %dma_start3A_327 = tpu.memref_slice %arg3[%dma_start3A_325, %dma_start3A_326] : memref<10000x16xf32, #tpu.memory_space<hbm>> -> memref<10000x16xf32, #tpu.memory_space<hbm>>
      tpu.enqueue_indirect_dma source(%dma_start3A_327 : memref<10000x16xf32, #tpu.memory_space<hbm>>) target(%arg19 : memref<80x16xf32, #tpu.memory_space<vmem>>) offsets(%dma_start3A_324 : memref<80xi32, #tpu.memory_space<vmem>>) semaphore(%arg28 : memref<!tpu.dma_semaphore, #tpu.memory_space<semaphore_mem>>)
      %dma_start3A_328 = arith.constant 0 : i32
      %dma_start3A_329 = arith.constant 0 : i32
      %dma_start3A_330 = tpu.memref_slice %arg21[%dma_start3A_328, %dma_start3A_329] : memref<2x80xi32, #tpu.memory_space<vmem>> -> memref<1x80xi32, #tpu.memory_space<vmem>>
      %dma_start3A_331 = tpu.memref_squeeze %dma_start3A_330 : memref<1x80xi32, #tpu.memory_space<vmem>> -> memref<80xi32, #tpu.memory_space<vmem>>
      %dma_start3A_332 = arith.constant 0 : i32
      %dma_start3A_333 = arith.constant 0 : i32
      %dma_start3A_334 = tpu.memref_slice %arg2[%dma_start3A_332, %dma_start3A_333] : memref<10000x128xf32, #tpu.memory_space<hbm>> -> memref<10000x128xf32, #tpu.memory_space<hbm>>
      tpu.enqueue_indirect_dma source(%dma_start3A_334 : memref<10000x128xf32, #tpu.memory_space<hbm>>) target(%arg17 : memref<80x128xf32, #tpu.memory_space<vmem>>) offsets(%dma_start3A_331 : memref<80xi32, #tpu.memory_space<vmem>>) semaphore(%arg29 : memref<!tpu.dma_semaphore, #tpu.memory_space<semaphore_mem>>)
    }
    %scan3A_124 = arith.constant 62 : i32
    %dma_wait3A = arith.constant 0 : i32
    %dma_wait3A_125 = arith.constant 0 : i32
    %dma_wait3A_126 = tpu.memref_slice %arg15[%dma_wait3A, %dma_wait3A_125] : memref<2x80xi32, #tpu.memory_space<vmem>> -> memref<1x80xi32, #tpu.memory_space<vmem>>
    %dma_wait3A_127 = tpu.memref_squeeze %dma_wait3A_126 : memref<1x80xi32, #tpu.memory_space<vmem>> -> memref<80xi32, #tpu.memory_space<vmem>>
    %dma_wait3A_128 = arith.constant 0 : i32
    %dma_wait3A_129 = arith.constant 0 : i32
    %dma_wait3A_130 = tpu.memref_slice %arg3[%dma_wait3A_128, %dma_wait3A_129] : memref<10000x16xf32, #tpu.memory_space<hbm>> -> memref<10000x16xf32, #tpu.memory_space<hbm>>
    tpu.wait_indirect_dma semaphore(%arg23 : memref<!tpu.dma_semaphore, #tpu.memory_space<semaphore_mem>>) src(%dma_wait3A_130 : memref<10000x16xf32, #tpu.memory_space<hbm>>) dst(%arg12 : memref<80x16xf32, #tpu.memory_space<vmem>>)
    %dma_wait3A_131 = arith.constant 1 : i32
    %dma_wait3A_132 = arith.constant 0 : i32
    %dma_wait3A_133 = tpu.memref_slice %arg15[%dma_wait3A_131, %dma_wait3A_132] : memref<2x80xi32, #tpu.memory_space<vmem>> -> memref<1x80xi32, #tpu.memory_space<vmem>>
    %dma_wait3A_134 = tpu.memref_squeeze %dma_wait3A_133 : memref<1x80xi32, #tpu.memory_space<vmem>> -> memref<80xi32, #tpu.memory_space<vmem>>
    %dma_wait3A_135 = arith.constant 0 : i32
    %dma_wait3A_136 = arith.constant 0 : i32
    %dma_wait3A_137 = tpu.memref_slice %arg3[%dma_wait3A_135, %dma_wait3A_136] : memref<10000x16xf32, #tpu.memory_space<hbm>> -> memref<10000x16xf32, #tpu.memory_space<hbm>>
    tpu.wait_indirect_dma semaphore(%arg24 : memref<!tpu.dma_semaphore, #tpu.memory_space<semaphore_mem>>) src(%dma_wait3A_137 : memref<10000x16xf32, #tpu.memory_space<hbm>>) dst(%arg13 : memref<80x16xf32, #tpu.memory_space<vmem>>)
    %dma_wait3A_138 = arith.constant 0 : i32
    %dma_wait3A_139 = arith.constant 0 : i32
    %dma_wait3A_140 = tpu.memref_slice %arg15[%dma_wait3A_138, %dma_wait3A_139] : memref<2x80xi32, #tpu.memory_space<vmem>> -> memref<1x80xi32, #tpu.memory_space<vmem>>
    %dma_wait3A_141 = tpu.memref_squeeze %dma_wait3A_140 : memref<1x80xi32, #tpu.memory_space<vmem>> -> memref<80xi32, #tpu.memory_space<vmem>>
    %dma_wait3A_142 = arith.constant 0 : i32
    %dma_wait3A_143 = arith.constant 0 : i32
    %dma_wait3A_144 = tpu.memref_slice %arg2[%dma_wait3A_142, %dma_wait3A_143] : memref<10000x128xf32, #tpu.memory_space<hbm>> -> memref<10000x128xf32, #tpu.memory_space<hbm>>
    tpu.wait_indirect_dma semaphore(%arg25 : memref<!tpu.dma_semaphore, #tpu.memory_space<semaphore_mem>>) src(%dma_wait3A_144 : memref<10000x128xf32, #tpu.memory_space<hbm>>) dst(%arg11 : memref<80x128xf32, #tpu.memory_space<vmem>>)
    %scan3A_145 = arith.constant 0 : i32
    %scan3A_146 = arith.constant 0 : i32
    %scan3A_147 = arith.constant 5 : i32
    %scan3A_148 = arith.addi %scan3A_146, %scan3A_147 : i32
    %scan3A_149 = arith.constant 1 : i32
    scf.for %scan3A_193 = %scan3A_146 to %scan3A_148 step %scan3A_149  : i32 {
      %mul3A_194 = arith.constant 16 : i32
      %mul3A_195 = arith.muli %scan3A_193, %mul3A_194 : i32
      %get3A = arith.constant 1 : i32
      %get3A_196 = arith.index_cast %get3A : i32 to index
      %get3A_197 = arith.index_cast %mul3A_195 : i32 to index
      %get3A_198 = tpu.vector_load %arg15[%get3A_196, %get3A_197] {strides = array<i32>} : memref<2x80xi32, #tpu.memory_space<vmem>>, vector<16xi32>,
      %mul3A_199 = arith.constant 16 : i32
      %mul3A_200 = arith.muli %scan3A_193, %mul3A_199 : i32
      %swap3A = arith.index_cast %mul3A_200 : i32 to index
      %swap3A_201 = tpu.vector_load %arg16[%swap3A] {strides = array<i32>} : memref<80xi32, #tpu.memory_space<vmem>>, vector<16xi32>,
      tpu.vector_store %arg16[%swap3A], %get3A_198 {strides = array<i32>} : memref<80xi32, #tpu.memory_space<vmem>>, vector<16xi32>,
    }
    %scan3A_150 = arith.constant 5 : i32
    %scan3A_151 = arith.constant 0 : i32
    %scan3A_152 = arith.constant 0 : i32
    %scan3A_153 = arith.constant 20 : i32
    %scan3A_154 = arith.addi %scan3A_152, %scan3A_153 : i32
    %scan3A_155 = arith.constant 1 : i32
    scf.for %scan3A_193 = %scan3A_152 to %scan3A_154 step %scan3A_155  : i32 {
      %mul3A_194 = arith.constant 4 : i32
      %mul3A_195 = arith.muli %scan3A_193, %mul3A_194 : i32
      %add3A_196 = vector.broadcast %mul3A_195 : i32 to vector<16xi32>
      %add3A_197 = arith.addi %add3A_196, %select_n3A : vector<16xi32>
      %gather3A = tpu.vector_load_idx %arg12[%add3A_197, %select_n3A_69] : memref<80x16xf32, #tpu.memory_space<vmem>>[vector<16xi32>, vector<16xi32>], vector<16xf32>,
      %add3A_198 = arith.constant 4 : i32
      %add3A_199 = vector.broadcast %add3A_198 : i32 to vector<16xi32>
      %add3A_200 = arith.addi %select_n3A_69, %add3A_199 : vector<16xi32>
      %gather3A_201 = tpu.vector_load_idx %arg13[%add3A_197, %add3A_200] : memref<80x16xf32, #tpu.memory_space<vmem>>[vector<16xi32>, vector<16xi32>], vector<16xf32>,
      %add3A_202 = arith.addf %gather3A, %gather3A_201 : vector<16xf32>
      %gt3A = arith.constant 0.000000e+00 : f32
      %gt3A_203 = vector.broadcast %gt3A : f32 to vector<16xf32>
      %gt3A_204 = arith.cmpf ogt, %add3A_202, %gt3A_203 : vector<16xf32>
      %mul3A_205 = arith.constant 2.000000e-01 : f32
      %mul3A_206 = vector.broadcast %mul3A_205 : f32 to vector<16xf32>
      %mul3A_207 = arith.mulf %add3A_202, %mul3A_206 : vector<16xf32>
      %select_n3A_208 = arith.select %gt3A_204, %add3A_202, %mul3A_207 : vector<16xi1>, vector<16xf32>
      %exp3A = math.exp %select_n3A_208 : vector<16xf32>
      tpu.vector_store_idx %arg14[%add3A_197, %select_n3A_69], %exp3A : memref<80x16xf32, #tpu.memory_space<vmem>>[vector<16xi32>, vector<16xi32>], vector<16xf32>,
      %mul3A_209 = arith.constant 4 : i32
      %mul3A_210 = arith.muli %scan3A_193, %mul3A_209 : i32
      %add3A_211 = arith.constant 0 : i32
      %add3A_212 = arith.addi %mul3A_210, %add3A_211 : i32
      %slice3A = vector.extract_strided_slice %exp3A {offsets = [0], sizes = [1], strides = [1]} : vector<16xf32> to vector<1xf32>
      %squeeze3A = vector.extract %slice3A[0] : f32 from vector<1xf32>
      %get3A = arith.index_cast %add3A_212 : i32 to index
      %get3A_213 = arith.constant 0 : index
      %get3A_214 = tpu.vector_load %arg11[%get3A, %get3A_213] {strides = array<i32>} : memref<80x128xf32, #tpu.memory_space<vmem>>, vector<16xf32>,
      %mul3A_215 = vector.broadcast %squeeze3A : f32 to vector<16xf32>
      %mul3A_216 = arith.mulf %get3A_214, %mul3A_215 : vector<16xf32>
      %swap3A = arith.index_cast %add3A_212 : i32 to index
      %swap3A_217 = arith.constant 0 : index
      %swap3A_218 = tpu.vector_load %arg11[%swap3A, %swap3A_217] {strides = array<i32>} : memref<80x128xf32, #tpu.memory_space<vmem>>, vector<16xf32>,
      tpu.vector_store %arg11[%swap3A, %swap3A_217], %mul3A_216 {strides = array<i32>} : memref<80x128xf32, #tpu.memory_space<vmem>>, vector<16xf32>,
      %get3A_219 = arith.index_cast %add3A_212 : i32 to index
      %get3A_220 = arith.constant 16 : index
      %get3A_221 = tpu.vector_load %arg11[%get3A_219, %get3A_220] {strides = array<i32>} : memref<80x128xf32, #tpu.memory_space<vmem>>, vector<16xf32>,
      %mul3A_222 = vector.broadcast %squeeze3A : f32 to vector<16xf32>
      %mul3A_223 = arith.mulf %get3A_221, %mul3A_222 : vector<16xf32>
      %swap3A_224 = arith.index_cast %add3A_212 : i32 to index
      %swap3A_225 = arith.constant 16 : index
      %swap3A_226 = tpu.vector_load %arg11[%swap3A_224, %swap3A_225] {strides = array<i32>} : memref<80x128xf32, #tpu.memory_space<vmem>>, vector<16xf32>,
      tpu.vector_store %arg11[%swap3A_224, %swap3A_225], %mul3A_223 {strides = array<i32>} : memref<80x128xf32, #tpu.memory_space<vmem>>, vector<16xf32>,
      %slice3A_227 = vector.extract_strided_slice %exp3A {offsets = [1], sizes = [1], strides = [1]} : vector<16xf32> to vector<1xf32>
      %squeeze3A_228 = vector.extract %slice3A_227[0] : f32 from vector<1xf32>
      %get3A_229 = arith.index_cast %add3A_212 : i32 to index
      %get3A_230 = arith.constant 32 : index
      %get3A_231 = tpu.vector_load %arg11[%get3A_229, %get3A_230] {strides = array<i32>} : memref<80x128xf32, #tpu.memory_space<vmem>>, vector<16xf32>,
      %mul3A_232 = vector.broadcast %squeeze3A_228 : f32 to vector<16xf32>
      %mul3A_233 = arith.mulf %get3A_231, %mul3A_232 : vector<16xf32>
      %swap3A_234 = arith.index_cast %add3A_212 : i32 to index
      %swap3A_235 = arith.constant 32 : index
      %swap3A_236 = tpu.vector_load %arg11[%swap3A_234, %swap3A_235] {strides = array<i32>} : memref<80x128xf32, #tpu.memory_space<vmem>>, vector<16xf32>,
      tpu.vector_store %arg11[%swap3A_234, %swap3A_235], %mul3A_233 {strides = array<i32>} : memref<80x128xf32, #tpu.memory_space<vmem>>, vector<16xf32>,
      %get3A_237 = arith.index_cast %add3A_212 : i32 to index
      %get3A_238 = arith.constant 48 : index
      %get3A_239 = tpu.vector_load %arg11[%get3A_237, %get3A_238] {strides = array<i32>} : memref<80x128xf32, #tpu.memory_space<vmem>>, vector<16xf32>,
      %mul3A_240 = vector.broadcast %squeeze3A_228 : f32 to vector<16xf32>
      %mul3A_241 = arith.mulf %get3A_239, %mul3A_240 : vector<16xf32>
      %swap3A_242 = arith.index_cast %add3A_212 : i32 to index
      %swap3A_243 = arith.constant 48 : index
      %swap3A_244 = tpu.vector_load %arg11[%swap3A_242, %swap3A_243] {strides = array<i32>} : memref<80x128xf32, #tpu.memory_space<vmem>>, vector<16xf32>,
      tpu.vector_store %arg11[%swap3A_242, %swap3A_243], %mul3A_241 {strides = array<i32>} : memref<80x128xf32, #tpu.memory_space<vmem>>, vector<16xf32>,
      %slice3A_245 = vector.extract_strided_slice %exp3A {offsets = [2], sizes = [1], strides = [1]} : vector<16xf32> to vector<1xf32>
      %squeeze3A_246 = vector.extract %slice3A_245[0] : f32 from vector<1xf32>
      %get3A_247 = arith.index_cast %add3A_212 : i32 to index
      %get3A_248 = arith.constant 64 : index
      %get3A_249 = tpu.vector_load %arg11[%get3A_247, %get3A_248] {strides = array<i32>} : memref<80x128xf32, #tpu.memory_space<vmem>>, vector<16xf32>,
      %mul3A_250 = vector.broadcast %squeeze3A_246 : f32 to vector<16xf32>
      %mul3A_251 = arith.mulf %get3A_249, %mul3A_250 : vector<16xf32>
      %swap3A_252 = arith.index_cast %add3A_212 : i32 to index
      %swap3A_253 = arith.constant 64 : index
      %swap3A_254 = tpu.vector_load %arg11[%swap3A_252, %swap3A_253] {strides = array<i32>} : memref<80x128xf32, #tpu.memory_space<vmem>>, vector<16xf32>,
      tpu.vector_store %arg11[%swap3A_252, %swap3A_253], %mul3A_251 {strides = array<i32>} : memref<80x128xf32, #tpu.memory_space<vmem>>, vector<16xf32>,
      %get3A_255 = arith.index_cast %add3A_212 : i32 to index
      %get3A_256 = arith.constant 80 : index
      %get3A_257 = tpu.vector_load %arg11[%get3A_255, %get3A_256] {strides = array<i32>} : memref<80x128xf32, #tpu.memory_space<vmem>>, vector<16xf32>,
      %mul3A_258 = vector.broadcast %squeeze3A_246 : f32 to vector<16xf32>
      %mul3A_259 = arith.mulf %get3A_257, %mul3A_258 : vector<16xf32>
      %swap3A_260 = arith.index_cast %add3A_212 : i32 to index
      %swap3A_261 = arith.constant 80 : index
      %swap3A_262 = tpu.vector_load %arg11[%swap3A_260, %swap3A_261] {strides = array<i32>} : memref<80x128xf32, #tpu.memory_space<vmem>>, vector<16xf32>,
      tpu.vector_store %arg11[%swap3A_260, %swap3A_261], %mul3A_259 {strides = array<i32>} : memref<80x128xf32, #tpu.memory_space<vmem>>, vector<16xf32>,
      %slice3A_263 = vector.extract_strided_slice %exp3A {offsets = [3], sizes = [1], strides = [1]} : vector<16xf32> to vector<1xf32>
      %squeeze3A_264 = vector.extract %slice3A_263[0] : f32 from vector<1xf32>
      %get3A_265 = arith.index_cast %add3A_212 : i32 to index
      %get3A_266 = arith.constant 96 : index
      %get3A_267 = tpu.vector_load %arg11[%get3A_265, %get3A_266] {strides = array<i32>} : memref<80x128xf32, #tpu.memory_space<vmem>>, vector<16xf32>,
      %mul3A_268 = vector.broadcast %squeeze3A_264 : f32 to vector<16xf32>
      %mul3A_269 = arith.mulf %get3A_267, %mul3A_268 : vector<16xf32>
      %swap3A_270 = arith.index_cast %add3A_212 : i32 to index
      %swap3A_271 = arith.constant 96 : index
      %swap3A_272 = tpu.vector_load %arg11[%swap3A_270, %swap3A_271] {strides = array<i32>} : memref<80x128xf32, #tpu.memory_space<vmem>>, vector<16xf32>,
      tpu.vector_store %arg11[%swap3A_270, %swap3A_271], %mul3A_269 {strides = array<i32>} : memref<80x128xf32, #tpu.memory_space<vmem>>, vector<16xf32>,
      %get3A_273 = arith.index_cast %add3A_212 : i32 to index
      %get3A_274 = arith.constant 112 : index
      %get3A_275 = tpu.vector_load %arg11[%get3A_273, %get3A_274] {strides = array<i32>} : memref<80x128xf32, #tpu.memory_space<vmem>>, vector<16xf32>,
      %mul3A_276 = vector.broadcast %squeeze3A_264 : f32 to vector<16xf32>
      %mul3A_277 = arith.mulf %get3A_275, %mul3A_276 : vector<16xf32>
      %swap3A_278 = arith.index_cast %add3A_212 : i32 to index
      %swap3A_279 = arith.constant 112 : index
      %swap3A_280 = tpu.vector_load %arg11[%swap3A_278, %swap3A_279] {strides = array<i32>} : memref<80x128xf32, #tpu.memory_space<vmem>>, vector<16xf32>,
      tpu.vector_store %arg11[%swap3A_278, %swap3A_279], %mul3A_277 {strides = array<i32>} : memref<80x128xf32, #tpu.memory_space<vmem>>, vector<16xf32>,
      %mul3A_281 = arith.constant 4 : i32
      %mul3A_282 = arith.muli %scan3A_193, %mul3A_281 : i32
      %add3A_283 = arith.constant 1 : i32
      %add3A_284 = arith.addi %mul3A_282, %add3A_283 : i32
      %slice3A_285 = vector.extract_strided_slice %exp3A {offsets = [4], sizes = [1], strides = [1]} : vector<16xf32> to vector<1xf32>
      %squeeze3A_286 = vector.extract %slice3A_285[0] : f32 from vector<1xf32>
      %get3A_287 = arith.index_cast %add3A_284 : i32 to index
      %get3A_288 = arith.constant 0 : index
      %get3A_289 = tpu.vector_load %arg11[%get3A_287, %get3A_288] {strides = array<i32>} : memref<80x128xf32, #tpu.memory_space<vmem>>, vector<16xf32>,
      %mul3A_290 = vector.broadcast %squeeze3A_286 : f32 to vector<16xf32>
      %mul3A_291 = arith.mulf %get3A_289, %mul3A_290 : vector<16xf32>
      %swap3A_292 = arith.index_cast %add3A_284 : i32 to index
      %swap3A_293 = arith.constant 0 : index
      %swap3A_294 = tpu.vector_load %arg11[%swap3A_292, %swap3A_293] {strides = array<i32>} : memref<80x128xf32, #tpu.memory_space<vmem>>, vector<16xf32>,
      tpu.vector_store %arg11[%swap3A_292, %swap3A_293], %mul3A_291 {strides = array<i32>} : memref<80x128xf32, #tpu.memory_space<vmem>>, vector<16xf32>,
      %get3A_295 = arith.index_cast %add3A_284 : i32 to index
      %get3A_296 = arith.constant 16 : index
      %get3A_297 = tpu.vector_load %arg11[%get3A_295, %get3A_296] {strides = array<i32>} : memref<80x128xf32, #tpu.memory_space<vmem>>, vector<16xf32>,
      %mul3A_298 = vector.broadcast %squeeze3A_286 : f32 to vector<16xf32>
      %mul3A_299 = arith.mulf %get3A_297, %mul3A_298 : vector<16xf32>
      %swap3A_300 = arith.index_cast %add3A_284 : i32 to index
      %swap3A_301 = arith.constant 16 : index
      %swap3A_302 = tpu.vector_load %arg11[%swap3A_300, %swap3A_301] {strides = array<i32>} : memref<80x128xf32, #tpu.memory_space<vmem>>, vector<16xf32>,
      tpu.vector_store %arg11[%swap3A_300, %swap3A_301], %mul3A_299 {strides = array<i32>} : memref<80x128xf32, #tpu.memory_space<vmem>>, vector<16xf32>,
      %slice3A_303 = vector.extract_strided_slice %exp3A {offsets = [5], sizes = [1], strides = [1]} : vector<16xf32> to vector<1xf32>
      %squeeze3A_304 = vector.extract %slice3A_303[0] : f32 from vector<1xf32>
      %get3A_305 = arith.index_cast %add3A_284 : i32 to index
      %get3A_306 = arith.constant 32 : index
      %get3A_307 = tpu.vector_load %arg11[%get3A_305, %get3A_306] {strides = array<i32>} : memref<80x128xf32, #tpu.memory_space<vmem>>, vector<16xf32>,
      %mul3A_308 = vector.broadcast %squeeze3A_304 : f32 to vector<16xf32>
      %mul3A_309 = arith.mulf %get3A_307, %mul3A_308 : vector<16xf32>
      %swap3A_310 = arith.index_cast %add3A_284 : i32 to index
      %swap3A_311 = arith.constant 32 : index
      %swap3A_312 = tpu.vector_load %arg11[%swap3A_310, %swap3A_311] {strides = array<i32>} : memref<80x128xf32, #tpu.memory_space<vmem>>, vector<16xf32>,
      tpu.vector_store %arg11[%swap3A_310, %swap3A_311], %mul3A_309 {strides = array<i32>} : memref<80x128xf32, #tpu.memory_space<vmem>>, vector<16xf32>,
      %get3A_313 = arith.index_cast %add3A_284 : i32 to index
      %get3A_314 = arith.constant 48 : index
      %get3A_315 = tpu.vector_load %arg11[%get3A_313, %get3A_314] {strides = array<i32>} : memref<80x128xf32, #tpu.memory_space<vmem>>, vector<16xf32>,
      %mul3A_316 = vector.broadcast %squeeze3A_304 : f32 to vector<16xf32>
      %mul3A_317 = arith.mulf %get3A_315, %mul3A_316 : vector<16xf32>
      %swap3A_318 = arith.index_cast %add3A_284 : i32 to index
      %swap3A_319 = arith.constant 48 : index
      %swap3A_320 = tpu.vector_load %arg11[%swap3A_318, %swap3A_319] {strides = array<i32>} : memref<80x128xf32, #tpu.memory_space<vmem>>, vector<16xf32>,
      tpu.vector_store %arg11[%swap3A_318, %swap3A_319], %mul3A_317 {strides = array<i32>} : memref<80x128xf32, #tpu.memory_space<vmem>>, vector<16xf32>,
      %slice3A_321 = vector.extract_strided_slice %exp3A {offsets = [6], sizes = [1], strides = [1]} : vector<16xf32> to vector<1xf32>
      %squeeze3A_322 = vector.extract %slice3A_321[0] : f32 from vector<1xf32>
      %get3A_323 = arith.index_cast %add3A_284 : i32 to index
      %get3A_324 = arith.constant 64 : index
      %get3A_325 = tpu.vector_load %arg11[%get3A_323, %get3A_324] {strides = array<i32>} : memref<80x128xf32, #tpu.memory_space<vmem>>, vector<16xf32>,
      %mul3A_326 = vector.broadcast %squeeze3A_322 : f32 to vector<16xf32>
      %mul3A_327 = arith.mulf %get3A_325, %mul3A_326 : vector<16xf32>
      %swap3A_328 = arith.index_cast %add3A_284 : i32 to index
      %swap3A_329 = arith.constant 64 : index
      %swap3A_330 = tpu.vector_load %arg11[%swap3A_328, %swap3A_329] {strides = array<i32>} : memref<80x128xf32, #tpu.memory_space<vmem>>, vector<16xf32>,
      tpu.vector_store %arg11[%swap3A_328, %swap3A_329], %mul3A_327 {strides = array<i32>} : memref<80x128xf32, #tpu.memory_space<vmem>>, vector<16xf32>,
      %get3A_331 = arith.index_cast %add3A_284 : i32 to index
      %get3A_332 = arith.constant 80 : index
      %get3A_333 = tpu.vector_load %arg11[%get3A_331, %get3A_332] {strides = array<i32>} : memref<80x128xf32, #tpu.memory_space<vmem>>, vector<16xf32>,
      %mul3A_334 = vector.broadcast %squeeze3A_322 : f32 to vector<16xf32>
      %mul3A_335 = arith.mulf %get3A_333, %mul3A_334 : vector<16xf32>
      %swap3A_336 = arith.index_cast %add3A_284 : i32 to index
      %swap3A_337 = arith.constant 80 : index
      %swap3A_338 = tpu.vector_load %arg11[%swap3A_336, %swap3A_337] {strides = array<i32>} : memref<80x128xf32, #tpu.memory_space<vmem>>, vector<16xf32>,
      tpu.vector_store %arg11[%swap3A_336, %swap3A_337], %mul3A_335 {strides = array<i32>} : memref<80x128xf32, #tpu.memory_space<vmem>>, vector<16xf32>,
      %slice3A_339 = vector.extract_strided_slice %exp3A {offsets = [7], sizes = [1], strides = [1]} : vector<16xf32> to vector<1xf32>
      %squeeze3A_340 = vector.extract %slice3A_339[0] : f32 from vector<1xf32>
      %get3A_341 = arith.index_cast %add3A_284 : i32 to index
      %get3A_342 = arith.constant 96 : index
      %get3A_343 = tpu.vector_load %arg11[%get3A_341, %get3A_342] {strides = array<i32>} : memref<80x128xf32, #tpu.memory_space<vmem>>, vector<16xf32>,
      %mul3A_344 = vector.broadcast %squeeze3A_340 : f32 to vector<16xf32>
      %mul3A_345 = arith.mulf %get3A_343, %mul3A_344 : vector<16xf32>
      %swap3A_346 = arith.index_cast %add3A_284 : i32 to index
      %swap3A_347 = arith.constant 96 : index
      %swap3A_348 = tpu.vector_load %arg11[%swap3A_346, %swap3A_347] {strides = array<i32>} : memref<80x128xf32, #tpu.memory_space<vmem>>, vector<16xf32>,
      tpu.vector_store %arg11[%swap3A_346, %swap3A_347], %mul3A_345 {strides = array<i32>} : memref<80x128xf32, #tpu.memory_space<vmem>>, vector<16xf32>,
      %get3A_349 = arith.index_cast %add3A_284 : i32 to index
      %get3A_350 = arith.constant 112 : index
      %get3A_351 = tpu.vector_load %arg11[%get3A_349, %get3A_350] {strides = array<i32>} : memref<80x128xf32, #tpu.memory_space<vmem>>, vector<16xf32>,
      %mul3A_352 = vector.broadcast %squeeze3A_340 : f32 to vector<16xf32>
      %mul3A_353 = arith.mulf %get3A_351, %mul3A_352 : vector<16xf32>
      %swap3A_354 = arith.index_cast %add3A_284 : i32 to index
      %swap3A_355 = arith.constant 112 : index
      %swap3A_356 = tpu.vector_load %arg11[%swap3A_354, %swap3A_355] {strides = array<i32>} : memref<80x128xf32, #tpu.memory_space<vmem>>, vector<16xf32>,
      tpu.vector_store %arg11[%swap3A_354, %swap3A_355], %mul3A_353 {strides = array<i32>} : memref<80x128xf32, #tpu.memory_space<vmem>>, vector<16xf32>,
      %mul3A_357 = arith.constant 4 : i32
      %mul3A_358 = arith.muli %scan3A_193, %mul3A_357 : i32
      %add3A_359 = arith.constant 2 : i32
      %add3A_360 = arith.addi %mul3A_358, %add3A_359 : i32
      %slice3A_361 = vector.extract_strided_slice %exp3A {offsets = [8], sizes = [1], strides = [1]} : vector<16xf32> to vector<1xf32>
      %squeeze3A_362 = vector.extract %slice3A_361[0] : f32 from vector<1xf32>
      %get3A_363 = arith.index_cast %add3A_360 : i32 to index
      %get3A_364 = arith.constant 0 : index
      %get3A_365 = tpu.vector_load %arg11[%get3A_363, %get3A_364] {strides = array<i32>} : memref<80x128xf32, #tpu.memory_space<vmem>>, vector<16xf32>,
      %mul3A_366 = vector.broadcast %squeeze3A_362 : f32 to vector<16xf32>
      %mul3A_367 = arith.mulf %get3A_365, %mul3A_366 : vector<16xf32>
      %swap3A_368 = arith.index_cast %add3A_360 : i32 to index
      %swap3A_369 = arith.constant 0 : index
      %swap3A_370 = tpu.vector_load %arg11[%swap3A_368, %swap3A_369] {strides = array<i32>} : memref<80x128xf32, #tpu.memory_space<vmem>>, vector<16xf32>,
      tpu.vector_store %arg11[%swap3A_368, %swap3A_369], %mul3A_367 {strides = array<i32>} : memref<80x128xf32, #tpu.memory_space<vmem>>, vector<16xf32>,
      %get3A_371 = arith.index_cast %add3A_360 : i32 to index
      %get3A_372 = arith.constant 16 : index
      %get3A_373 = tpu.vector_load %arg11[%get3A_371, %get3A_372] {strides = array<i32>} : memref<80x128xf32, #tpu.memory_space<vmem>>, vector<16xf32>,
      %mul3A_374 = vector.broadcast %squeeze3A_362 : f32 to vector<16xf32>
      %mul3A_375 = arith.mulf %get3A_373, %mul3A_374 : vector<16xf32>
      %swap3A_376 = arith.index_cast %add3A_360 : i32 to index
      %swap3A_377 = arith.constant 16 : index
      %swap3A_378 = tpu.vector_load %arg11[%swap3A_376, %swap3A_377] {strides = array<i32>} : memref<80x128xf32, #tpu.memory_space<vmem>>, vector<16xf32>,
      tpu.vector_store %arg11[%swap3A_376, %swap3A_377], %mul3A_375 {strides = array<i32>} : memref<80x128xf32, #tpu.memory_space<vmem>>, vector<16xf32>,
      %slice3A_379 = vector.extract_strided_slice %exp3A {offsets = [9], sizes = [1], strides = [1]} : vector<16xf32> to vector<1xf32>
      %squeeze3A_380 = vector.extract %slice3A_379[0] : f32 from vector<1xf32>
      %get3A_381 = arith.index_cast %add3A_360 : i32 to index
      %get3A_382 = arith.constant 32 : index
      %get3A_383 = tpu.vector_load %arg11[%get3A_381, %get3A_382] {strides = array<i32>} : memref<80x128xf32, #tpu.memory_space<vmem>>, vector<16xf32>,
      %mul3A_384 = vector.broadcast %squeeze3A_380 : f32 to vector<16xf32>
      %mul3A_385 = arith.mulf %get3A_383, %mul3A_384 : vector<16xf32>
      %swap3A_386 = arith.index_cast %add3A_360 : i32 to index
      %swap3A_387 = arith.constant 32 : index
      %swap3A_388 = tpu.vector_load %arg11[%swap3A_386, %swap3A_387] {strides = array<i32>} : memref<80x128xf32, #tpu.memory_space<vmem>>, vector<16xf32>,
      tpu.vector_store %arg11[%swap3A_386, %swap3A_387], %mul3A_385 {strides = array<i32>} : memref<80x128xf32, #tpu.memory_space<vmem>>, vector<16xf32>,
      %get3A_389 = arith.index_cast %add3A_360 : i32 to index
      %get3A_390 = arith.constant 48 : index
      %get3A_391 = tpu.vector_load %arg11[%get3A_389, %get3A_390] {strides = array<i32>} : memref<80x128xf32, #tpu.memory_space<vmem>>, vector<16xf32>,
      %mul3A_392 = vector.broadcast %squeeze3A_380 : f32 to vector<16xf32>
      %mul3A_393 = arith.mulf %get3A_391, %mul3A_392 : vector<16xf32>
      %swap3A_394 = arith.index_cast %add3A_360 : i32 to index
      %swap3A_395 = arith.constant 48 : index
      %swap3A_396 = tpu.vector_load %arg11[%swap3A_394, %swap3A_395] {strides = array<i32>} : memref<80x128xf32, #tpu.memory_space<vmem>>, vector<16xf32>,
      tpu.vector_store %arg11[%swap3A_394, %swap3A_395], %mul3A_393 {strides = array<i32>} : memref<80x128xf32, #tpu.memory_space<vmem>>, vector<16xf32>,
      %slice3A_397 = vector.extract_strided_slice %exp3A {offsets = [10], sizes = [1], strides = [1]} : vector<16xf32> to vector<1xf32>
      %squeeze3A_398 = vector.extract %slice3A_397[0] : f32 from vector<1xf32>
      %get3A_399 = arith.index_cast %add3A_360 : i32 to index
      %get3A_400 = arith.constant 64 : index
      %get3A_401 = tpu.vector_load %arg11[%get3A_399, %get3A_400] {strides = array<i32>} : memref<80x128xf32, #tpu.memory_space<vmem>>, vector<16xf32>,
      %mul3A_402 = vector.broadcast %squeeze3A_398 : f32 to vector<16xf32>
      %mul3A_403 = arith.mulf %get3A_401, %mul3A_402 : vector<16xf32>
      %swap3A_404 = arith.index_cast %add3A_360 : i32 to index
      %swap3A_405 = arith.constant 64 : index
      %swap3A_406 = tpu.vector_load %arg11[%swap3A_404, %swap3A_405] {strides = array<i32>} : memref<80x128xf32, #tpu.memory_space<vmem>>, vector<16xf32>,
      tpu.vector_store %arg11[%swap3A_404, %swap3A_405], %mul3A_403 {strides = array<i32>} : memref<80x128xf32, #tpu.memory_space<vmem>>, vector<16xf32>,
      %get3A_407 = arith.index_cast %add3A_360 : i32 to index
      %get3A_408 = arith.constant 80 : index
      %get3A_409 = tpu.vector_load %arg11[%get3A_407, %get3A_408] {strides = array<i32>} : memref<80x128xf32, #tpu.memory_space<vmem>>, vector<16xf32>,
      %mul3A_410 = vector.broadcast %squeeze3A_398 : f32 to vector<16xf32>
      %mul3A_411 = arith.mulf %get3A_409, %mul3A_410 : vector<16xf32>
      %swap3A_412 = arith.index_cast %add3A_360 : i32 to index
      %swap3A_413 = arith.constant 80 : index
      %swap3A_414 = tpu.vector_load %arg11[%swap3A_412, %swap3A_413] {strides = array<i32>} : memref<80x128xf32, #tpu.memory_space<vmem>>, vector<16xf32>,
      tpu.vector_store %arg11[%swap3A_412, %swap3A_413], %mul3A_411 {strides = array<i32>} : memref<80x128xf32, #tpu.memory_space<vmem>>, vector<16xf32>,
      %slice3A_415 = vector.extract_strided_slice %exp3A {offsets = [11], sizes = [1], strides = [1]} : vector<16xf32> to vector<1xf32>
      %squeeze3A_416 = vector.extract %slice3A_415[0] : f32 from vector<1xf32>
      %get3A_417 = arith.index_cast %add3A_360 : i32 to index
      %get3A_418 = arith.constant 96 : index
      %get3A_419 = tpu.vector_load %arg11[%get3A_417, %get3A_418] {strides = array<i32>} : memref<80x128xf32, #tpu.memory_space<vmem>>, vector<16xf32>,
      %mul3A_420 = vector.broadcast %squeeze3A_416 : f32 to vector<16xf32>
      %mul3A_421 = arith.mulf %get3A_419, %mul3A_420 : vector<16xf32>
      %swap3A_422 = arith.index_cast %add3A_360 : i32 to index
      %swap3A_423 = arith.constant 96 : index
      %swap3A_424 = tpu.vector_load %arg11[%swap3A_422, %swap3A_423] {strides = array<i32>} : memref<80x128xf32, #tpu.memory_space<vmem>>, vector<16xf32>,
      tpu.vector_store %arg11[%swap3A_422, %swap3A_423], %mul3A_421 {strides = array<i32>} : memref<80x128xf32, #tpu.memory_space<vmem>>, vector<16xf32>,
      %get3A_425 = arith.index_cast %add3A_360 : i32 to index
      %get3A_426 = arith.constant 112 : index
      %get3A_427 = tpu.vector_load %arg11[%get3A_425, %get3A_426] {strides = array<i32>} : memref<80x128xf32, #tpu.memory_space<vmem>>, vector<16xf32>,
      %mul3A_428 = vector.broadcast %squeeze3A_416 : f32 to vector<16xf32>
      %mul3A_429 = arith.mulf %get3A_427, %mul3A_428 : vector<16xf32>
      %swap3A_430 = arith.index_cast %add3A_360 : i32 to index
      %swap3A_431 = arith.constant 112 : index
      %swap3A_432 = tpu.vector_load %arg11[%swap3A_430, %swap3A_431] {strides = array<i32>} : memref<80x128xf32, #tpu.memory_space<vmem>>, vector<16xf32>,
      tpu.vector_store %arg11[%swap3A_430, %swap3A_431], %mul3A_429 {strides = array<i32>} : memref<80x128xf32, #tpu.memory_space<vmem>>, vector<16xf32>,
      %mul3A_433 = arith.constant 4 : i32
      %mul3A_434 = arith.muli %scan3A_193, %mul3A_433 : i32
      %add3A_435 = arith.constant 3 : i32
      %add3A_436 = arith.addi %mul3A_434, %add3A_435 : i32
      %slice3A_437 = vector.extract_strided_slice %exp3A {offsets = [12], sizes = [1], strides = [1]} : vector<16xf32> to vector<1xf32>
      %squeeze3A_438 = vector.extract %slice3A_437[0] : f32 from vector<1xf32>
      %get3A_439 = arith.index_cast %add3A_436 : i32 to index
      %get3A_440 = arith.constant 0 : index
      %get3A_441 = tpu.vector_load %arg11[%get3A_439, %get3A_440] {strides = array<i32>} : memref<80x128xf32, #tpu.memory_space<vmem>>, vector<16xf32>,
      %mul3A_442 = vector.broadcast %squeeze3A_438 : f32 to vector<16xf32>
      %mul3A_443 = arith.mulf %get3A_441, %mul3A_442 : vector<16xf32>
      %swap3A_444 = arith.index_cast %add3A_436 : i32 to index
      %swap3A_445 = arith.constant 0 : index
      %swap3A_446 = tpu.vector_load %arg11[%swap3A_444, %swap3A_445] {strides = array<i32>} : memref<80x128xf32, #tpu.memory_space<vmem>>, vector<16xf32>,
      tpu.vector_store %arg11[%swap3A_444, %swap3A_445], %mul3A_443 {strides = array<i32>} : memref<80x128xf32, #tpu.memory_space<vmem>>, vector<16xf32>,
      %get3A_447 = arith.index_cast %add3A_436 : i32 to index
      %get3A_448 = arith.constant 16 : index
      %get3A_449 = tpu.vector_load %arg11[%get3A_447, %get3A_448] {strides = array<i32>} : memref<80x128xf32, #tpu.memory_space<vmem>>, vector<16xf32>,
      %mul3A_450 = vector.broadcast %squeeze3A_438 : f32 to vector<16xf32>
      %mul3A_451 = arith.mulf %get3A_449, %mul3A_450 : vector<16xf32>
      %swap3A_452 = arith.index_cast %add3A_436 : i32 to index
      %swap3A_453 = arith.constant 16 : index
      %swap3A_454 = tpu.vector_load %arg11[%swap3A_452, %swap3A_453] {strides = array<i32>} : memref<80x128xf32, #tpu.memory_space<vmem>>, vector<16xf32>,
      tpu.vector_store %arg11[%swap3A_452, %swap3A_453], %mul3A_451 {strides = array<i32>} : memref<80x128xf32, #tpu.memory_space<vmem>>, vector<16xf32>,
      %slice3A_455 = vector.extract_strided_slice %exp3A {offsets = [13], sizes = [1], strides = [1]} : vector<16xf32> to vector<1xf32>
      %squeeze3A_456 = vector.extract %slice3A_455[0] : f32 from vector<1xf32>
      %get3A_457 = arith.index_cast %add3A_436 : i32 to index
      %get3A_458 = arith.constant 32 : index
      %get3A_459 = tpu.vector_load %arg11[%get3A_457, %get3A_458] {strides = array<i32>} : memref<80x128xf32, #tpu.memory_space<vmem>>, vector<16xf32>,
      %mul3A_460 = vector.broadcast %squeeze3A_456 : f32 to vector<16xf32>
      %mul3A_461 = arith.mulf %get3A_459, %mul3A_460 : vector<16xf32>
      %swap3A_462 = arith.index_cast %add3A_436 : i32 to index
      %swap3A_463 = arith.constant 32 : index
      %swap3A_464 = tpu.vector_load %arg11[%swap3A_462, %swap3A_463] {strides = array<i32>} : memref<80x128xf32, #tpu.memory_space<vmem>>, vector<16xf32>,
      tpu.vector_store %arg11[%swap3A_462, %swap3A_463], %mul3A_461 {strides = array<i32>} : memref<80x128xf32, #tpu.memory_space<vmem>>, vector<16xf32>,
      %get3A_465 = arith.index_cast %add3A_436 : i32 to index
      %get3A_466 = arith.constant 48 : index
      %get3A_467 = tpu.vector_load %arg11[%get3A_465, %get3A_466] {strides = array<i32>} : memref<80x128xf32, #tpu.memory_space<vmem>>, vector<16xf32>,
      %mul3A_468 = vector.broadcast %squeeze3A_456 : f32 to vector<16xf32>
      %mul3A_469 = arith.mulf %get3A_467, %mul3A_468 : vector<16xf32>
      %swap3A_470 = arith.index_cast %add3A_436 : i32 to index
      %swap3A_471 = arith.constant 48 : index
      %swap3A_472 = tpu.vector_load %arg11[%swap3A_470, %swap3A_471] {strides = array<i32>} : memref<80x128xf32, #tpu.memory_space<vmem>>, vector<16xf32>,
      tpu.vector_store %arg11[%swap3A_470, %swap3A_471], %mul3A_469 {strides = array<i32>} : memref<80x128xf32, #tpu.memory_space<vmem>>, vector<16xf32>,
      %slice3A_473 = vector.extract_strided_slice %exp3A {offsets = [14], sizes = [1], strides = [1]} : vector<16xf32> to vector<1xf32>
      %squeeze3A_474 = vector.extract %slice3A_473[0] : f32 from vector<1xf32>
      %get3A_475 = arith.index_cast %add3A_436 : i32 to index
      %get3A_476 = arith.constant 64 : index
      %get3A_477 = tpu.vector_load %arg11[%get3A_475, %get3A_476] {strides = array<i32>} : memref<80x128xf32, #tpu.memory_space<vmem>>, vector<16xf32>,
      %mul3A_478 = vector.broadcast %squeeze3A_474 : f32 to vector<16xf32>
      %mul3A_479 = arith.mulf %get3A_477, %mul3A_478 : vector<16xf32>
      %swap3A_480 = arith.index_cast %add3A_436 : i32 to index
      %swap3A_481 = arith.constant 64 : index
      %swap3A_482 = tpu.vector_load %arg11[%swap3A_480, %swap3A_481] {strides = array<i32>} : memref<80x128xf32, #tpu.memory_space<vmem>>, vector<16xf32>,
      tpu.vector_store %arg11[%swap3A_480, %swap3A_481], %mul3A_479 {strides = array<i32>} : memref<80x128xf32, #tpu.memory_space<vmem>>, vector<16xf32>,
      %get3A_483 = arith.index_cast %add3A_436 : i32 to index
      %get3A_484 = arith.constant 80 : index
      %get3A_485 = tpu.vector_load %arg11[%get3A_483, %get3A_484] {strides = array<i32>} : memref<80x128xf32, #tpu.memory_space<vmem>>, vector<16xf32>,
      %mul3A_486 = vector.broadcast %squeeze3A_474 : f32 to vector<16xf32>
      %mul3A_487 = arith.mulf %get3A_485, %mul3A_486 : vector<16xf32>
      %swap3A_488 = arith.index_cast %add3A_436 : i32 to index
      %swap3A_489 = arith.constant 80 : index
      %swap3A_490 = tpu.vector_load %arg11[%swap3A_488, %swap3A_489] {strides = array<i32>} : memref<80x128xf32, #tpu.memory_space<vmem>>, vector<16xf32>,
      tpu.vector_store %arg11[%swap3A_488, %swap3A_489], %mul3A_487 {strides = array<i32>} : memref<80x128xf32, #tpu.memory_space<vmem>>, vector<16xf32>,
      %slice3A_491 = vector.extract_strided_slice %exp3A {offsets = [15], sizes = [1], strides = [1]} : vector<16xf32> to vector<1xf32>
      %squeeze3A_492 = vector.extract %slice3A_491[0] : f32 from vector<1xf32>
      %get3A_493 = arith.index_cast %add3A_436 : i32 to index
      %get3A_494 = arith.constant 96 : index
      %get3A_495 = tpu.vector_load %arg11[%get3A_493, %get3A_494] {strides = array<i32>} : memref<80x128xf32, #tpu.memory_space<vmem>>, vector<16xf32>,
      %mul3A_496 = vector.broadcast %squeeze3A_492 : f32 to vector<16xf32>
      %mul3A_497 = arith.mulf %get3A_495, %mul3A_496 : vector<16xf32>
      %swap3A_498 = arith.index_cast %add3A_436 : i32 to index
      %swap3A_499 = arith.constant 96 : index
      %swap3A_500 = tpu.vector_load %arg11[%swap3A_498, %swap3A_499] {strides = array<i32>} : memref<80x128xf32, #tpu.memory_space<vmem>>, vector<16xf32>,
      tpu.vector_store %arg11[%swap3A_498, %swap3A_499], %mul3A_497 {strides = array<i32>} : memref<80x128xf32, #tpu.memory_space<vmem>>, vector<16xf32>,
      %get3A_501 = arith.index_cast %add3A_436 : i32 to index
      %get3A_502 = arith.constant 112 : index
      %get3A_503 = tpu.vector_load %arg11[%get3A_501, %get3A_502] {strides = array<i32>} : memref<80x128xf32, #tpu.memory_space<vmem>>, vector<16xf32>,
      %mul3A_504 = vector.broadcast %squeeze3A_492 : f32 to vector<16xf32>
      %mul3A_505 = arith.mulf %get3A_503, %mul3A_504 : vector<16xf32>
      %swap3A_506 = arith.index_cast %add3A_436 : i32 to index
      %swap3A_507 = arith.constant 112 : index
      %swap3A_508 = tpu.vector_load %arg11[%swap3A_506, %swap3A_507] {strides = array<i32>} : memref<80x128xf32, #tpu.memory_space<vmem>>, vector<16xf32>,
      tpu.vector_store %arg11[%swap3A_506, %swap3A_507], %mul3A_505 {strides = array<i32>} : memref<80x128xf32, #tpu.memory_space<vmem>>, vector<16xf32>,
    }
    %scan3A_156 = arith.constant 20 : i32
    "tpu.region"() ({
      %run_scoped3A = tpu.sem_alloc : memref<!tpu.dma_semaphore, #tpu.memory_space<semaphore_mem>>
      %dma_start3A_193 = arith.constant 0 : i32
      %dma_start3A_194 = arith.constant 0 : i32
      %dma_start3A_195 = tpu.memref_slice %arg10[%dma_start3A_193, %dma_start3A_194] : memref<10240x16xf32, #tpu.memory_space<vmem_shared>> -> memref<10240x16xf32, #tpu.memory_space<vmem_shared>>
      tpu.enqueue_indirect_dma source(%arg14 : memref<80x16xf32, #tpu.memory_space<vmem>>) target(%dma_start3A_195 : memref<10240x16xf32, #tpu.memory_space<vmem_shared>>) offsets(%arg16 : memref<80xi32, #tpu.memory_space<vmem>>) semaphore(%run_scoped3A : memref<!tpu.dma_semaphore, #tpu.memory_space<semaphore_mem>>) {add = true}
      %dma_wait3A_196 = arith.constant 0 : i32
      %dma_wait3A_197 = arith.constant 0 : i32
      %dma_wait3A_198 = tpu.memref_slice %arg10[%dma_wait3A_196, %dma_wait3A_197] : memref<10240x16xf32, #tpu.memory_space<vmem_shared>> -> memref<10240x16xf32, #tpu.memory_space<vmem_shared>>
      tpu.wait_indirect_dma semaphore(%run_scoped3A : memref<!tpu.dma_semaphore, #tpu.memory_space<semaphore_mem>>) src(%arg14 : memref<80x16xf32, #tpu.memory_space<vmem>>) dst(%dma_wait3A_198 : memref<10240x16xf32, #tpu.memory_space<vmem_shared>>)
      tpu.yield
    }) : () -> ()
    %dma_start3A_157 = arith.constant 0 : i32
    %dma_start3A_158 = arith.constant 0 : i32
    %dma_start3A_159 = tpu.memref_slice %arg9[%dma_start3A_157, %dma_start3A_158] : memref<10240x128xf32, #tpu.memory_space<vmem_shared>> -> memref<10240x128xf32, #tpu.memory_space<vmem_shared>>
    tpu.enqueue_indirect_dma source(%arg11 : memref<80x128xf32, #tpu.memory_space<vmem>>) target(%dma_start3A_159 : memref<10240x128xf32, #tpu.memory_space<vmem_shared>>) offsets(%arg16 : memref<80xi32, #tpu.memory_space<vmem>>) semaphore(%arg26 : memref<!tpu.dma_semaphore, #tpu.memory_space<semaphore_mem>>) {add = true}
    %dma_wait3A_160 = arith.constant 0 : i32
    %dma_wait3A_161 = arith.constant 0 : i32
    %dma_wait3A_162 = tpu.memref_slice %arg9[%dma_wait3A_160, %dma_wait3A_161] : memref<10240x128xf32, #tpu.memory_space<vmem_shared>> -> memref<10240x128xf32, #tpu.memory_space<vmem_shared>>
    tpu.wait_indirect_dma semaphore(%arg26 : memref<!tpu.dma_semaphore, #tpu.memory_space<semaphore_mem>>) src(%arg11 : memref<80x128xf32, #tpu.memory_space<vmem>>) dst(%dma_wait3A_162 : memref<10240x128xf32, #tpu.memory_space<vmem_shared>>)
    %dma_wait3A_163 = arith.constant 0 : i32
    %dma_wait3A_164 = arith.constant 0 : i32
    %dma_wait3A_165 = tpu.memref_slice %arg21[%dma_wait3A_163, %dma_wait3A_164] : memref<2x80xi32, #tpu.memory_space<vmem>> -> memref<1x80xi32, #tpu.memory_space<vmem>>
    %dma_wait3A_166 = tpu.memref_squeeze %dma_wait3A_165 : memref<1x80xi32, #tpu.memory_space<vmem>> -> memref<80xi32, #tpu.memory_space<vmem>>
    %dma_wait3A_167 = arith.constant 0 : i32
    %dma_wait3A_168 = arith.constant 0 : i32
    %dma_wait3A_169 = tpu.memref_slice %arg3[%dma_wait3A_167, %dma_wait3A_168] : memref<10000x16xf32, #tpu.memory_space<hbm>> -> memref<10000x16xf32, #tpu.memory_space<hbm>>
    tpu.wait_indirect_dma semaphore(%arg27 : memref<!tpu.dma_semaphore, #tpu.memory_space<semaphore_mem>>) src(%dma_wait3A_169 : memref<10000x16xf32, #tpu.memory_space<hbm>>) dst(%arg18 : memref<80x16xf32, #tpu.memory_space<vmem>>)
    %dma_wait3A_170 = arith.constant 1 : i32
    %dma_wait3A_171 = arith.constant 0 : i32
    %dma_wait3A_172 = tpu.memref_slice %arg21[%dma_wait3A_170, %dma_wait3A_171] : memref<2x80xi32, #tpu.memory_space<vmem>> -> memref<1x80xi32, #tpu.memory_space<vmem>>
    %dma_wait3A_173 = tpu.memref_squeeze %dma_wait3A_172 : memref<1x80xi32, #tpu.memory_space<vmem>> -> memref<80xi32, #tpu.memory_space<vmem>>
    %dma_wait3A_174 = arith.constant 0 : i32
    %dma_wait3A_175 = arith.constant 0 : i32
    %dma_wait3A_176 = tpu.memref_slice %arg3[%dma_wait3A_174, %dma_wait3A_175] : memref<10000x16xf32, #tpu.memory_space<hbm>> -> memref<10000x16xf32, #tpu.memory_space<hbm>>
    tpu.wait_indirect_dma semaphore(%arg28 : memref<!tpu.dma_semaphore, #tpu.memory_space<semaphore_mem>>) src(%dma_wait3A_176 : memref<10000x16xf32, #tpu.memory_space<hbm>>) dst(%arg19 : memref<80x16xf32, #tpu.memory_space<vmem>>)
    %dma_wait3A_177 = arith.constant 0 : i32
    %dma_wait3A_178 = arith.constant 0 : i32
    %dma_wait3A_179 = tpu.memref_slice %arg21[%dma_wait3A_177, %dma_wait3A_178] : memref<2x80xi32, #tpu.memory_space<vmem>> -> memref<1x80xi32, #tpu.memory_space<vmem>>
    %dma_wait3A_180 = tpu.memref_squeeze %dma_wait3A_179 : memref<1x80xi32, #tpu.memory_space<vmem>> -> memref<80xi32, #tpu.memory_space<vmem>>
    %dma_wait3A_181 = arith.constant 0 : i32
    %dma_wait3A_182 = arith.constant 0 : i32
    %dma_wait3A_183 = tpu.memref_slice %arg2[%dma_wait3A_181, %dma_wait3A_182] : memref<10000x128xf32, #tpu.memory_space<hbm>> -> memref<10000x128xf32, #tpu.memory_space<hbm>>
    tpu.wait_indirect_dma semaphore(%arg29 : memref<!tpu.dma_semaphore, #tpu.memory_space<semaphore_mem>>) src(%dma_wait3A_183 : memref<10000x128xf32, #tpu.memory_space<hbm>>) dst(%arg17 : memref<80x128xf32, #tpu.memory_space<vmem>>)
    %barrier3A_184 = arith.constant 0 : index
    tpu.barrier barrier_id(%barrier3A_184)
    %eq3A_185 = arith.constant 0 : i32
    %eq3A_186 = arith.cmpi eq, %arg0, %eq3A_185 : i32
    %convert_element_type3A = arith.extui %eq3A_186 : i1 to i32
    %cond3A = arith.constant 0 : i32
    %cond3A_187 = arith.cmpi ne, %convert_element_type3A, %cond3A : i32
    scf.if %cond3A_187 {
      %scan3A_193 = arith.constant 0 : i32
      %scan3A_194 = arith.constant 0 : i32
      %scan3A_195 = arith.constant 8 : i32
      %scan3A_196 = arith.addi %scan3A_194, %scan3A_195 : i32
      %scan3A_197 = arith.constant 1 : i32
      scf.for %scan3A_199 = %scan3A_194 to %scan3A_196 step %scan3A_197  : i32 {
        %mul3A_200 = arith.constant 80 : i32
        %mul3A_201 = arith.muli %scan3A_199, %mul3A_200 : i32
        %add3A_202 = arith.addi %mul3A_14, %mul3A_201 : i32
        "tpu.region"() ({
          %run_scoped3A = tpu.sem_alloc : memref<!tpu.dma_semaphore, #tpu.memory_space<semaphore_mem>>
          %dma_start3A_203 = arith.constant 0 : i32
          %dma_start3A_204 = tpu.memref_slice %arg9[%add3A_202, %dma_start3A_203] : memref<10240x128xf32, #tpu.memory_space<vmem_shared>> -> memref<80x128xf32, #tpu.memory_space<vmem_shared>>
          %dma_start3A_205 = arith.constant 0 : i32
          %dma_start3A_206 = tpu.memref_slice %arg9[%add3A_202, %dma_start3A_205] : memref<10240x128xf32, #tpu.memory_space<vmem_shared>> -> memref<80x128xf32, #tpu.memory_space<vmem_shared>>
          tpu.enqueue_dma source(%dma_start3A_206 : memref<80x128xf32, #tpu.memory_space<vmem_shared>>) target(%arg11 : memref<80x128xf32, #tpu.memory_space<vmem>>) target_semaphore(%run_scoped3A : memref<!tpu.dma_semaphore, #tpu.memory_space<semaphore_mem>>)
          %dma_wait3A_207 = arith.constant 0 : i32
          %dma_wait3A_208 = tpu.memref_slice %arg9[%add3A_202, %dma_wait3A_207] : memref<10240x128xf32, #tpu.memory_space<vmem_shared>> -> memref<80x128xf32, #tpu.memory_space<vmem_shared>>
          %dma_wait3A_209 = arith.constant 0 : i32
          %dma_wait3A_210 = tpu.memref_slice %arg9[%add3A_202, %dma_wait3A_209] : memref<10240x128xf32, #tpu.memory_space<vmem_shared>> -> memref<80x128xf32, #tpu.memory_space<vmem_shared>>
          tpu.wait_dma2 semaphore(%run_scoped3A : memref<!tpu.dma_semaphore, #tpu.memory_space<semaphore_mem>>) src(%dma_wait3A_210 : memref<80x128xf32, #tpu.memory_space<vmem_shared>>) dst(%arg11 : memref<80x128xf32, #tpu.memory_space<vmem>>)
          tpu.yield
        }) : () -> ()
        "tpu.region"() ({
          %run_scoped3A = tpu.sem_alloc : memref<!tpu.dma_semaphore, #tpu.memory_space<semaphore_mem>>
          %dma_start3A_203 = arith.constant 0 : i32
          %dma_start3A_204 = tpu.memref_slice %arg5[%add3A_202, %dma_start3A_203] : memref<10240x128xf32, #tpu.memory_space<hbm>> -> memref<80x128xf32, #tpu.memory_space<hbm>>
          %dma_start3A_205 = arith.constant 0 : i32
          %dma_start3A_206 = tpu.memref_slice %arg5[%add3A_202, %dma_start3A_205] : memref<10240x128xf32, #tpu.memory_space<hbm>> -> memref<80x128xf32, #tpu.memory_space<hbm>>
          tpu.enqueue_dma source(%arg11 : memref<80x128xf32, #tpu.memory_space<vmem>>) target(%dma_start3A_206 : memref<80x128xf32, #tpu.memory_space<hbm>>) target_semaphore(%run_scoped3A : memref<!tpu.dma_semaphore, #tpu.memory_space<semaphore_mem>>)
          %dma_wait3A_207 = arith.constant 0 : i32
          %dma_wait3A_208 = tpu.memref_slice %arg5[%add3A_202, %dma_wait3A_207] : memref<10240x128xf32, #tpu.memory_space<hbm>> -> memref<80x128xf32, #tpu.memory_space<hbm>>
          %dma_wait3A_209 = arith.constant 0 : i32
          %dma_wait3A_210 = tpu.memref_slice %arg5[%add3A_202, %dma_wait3A_209] : memref<10240x128xf32, #tpu.memory_space<hbm>> -> memref<80x128xf32, #tpu.memory_space<hbm>>
          tpu.wait_dma2 semaphore(%run_scoped3A : memref<!tpu.dma_semaphore, #tpu.memory_space<semaphore_mem>>) src(%arg11 : memref<80x128xf32, #tpu.memory_space<vmem>>) dst(%dma_wait3A_210 : memref<80x128xf32, #tpu.memory_space<hbm>>)
          tpu.yield
        }) : () -> ()
        "tpu.region"() ({
          %run_scoped3A = tpu.sem_alloc : memref<!tpu.dma_semaphore, #tpu.memory_space<semaphore_mem>>
          %dma_start3A_203 = arith.constant 0 : i32
          %dma_start3A_204 = tpu.memref_slice %arg10[%add3A_202, %dma_start3A_203] : memref<10240x16xf32, #tpu.memory_space<vmem_shared>> -> memref<80x16xf32, #tpu.memory_space<vmem_shared>>
          %dma_start3A_205 = arith.constant 0 : i32
          %dma_start3A_206 = tpu.memref_slice %arg10[%add3A_202, %dma_start3A_205] : memref<10240x16xf32, #tpu.memory_space<vmem_shared>> -> memref<80x16xf32, #tpu.memory_space<vmem_shared>>
          tpu.enqueue_dma source(%dma_start3A_206 : memref<80x16xf32, #tpu.memory_space<vmem_shared>>) target(%arg14 : memref<80x16xf32, #tpu.memory_space<vmem>>) target_semaphore(%run_scoped3A : memref<!tpu.dma_semaphore, #tpu.memory_space<semaphore_mem>>)
          %dma_wait3A_207 = arith.constant 0 : i32
          %dma_wait3A_208 = tpu.memref_slice %arg10[%add3A_202, %dma_wait3A_207] : memref<10240x16xf32, #tpu.memory_space<vmem_shared>> -> memref<80x16xf32, #tpu.memory_space<vmem_shared>>
          %dma_wait3A_209 = arith.constant 0 : i32
          %dma_wait3A_210 = tpu.memref_slice %arg10[%add3A_202, %dma_wait3A_209] : memref<10240x16xf32, #tpu.memory_space<vmem_shared>> -> memref<80x16xf32, #tpu.memory_space<vmem_shared>>
          tpu.wait_dma2 semaphore(%run_scoped3A : memref<!tpu.dma_semaphore, #tpu.memory_space<semaphore_mem>>) src(%dma_wait3A_210 : memref<80x16xf32, #tpu.memory_space<vmem_shared>>) dst(%arg14 : memref<80x16xf32, #tpu.memory_space<vmem>>)
          tpu.yield
        }) : () -> ()
        "tpu.region"() ({
          %run_scoped3A = tpu.sem_alloc : memref<!tpu.dma_semaphore, #tpu.memory_space<semaphore_mem>>
          %dma_start3A_203 = arith.constant 0 : i32
          %dma_start3A_204 = tpu.memref_slice %arg7[%add3A_202, %dma_start3A_203] : memref<10240x16xf32, #tpu.memory_space<hbm>> -> memref<80x16xf32, #tpu.memory_space<hbm>>
          %dma_start3A_205 = arith.constant 0 : i32
          %dma_start3A_206 = tpu.memref_slice %arg7[%add3A_202, %dma_start3A_205] : memref<10240x16xf32, #tpu.memory_space<hbm>> -> memref<80x16xf32, #tpu.memory_space<hbm>>
          tpu.enqueue_dma source(%arg14 : memref<80x16xf32, #tpu.memory_space<vmem>>) target(%dma_start3A_206 : memref<80x16xf32, #tpu.memory_space<hbm>>) target_semaphore(%run_scoped3A : memref<!tpu.dma_semaphore, #tpu.memory_space<semaphore_mem>>)
          %dma_wait3A_207 = arith.constant 0 : i32
          %dma_wait3A_208 = tpu.memref_slice %arg7[%add3A_202, %dma_wait3A_207] : memref<10240x16xf32, #tpu.memory_space<hbm>> -> memref<80x16xf32, #tpu.memory_space<hbm>>
          %dma_wait3A_209 = arith.constant 0 : i32
          %dma_wait3A_210 = tpu.memref_slice %arg7[%add3A_202, %dma_wait3A_209] : memref<10240x16xf32, #tpu.memory_space<hbm>> -> memref<80x16xf32, #tpu.memory_space<hbm>>
          tpu.wait_dma2 semaphore(%run_scoped3A : memref<!tpu.dma_semaphore, #tpu.memory_space<semaphore_mem>>) src(%arg14 : memref<80x16xf32, #tpu.memory_space<vmem>>) dst(%dma_wait3A_210 : memref<80x16xf32, #tpu.memory_space<hbm>>)
          tpu.yield
        }) : () -> ()
      }
      %scan3A_198 = arith.constant 8 : i32
    } else {
    }
    %eq3A_188 = arith.constant 1 : i32
    %eq3A_189 = arith.cmpi eq, %arg0, %eq3A_188 : i32
    %convert_element_type3A_190 = arith.extui %eq3A_189 : i1 to i32
    %cond3A_191 = arith.constant 0 : i32
    %cond3A_192 = arith.cmpi ne, %convert_element_type3A_190, %cond3A_191 : i32
    scf.if %cond3A_192 {
      %scan3A_193 = arith.constant 0 : i32
      %scan3A_194 = arith.constant 0 : i32
      %scan3A_195 = arith.constant 8 : i32
      %scan3A_196 = arith.addi %scan3A_194, %scan3A_195 : i32
      %scan3A_197 = arith.constant 1 : i32
      scf.for %scan3A_199 = %scan3A_194 to %scan3A_196 step %scan3A_197  : i32 {
        %mul3A_200 = arith.constant 80 : i32
        %mul3A_201 = arith.muli %scan3A_199, %mul3A_200 : i32
        %add3A_202 = arith.addi %mul3A_14, %mul3A_201 : i32
        "tpu.region"() ({
          %run_scoped3A = tpu.sem_alloc : memref<!tpu.dma_semaphore, #tpu.memory_space<semaphore_mem>>
          %dma_start3A_203 = arith.constant 0 : i32
          %dma_start3A_204 = tpu.memref_slice %arg9[%add3A_202, %dma_start3A_203] : memref<10240x128xf32, #tpu.memory_space<vmem_shared>> -> memref<80x128xf32, #tpu.memory_space<vmem_shared>>
          %dma_start3A_205 = arith.constant 0 : i32
          %dma_start3A_206 = tpu.memref_slice %arg9[%add3A_202, %dma_start3A_205] : memref<10240x128xf32, #tpu.memory_space<vmem_shared>> -> memref<80x128xf32, #tpu.memory_space<vmem_shared>>
          tpu.enqueue_dma source(%dma_start3A_206 : memref<80x128xf32, #tpu.memory_space<vmem_shared>>) target(%arg11 : memref<80x128xf32, #tpu.memory_space<vmem>>) target_semaphore(%run_scoped3A : memref<!tpu.dma_semaphore, #tpu.memory_space<semaphore_mem>>)
          %dma_wait3A_207 = arith.constant 0 : i32
          %dma_wait3A_208 = tpu.memref_slice %arg9[%add3A_202, %dma_wait3A_207] : memref<10240x128xf32, #tpu.memory_space<vmem_shared>> -> memref<80x128xf32, #tpu.memory_space<vmem_shared>>
          %dma_wait3A_209 = arith.constant 0 : i32
          %dma_wait3A_210 = tpu.memref_slice %arg9[%add3A_202, %dma_wait3A_209] : memref<10240x128xf32, #tpu.memory_space<vmem_shared>> -> memref<80x128xf32, #tpu.memory_space<vmem_shared>>
          tpu.wait_dma2 semaphore(%run_scoped3A : memref<!tpu.dma_semaphore, #tpu.memory_space<semaphore_mem>>) src(%dma_wait3A_210 : memref<80x128xf32, #tpu.memory_space<vmem_shared>>) dst(%arg11 : memref<80x128xf32, #tpu.memory_space<vmem>>)
          tpu.yield
        }) : () -> ()
        "tpu.region"() ({
          %run_scoped3A = tpu.sem_alloc : memref<!tpu.dma_semaphore, #tpu.memory_space<semaphore_mem>>
          %dma_start3A_203 = arith.constant 0 : i32
          %dma_start3A_204 = tpu.memref_slice %arg6[%add3A_202, %dma_start3A_203] : memref<10240x128xf32, #tpu.memory_space<hbm>> -> memref<80x128xf32, #tpu.memory_space<hbm>>
          %dma_start3A_205 = arith.constant 0 : i32
          %dma_start3A_206 = tpu.memref_slice %arg6[%add3A_202, %dma_start3A_205] : memref<10240x128xf32, #tpu.memory_space<hbm>> -> memref<80x128xf32, #tpu.memory_space<hbm>>
          tpu.enqueue_dma source(%arg11 : memref<80x128xf32, #tpu.memory_space<vmem>>) target(%dma_start3A_206 : memref<80x128xf32, #tpu.memory_space<hbm>>) target_semaphore(%run_scoped3A : memref<!tpu.dma_semaphore, #tpu.memory_space<semaphore_mem>>)
          %dma_wait3A_207 = arith.constant 0 : i32
          %dma_wait3A_208 = tpu.memref_slice %arg6[%add3A_202, %dma_wait3A_207] : memref<10240x128xf32, #tpu.memory_space<hbm>> -> memref<80x128xf32, #tpu.memory_space<hbm>>
          %dma_wait3A_209 = arith.constant 0 : i32
          %dma_wait3A_210 = tpu.memref_slice %arg6[%add3A_202, %dma_wait3A_209] : memref<10240x128xf32, #tpu.memory_space<hbm>> -> memref<80x128xf32, #tpu.memory_space<hbm>>
          tpu.wait_dma2 semaphore(%run_scoped3A : memref<!tpu.dma_semaphore, #tpu.memory_space<semaphore_mem>>) src(%arg11 : memref<80x128xf32, #tpu.memory_space<vmem>>) dst(%dma_wait3A_210 : memref<80x128xf32, #tpu.memory_space<hbm>>)
          tpu.yield
        }) : () -> ()
        "tpu.region"() ({
          %run_scoped3A = tpu.sem_alloc : memref<!tpu.dma_semaphore, #tpu.memory_space<semaphore_mem>>
          %dma_start3A_203 = arith.constant 0 : i32
          %dma_start3A_204 = tpu.memref_slice %arg10[%add3A_202, %dma_start3A_203] : memref<10240x16xf32, #tpu.memory_space<vmem_shared>> -> memref<80x16xf32, #tpu.memory_space<vmem_shared>>
          %dma_start3A_205 = arith.constant 0 : i32
          %dma_start3A_206 = tpu.memref_slice %arg10[%add3A_202, %dma_start3A_205] : memref<10240x16xf32, #tpu.memory_space<vmem_shared>> -> memref<80x16xf32, #tpu.memory_space<vmem_shared>>
          tpu.enqueue_dma source(%dma_start3A_206 : memref<80x16xf32, #tpu.memory_space<vmem_shared>>) target(%arg14 : memref<80x16xf32, #tpu.memory_space<vmem>>) target_semaphore(%run_scoped3A : memref<!tpu.dma_semaphore, #tpu.memory_space<semaphore_mem>>)
          %dma_wait3A_207 = arith.constant 0 : i32
          %dma_wait3A_208 = tpu.memref_slice %arg10[%add3A_202, %dma_wait3A_207] : memref<10240x16xf32, #tpu.memory_space<vmem_shared>> -> memref<80x16xf32, #tpu.memory_space<vmem_shared>>
          %dma_wait3A_209 = arith.constant 0 : i32
          %dma_wait3A_210 = tpu.memref_slice %arg10[%add3A_202, %dma_wait3A_209] : memref<10240x16xf32, #tpu.memory_space<vmem_shared>> -> memref<80x16xf32, #tpu.memory_space<vmem_shared>>
          tpu.wait_dma2 semaphore(%run_scoped3A : memref<!tpu.dma_semaphore, #tpu.memory_space<semaphore_mem>>) src(%dma_wait3A_210 : memref<80x16xf32, #tpu.memory_space<vmem_shared>>) dst(%arg14 : memref<80x16xf32, #tpu.memory_space<vmem>>)
          tpu.yield
        }) : () -> ()
        "tpu.region"() ({
          %run_scoped3A = tpu.sem_alloc : memref<!tpu.dma_semaphore, #tpu.memory_space<semaphore_mem>>
          %dma_start3A_203 = arith.constant 0 : i32
          %dma_start3A_204 = tpu.memref_slice %arg8[%add3A_202, %dma_start3A_203] : memref<10240x16xf32, #tpu.memory_space<hbm>> -> memref<80x16xf32, #tpu.memory_space<hbm>>
          %dma_start3A_205 = arith.constant 0 : i32
          %dma_start3A_206 = tpu.memref_slice %arg8[%add3A_202, %dma_start3A_205] : memref<10240x16xf32, #tpu.memory_space<hbm>> -> memref<80x16xf32, #tpu.memory_space<hbm>>
          tpu.enqueue_dma source(%arg14 : memref<80x16xf32, #tpu.memory_space<vmem>>) target(%dma_start3A_206 : memref<80x16xf32, #tpu.memory_space<hbm>>) target_semaphore(%run_scoped3A : memref<!tpu.dma_semaphore, #tpu.memory_space<semaphore_mem>>)
          %dma_wait3A_207 = arith.constant 0 : i32
          %dma_wait3A_208 = tpu.memref_slice %arg8[%add3A_202, %dma_wait3A_207] : memref<10240x16xf32, #tpu.memory_space<hbm>> -> memref<80x16xf32, #tpu.memory_space<hbm>>
          %dma_wait3A_209 = arith.constant 0 : i32
          %dma_wait3A_210 = tpu.memref_slice %arg8[%add3A_202, %dma_wait3A_209] : memref<10240x16xf32, #tpu.memory_space<hbm>> -> memref<80x16xf32, #tpu.memory_space<hbm>>
          tpu.wait_dma2 semaphore(%run_scoped3A : memref<!tpu.dma_semaphore, #tpu.memory_space<semaphore_mem>>) src(%arg14 : memref<80x16xf32, #tpu.memory_space<vmem>>) dst(%dma_wait3A_210 : memref<80x16xf32, #tpu.memory_space<hbm>>)
          tpu.yield
        }) : () -> ()
      }
      %scan3A_198 = arith.constant 8 : i32
    } else {
    }
    return
  }
}

#map = affine_map<(d0, d1) -> (0, 0)>
module attributes {stable_mosaic.version = 14 : i64} {
  func.func @_sc_body(%arg0: i32, %arg1: i32, %arg2: memref<10000x128xf32, #tpu.memory_space<hbm>>, %arg3: memref<10000x16xf32, #tpu.memory_space<hbm>>, %arg4: memref<2x320000xi32, #tpu.memory_space<hbm>>, %arg5: memref<10240x128xf32, #tpu.memory_space<hbm>>, %arg6: memref<10240x128xf32, #tpu.memory_space<hbm>>, %arg7: memref<10240x16xf32, #tpu.memory_space<hbm>>, %arg8: memref<10240x16xf32, #tpu.memory_space<hbm>>, %arg9: memref<10240x128xf32, #tpu.memory_space<vmem_shared>>, %arg10: memref<10240x16xf32, #tpu.memory_space<vmem_shared>>, %arg11: memref<80x128xf32, #tpu.memory_space<vmem>>, %arg12: memref<80x16xf32, #tpu.memory_space<vmem>>, %arg13: memref<80x16xf32, #tpu.memory_space<vmem>>, %arg14: memref<80x16xf32, #tpu.memory_space<vmem>>, %arg15: memref<2x80xi32, #tpu.memory_space<vmem>>, %arg16: memref<80xi32, #tpu.memory_space<vmem>>, %arg17: memref<80x128xf32, #tpu.memory_space<vmem>>, %arg18: memref<80x16xf32, #tpu.memory_space<vmem>>, %arg19: memref<80x16xf32, #tpu.memory_space<vmem>>, %arg20: memref<80x16xf32, #tpu.memory_space<vmem>>, %arg21: memref<2x80xi32, #tpu.memory_space<vmem>>, %arg22: memref<80xi32, #tpu.memory_space<vmem>>, %arg23: memref<!tpu.dma_semaphore, #tpu.memory_space<semaphore_mem>>, %arg24: memref<!tpu.dma_semaphore, #tpu.memory_space<semaphore_mem>>, %arg25: memref<!tpu.dma_semaphore, #tpu.memory_space<semaphore_mem>>, %arg26: memref<!tpu.dma_semaphore, #tpu.memory_space<semaphore_mem>>, %arg27: memref<!tpu.dma_semaphore, #tpu.memory_space<semaphore_mem>>, %arg28: memref<!tpu.dma_semaphore, #tpu.memory_space<semaphore_mem>>, %arg29: memref<!tpu.dma_semaphore, #tpu.memory_space<semaphore_mem>>, %arg30: memref<!tpu.dma_semaphore, #tpu.memory_space<semaphore_mem>>) attributes {dimension_semantics = [#tpu.dimension_semantics<core_parallel>, #tpu.dimension_semantics<subcore_parallel>], iteration_bounds = array<i64: 2, 16>, scalar_prefetch = 0 : i64, scratch_operands = 22 : i64, tpu.core_type = #tpu.core_type<sc_vector_subcore>, window_params = [{transform_indices = #map}, {transform_indices = #map}, {transform_indices = #map}, {transform_indices = #map}, {transform_indices = #map}, {transform_indices = #map}, {transform_indices = #map}]} {
    %mul3A = arith.constant 16 : i32
    %mul3A_0 = arith.muli %arg0, %mul3A : i32
    %add3A = arith.addi %mul3A_0, %arg1 : i32
    %broadcast_in_dim3A = arith.constant 0.000000e+00 : f32
    %broadcast_in_dim3A_1 = vector.broadcast %broadcast_in_dim3A : f32 to vector<16xf32>
    %scan3A = arith.constant 0 : i32
    %scan3A_2 = arith.constant 0 : i32
    %scan3A_3 = arith.constant 640 : i32
    %scan3A_4 = arith.addi %scan3A_2, %scan3A_3 : i32
    %scan3A_5 = arith.constant 1 : i32
    scf.for %scan3A_193 = %scan3A_2 to %scan3A_4 step %scan3A_5  : i32 {
      %jit3A_194 = arith.constant 8 : i32
      %div3A_195 = arith.divsi %scan3A_193, %jit3A_194 : i32
      %sign3A_196 = arith.constant 0 : i32
      %sign3A_197 = arith.cmpi sgt, %scan3A_193, %sign3A_196 : i32
      %sign3A_198 = arith.extui %sign3A_197 : i1 to i32
      %sign3A_199 = arith.constant 0 : i32
      %sign3A_200 = arith.cmpi slt, %scan3A_193, %sign3A_199 : i32
      %sign3A_201 = arith.extui %sign3A_200 : i1 to i32
      %sign3A_202 = arith.subi %sign3A_198, %sign3A_201 : i32
      %sign3A_203 = arith.constant 0 : i32
      %sign3A_204 = arith.cmpi sgt, %jit3A_194, %sign3A_203 : i32
      %sign3A_205 = arith.extui %sign3A_204 : i1 to i32
      %sign3A_206 = arith.constant 0 : i32
      %sign3A_207 = arith.cmpi slt, %jit3A_194, %sign3A_206 : i32
      %sign3A_208 = arith.extui %sign3A_207 : i1 to i32
      %sign3A_209 = arith.subi %sign3A_205, %sign3A_208 : i32
      %ne3A_210 = arith.cmpi ne, %sign3A_202, %sign3A_209 : i32
      %rem3A_211 = arith.remsi %scan3A_193, %jit3A_194 : i32
      %ne3A_212 = arith.constant 0 : i32
      %ne3A_213 = arith.cmpi ne, %rem3A_211, %ne3A_212 : i32
      %and3A_214 = arith.andi %ne3A_210, %ne3A_213 : i1
      %sub3A_215 = arith.constant 1 : i32
      %sub3A_216 = arith.subi %div3A_195, %sub3A_215 : i32
      %select_n3A_217 = arith.select %and3A_214, %sub3A_216, %div3A_195 : i32
      %jit3A_218 = arith.constant 8 : i32
      %eq3A_219 = arith.constant 0 : i32
      %eq3A_220 = arith.cmpi eq, %jit3A_218, %eq3A_219 : i32
      %jit3A_221 = arith.constant 1 : i32
      %select_n3A_222 = arith.select %eq3A_220, %jit3A_221, %jit3A_218 : i32
      %rem3A_223 = arith.remsi %scan3A_193, %select_n3A_222 : i32
      %ne3A_224 = arith.constant 0 : i32
      %ne3A_225 = arith.cmpi ne, %rem3A_223, %ne3A_224 : i32
      %lt3A_226 = arith.constant 0 : i32
      %lt3A_227 = arith.cmpi slt, %rem3A_223, %lt3A_226 : i32
      %lt3A_228 = arith.constant 0 : i32
      %lt3A_229 = arith.cmpi slt, %select_n3A_222, %lt3A_228 : i32
      %ne3A_230 = arith.xori %lt3A_227, %lt3A_229 : i1
      %and3A_231 = arith.andi %ne3A_230, %ne3A_225 : i1
      %add3A_232 = arith.addi %rem3A_223, %select_n3A_222 : i32
      %select_n3A_233 = arith.select %and3A_231, %add3A_232, %rem3A_223 : i32
      %mul3A_234 = arith.constant 16 : i32
      %mul3A_235 = arith.muli %select_n3A_233, %mul3A_234 : i32
      %swap3A = arith.index_cast %select_n3A_217 : i32 to index
      %swap3A_236 = arith.index_cast %mul3A_235 : i32 to index
      %swap3A_237 = tpu.vector_load %arg11[%swap3A, %swap3A_236] {strides = array<i32>} : memref<80x128xf32, #tpu.memory_space<vmem>>, vector<16xf32>,
      tpu.vector_store %arg11[%swap3A, %swap3A_236], %broadcast_in_dim3A_1 {strides = array<i32>} : memref<80x128xf32, #tpu.memory_space<vmem>>, vector<16xf32>,
    }
    %scan3A_6 = arith.constant 640 : i32
    %scan3A_7 = arith.constant 0 : i32
    %scan3A_8 = arith.constant 0 : i32
    %scan3A_9 = arith.constant 80 : i32
    %scan3A_10 = arith.addi %scan3A_8, %scan3A_9 : i32
    %scan3A_11 = arith.constant 1 : i32
    scf.for %scan3A_193 = %scan3A_8 to %scan3A_10 step %scan3A_11  : i32 {
      %swap3A = arith.index_cast %scan3A_193 : i32 to index
      %swap3A_194 = arith.constant 0 : index
      %swap3A_195 = tpu.vector_load %arg14[%swap3A, %swap3A_194] {strides = array<i32>} : memref<80x16xf32, #tpu.memory_space<vmem>>, vector<16xf32>,
      tpu.vector_store %arg14[%swap3A, %swap3A_194], %broadcast_in_dim3A_1 {strides = array<i32>} : memref<80x16xf32, #tpu.memory_space<vmem>>, vector<16xf32>,
      %swap3A_196 = arith.index_cast %scan3A_193 : i32 to index
      %swap3A_197 = arith.constant 0 : index
      %swap3A_198 = tpu.vector_load %arg20[%swap3A_196, %swap3A_197] {strides = array<i32>} : memref<80x16xf32, #tpu.memory_space<vmem>>, vector<16xf32>,
      tpu.vector_store %arg20[%swap3A_196, %swap3A_197], %broadcast_in_dim3A_1 {strides = array<i32>} : memref<80x16xf32, #tpu.memory_space<vmem>>, vector<16xf32>,
    }
    %scan3A_12 = arith.constant 80 : i32
    %mul3A_13 = arith.constant 640 : i32
    %mul3A_14 = arith.muli %arg1, %mul3A_13 : i32
    %scan3A_15 = arith.constant 0 : i32
    %scan3A_16 = arith.constant 0 : i32
    %scan3A_17 = arith.constant 8 : i32
    %scan3A_18 = arith.addi %scan3A_16, %scan3A_17 : i32
    %scan3A_19 = arith.constant 1 : i32
    scf.for %scan3A_193 = %scan3A_16 to %scan3A_18 step %scan3A_19  : i32 {
      %mul3A_194 = arith.constant 80 : i32
      %mul3A_195 = arith.muli %scan3A_193, %mul3A_194 : i32
      %add3A_196 = arith.addi %mul3A_14, %mul3A_195 : i32
      "tpu.region"() ({
        %run_scoped3A = tpu.sem_alloc : memref<!tpu.dma_semaphore, #tpu.memory_space<semaphore_mem>>
        %dma_start3A_197 = arith.constant 0 : i32
        %dma_start3A_198 = tpu.memref_slice %arg9[%add3A_196, %dma_start3A_197] : memref<10240x128xf32, #tpu.memory_space<vmem_shared>> -> memref<80x128xf32, #tpu.memory_space<vmem_shared>>
        %dma_start3A_199 = arith.constant 0 : i32
        %dma_start3A_200 = tpu.memref_slice %arg9[%add3A_196, %dma_start3A_199] : memref<10240x128xf32, #tpu.memory_space<vmem_shared>> -> memref<80x128xf32, #tpu.memory_space<vmem_shared>>
        tpu.enqueue_dma source(%arg11 : memref<80x128xf32, #tpu.memory_space<vmem>>) target(%dma_start3A_200 : memref<80x128xf32, #tpu.memory_space<vmem_shared>>) target_semaphore(%run_scoped3A : memref<!tpu.dma_semaphore, #tpu.memory_space<semaphore_mem>>)
        %dma_wait3A_201 = arith.constant 0 : i32
        %dma_wait3A_202 = tpu.memref_slice %arg9[%add3A_196, %dma_wait3A_201] : memref<10240x128xf32, #tpu.memory_space<vmem_shared>> -> memref<80x128xf32, #tpu.memory_space<vmem_shared>>
        %dma_wait3A_203 = arith.constant 0 : i32
        %dma_wait3A_204 = tpu.memref_slice %arg9[%add3A_196, %dma_wait3A_203] : memref<10240x128xf32, #tpu.memory_space<vmem_shared>> -> memref<80x128xf32, #tpu.memory_space<vmem_shared>>
        tpu.wait_dma2 semaphore(%run_scoped3A : memref<!tpu.dma_semaphore, #tpu.memory_space<semaphore_mem>>) src(%arg11 : memref<80x128xf32, #tpu.memory_space<vmem>>) dst(%dma_wait3A_204 : memref<80x128xf32, #tpu.memory_space<vmem_shared>>)
        tpu.yield
      }) : () -> ()
    }
    %scan3A_20 = arith.constant 8 : i32
    %scan3A_21 = arith.constant 0 : i32
    %scan3A_22 = arith.constant 0 : i32
    %scan3A_23 = arith.constant 8 : i32
    %scan3A_24 = arith.addi %scan3A_22, %scan3A_23 : i32
    %scan3A_25 = arith.constant 1 : i32
    scf.for %scan3A_193 = %scan3A_22 to %scan3A_24 step %scan3A_25  : i32 {
      %mul3A_194 = arith.constant 80 : i32
      %mul3A_195 = arith.muli %scan3A_193, %mul3A_194 : i32
      %add3A_196 = arith.addi %mul3A_14, %mul3A_195 : i32
      "tpu.region"() ({
        %run_scoped3A = tpu.sem_alloc : memref<!tpu.dma_semaphore, #tpu.memory_space<semaphore_mem>>
        %dma_start3A_197 = arith.constant 0 : i32
        %dma_start3A_198 = tpu.memref_slice %arg10[%add3A_196, %dma_start3A_197] : memref<10240x16xf32, #tpu.memory_space<vmem_shared>> -> memref<80x16xf32, #tpu.memory_space<vmem_shared>>
        %dma_start3A_199 = arith.constant 0 : i32
        %dma_start3A_200 = tpu.memref_slice %arg10[%add3A_196, %dma_start3A_199] : memref<10240x16xf32, #tpu.memory_space<vmem_shared>> -> memref<80x16xf32, #tpu.memory_space<vmem_shared>>
        tpu.enqueue_dma source(%arg14 : memref<80x16xf32, #tpu.memory_space<vmem>>) target(%dma_start3A_200 : memref<80x16xf32, #tpu.memory_space<vmem_shared>>) target_semaphore(%run_scoped3A : memref<!tpu.dma_semaphore, #tpu.memory_space<semaphore_mem>>)
        %dma_wait3A_201 = arith.constant 0 : i32
        %dma_wait3A_202 = tpu.memref_slice %arg10[%add3A_196, %dma_wait3A_201] : memref<10240x16xf32, #tpu.memory_space<vmem_shared>> -> memref<80x16xf32, #tpu.memory_space<vmem_shared>>
        %dma_wait3A_203 = arith.constant 0 : i32
        %dma_wait3A_204 = tpu.memref_slice %arg10[%add3A_196, %dma_wait3A_203] : memref<10240x16xf32, #tpu.memory_space<vmem_shared>> -> memref<80x16xf32, #tpu.memory_space<vmem_shared>>
        tpu.wait_dma2 semaphore(%run_scoped3A : memref<!tpu.dma_semaphore, #tpu.memory_space<semaphore_mem>>) src(%arg14 : memref<80x16xf32, #tpu.memory_space<vmem>>) dst(%dma_wait3A_204 : memref<80x16xf32, #tpu.memory_space<vmem_shared>>)
        tpu.yield
      }) : () -> ()
    }
    %scan3A_26 = arith.constant 8 : i32
    %barrier3A = arith.constant 0 : index
    tpu.barrier barrier_id(%barrier3A)
    %iota3A = tpu.iota {dimensions = array<i32: 0>} : vector<16xi32>
    %jit3A = arith.constant 4 : i32
    %div3A = vector.broadcast %jit3A : i32 to vector<16xi32>
    %div3A_27 = arith.divsi %iota3A, %div3A : vector<16xi32>
    %sign3A = arith.constant 0 : i32
    %sign3A_28 = vector.broadcast %sign3A : i32 to vector<16xi32>
    %sign3A_29 = arith.cmpi sgt, %iota3A, %sign3A_28 : vector<16xi32>
    %sign3A_30 = arith.extui %sign3A_29 : vector<16xi1> to vector<16xi32>
    %sign3A_31 = arith.constant 0 : i32
    %sign3A_32 = vector.broadcast %sign3A_31 : i32 to vector<16xi32>
    %sign3A_33 = arith.cmpi slt, %iota3A, %sign3A_32 : vector<16xi32>
    %sign3A_34 = arith.extui %sign3A_33 : vector<16xi1> to vector<16xi32>
    %sign3A_35 = arith.subi %sign3A_30, %sign3A_34 : vector<16xi32>
    %sign3A_36 = arith.constant 0 : i32
    %sign3A_37 = arith.cmpi sgt, %jit3A, %sign3A_36 : i32
    %sign3A_38 = arith.extui %sign3A_37 : i1 to i32
    %sign3A_39 = arith.constant 0 : i32
    %sign3A_40 = arith.cmpi slt, %jit3A, %sign3A_39 : i32
    %sign3A_41 = arith.extui %sign3A_40 : i1 to i32
    %sign3A_42 = arith.subi %sign3A_38, %sign3A_41 : i32
    %ne3A = vector.broadcast %sign3A_42 : i32 to vector<16xi32>
    %ne3A_43 = arith.cmpi ne, %sign3A_35, %ne3A : vector<16xi32>
    %rem3A = vector.broadcast %jit3A : i32 to vector<16xi32>
    %rem3A_44 = arith.remsi %iota3A, %rem3A : vector<16xi32>
    %ne3A_45 = arith.constant 0 : i32
    %ne3A_46 = vector.broadcast %ne3A_45 : i32 to vector<16xi32>
    %ne3A_47 = arith.cmpi ne, %rem3A_44, %ne3A_46 : vector<16xi32>
    %and3A = arith.andi %ne3A_43, %ne3A_47 : vector<16xi1>
    %sub3A = arith.constant 1 : i32
    %sub3A_48 = vector.broadcast %sub3A : i32 to vector<16xi32>
    %sub3A_49 = arith.subi %div3A_27, %sub3A_48 : vector<16xi32>
    %select_n3A = arith.select %and3A, %sub3A_49, %div3A_27 : vector<16xi1>, vector<16xi32>
    %jit3A_50 = arith.constant 4 : i32
    %eq3A = arith.constant 0 : i32
    %eq3A_51 = arith.cmpi eq, %jit3A_50, %eq3A : i32
    %jit3A_52 = arith.constant 1 : i32
    %select_n3A_53 = arith.select %eq3A_51, %jit3A_52, %jit3A_50 : i32
    %rem3A_54 = vector.broadcast %select_n3A_53 : i32 to vector<16xi32>
    %rem3A_55 = arith.remsi %iota3A, %rem3A_54 : vector<16xi32>
    %ne3A_56 = arith.constant 0 : i32
    %ne3A_57 = vector.broadcast %ne3A_56 : i32 to vector<16xi32>
    %ne3A_58 = arith.cmpi ne, %rem3A_55, %ne3A_57 : vector<16xi32>
    %lt3A = arith.constant 0 : i32
    %lt3A_59 = vector.broadcast %lt3A : i32 to vector<16xi32>
    %lt3A_60 = arith.cmpi slt, %rem3A_55, %lt3A_59 : vector<16xi32>
    %lt3A_61 = arith.constant 0 : i32
    %lt3A_62 = arith.cmpi slt, %select_n3A_53, %lt3A_61 : i32
    %ne3A_63 = vector.broadcast %lt3A_62 : i1 to vector<16xi1>
    %ne3A_64 = vector.broadcast %ne3A_63 : vector<16xi1> to vector<16xi1>
    %ne3A_65 = arith.xori %lt3A_60, %ne3A_64 : vector<16xi1>
    %and3A_66 = arith.andi %ne3A_65, %ne3A_58 : vector<16xi1>
    %add3A_67 = vector.broadcast %select_n3A_53 : i32 to vector<16xi32>
    %add3A_68 = arith.addi %rem3A_55, %add3A_67 : vector<16xi32>
    %select_n3A_69 = arith.select %and3A_66, %add3A_68, %rem3A_55 : vector<16xi1>, vector<16xi32>
    %mul3A_70 = arith.constant 10000 : i32
    %mul3A_71 = arith.muli %add3A, %mul3A_70 : i32
    %add3A_72 = arith.constant 0 : i32
    %add3A_73 = arith.addi %mul3A_71, %add3A_72 : i32
    "tpu.region"() ({
      %run_scoped3A = tpu.sem_alloc : memref<!tpu.dma_semaphore, #tpu.memory_space<semaphore_mem>>
      %dma_start3A_193 = arith.constant 0 : i32
      %dma_start3A_194 = tpu.memref_slice %arg4[%dma_start3A_193, %add3A_73] : memref<2x320000xi32, #tpu.memory_space<hbm>> -> memref<2x80xi32, #tpu.memory_space<hbm>>
      %dma_start3A_195 = arith.constant 0 : i32
      %dma_start3A_196 = tpu.memref_slice %arg4[%dma_start3A_195, %add3A_73] : memref<2x320000xi32, #tpu.memory_space<hbm>> -> memref<2x80xi32, #tpu.memory_space<hbm>>
      tpu.enqueue_dma source(%dma_start3A_196 : memref<2x80xi32, #tpu.memory_space<hbm>>) target(%arg15 : memref<2x80xi32, #tpu.memory_space<vmem>>) target_semaphore(%run_scoped3A : memref<!tpu.dma_semaphore, #tpu.memory_space<semaphore_mem>>)
      %dma_wait3A_197 = arith.constant 0 : i32
      %dma_wait3A_198 = tpu.memref_slice %arg4[%dma_wait3A_197, %add3A_73] : memref<2x320000xi32, #tpu.memory_space<hbm>> -> memref<2x80xi32, #tpu.memory_space<hbm>>
      %dma_wait3A_199 = arith.constant 0 : i32
      %dma_wait3A_200 = tpu.memref_slice %arg4[%dma_wait3A_199, %add3A_73] : memref<2x320000xi32, #tpu.memory_space<hbm>> -> memref<2x80xi32, #tpu.memory_space<hbm>>
      tpu.wait_dma2 semaphore(%run_scoped3A : memref<!tpu.dma_semaphore, #tpu.memory_space<semaphore_mem>>) src(%dma_wait3A_200 : memref<2x80xi32, #tpu.memory_space<hbm>>) dst(%arg15 : memref<2x80xi32, #tpu.memory_space<vmem>>)
      tpu.yield
    }) : () -> ()
    %dma_start3A = arith.constant 0 : i32
    %dma_start3A_74 = arith.constant 0 : i32
    %dma_start3A_75 = tpu.memref_slice %arg15[%dma_start3A, %dma_start3A_74] : memref<2x80xi32, #tpu.memory_space<vmem>> -> memref<1x80xi32, #tpu.memory_space<vmem>>
    %dma_start3A_76 = tpu.memref_squeeze %dma_start3A_75 : memref<1x80xi32, #tpu.memory_space<vmem>> -> memref<80xi32, #tpu.memory_space<vmem>>
    %dma_start3A_77 = arith.constant 0 : i32
    %dma_start3A_78 = arith.constant 0 : i32
    %dma_start3A_79 = tpu.memref_slice %arg3[%dma_start3A_77, %dma_start3A_78] : memref<10000x16xf32, #tpu.memory_space<hbm>> -> memref<10000x16xf32, #tpu.memory_space<hbm>>
    tpu.enqueue_indirect_dma source(%dma_start3A_79 : memref<10000x16xf32, #tpu.memory_space<hbm>>) target(%arg12 : memref<80x16xf32, #tpu.memory_space<vmem>>) offsets(%dma_start3A_76 : memref<80xi32, #tpu.memory_space<vmem>>) semaphore(%arg23 : memref<!tpu.dma_semaphore, #tpu.memory_space<semaphore_mem>>)
    %dma_start3A_80 = arith.constant 1 : i32
    %dma_start3A_81 = arith.constant 0 : i32
    %dma_start3A_82 = tpu.memref_slice %arg15[%dma_start3A_80, %dma_start3A_81] : memref<2x80xi32, #tpu.memory_space<vmem>> -> memref<1x80xi32, #tpu.memory_space<vmem>>
    %dma_start3A_83 = tpu.memref_squeeze %dma_start3A_82 : memref<1x80xi32, #tpu.memory_space<vmem>> -> memref<80xi32, #tpu.memory_space<vmem>>
    %dma_start3A_84 = arith.constant 0 : i32
    %dma_start3A_85 = arith.constant 0 : i32
    %dma_start3A_86 = tpu.memref_slice %arg3[%dma_start3A_84, %dma_start3A_85] : memref<10000x16xf32, #tpu.memory_space<hbm>> -> memref<10000x16xf32, #tpu.memory_space<hbm>>
    tpu.enqueue_indirect_dma source(%dma_start3A_86 : memref<10000x16xf32, #tpu.memory_space<hbm>>) target(%arg13 : memref<80x16xf32, #tpu.memory_space<vmem>>) offsets(%dma_start3A_83 : memref<80xi32, #tpu.memory_space<vmem>>) semaphore(%arg24 : memref<!tpu.dma_semaphore, #tpu.memory_space<semaphore_mem>>)
    %dma_start3A_87 = arith.constant 0 : i32
    %dma_start3A_88 = arith.constant 0 : i32
    %dma_start3A_89 = tpu.memref_slice %arg15[%dma_start3A_87, %dma_start3A_88] : memref<2x80xi32, #tpu.memory_space<vmem>> -> memref<1x80xi32, #tpu.memory_space<vmem>>
    %dma_start3A_90 = tpu.memref_squeeze %dma_start3A_89 : memref<1x80xi32, #tpu.memory_space<vmem>> -> memref<80xi32, #tpu.memory_space<vmem>>
    %dma_start3A_91 = arith.constant 0 : i32
    %dma_start3A_92 = arith.constant 0 : i32
    %dma_start3A_93 = tpu.memref_slice %arg2[%dma_start3A_91, %dma_start3A_92] : memref<10000x128xf32, #tpu.memory_space<hbm>> -> memref<10000x128xf32, #tpu.memory_space<hbm>>
    tpu.enqueue_indirect_dma source(%dma_start3A_93 : memref<10000x128xf32, #tpu.memory_space<hbm>>) target(%arg11 : memref<80x128xf32, #tpu.memory_space<vmem>>) offsets(%dma_start3A_90 : memref<80xi32, #tpu.memory_space<vmem>>) semaphore(%arg25 : memref<!tpu.dma_semaphore, #tpu.memory_space<semaphore_mem>>)
    %mul3A_94 = arith.constant 10000 : i32
    %mul3A_95 = arith.muli %add3A, %mul3A_94 : i32
    %add3A_96 = arith.constant 80 : i32
    %add3A_97 = arith.addi %mul3A_95, %add3A_96 : i32
    "tpu.region"() ({
      %run_scoped3A = tpu.sem_alloc : memref<!tpu.dma_semaphore, #tpu.memory_space<semaphore_mem>>
      %dma_start3A_193 = arith.constant 0 : i32
      %dma_start3A_194 = tpu.memref_slice %arg4[%dma_start3A_193, %add3A_97] : memref<2x320000xi32, #tpu.memory_space<hbm>> -> memref<2x80xi32, #tpu.memory_space<hbm>>
      %dma_start3A_195 = arith.constant 0 : i32
      %dma_start3A_196 = tpu.memref_slice %arg4[%dma_start3A_195, %add3A_97] : memref<2x320000xi32, #tpu.memory_space<hbm>> -> memref<2x80xi32, #tpu.memory_space<hbm>>
      tpu.enqueue_dma source(%dma_start3A_196 : memref<2x80xi32, #tpu.memory_space<hbm>>) target(%arg21 : memref<2x80xi32, #tpu.memory_space<vmem>>) target_semaphore(%run_scoped3A : memref<!tpu.dma_semaphore, #tpu.memory_space<semaphore_mem>>)
      %dma_wait3A_197 = arith.constant 0 : i32
      %dma_wait3A_198 = tpu.memref_slice %arg4[%dma_wait3A_197, %add3A_97] : memref<2x320000xi32, #tpu.memory_space<hbm>> -> memref<2x80xi32, #tpu.memory_space<hbm>>
      %dma_wait3A_199 = arith.constant 0 : i32
      %dma_wait3A_200 = tpu.memref_slice %arg4[%dma_wait3A_199, %add3A_97] : memref<2x320000xi32, #tpu.memory_space<hbm>> -> memref<2x80xi32, #tpu.memory_space<hbm>>
      tpu.wait_dma2 semaphore(%run_scoped3A : memref<!tpu.dma_semaphore, #tpu.memory_space<semaphore_mem>>) src(%dma_wait3A_200 : memref<2x80xi32, #tpu.memory_space<hbm>>) dst(%arg21 : memref<2x80xi32, #tpu.memory_space<vmem>>)
      tpu.yield
    }) : () -> ()
    %dma_start3A_98 = arith.constant 0 : i32
    %dma_start3A_99 = arith.constant 0 : i32
    %dma_start3A_100 = tpu.memref_slice %arg21[%dma_start3A_98, %dma_start3A_99] : memref<2x80xi32, #tpu.memory_space<vmem>> -> memref<1x80xi32, #tpu.memory_space<vmem>>
    %dma_start3A_101 = tpu.memref_squeeze %dma_start3A_100 : memref<1x80xi32, #tpu.memory_space<vmem>> -> memref<80xi32, #tpu.memory_space<vmem>>
    %dma_start3A_102 = arith.constant 0 : i32
    %dma_start3A_103 = arith.constant 0 : i32
    %dma_start3A_104 = tpu.memref_slice %arg3[%dma_start3A_102, %dma_start3A_103] : memref<10000x16xf32, #tpu.memory_space<hbm>> -> memref<10000x16xf32, #tpu.memory_space<hbm>>
    tpu.enqueue_indirect_dma source(%dma_start3A_104 : memref<10000x16xf32, #tpu.memory_space<hbm>>) target(%arg18 : memref<80x16xf32, #tpu.memory_space<vmem>>) offsets(%dma_start3A_101 : memref<80xi32, #tpu.memory_space<vmem>>) semaphore(%arg27 : memref<!tpu.dma_semaphore, #tpu.memory_space<semaphore_mem>>)
    %dma_start3A_105 = arith.constant 1 : i32
    %dma_start3A_106 = arith.constant 0 : i32
    %dma_start3A_107 = tpu.memref_slice %arg21[%dma_start3A_105, %dma_start3A_106] : memref<2x80xi32, #tpu.memory_space<vmem>> -> memref<1x80xi32, #tpu.memory_space<vmem>>
    %dma_start3A_108 = tpu.memref_squeeze %dma_start3A_107 : memref<1x80xi32, #tpu.memory_space<vmem>> -> memref<80xi32, #tpu.memory_space<vmem>>
    %dma_start3A_109 = arith.constant 0 : i32
    %dma_start3A_110 = arith.constant 0 : i32
    %dma_start3A_111 = tpu.memref_slice %arg3[%dma_start3A_109, %dma_start3A_110] : memref<10000x16xf32, #tpu.memory_space<hbm>> -> memref<10000x16xf32, #tpu.memory_space<hbm>>
    tpu.enqueue_indirect_dma source(%dma_start3A_111 : memref<10000x16xf32, #tpu.memory_space<hbm>>) target(%arg19 : memref<80x16xf32, #tpu.memory_space<vmem>>) offsets(%dma_start3A_108 : memref<80xi32, #tpu.memory_space<vmem>>) semaphore(%arg28 : memref<!tpu.dma_semaphore, #tpu.memory_space<semaphore_mem>>)
    %dma_start3A_112 = arith.constant 0 : i32
    %dma_start3A_113 = arith.constant 0 : i32
    %dma_start3A_114 = tpu.memref_slice %arg21[%dma_start3A_112, %dma_start3A_113] : memref<2x80xi32, #tpu.memory_space<vmem>> -> memref<1x80xi32, #tpu.memory_space<vmem>>
    %dma_start3A_115 = tpu.memref_squeeze %dma_start3A_114 : memref<1x80xi32, #tpu.memory_space<vmem>> -> memref<80xi32, #tpu.memory_space<vmem>>
    %dma_start3A_116 = arith.constant 0 : i32
    %dma_start3A_117 = arith.constant 0 : i32
    %dma_start3A_118 = tpu.memref_slice %arg2[%dma_start3A_116, %dma_start3A_117] : memref<10000x128xf32, #tpu.memory_space<hbm>> -> memref<10000x128xf32, #tpu.memory_space<hbm>>
    tpu.enqueue_indirect_dma source(%dma_start3A_118 : memref<10000x128xf32, #tpu.memory_space<hbm>>) target(%arg17 : memref<80x128xf32, #tpu.memory_space<vmem>>) offsets(%dma_start3A_115 : memref<80xi32, #tpu.memory_space<vmem>>) semaphore(%arg29 : memref<!tpu.dma_semaphore, #tpu.memory_space<semaphore_mem>>)
    %scan3A_119 = arith.constant 0 : i32
    %scan3A_120 = arith.constant 0 : i32
    %scan3A_121 = arith.constant 62 : i32
    %scan3A_122 = arith.addi %scan3A_120, %scan3A_121 : i32
    %scan3A_123 = arith.constant 1 : i32
    scf.for %scan3A_193 = %scan3A_120 to %scan3A_122 step %scan3A_123  : i32 {
      %dma_wait3A_194 = arith.constant 0 : i32
      %dma_wait3A_195 = arith.constant 0 : i32
      %dma_wait3A_196 = tpu.memref_slice %arg15[%dma_wait3A_194, %dma_wait3A_195] : memref<2x80xi32, #tpu.memory_space<vmem>> -> memref<1x80xi32, #tpu.memory_space<vmem>>
      %dma_wait3A_197 = tpu.memref_squeeze %dma_wait3A_196 : memref<1x80xi32, #tpu.memory_space<vmem>> -> memref<80xi32, #tpu.memory_space<vmem>>
      %dma_wait3A_198 = arith.constant 0 : i32
      %dma_wait3A_199 = arith.constant 0 : i32
      %dma_wait3A_200 = tpu.memref_slice %arg3[%dma_wait3A_198, %dma_wait3A_199] : memref<10000x16xf32, #tpu.memory_space<hbm>> -> memref<10000x16xf32, #tpu.memory_space<hbm>>
      tpu.wait_indirect_dma semaphore(%arg23 : memref<!tpu.dma_semaphore, #tpu.memory_space<semaphore_mem>>) src(%dma_wait3A_200 : memref<10000x16xf32, #tpu.memory_space<hbm>>) dst(%arg12 : memref<80x16xf32, #tpu.memory_space<vmem>>)
      %dma_wait3A_201 = arith.constant 1 : i32
      %dma_wait3A_202 = arith.constant 0 : i32
      %dma_wait3A_203 = tpu.memref_slice %arg15[%dma_wait3A_201, %dma_wait3A_202] : memref<2x80xi32, #tpu.memory_space<vmem>> -> memref<1x80xi32, #tpu.memory_space<vmem>>
      %dma_wait3A_204 = tpu.memref_squeeze %dma_wait3A_203 : memref<1x80xi32, #tpu.memory_space<vmem>> -> memref<80xi32, #tpu.memory_space<vmem>>
      %dma_wait3A_205 = arith.constant 0 : i32
      %dma_wait3A_206 = arith.constant 0 : i32
      %dma_wait3A_207 = tpu.memref_slice %arg3[%dma_wait3A_205, %dma_wait3A_206] : memref<10000x16xf32, #tpu.memory_space<hbm>> -> memref<10000x16xf32, #tpu.memory_space<hbm>>
      tpu.wait_indirect_dma semaphore(%arg24 : memref<!tpu.dma_semaphore, #tpu.memory_space<semaphore_mem>>) src(%dma_wait3A_207 : memref<10000x16xf32, #tpu.memory_space<hbm>>) dst(%arg13 : memref<80x16xf32, #tpu.memory_space<vmem>>)
      %dma_wait3A_208 = arith.constant 0 : i32
      %dma_wait3A_209 = arith.constant 0 : i32
      %dma_wait3A_210 = tpu.memref_slice %arg15[%dma_wait3A_208, %dma_wait3A_209] : memref<2x80xi32, #tpu.memory_space<vmem>> -> memref<1x80xi32, #tpu.memory_space<vmem>>
      %dma_wait3A_211 = tpu.memref_squeeze %dma_wait3A_210 : memref<1x80xi32, #tpu.memory_space<vmem>> -> memref<80xi32, #tpu.memory_space<vmem>>
      %dma_wait3A_212 = arith.constant 0 : i32
      %dma_wait3A_213 = arith.constant 0 : i32
      %dma_wait3A_214 = tpu.memref_slice %arg2[%dma_wait3A_212, %dma_wait3A_213] : memref<10000x128xf32, #tpu.memory_space<hbm>> -> memref<10000x128xf32, #tpu.memory_space<hbm>>
      tpu.wait_indirect_dma semaphore(%arg25 : memref<!tpu.dma_semaphore, #tpu.memory_space<semaphore_mem>>) src(%dma_wait3A_214 : memref<10000x128xf32, #tpu.memory_space<hbm>>) dst(%arg11 : memref<80x128xf32, #tpu.memory_space<vmem>>)
      %scan3A_215 = arith.constant 0 : i32
      %scan3A_216 = arith.constant 0 : i32
      %scan3A_217 = arith.constant 5 : i32
      %scan3A_218 = arith.addi %scan3A_216, %scan3A_217 : i32
      %scan3A_219 = arith.constant 1 : i32
      scf.for %scan3A_335 = %scan3A_216 to %scan3A_218 step %scan3A_219  : i32 {
        %mul3A_336 = arith.constant 16 : i32
        %mul3A_337 = arith.muli %scan3A_335, %mul3A_336 : i32
        %get3A = arith.constant 1 : i32
        %get3A_338 = arith.index_cast %get3A : i32 to index
        %get3A_339 = arith.index_cast %mul3A_337 : i32 to index
        %get3A_340 = tpu.vector_load %arg15[%get3A_338, %get3A_339] {strides = array<i32>} : memref<2x80xi32, #tpu.memory_space<vmem>>, vector<16xi32>,
        %mul3A_341 = arith.constant 16 : i32
        %mul3A_342 = arith.muli %scan3A_335, %mul3A_341 : i32
        %swap3A = arith.index_cast %mul3A_342 : i32 to index
        %swap3A_343 = tpu.vector_load %arg16[%swap3A] {strides = array<i32>} : memref<80xi32, #tpu.memory_space<vmem>>, vector<16xi32>,
        tpu.vector_store %arg16[%swap3A], %get3A_340 {strides = array<i32>} : memref<80xi32, #tpu.memory_space<vmem>>, vector<16xi32>,
      }
      %scan3A_220 = arith.constant 5 : i32
      %scan3A_221 = arith.constant 0 : i32
      %scan3A_222 = arith.constant 0 : i32
      %scan3A_223 = arith.constant 20 : i32
      %scan3A_224 = arith.addi %scan3A_222, %scan3A_223 : i32
      %scan3A_225 = arith.constant 1 : i32
      scf.for %scan3A_335 = %scan3A_222 to %scan3A_224 step %scan3A_225  : i32 {
        %mul3A_336 = arith.constant 4 : i32
        %mul3A_337 = arith.muli %scan3A_335, %mul3A_336 : i32
        %add3A_338 = vector.broadcast %mul3A_337 : i32 to vector<16xi32>
        %add3A_339 = arith.addi %add3A_338, %select_n3A : vector<16xi32>
        %gather3A = tpu.vector_load_idx %arg12[%add3A_339, %select_n3A_69] : memref<80x16xf32, #tpu.memory_space<vmem>>[vector<16xi32>, vector<16xi32>], vector<16xf32>,
        %add3A_340 = arith.constant 4 : i32
        %add3A_341 = vector.broadcast %add3A_340 : i32 to vector<16xi32>
        %add3A_342 = arith.addi %select_n3A_69, %add3A_341 : vector<16xi32>
        %gather3A_343 = tpu.vector_load_idx %arg13[%add3A_339, %add3A_342] : memref<80x16xf32, #tpu.memory_space<vmem>>[vector<16xi32>, vector<16xi32>], vector<16xf32>,
        %add3A_344 = arith.addf %gather3A, %gather3A_343 : vector<16xf32>
        %gt3A = arith.constant 0.000000e+00 : f32
        %gt3A_345 = vector.broadcast %gt3A : f32 to vector<16xf32>
        %gt3A_346 = arith.cmpf ogt, %add3A_344, %gt3A_345 : vector<16xf32>
        %mul3A_347 = arith.constant 2.000000e-01 : f32
        %mul3A_348 = vector.broadcast %mul3A_347 : f32 to vector<16xf32>
        %mul3A_349 = arith.mulf %add3A_344, %mul3A_348 : vector<16xf32>
        %select_n3A_350 = arith.select %gt3A_346, %add3A_344, %mul3A_349 : vector<16xi1>, vector<16xf32>
        %exp3A = math.exp %select_n3A_350 : vector<16xf32>
        tpu.vector_store_idx %arg14[%add3A_339, %select_n3A_69], %exp3A : memref<80x16xf32, #tpu.memory_space<vmem>>[vector<16xi32>, vector<16xi32>], vector<16xf32>,
        %mul3A_351 = arith.constant 4 : i32
        %mul3A_352 = arith.muli %scan3A_335, %mul3A_351 : i32
        %add3A_353 = arith.constant 0 : i32
        %add3A_354 = arith.addi %mul3A_352, %add3A_353 : i32
        %slice3A = vector.extract_strided_slice %exp3A {offsets = [0], sizes = [1], strides = [1]} : vector<16xf32> to vector<1xf32>
        %squeeze3A = vector.extract %slice3A[0] : f32 from vector<1xf32>
        %get3A = arith.index_cast %add3A_354 : i32 to index
        %get3A_355 = arith.constant 0 : index
        %get3A_356 = tpu.vector_load %arg11[%get3A, %get3A_355] {strides = array<i32>} : memref<80x128xf32, #tpu.memory_space<vmem>>, vector<16xf32>,
        %mul3A_357 = vector.broadcast %squeeze3A : f32 to vector<16xf32>
        %mul3A_358 = arith.mulf %get3A_356, %mul3A_357 : vector<16xf32>
        %swap3A = arith.index_cast %add3A_354 : i32 to index
        %swap3A_359 = arith.constant 0 : index
        %swap3A_360 = tpu.vector_load %arg11[%swap3A, %swap3A_359] {strides = array<i32>} : memref<80x128xf32, #tpu.memory_space<vmem>>, vector<16xf32>,
        tpu.vector_store %arg11[%swap3A, %swap3A_359], %mul3A_358 {strides = array<i32>} : memref<80x128xf32, #tpu.memory_space<vmem>>, vector<16xf32>,
        %get3A_361 = arith.index_cast %add3A_354 : i32 to index
        %get3A_362 = arith.constant 16 : index
        %get3A_363 = tpu.vector_load %arg11[%get3A_361, %get3A_362] {strides = array<i32>} : memref<80x128xf32, #tpu.memory_space<vmem>>, vector<16xf32>,
        %mul3A_364 = vector.broadcast %squeeze3A : f32 to vector<16xf32>
        %mul3A_365 = arith.mulf %get3A_363, %mul3A_364 : vector<16xf32>
        %swap3A_366 = arith.index_cast %add3A_354 : i32 to index
        %swap3A_367 = arith.constant 16 : index
        %swap3A_368 = tpu.vector_load %arg11[%swap3A_366, %swap3A_367] {strides = array<i32>} : memref<80x128xf32, #tpu.memory_space<vmem>>, vector<16xf32>,
        tpu.vector_store %arg11[%swap3A_366, %swap3A_367], %mul3A_365 {strides = array<i32>} : memref<80x128xf32, #tpu.memory_space<vmem>>, vector<16xf32>,
        %slice3A_369 = vector.extract_strided_slice %exp3A {offsets = [1], sizes = [1], strides = [1]} : vector<16xf32> to vector<1xf32>
        %squeeze3A_370 = vector.extract %slice3A_369[0] : f32 from vector<1xf32>
        %get3A_371 = arith.index_cast %add3A_354 : i32 to index
        %get3A_372 = arith.constant 32 : index
        %get3A_373 = tpu.vector_load %arg11[%get3A_371, %get3A_372] {strides = array<i32>} : memref<80x128xf32, #tpu.memory_space<vmem>>, vector<16xf32>,
        %mul3A_374 = vector.broadcast %squeeze3A_370 : f32 to vector<16xf32>
        %mul3A_375 = arith.mulf %get3A_373, %mul3A_374 : vector<16xf32>
        %swap3A_376 = arith.index_cast %add3A_354 : i32 to index
        %swap3A_377 = arith.constant 32 : index
        %swap3A_378 = tpu.vector_load %arg11[%swap3A_376, %swap3A_377] {strides = array<i32>} : memref<80x128xf32, #tpu.memory_space<vmem>>, vector<16xf32>,
        tpu.vector_store %arg11[%swap3A_376, %swap3A_377], %mul3A_375 {strides = array<i32>} : memref<80x128xf32, #tpu.memory_space<vmem>>, vector<16xf32>,
        %get3A_379 = arith.index_cast %add3A_354 : i32 to index
        %get3A_380 = arith.constant 48 : index
        %get3A_381 = tpu.vector_load %arg11[%get3A_379, %get3A_380] {strides = array<i32>} : memref<80x128xf32, #tpu.memory_space<vmem>>, vector<16xf32>,
        %mul3A_382 = vector.broadcast %squeeze3A_370 : f32 to vector<16xf32>
        %mul3A_383 = arith.mulf %get3A_381, %mul3A_382 : vector<16xf32>
        %swap3A_384 = arith.index_cast %add3A_354 : i32 to index
        %swap3A_385 = arith.constant 48 : index
        %swap3A_386 = tpu.vector_load %arg11[%swap3A_384, %swap3A_385] {strides = array<i32>} : memref<80x128xf32, #tpu.memory_space<vmem>>, vector<16xf32>,
        tpu.vector_store %arg11[%swap3A_384, %swap3A_385], %mul3A_383 {strides = array<i32>} : memref<80x128xf32, #tpu.memory_space<vmem>>, vector<16xf32>,
        %slice3A_387 = vector.extract_strided_slice %exp3A {offsets = [2], sizes = [1], strides = [1]} : vector<16xf32> to vector<1xf32>
        %squeeze3A_388 = vector.extract %slice3A_387[0] : f32 from vector<1xf32>
        %get3A_389 = arith.index_cast %add3A_354 : i32 to index
        %get3A_390 = arith.constant 64 : index
        %get3A_391 = tpu.vector_load %arg11[%get3A_389, %get3A_390] {strides = array<i32>} : memref<80x128xf32, #tpu.memory_space<vmem>>, vector<16xf32>,
        %mul3A_392 = vector.broadcast %squeeze3A_388 : f32 to vector<16xf32>
        %mul3A_393 = arith.mulf %get3A_391, %mul3A_392 : vector<16xf32>
        %swap3A_394 = arith.index_cast %add3A_354 : i32 to index
        %swap3A_395 = arith.constant 64 : index
        %swap3A_396 = tpu.vector_load %arg11[%swap3A_394, %swap3A_395] {strides = array<i32>} : memref<80x128xf32, #tpu.memory_space<vmem>>, vector<16xf32>,
        tpu.vector_store %arg11[%swap3A_394, %swap3A_395], %mul3A_393 {strides = array<i32>} : memref<80x128xf32, #tpu.memory_space<vmem>>, vector<16xf32>,
        %get3A_397 = arith.index_cast %add3A_354 : i32 to index
        %get3A_398 = arith.constant 80 : index
        %get3A_399 = tpu.vector_load %arg11[%get3A_397, %get3A_398] {strides = array<i32>} : memref<80x128xf32, #tpu.memory_space<vmem>>, vector<16xf32>,
        %mul3A_400 = vector.broadcast %squeeze3A_388 : f32 to vector<16xf32>
        %mul3A_401 = arith.mulf %get3A_399, %mul3A_400 : vector<16xf32>
        %swap3A_402 = arith.index_cast %add3A_354 : i32 to index
        %swap3A_403 = arith.constant 80 : index
        %swap3A_404 = tpu.vector_load %arg11[%swap3A_402, %swap3A_403] {strides = array<i32>} : memref<80x128xf32, #tpu.memory_space<vmem>>, vector<16xf32>,
        tpu.vector_store %arg11[%swap3A_402, %swap3A_403], %mul3A_401 {strides = array<i32>} : memref<80x128xf32, #tpu.memory_space<vmem>>, vector<16xf32>,
        %slice3A_405 = vector.extract_strided_slice %exp3A {offsets = [3], sizes = [1], strides = [1]} : vector<16xf32> to vector<1xf32>
        %squeeze3A_406 = vector.extract %slice3A_405[0] : f32 from vector<1xf32>
        %get3A_407 = arith.index_cast %add3A_354 : i32 to index
        %get3A_408 = arith.constant 96 : index
        %get3A_409 = tpu.vector_load %arg11[%get3A_407, %get3A_408] {strides = array<i32>} : memref<80x128xf32, #tpu.memory_space<vmem>>, vector<16xf32>,
        %mul3A_410 = vector.broadcast %squeeze3A_406 : f32 to vector<16xf32>
        %mul3A_411 = arith.mulf %get3A_409, %mul3A_410 : vector<16xf32>
        %swap3A_412 = arith.index_cast %add3A_354 : i32 to index
        %swap3A_413 = arith.constant 96 : index
        %swap3A_414 = tpu.vector_load %arg11[%swap3A_412, %swap3A_413] {strides = array<i32>} : memref<80x128xf32, #tpu.memory_space<vmem>>, vector<16xf32>,
        tpu.vector_store %arg11[%swap3A_412, %swap3A_413], %mul3A_411 {strides = array<i32>} : memref<80x128xf32, #tpu.memory_space<vmem>>, vector<16xf32>,
        %get3A_415 = arith.index_cast %add3A_354 : i32 to index
        %get3A_416 = arith.constant 112 : index
        %get3A_417 = tpu.vector_load %arg11[%get3A_415, %get3A_416] {strides = array<i32>} : memref<80x128xf32, #tpu.memory_space<vmem>>, vector<16xf32>,
        %mul3A_418 = vector.broadcast %squeeze3A_406 : f32 to vector<16xf32>
        %mul3A_419 = arith.mulf %get3A_417, %mul3A_418 : vector<16xf32>
        %swap3A_420 = arith.index_cast %add3A_354 : i32 to index
        %swap3A_421 = arith.constant 112 : index
        %swap3A_422 = tpu.vector_load %arg11[%swap3A_420, %swap3A_421] {strides = array<i32>} : memref<80x128xf32, #tpu.memory_space<vmem>>, vector<16xf32>,
        tpu.vector_store %arg11[%swap3A_420, %swap3A_421], %mul3A_419 {strides = array<i32>} : memref<80x128xf32, #tpu.memory_space<vmem>>, vector<16xf32>,
        %mul3A_423 = arith.constant 4 : i32
        %mul3A_424 = arith.muli %scan3A_335, %mul3A_423 : i32
        %add3A_425 = arith.constant 1 : i32
        %add3A_426 = arith.addi %mul3A_424, %add3A_425 : i32
        %slice3A_427 = vector.extract_strided_slice %exp3A {offsets = [4], sizes = [1], strides = [1]} : vector<16xf32> to vector<1xf32>
        %squeeze3A_428 = vector.extract %slice3A_427[0] : f32 from vector<1xf32>
        %get3A_429 = arith.index_cast %add3A_426 : i32 to index
        %get3A_430 = arith.constant 0 : index
        %get3A_431 = tpu.vector_load %arg11[%get3A_429, %get3A_430] {strides = array<i32>} : memref<80x128xf32, #tpu.memory_space<vmem>>, vector<16xf32>,
        %mul3A_432 = vector.broadcast %squeeze3A_428 : f32 to vector<16xf32>
        %mul3A_433 = arith.mulf %get3A_431, %mul3A_432 : vector<16xf32>
        %swap3A_434 = arith.index_cast %add3A_426 : i32 to index
        %swap3A_435 = arith.constant 0 : index
        %swap3A_436 = tpu.vector_load %arg11[%swap3A_434, %swap3A_435] {strides = array<i32>} : memref<80x128xf32, #tpu.memory_space<vmem>>, vector<16xf32>,
        tpu.vector_store %arg11[%swap3A_434, %swap3A_435], %mul3A_433 {strides = array<i32>} : memref<80x128xf32, #tpu.memory_space<vmem>>, vector<16xf32>,
        %get3A_437 = arith.index_cast %add3A_426 : i32 to index
        %get3A_438 = arith.constant 16 : index
        %get3A_439 = tpu.vector_load %arg11[%get3A_437, %get3A_438] {strides = array<i32>} : memref<80x128xf32, #tpu.memory_space<vmem>>, vector<16xf32>,
        %mul3A_440 = vector.broadcast %squeeze3A_428 : f32 to vector<16xf32>
        %mul3A_441 = arith.mulf %get3A_439, %mul3A_440 : vector<16xf32>
        %swap3A_442 = arith.index_cast %add3A_426 : i32 to index
        %swap3A_443 = arith.constant 16 : index
        %swap3A_444 = tpu.vector_load %arg11[%swap3A_442, %swap3A_443] {strides = array<i32>} : memref<80x128xf32, #tpu.memory_space<vmem>>, vector<16xf32>,
        tpu.vector_store %arg11[%swap3A_442, %swap3A_443], %mul3A_441 {strides = array<i32>} : memref<80x128xf32, #tpu.memory_space<vmem>>, vector<16xf32>,
        %slice3A_445 = vector.extract_strided_slice %exp3A {offsets = [5], sizes = [1], strides = [1]} : vector<16xf32> to vector<1xf32>
        %squeeze3A_446 = vector.extract %slice3A_445[0] : f32 from vector<1xf32>
        %get3A_447 = arith.index_cast %add3A_426 : i32 to index
        %get3A_448 = arith.constant 32 : index
        %get3A_449 = tpu.vector_load %arg11[%get3A_447, %get3A_448] {strides = array<i32>} : memref<80x128xf32, #tpu.memory_space<vmem>>, vector<16xf32>,
        %mul3A_450 = vector.broadcast %squeeze3A_446 : f32 to vector<16xf32>
        %mul3A_451 = arith.mulf %get3A_449, %mul3A_450 : vector<16xf32>
        %swap3A_452 = arith.index_cast %add3A_426 : i32 to index
        %swap3A_453 = arith.constant 32 : index
        %swap3A_454 = tpu.vector_load %arg11[%swap3A_452, %swap3A_453] {strides = array<i32>} : memref<80x128xf32, #tpu.memory_space<vmem>>, vector<16xf32>,
        tpu.vector_store %arg11[%swap3A_452, %swap3A_453], %mul3A_451 {strides = array<i32>} : memref<80x128xf32, #tpu.memory_space<vmem>>, vector<16xf32>,
        %get3A_455 = arith.index_cast %add3A_426 : i32 to index
        %get3A_456 = arith.constant 48 : index
        %get3A_457 = tpu.vector_load %arg11[%get3A_455, %get3A_456] {strides = array<i32>} : memref<80x128xf32, #tpu.memory_space<vmem>>, vector<16xf32>,
        %mul3A_458 = vector.broadcast %squeeze3A_446 : f32 to vector<16xf32>
        %mul3A_459 = arith.mulf %get3A_457, %mul3A_458 : vector<16xf32>
        %swap3A_460 = arith.index_cast %add3A_426 : i32 to index
        %swap3A_461 = arith.constant 48 : index
        %swap3A_462 = tpu.vector_load %arg11[%swap3A_460, %swap3A_461] {strides = array<i32>} : memref<80x128xf32, #tpu.memory_space<vmem>>, vector<16xf32>,
        tpu.vector_store %arg11[%swap3A_460, %swap3A_461], %mul3A_459 {strides = array<i32>} : memref<80x128xf32, #tpu.memory_space<vmem>>, vector<16xf32>,
        %slice3A_463 = vector.extract_strided_slice %exp3A {offsets = [6], sizes = [1], strides = [1]} : vector<16xf32> to vector<1xf32>
        %squeeze3A_464 = vector.extract %slice3A_463[0] : f32 from vector<1xf32>
        %get3A_465 = arith.index_cast %add3A_426 : i32 to index
        %get3A_466 = arith.constant 64 : index
        %get3A_467 = tpu.vector_load %arg11[%get3A_465, %get3A_466] {strides = array<i32>} : memref<80x128xf32, #tpu.memory_space<vmem>>, vector<16xf32>,
        %mul3A_468 = vector.broadcast %squeeze3A_464 : f32 to vector<16xf32>
        %mul3A_469 = arith.mulf %get3A_467, %mul3A_468 : vector<16xf32>
        %swap3A_470 = arith.index_cast %add3A_426 : i32 to index
        %swap3A_471 = arith.constant 64 : index
        %swap3A_472 = tpu.vector_load %arg11[%swap3A_470, %swap3A_471] {strides = array<i32>} : memref<80x128xf32, #tpu.memory_space<vmem>>, vector<16xf32>,
        tpu.vector_store %arg11[%swap3A_470, %swap3A_471], %mul3A_469 {strides = array<i32>} : memref<80x128xf32, #tpu.memory_space<vmem>>, vector<16xf32>,
        %get3A_473 = arith.index_cast %add3A_426 : i32 to index
        %get3A_474 = arith.constant 80 : index
        %get3A_475 = tpu.vector_load %arg11[%get3A_473, %get3A_474] {strides = array<i32>} : memref<80x128xf32, #tpu.memory_space<vmem>>, vector<16xf32>,
        %mul3A_476 = vector.broadcast %squeeze3A_464 : f32 to vector<16xf32>
        %mul3A_477 = arith.mulf %get3A_475, %mul3A_476 : vector<16xf32>
        %swap3A_478 = arith.index_cast %add3A_426 : i32 to index
        %swap3A_479 = arith.constant 80 : index
        %swap3A_480 = tpu.vector_load %arg11[%swap3A_478, %swap3A_479] {strides = array<i32>} : memref<80x128xf32, #tpu.memory_space<vmem>>, vector<16xf32>,
        tpu.vector_store %arg11[%swap3A_478, %swap3A_479], %mul3A_477 {strides = array<i32>} : memref<80x128xf32, #tpu.memory_space<vmem>>, vector<16xf32>,
        %slice3A_481 = vector.extract_strided_slice %exp3A {offsets = [7], sizes = [1], strides = [1]} : vector<16xf32> to vector<1xf32>
        %squeeze3A_482 = vector.extract %slice3A_481[0] : f32 from vector<1xf32>
        %get3A_483 = arith.index_cast %add3A_426 : i32 to index
        %get3A_484 = arith.constant 96 : index
        %get3A_485 = tpu.vector_load %arg11[%get3A_483, %get3A_484] {strides = array<i32>} : memref<80x128xf32, #tpu.memory_space<vmem>>, vector<16xf32>,
        %mul3A_486 = vector.broadcast %squeeze3A_482 : f32 to vector<16xf32>
        %mul3A_487 = arith.mulf %get3A_485, %mul3A_486 : vector<16xf32>
        %swap3A_488 = arith.index_cast %add3A_426 : i32 to index
        %swap3A_489 = arith.constant 96 : index
        %swap3A_490 = tpu.vector_load %arg11[%swap3A_488, %swap3A_489] {strides = array<i32>} : memref<80x128xf32, #tpu.memory_space<vmem>>, vector<16xf32>,
        tpu.vector_store %arg11[%swap3A_488, %swap3A_489], %mul3A_487 {strides = array<i32>} : memref<80x128xf32, #tpu.memory_space<vmem>>, vector<16xf32>,
        %get3A_491 = arith.index_cast %add3A_426 : i32 to index
        %get3A_492 = arith.constant 112 : index
        %get3A_493 = tpu.vector_load %arg11[%get3A_491, %get3A_492] {strides = array<i32>} : memref<80x128xf32, #tpu.memory_space<vmem>>, vector<16xf32>,
        %mul3A_494 = vector.broadcast %squeeze3A_482 : f32 to vector<16xf32>
        %mul3A_495 = arith.mulf %get3A_493, %mul3A_494 : vector<16xf32>
        %swap3A_496 = arith.index_cast %add3A_426 : i32 to index
        %swap3A_497 = arith.constant 112 : index
        %swap3A_498 = tpu.vector_load %arg11[%swap3A_496, %swap3A_497] {strides = array<i32>} : memref<80x128xf32, #tpu.memory_space<vmem>>, vector<16xf32>,
        tpu.vector_store %arg11[%swap3A_496, %swap3A_497], %mul3A_495 {strides = array<i32>} : memref<80x128xf32, #tpu.memory_space<vmem>>, vector<16xf32>,
        %mul3A_499 = arith.constant 4 : i32
        %mul3A_500 = arith.muli %scan3A_335, %mul3A_499 : i32
        %add3A_501 = arith.constant 2 : i32
        %add3A_502 = arith.addi %mul3A_500, %add3A_501 : i32
        %slice3A_503 = vector.extract_strided_slice %exp3A {offsets = [8], sizes = [1], strides = [1]} : vector<16xf32> to vector<1xf32>
        %squeeze3A_504 = vector.extract %slice3A_503[0] : f32 from vector<1xf32>
        %get3A_505 = arith.index_cast %add3A_502 : i32 to index
        %get3A_506 = arith.constant 0 : index
        %get3A_507 = tpu.vector_load %arg11[%get3A_505, %get3A_506] {strides = array<i32>} : memref<80x128xf32, #tpu.memory_space<vmem>>, vector<16xf32>,
        %mul3A_508 = vector.broadcast %squeeze3A_504 : f32 to vector<16xf32>
        %mul3A_509 = arith.mulf %get3A_507, %mul3A_508 : vector<16xf32>
        %swap3A_510 = arith.index_cast %add3A_502 : i32 to index
        %swap3A_511 = arith.constant 0 : index
        %swap3A_512 = tpu.vector_load %arg11[%swap3A_510, %swap3A_511] {strides = array<i32>} : memref<80x128xf32, #tpu.memory_space<vmem>>, vector<16xf32>,
        tpu.vector_store %arg11[%swap3A_510, %swap3A_511], %mul3A_509 {strides = array<i32>} : memref<80x128xf32, #tpu.memory_space<vmem>>, vector<16xf32>,
        %get3A_513 = arith.index_cast %add3A_502 : i32 to index
        %get3A_514 = arith.constant 16 : index
        %get3A_515 = tpu.vector_load %arg11[%get3A_513, %get3A_514] {strides = array<i32>} : memref<80x128xf32, #tpu.memory_space<vmem>>, vector<16xf32>,
        %mul3A_516 = vector.broadcast %squeeze3A_504 : f32 to vector<16xf32>
        %mul3A_517 = arith.mulf %get3A_515, %mul3A_516 : vector<16xf32>
        %swap3A_518 = arith.index_cast %add3A_502 : i32 to index
        %swap3A_519 = arith.constant 16 : index
        %swap3A_520 = tpu.vector_load %arg11[%swap3A_518, %swap3A_519] {strides = array<i32>} : memref<80x128xf32, #tpu.memory_space<vmem>>, vector<16xf32>,
        tpu.vector_store %arg11[%swap3A_518, %swap3A_519], %mul3A_517 {strides = array<i32>} : memref<80x128xf32, #tpu.memory_space<vmem>>, vector<16xf32>,
        %slice3A_521 = vector.extract_strided_slice %exp3A {offsets = [9], sizes = [1], strides = [1]} : vector<16xf32> to vector<1xf32>
        %squeeze3A_522 = vector.extract %slice3A_521[0] : f32 from vector<1xf32>
        %get3A_523 = arith.index_cast %add3A_502 : i32 to index
        %get3A_524 = arith.constant 32 : index
        %get3A_525 = tpu.vector_load %arg11[%get3A_523, %get3A_524] {strides = array<i32>} : memref<80x128xf32, #tpu.memory_space<vmem>>, vector<16xf32>,
        %mul3A_526 = vector.broadcast %squeeze3A_522 : f32 to vector<16xf32>
        %mul3A_527 = arith.mulf %get3A_525, %mul3A_526 : vector<16xf32>
        %swap3A_528 = arith.index_cast %add3A_502 : i32 to index
        %swap3A_529 = arith.constant 32 : index
        %swap3A_530 = tpu.vector_load %arg11[%swap3A_528, %swap3A_529] {strides = array<i32>} : memref<80x128xf32, #tpu.memory_space<vmem>>, vector<16xf32>,
        tpu.vector_store %arg11[%swap3A_528, %swap3A_529], %mul3A_527 {strides = array<i32>} : memref<80x128xf32, #tpu.memory_space<vmem>>, vector<16xf32>,
        %get3A_531 = arith.index_cast %add3A_502 : i32 to index
        %get3A_532 = arith.constant 48 : index
        %get3A_533 = tpu.vector_load %arg11[%get3A_531, %get3A_532] {strides = array<i32>} : memref<80x128xf32, #tpu.memory_space<vmem>>, vector<16xf32>,
        %mul3A_534 = vector.broadcast %squeeze3A_522 : f32 to vector<16xf32>
        %mul3A_535 = arith.mulf %get3A_533, %mul3A_534 : vector<16xf32>
        %swap3A_536 = arith.index_cast %add3A_502 : i32 to index
        %swap3A_537 = arith.constant 48 : index
        %swap3A_538 = tpu.vector_load %arg11[%swap3A_536, %swap3A_537] {strides = array<i32>} : memref<80x128xf32, #tpu.memory_space<vmem>>, vector<16xf32>,
        tpu.vector_store %arg11[%swap3A_536, %swap3A_537], %mul3A_535 {strides = array<i32>} : memref<80x128xf32, #tpu.memory_space<vmem>>, vector<16xf32>,
        %slice3A_539 = vector.extract_strided_slice %exp3A {offsets = [10], sizes = [1], strides = [1]} : vector<16xf32> to vector<1xf32>
        %squeeze3A_540 = vector.extract %slice3A_539[0] : f32 from vector<1xf32>
        %get3A_541 = arith.index_cast %add3A_502 : i32 to index
        %get3A_542 = arith.constant 64 : index
        %get3A_543 = tpu.vector_load %arg11[%get3A_541, %get3A_542] {strides = array<i32>} : memref<80x128xf32, #tpu.memory_space<vmem>>, vector<16xf32>,
        %mul3A_544 = vector.broadcast %squeeze3A_540 : f32 to vector<16xf32>
        %mul3A_545 = arith.mulf %get3A_543, %mul3A_544 : vector<16xf32>
        %swap3A_546 = arith.index_cast %add3A_502 : i32 to index
        %swap3A_547 = arith.constant 64 : index
        %swap3A_548 = tpu.vector_load %arg11[%swap3A_546, %swap3A_547] {strides = array<i32>} : memref<80x128xf32, #tpu.memory_space<vmem>>, vector<16xf32>,
        tpu.vector_store %arg11[%swap3A_546, %swap3A_547], %mul3A_545 {strides = array<i32>} : memref<80x128xf32, #tpu.memory_space<vmem>>, vector<16xf32>,
        %get3A_549 = arith.index_cast %add3A_502 : i32 to index
        %get3A_550 = arith.constant 80 : index
        %get3A_551 = tpu.vector_load %arg11[%get3A_549, %get3A_550] {strides = array<i32>} : memref<80x128xf32, #tpu.memory_space<vmem>>, vector<16xf32>,
        %mul3A_552 = vector.broadcast %squeeze3A_540 : f32 to vector<16xf32>
        %mul3A_553 = arith.mulf %get3A_551, %mul3A_552 : vector<16xf32>
        %swap3A_554 = arith.index_cast %add3A_502 : i32 to index
        %swap3A_555 = arith.constant 80 : index
        %swap3A_556 = tpu.vector_load %arg11[%swap3A_554, %swap3A_555] {strides = array<i32>} : memref<80x128xf32, #tpu.memory_space<vmem>>, vector<16xf32>,
        tpu.vector_store %arg11[%swap3A_554, %swap3A_555], %mul3A_553 {strides = array<i32>} : memref<80x128xf32, #tpu.memory_space<vmem>>, vector<16xf32>,
        %slice3A_557 = vector.extract_strided_slice %exp3A {offsets = [11], sizes = [1], strides = [1]} : vector<16xf32> to vector<1xf32>
        %squeeze3A_558 = vector.extract %slice3A_557[0] : f32 from vector<1xf32>
        %get3A_559 = arith.index_cast %add3A_502 : i32 to index
        %get3A_560 = arith.constant 96 : index
        %get3A_561 = tpu.vector_load %arg11[%get3A_559, %get3A_560] {strides = array<i32>} : memref<80x128xf32, #tpu.memory_space<vmem>>, vector<16xf32>,
        %mul3A_562 = vector.broadcast %squeeze3A_558 : f32 to vector<16xf32>
        %mul3A_563 = arith.mulf %get3A_561, %mul3A_562 : vector<16xf32>
        %swap3A_564 = arith.index_cast %add3A_502 : i32 to index
        %swap3A_565 = arith.constant 96 : index
        %swap3A_566 = tpu.vector_load %arg11[%swap3A_564, %swap3A_565] {strides = array<i32>} : memref<80x128xf32, #tpu.memory_space<vmem>>, vector<16xf32>,
        tpu.vector_store %arg11[%swap3A_564, %swap3A_565], %mul3A_563 {strides = array<i32>} : memref<80x128xf32, #tpu.memory_space<vmem>>, vector<16xf32>,
        %get3A_567 = arith.index_cast %add3A_502 : i32 to index
        %get3A_568 = arith.constant 112 : index
        %get3A_569 = tpu.vector_load %arg11[%get3A_567, %get3A_568] {strides = array<i32>} : memref<80x128xf32, #tpu.memory_space<vmem>>, vector<16xf32>,
        %mul3A_570 = vector.broadcast %squeeze3A_558 : f32 to vector<16xf32>
        %mul3A_571 = arith.mulf %get3A_569, %mul3A_570 : vector<16xf32>
        %swap3A_572 = arith.index_cast %add3A_502 : i32 to index
        %swap3A_573 = arith.constant 112 : index
        %swap3A_574 = tpu.vector_load %arg11[%swap3A_572, %swap3A_573] {strides = array<i32>} : memref<80x128xf32, #tpu.memory_space<vmem>>, vector<16xf32>,
        tpu.vector_store %arg11[%swap3A_572, %swap3A_573], %mul3A_571 {strides = array<i32>} : memref<80x128xf32, #tpu.memory_space<vmem>>, vector<16xf32>,
        %mul3A_575 = arith.constant 4 : i32
        %mul3A_576 = arith.muli %scan3A_335, %mul3A_575 : i32
        %add3A_577 = arith.constant 3 : i32
        %add3A_578 = arith.addi %mul3A_576, %add3A_577 : i32
        %slice3A_579 = vector.extract_strided_slice %exp3A {offsets = [12], sizes = [1], strides = [1]} : vector<16xf32> to vector<1xf32>
        %squeeze3A_580 = vector.extract %slice3A_579[0] : f32 from vector<1xf32>
        %get3A_581 = arith.index_cast %add3A_578 : i32 to index
        %get3A_582 = arith.constant 0 : index
        %get3A_583 = tpu.vector_load %arg11[%get3A_581, %get3A_582] {strides = array<i32>} : memref<80x128xf32, #tpu.memory_space<vmem>>, vector<16xf32>,
        %mul3A_584 = vector.broadcast %squeeze3A_580 : f32 to vector<16xf32>
        %mul3A_585 = arith.mulf %get3A_583, %mul3A_584 : vector<16xf32>
        %swap3A_586 = arith.index_cast %add3A_578 : i32 to index
        %swap3A_587 = arith.constant 0 : index
        %swap3A_588 = tpu.vector_load %arg11[%swap3A_586, %swap3A_587] {strides = array<i32>} : memref<80x128xf32, #tpu.memory_space<vmem>>, vector<16xf32>,
        tpu.vector_store %arg11[%swap3A_586, %swap3A_587], %mul3A_585 {strides = array<i32>} : memref<80x128xf32, #tpu.memory_space<vmem>>, vector<16xf32>,
        %get3A_589 = arith.index_cast %add3A_578 : i32 to index
        %get3A_590 = arith.constant 16 : index
        %get3A_591 = tpu.vector_load %arg11[%get3A_589, %get3A_590] {strides = array<i32>} : memref<80x128xf32, #tpu.memory_space<vmem>>, vector<16xf32>,
        %mul3A_592 = vector.broadcast %squeeze3A_580 : f32 to vector<16xf32>
        %mul3A_593 = arith.mulf %get3A_591, %mul3A_592 : vector<16xf32>
        %swap3A_594 = arith.index_cast %add3A_578 : i32 to index
        %swap3A_595 = arith.constant 16 : index
        %swap3A_596 = tpu.vector_load %arg11[%swap3A_594, %swap3A_595] {strides = array<i32>} : memref<80x128xf32, #tpu.memory_space<vmem>>, vector<16xf32>,
        tpu.vector_store %arg11[%swap3A_594, %swap3A_595], %mul3A_593 {strides = array<i32>} : memref<80x128xf32, #tpu.memory_space<vmem>>, vector<16xf32>,
        %slice3A_597 = vector.extract_strided_slice %exp3A {offsets = [13], sizes = [1], strides = [1]} : vector<16xf32> to vector<1xf32>
        %squeeze3A_598 = vector.extract %slice3A_597[0] : f32 from vector<1xf32>
        %get3A_599 = arith.index_cast %add3A_578 : i32 to index
        %get3A_600 = arith.constant 32 : index
        %get3A_601 = tpu.vector_load %arg11[%get3A_599, %get3A_600] {strides = array<i32>} : memref<80x128xf32, #tpu.memory_space<vmem>>, vector<16xf32>,
        %mul3A_602 = vector.broadcast %squeeze3A_598 : f32 to vector<16xf32>
        %mul3A_603 = arith.mulf %get3A_601, %mul3A_602 : vector<16xf32>
        %swap3A_604 = arith.index_cast %add3A_578 : i32 to index
        %swap3A_605 = arith.constant 32 : index
        %swap3A_606 = tpu.vector_load %arg11[%swap3A_604, %swap3A_605] {strides = array<i32>} : memref<80x128xf32, #tpu.memory_space<vmem>>, vector<16xf32>,
        tpu.vector_store %arg11[%swap3A_604, %swap3A_605], %mul3A_603 {strides = array<i32>} : memref<80x128xf32, #tpu.memory_space<vmem>>, vector<16xf32>,
        %get3A_607 = arith.index_cast %add3A_578 : i32 to index
        %get3A_608 = arith.constant 48 : index
        %get3A_609 = tpu.vector_load %arg11[%get3A_607, %get3A_608] {strides = array<i32>} : memref<80x128xf32, #tpu.memory_space<vmem>>, vector<16xf32>,
        %mul3A_610 = vector.broadcast %squeeze3A_598 : f32 to vector<16xf32>
        %mul3A_611 = arith.mulf %get3A_609, %mul3A_610 : vector<16xf32>
        %swap3A_612 = arith.index_cast %add3A_578 : i32 to index
        %swap3A_613 = arith.constant 48 : index
        %swap3A_614 = tpu.vector_load %arg11[%swap3A_612, %swap3A_613] {strides = array<i32>} : memref<80x128xf32, #tpu.memory_space<vmem>>, vector<16xf32>,
        tpu.vector_store %arg11[%swap3A_612, %swap3A_613], %mul3A_611 {strides = array<i32>} : memref<80x128xf32, #tpu.memory_space<vmem>>, vector<16xf32>,
        %slice3A_615 = vector.extract_strided_slice %exp3A {offsets = [14], sizes = [1], strides = [1]} : vector<16xf32> to vector<1xf32>
        %squeeze3A_616 = vector.extract %slice3A_615[0] : f32 from vector<1xf32>
        %get3A_617 = arith.index_cast %add3A_578 : i32 to index
        %get3A_618 = arith.constant 64 : index
        %get3A_619 = tpu.vector_load %arg11[%get3A_617, %get3A_618] {strides = array<i32>} : memref<80x128xf32, #tpu.memory_space<vmem>>, vector<16xf32>,
        %mul3A_620 = vector.broadcast %squeeze3A_616 : f32 to vector<16xf32>
        %mul3A_621 = arith.mulf %get3A_619, %mul3A_620 : vector<16xf32>
        %swap3A_622 = arith.index_cast %add3A_578 : i32 to index
        %swap3A_623 = arith.constant 64 : index
        %swap3A_624 = tpu.vector_load %arg11[%swap3A_622, %swap3A_623] {strides = array<i32>} : memref<80x128xf32, #tpu.memory_space<vmem>>, vector<16xf32>,
        tpu.vector_store %arg11[%swap3A_622, %swap3A_623], %mul3A_621 {strides = array<i32>} : memref<80x128xf32, #tpu.memory_space<vmem>>, vector<16xf32>,
        %get3A_625 = arith.index_cast %add3A_578 : i32 to index
        %get3A_626 = arith.constant 80 : index
        %get3A_627 = tpu.vector_load %arg11[%get3A_625, %get3A_626] {strides = array<i32>} : memref<80x128xf32, #tpu.memory_space<vmem>>, vector<16xf32>,
        %mul3A_628 = vector.broadcast %squeeze3A_616 : f32 to vector<16xf32>
        %mul3A_629 = arith.mulf %get3A_627, %mul3A_628 : vector<16xf32>
        %swap3A_630 = arith.index_cast %add3A_578 : i32 to index
        %swap3A_631 = arith.constant 80 : index
        %swap3A_632 = tpu.vector_load %arg11[%swap3A_630, %swap3A_631] {strides = array<i32>} : memref<80x128xf32, #tpu.memory_space<vmem>>, vector<16xf32>,
        tpu.vector_store %arg11[%swap3A_630, %swap3A_631], %mul3A_629 {strides = array<i32>} : memref<80x128xf32, #tpu.memory_space<vmem>>, vector<16xf32>,
        %slice3A_633 = vector.extract_strided_slice %exp3A {offsets = [15], sizes = [1], strides = [1]} : vector<16xf32> to vector<1xf32>
        %squeeze3A_634 = vector.extract %slice3A_633[0] : f32 from vector<1xf32>
        %get3A_635 = arith.index_cast %add3A_578 : i32 to index
        %get3A_636 = arith.constant 96 : index
        %get3A_637 = tpu.vector_load %arg11[%get3A_635, %get3A_636] {strides = array<i32>} : memref<80x128xf32, #tpu.memory_space<vmem>>, vector<16xf32>,
        %mul3A_638 = vector.broadcast %squeeze3A_634 : f32 to vector<16xf32>
        %mul3A_639 = arith.mulf %get3A_637, %mul3A_638 : vector<16xf32>
        %swap3A_640 = arith.index_cast %add3A_578 : i32 to index
        %swap3A_641 = arith.constant 96 : index
        %swap3A_642 = tpu.vector_load %arg11[%swap3A_640, %swap3A_641] {strides = array<i32>} : memref<80x128xf32, #tpu.memory_space<vmem>>, vector<16xf32>,
        tpu.vector_store %arg11[%swap3A_640, %swap3A_641], %mul3A_639 {strides = array<i32>} : memref<80x128xf32, #tpu.memory_space<vmem>>, vector<16xf32>,
        %get3A_643 = arith.index_cast %add3A_578 : i32 to index
        %get3A_644 = arith.constant 112 : index
        %get3A_645 = tpu.vector_load %arg11[%get3A_643, %get3A_644] {strides = array<i32>} : memref<80x128xf32, #tpu.memory_space<vmem>>, vector<16xf32>,
        %mul3A_646 = vector.broadcast %squeeze3A_634 : f32 to vector<16xf32>
        %mul3A_647 = arith.mulf %get3A_645, %mul3A_646 : vector<16xf32>
        %swap3A_648 = arith.index_cast %add3A_578 : i32 to index
        %swap3A_649 = arith.constant 112 : index
        %swap3A_650 = tpu.vector_load %arg11[%swap3A_648, %swap3A_649] {strides = array<i32>} : memref<80x128xf32, #tpu.memory_space<vmem>>, vector<16xf32>,
        tpu.vector_store %arg11[%swap3A_648, %swap3A_649], %mul3A_647 {strides = array<i32>} : memref<80x128xf32, #tpu.memory_space<vmem>>, vector<16xf32>,
      }
      %scan3A_226 = arith.constant 20 : i32
      "tpu.region"() ({
        %run_scoped3A = tpu.sem_alloc : memref<!tpu.dma_semaphore, #tpu.memory_space<semaphore_mem>>
        %dma_start3A_335 = arith.constant 0 : i32
        %dma_start3A_336 = arith.constant 0 : i32
        %dma_start3A_337 = tpu.memref_slice %arg10[%dma_start3A_335, %dma_start3A_336] : memref<10240x16xf32, #tpu.memory_space<vmem_shared>> -> memref<10240x16xf32, #tpu.memory_space<vmem_shared>>
        tpu.enqueue_indirect_dma source(%arg14 : memref<80x16xf32, #tpu.memory_space<vmem>>) target(%dma_start3A_337 : memref<10240x16xf32, #tpu.memory_space<vmem_shared>>) offsets(%arg16 : memref<80xi32, #tpu.memory_space<vmem>>) semaphore(%run_scoped3A : memref<!tpu.dma_semaphore, #tpu.memory_space<semaphore_mem>>) {add = true}
        %dma_wait3A_338 = arith.constant 0 : i32
        %dma_wait3A_339 = arith.constant 0 : i32
        %dma_wait3A_340 = tpu.memref_slice %arg10[%dma_wait3A_338, %dma_wait3A_339] : memref<10240x16xf32, #tpu.memory_space<vmem_shared>> -> memref<10240x16xf32, #tpu.memory_space<vmem_shared>>
        tpu.wait_indirect_dma semaphore(%run_scoped3A : memref<!tpu.dma_semaphore, #tpu.memory_space<semaphore_mem>>) src(%arg14 : memref<80x16xf32, #tpu.memory_space<vmem>>) dst(%dma_wait3A_340 : memref<10240x16xf32, #tpu.memory_space<vmem_shared>>)
        tpu.yield
      }) : () -> ()
      %dma_start3A_227 = arith.constant 0 : i32
      %dma_start3A_228 = arith.constant 0 : i32
      %dma_start3A_229 = tpu.memref_slice %arg9[%dma_start3A_227, %dma_start3A_228] : memref<10240x128xf32, #tpu.memory_space<vmem_shared>> -> memref<10240x128xf32, #tpu.memory_space<vmem_shared>>
      tpu.enqueue_indirect_dma source(%arg11 : memref<80x128xf32, #tpu.memory_space<vmem>>) target(%dma_start3A_229 : memref<10240x128xf32, #tpu.memory_space<vmem_shared>>) offsets(%arg16 : memref<80xi32, #tpu.memory_space<vmem>>) semaphore(%arg26 : memref<!tpu.dma_semaphore, #tpu.memory_space<semaphore_mem>>) {add = true}
      %dma_wait3A_230 = arith.constant 0 : i32
      %dma_wait3A_231 = arith.constant 0 : i32
      %dma_wait3A_232 = tpu.memref_slice %arg21[%dma_wait3A_230, %dma_wait3A_231] : memref<2x80xi32, #tpu.memory_space<vmem>> -> memref<1x80xi32, #tpu.memory_space<vmem>>
      %dma_wait3A_233 = tpu.memref_squeeze %dma_wait3A_232 : memref<1x80xi32, #tpu.memory_space<vmem>> -> memref<80xi32, #tpu.memory_space<vmem>>
      %dma_wait3A_234 = arith.constant 0 : i32
      %dma_wait3A_235 = arith.constant 0 : i32
      %dma_wait3A_236 = tpu.memref_slice %arg3[%dma_wait3A_234, %dma_wait3A_235] : memref<10000x16xf32, #tpu.memory_space<hbm>> -> memref<10000x16xf32, #tpu.memory_space<hbm>>
      tpu.wait_indirect_dma semaphore(%arg27 : memref<!tpu.dma_semaphore, #tpu.memory_space<semaphore_mem>>) src(%dma_wait3A_236 : memref<10000x16xf32, #tpu.memory_space<hbm>>) dst(%arg18 : memref<80x16xf32, #tpu.memory_space<vmem>>)
      %dma_wait3A_237 = arith.constant 1 : i32
      %dma_wait3A_238 = arith.constant 0 : i32
      %dma_wait3A_239 = tpu.memref_slice %arg21[%dma_wait3A_237, %dma_wait3A_238] : memref<2x80xi32, #tpu.memory_space<vmem>> -> memref<1x80xi32, #tpu.memory_space<vmem>>
      %dma_wait3A_240 = tpu.memref_squeeze %dma_wait3A_239 : memref<1x80xi32, #tpu.memory_space<vmem>> -> memref<80xi32, #tpu.memory_space<vmem>>
      %dma_wait3A_241 = arith.constant 0 : i32
      %dma_wait3A_242 = arith.constant 0 : i32
      %dma_wait3A_243 = tpu.memref_slice %arg3[%dma_wait3A_241, %dma_wait3A_242] : memref<10000x16xf32, #tpu.memory_space<hbm>> -> memref<10000x16xf32, #tpu.memory_space<hbm>>
      tpu.wait_indirect_dma semaphore(%arg28 : memref<!tpu.dma_semaphore, #tpu.memory_space<semaphore_mem>>) src(%dma_wait3A_243 : memref<10000x16xf32, #tpu.memory_space<hbm>>) dst(%arg19 : memref<80x16xf32, #tpu.memory_space<vmem>>)
      %dma_wait3A_244 = arith.constant 0 : i32
      %dma_wait3A_245 = arith.constant 0 : i32
      %dma_wait3A_246 = tpu.memref_slice %arg21[%dma_wait3A_244, %dma_wait3A_245] : memref<2x80xi32, #tpu.memory_space<vmem>> -> memref<1x80xi32, #tpu.memory_space<vmem>>
      %dma_wait3A_247 = tpu.memref_squeeze %dma_wait3A_246 : memref<1x80xi32, #tpu.memory_space<vmem>> -> memref<80xi32, #tpu.memory_space<vmem>>
      %dma_wait3A_248 = arith.constant 0 : i32
      %dma_wait3A_249 = arith.constant 0 : i32
      %dma_wait3A_250 = tpu.memref_slice %arg2[%dma_wait3A_248, %dma_wait3A_249] : memref<10000x128xf32, #tpu.memory_space<hbm>> -> memref<10000x128xf32, #tpu.memory_space<hbm>>
      tpu.wait_indirect_dma semaphore(%arg29 : memref<!tpu.dma_semaphore, #tpu.memory_space<semaphore_mem>>) src(%dma_wait3A_250 : memref<10000x128xf32, #tpu.memory_space<hbm>>) dst(%arg17 : memref<80x128xf32, #tpu.memory_space<vmem>>)
      %scan3A_251 = arith.constant 0 : i32
      %scan3A_252 = arith.constant 0 : i32
      %scan3A_253 = arith.constant 5 : i32
      %scan3A_254 = arith.addi %scan3A_252, %scan3A_253 : i32
      %scan3A_255 = arith.constant 1 : i32
      scf.for %scan3A_335 = %scan3A_252 to %scan3A_254 step %scan3A_255  : i32 {
        %mul3A_336 = arith.constant 16 : i32
        %mul3A_337 = arith.muli %scan3A_335, %mul3A_336 : i32
        %get3A = arith.constant 1 : i32
        %get3A_338 = arith.index_cast %get3A : i32 to index
        %get3A_339 = arith.index_cast %mul3A_337 : i32 to index
        %get3A_340 = tpu.vector_load %arg21[%get3A_338, %get3A_339] {strides = array<i32>} : memref<2x80xi32, #tpu.memory_space<vmem>>, vector<16xi32>,
        %mul3A_341 = arith.constant 16 : i32
        %mul3A_342 = arith.muli %scan3A_335, %mul3A_341 : i32
        %swap3A = arith.index_cast %mul3A_342 : i32 to index
        %swap3A_343 = tpu.vector_load %arg22[%swap3A] {strides = array<i32>} : memref<80xi32, #tpu.memory_space<vmem>>, vector<16xi32>,
        tpu.vector_store %arg22[%swap3A], %get3A_340 {strides = array<i32>} : memref<80xi32, #tpu.memory_space<vmem>>, vector<16xi32>,
      }
      %scan3A_256 = arith.constant 5 : i32
      %scan3A_257 = arith.constant 0 : i32
      %scan3A_258 = arith.constant 0 : i32
      %scan3A_259 = arith.constant 20 : i32
      %scan3A_260 = arith.addi %scan3A_258, %scan3A_259 : i32
      %scan3A_261 = arith.constant 1 : i32
      scf.for %scan3A_335 = %scan3A_258 to %scan3A_260 step %scan3A_261  : i32 {
        %mul3A_336 = arith.constant 4 : i32
        %mul3A_337 = arith.muli %scan3A_335, %mul3A_336 : i32
        %add3A_338 = vector.broadcast %mul3A_337 : i32 to vector<16xi32>
        %add3A_339 = arith.addi %add3A_338, %select_n3A : vector<16xi32>
        %gather3A = tpu.vector_load_idx %arg18[%add3A_339, %select_n3A_69] : memref<80x16xf32, #tpu.memory_space<vmem>>[vector<16xi32>, vector<16xi32>], vector<16xf32>,
        %add3A_340 = arith.constant 4 : i32
        %add3A_341 = vector.broadcast %add3A_340 : i32 to vector<16xi32>
        %add3A_342 = arith.addi %select_n3A_69, %add3A_341 : vector<16xi32>
        %gather3A_343 = tpu.vector_load_idx %arg19[%add3A_339, %add3A_342] : memref<80x16xf32, #tpu.memory_space<vmem>>[vector<16xi32>, vector<16xi32>], vector<16xf32>,
        %add3A_344 = arith.addf %gather3A, %gather3A_343 : vector<16xf32>
        %gt3A = arith.constant 0.000000e+00 : f32
        %gt3A_345 = vector.broadcast %gt3A : f32 to vector<16xf32>
        %gt3A_346 = arith.cmpf ogt, %add3A_344, %gt3A_345 : vector<16xf32>
        %mul3A_347 = arith.constant 2.000000e-01 : f32
        %mul3A_348 = vector.broadcast %mul3A_347 : f32 to vector<16xf32>
        %mul3A_349 = arith.mulf %add3A_344, %mul3A_348 : vector<16xf32>
        %select_n3A_350 = arith.select %gt3A_346, %add3A_344, %mul3A_349 : vector<16xi1>, vector<16xf32>
        %exp3A = math.exp %select_n3A_350 : vector<16xf32>
        tpu.vector_store_idx %arg20[%add3A_339, %select_n3A_69], %exp3A : memref<80x16xf32, #tpu.memory_space<vmem>>[vector<16xi32>, vector<16xi32>], vector<16xf32>,
        %mul3A_351 = arith.constant 4 : i32
        %mul3A_352 = arith.muli %scan3A_335, %mul3A_351 : i32
        %add3A_353 = arith.constant 0 : i32
        %add3A_354 = arith.addi %mul3A_352, %add3A_353 : i32
        %slice3A = vector.extract_strided_slice %exp3A {offsets = [0], sizes = [1], strides = [1]} : vector<16xf32> to vector<1xf32>
        %squeeze3A = vector.extract %slice3A[0] : f32 from vector<1xf32>
        %get3A = arith.index_cast %add3A_354 : i32 to index
        %get3A_355 = arith.constant 0 : index
        %get3A_356 = tpu.vector_load %arg17[%get3A, %get3A_355] {strides = array<i32>} : memref<80x128xf32, #tpu.memory_space<vmem>>, vector<16xf32>,
        %mul3A_357 = vector.broadcast %squeeze3A : f32 to vector<16xf32>
        %mul3A_358 = arith.mulf %get3A_356, %mul3A_357 : vector<16xf32>
        %swap3A = arith.index_cast %add3A_354 : i32 to index
        %swap3A_359 = arith.constant 0 : index
        %swap3A_360 = tpu.vector_load %arg17[%swap3A, %swap3A_359] {strides = array<i32>} : memref<80x128xf32, #tpu.memory_space<vmem>>, vector<16xf32>,
        tpu.vector_store %arg17[%swap3A, %swap3A_359], %mul3A_358 {strides = array<i32>} : memref<80x128xf32, #tpu.memory_space<vmem>>, vector<16xf32>,
        %get3A_361 = arith.index_cast %add3A_354 : i32 to index
        %get3A_362 = arith.constant 16 : index
        %get3A_363 = tpu.vector_load %arg17[%get3A_361, %get3A_362] {strides = array<i32>} : memref<80x128xf32, #tpu.memory_space<vmem>>, vector<16xf32>,
        %mul3A_364 = vector.broadcast %squeeze3A : f32 to vector<16xf32>
        %mul3A_365 = arith.mulf %get3A_363, %mul3A_364 : vector<16xf32>
        %swap3A_366 = arith.index_cast %add3A_354 : i32 to index
        %swap3A_367 = arith.constant 16 : index
        %swap3A_368 = tpu.vector_load %arg17[%swap3A_366, %swap3A_367] {strides = array<i32>} : memref<80x128xf32, #tpu.memory_space<vmem>>, vector<16xf32>,
        tpu.vector_store %arg17[%swap3A_366, %swap3A_367], %mul3A_365 {strides = array<i32>} : memref<80x128xf32, #tpu.memory_space<vmem>>, vector<16xf32>,
        %slice3A_369 = vector.extract_strided_slice %exp3A {offsets = [1], sizes = [1], strides = [1]} : vector<16xf32> to vector<1xf32>
        %squeeze3A_370 = vector.extract %slice3A_369[0] : f32 from vector<1xf32>
        %get3A_371 = arith.index_cast %add3A_354 : i32 to index
        %get3A_372 = arith.constant 32 : index
        %get3A_373 = tpu.vector_load %arg17[%get3A_371, %get3A_372] {strides = array<i32>} : memref<80x128xf32, #tpu.memory_space<vmem>>, vector<16xf32>,
        %mul3A_374 = vector.broadcast %squeeze3A_370 : f32 to vector<16xf32>
        %mul3A_375 = arith.mulf %get3A_373, %mul3A_374 : vector<16xf32>
        %swap3A_376 = arith.index_cast %add3A_354 : i32 to index
        %swap3A_377 = arith.constant 32 : index
        %swap3A_378 = tpu.vector_load %arg17[%swap3A_376, %swap3A_377] {strides = array<i32>} : memref<80x128xf32, #tpu.memory_space<vmem>>, vector<16xf32>,
        tpu.vector_store %arg17[%swap3A_376, %swap3A_377], %mul3A_375 {strides = array<i32>} : memref<80x128xf32, #tpu.memory_space<vmem>>, vector<16xf32>,
        %get3A_379 = arith.index_cast %add3A_354 : i32 to index
        %get3A_380 = arith.constant 48 : index
        %get3A_381 = tpu.vector_load %arg17[%get3A_379, %get3A_380] {strides = array<i32>} : memref<80x128xf32, #tpu.memory_space<vmem>>, vector<16xf32>,
        %mul3A_382 = vector.broadcast %squeeze3A_370 : f32 to vector<16xf32>
        %mul3A_383 = arith.mulf %get3A_381, %mul3A_382 : vector<16xf32>
        %swap3A_384 = arith.index_cast %add3A_354 : i32 to index
        %swap3A_385 = arith.constant 48 : index
        %swap3A_386 = tpu.vector_load %arg17[%swap3A_384, %swap3A_385] {strides = array<i32>} : memref<80x128xf32, #tpu.memory_space<vmem>>, vector<16xf32>,
        tpu.vector_store %arg17[%swap3A_384, %swap3A_385], %mul3A_383 {strides = array<i32>} : memref<80x128xf32, #tpu.memory_space<vmem>>, vector<16xf32>,
        %slice3A_387 = vector.extract_strided_slice %exp3A {offsets = [2], sizes = [1], strides = [1]} : vector<16xf32> to vector<1xf32>
        %squeeze3A_388 = vector.extract %slice3A_387[0] : f32 from vector<1xf32>
        %get3A_389 = arith.index_cast %add3A_354 : i32 to index
        %get3A_390 = arith.constant 64 : index
        %get3A_391 = tpu.vector_load %arg17[%get3A_389, %get3A_390] {strides = array<i32>} : memref<80x128xf32, #tpu.memory_space<vmem>>, vector<16xf32>,
        %mul3A_392 = vector.broadcast %squeeze3A_388 : f32 to vector<16xf32>
        %mul3A_393 = arith.mulf %get3A_391, %mul3A_392 : vector<16xf32>
        %swap3A_394 = arith.index_cast %add3A_354 : i32 to index
        %swap3A_395 = arith.constant 64 : index
        %swap3A_396 = tpu.vector_load %arg17[%swap3A_394, %swap3A_395] {strides = array<i32>} : memref<80x128xf32, #tpu.memory_space<vmem>>, vector<16xf32>,
        tpu.vector_store %arg17[%swap3A_394, %swap3A_395], %mul3A_393 {strides = array<i32>} : memref<80x128xf32, #tpu.memory_space<vmem>>, vector<16xf32>,
        %get3A_397 = arith.index_cast %add3A_354 : i32 to index
        %get3A_398 = arith.constant 80 : index
        %get3A_399 = tpu.vector_load %arg17[%get3A_397, %get3A_398] {strides = array<i32>} : memref<80x128xf32, #tpu.memory_space<vmem>>, vector<16xf32>,
        %mul3A_400 = vector.broadcast %squeeze3A_388 : f32 to vector<16xf32>
        %mul3A_401 = arith.mulf %get3A_399, %mul3A_400 : vector<16xf32>
        %swap3A_402 = arith.index_cast %add3A_354 : i32 to index
        %swap3A_403 = arith.constant 80 : index
        %swap3A_404 = tpu.vector_load %arg17[%swap3A_402, %swap3A_403] {strides = array<i32>} : memref<80x128xf32, #tpu.memory_space<vmem>>, vector<16xf32>,
        tpu.vector_store %arg17[%swap3A_402, %swap3A_403], %mul3A_401 {strides = array<i32>} : memref<80x128xf32, #tpu.memory_space<vmem>>, vector<16xf32>,
        %slice3A_405 = vector.extract_strided_slice %exp3A {offsets = [3], sizes = [1], strides = [1]} : vector<16xf32> to vector<1xf32>
        %squeeze3A_406 = vector.extract %slice3A_405[0] : f32 from vector<1xf32>
        %get3A_407 = arith.index_cast %add3A_354 : i32 to index
        %get3A_408 = arith.constant 96 : index
        %get3A_409 = tpu.vector_load %arg17[%get3A_407, %get3A_408] {strides = array<i32>} : memref<80x128xf32, #tpu.memory_space<vmem>>, vector<16xf32>,
        %mul3A_410 = vector.broadcast %squeeze3A_406 : f32 to vector<16xf32>
        %mul3A_411 = arith.mulf %get3A_409, %mul3A_410 : vector<16xf32>
        %swap3A_412 = arith.index_cast %add3A_354 : i32 to index
        %swap3A_413 = arith.constant 96 : index
        %swap3A_414 = tpu.vector_load %arg17[%swap3A_412, %swap3A_413] {strides = array<i32>} : memref<80x128xf32, #tpu.memory_space<vmem>>, vector<16xf32>,
        tpu.vector_store %arg17[%swap3A_412, %swap3A_413], %mul3A_411 {strides = array<i32>} : memref<80x128xf32, #tpu.memory_space<vmem>>, vector<16xf32>,
        %get3A_415 = arith.index_cast %add3A_354 : i32 to index
        %get3A_416 = arith.constant 112 : index
        %get3A_417 = tpu.vector_load %arg17[%get3A_415, %get3A_416] {strides = array<i32>} : memref<80x128xf32, #tpu.memory_space<vmem>>, vector<16xf32>,
        %mul3A_418 = vector.broadcast %squeeze3A_406 : f32 to vector<16xf32>
        %mul3A_419 = arith.mulf %get3A_417, %mul3A_418 : vector<16xf32>
        %swap3A_420 = arith.index_cast %add3A_354 : i32 to index
        %swap3A_421 = arith.constant 112 : index
        %swap3A_422 = tpu.vector_load %arg17[%swap3A_420, %swap3A_421] {strides = array<i32>} : memref<80x128xf32, #tpu.memory_space<vmem>>, vector<16xf32>,
        tpu.vector_store %arg17[%swap3A_420, %swap3A_421], %mul3A_419 {strides = array<i32>} : memref<80x128xf32, #tpu.memory_space<vmem>>, vector<16xf32>,
        %mul3A_423 = arith.constant 4 : i32
        %mul3A_424 = arith.muli %scan3A_335, %mul3A_423 : i32
        %add3A_425 = arith.constant 1 : i32
        %add3A_426 = arith.addi %mul3A_424, %add3A_425 : i32
        %slice3A_427 = vector.extract_strided_slice %exp3A {offsets = [4], sizes = [1], strides = [1]} : vector<16xf32> to vector<1xf32>
        %squeeze3A_428 = vector.extract %slice3A_427[0] : f32 from vector<1xf32>
        %get3A_429 = arith.index_cast %add3A_426 : i32 to index
        %get3A_430 = arith.constant 0 : index
        %get3A_431 = tpu.vector_load %arg17[%get3A_429, %get3A_430] {strides = array<i32>} : memref<80x128xf32, #tpu.memory_space<vmem>>, vector<16xf32>,
        %mul3A_432 = vector.broadcast %squeeze3A_428 : f32 to vector<16xf32>
        %mul3A_433 = arith.mulf %get3A_431, %mul3A_432 : vector<16xf32>
        %swap3A_434 = arith.index_cast %add3A_426 : i32 to index
        %swap3A_435 = arith.constant 0 : index
        %swap3A_436 = tpu.vector_load %arg17[%swap3A_434, %swap3A_435] {strides = array<i32>} : memref<80x128xf32, #tpu.memory_space<vmem>>, vector<16xf32>,
        tpu.vector_store %arg17[%swap3A_434, %swap3A_435], %mul3A_433 {strides = array<i32>} : memref<80x128xf32, #tpu.memory_space<vmem>>, vector<16xf32>,
        %get3A_437 = arith.index_cast %add3A_426 : i32 to index
        %get3A_438 = arith.constant 16 : index
        %get3A_439 = tpu.vector_load %arg17[%get3A_437, %get3A_438] {strides = array<i32>} : memref<80x128xf32, #tpu.memory_space<vmem>>, vector<16xf32>,
        %mul3A_440 = vector.broadcast %squeeze3A_428 : f32 to vector<16xf32>
        %mul3A_441 = arith.mulf %get3A_439, %mul3A_440 : vector<16xf32>
        %swap3A_442 = arith.index_cast %add3A_426 : i32 to index
        %swap3A_443 = arith.constant 16 : index
        %swap3A_444 = tpu.vector_load %arg17[%swap3A_442, %swap3A_443] {strides = array<i32>} : memref<80x128xf32, #tpu.memory_space<vmem>>, vector<16xf32>,
        tpu.vector_store %arg17[%swap3A_442, %swap3A_443], %mul3A_441 {strides = array<i32>} : memref<80x128xf32, #tpu.memory_space<vmem>>, vector<16xf32>,
        %slice3A_445 = vector.extract_strided_slice %exp3A {offsets = [5], sizes = [1], strides = [1]} : vector<16xf32> to vector<1xf32>
        %squeeze3A_446 = vector.extract %slice3A_445[0] : f32 from vector<1xf32>
        %get3A_447 = arith.index_cast %add3A_426 : i32 to index
        %get3A_448 = arith.constant 32 : index
        %get3A_449 = tpu.vector_load %arg17[%get3A_447, %get3A_448] {strides = array<i32>} : memref<80x128xf32, #tpu.memory_space<vmem>>, vector<16xf32>,
        %mul3A_450 = vector.broadcast %squeeze3A_446 : f32 to vector<16xf32>
        %mul3A_451 = arith.mulf %get3A_449, %mul3A_450 : vector<16xf32>
        %swap3A_452 = arith.index_cast %add3A_426 : i32 to index
        %swap3A_453 = arith.constant 32 : index
        %swap3A_454 = tpu.vector_load %arg17[%swap3A_452, %swap3A_453] {strides = array<i32>} : memref<80x128xf32, #tpu.memory_space<vmem>>, vector<16xf32>,
        tpu.vector_store %arg17[%swap3A_452, %swap3A_453], %mul3A_451 {strides = array<i32>} : memref<80x128xf32, #tpu.memory_space<vmem>>, vector<16xf32>,
        %get3A_455 = arith.index_cast %add3A_426 : i32 to index
        %get3A_456 = arith.constant 48 : index
        %get3A_457 = tpu.vector_load %arg17[%get3A_455, %get3A_456] {strides = array<i32>} : memref<80x128xf32, #tpu.memory_space<vmem>>, vector<16xf32>,
        %mul3A_458 = vector.broadcast %squeeze3A_446 : f32 to vector<16xf32>
        %mul3A_459 = arith.mulf %get3A_457, %mul3A_458 : vector<16xf32>
        %swap3A_460 = arith.index_cast %add3A_426 : i32 to index
        %swap3A_461 = arith.constant 48 : index
        %swap3A_462 = tpu.vector_load %arg17[%swap3A_460, %swap3A_461] {strides = array<i32>} : memref<80x128xf32, #tpu.memory_space<vmem>>, vector<16xf32>,
        tpu.vector_store %arg17[%swap3A_460, %swap3A_461], %mul3A_459 {strides = array<i32>} : memref<80x128xf32, #tpu.memory_space<vmem>>, vector<16xf32>,
        %slice3A_463 = vector.extract_strided_slice %exp3A {offsets = [6], sizes = [1], strides = [1]} : vector<16xf32> to vector<1xf32>
        %squeeze3A_464 = vector.extract %slice3A_463[0] : f32 from vector<1xf32>
        %get3A_465 = arith.index_cast %add3A_426 : i32 to index
        %get3A_466 = arith.constant 64 : index
        %get3A_467 = tpu.vector_load %arg17[%get3A_465, %get3A_466] {strides = array<i32>} : memref<80x128xf32, #tpu.memory_space<vmem>>, vector<16xf32>,
        %mul3A_468 = vector.broadcast %squeeze3A_464 : f32 to vector<16xf32>
        %mul3A_469 = arith.mulf %get3A_467, %mul3A_468 : vector<16xf32>
        %swap3A_470 = arith.index_cast %add3A_426 : i32 to index
        %swap3A_471 = arith.constant 64 : index
        %swap3A_472 = tpu.vector_load %arg17[%swap3A_470, %swap3A_471] {strides = array<i32>} : memref<80x128xf32, #tpu.memory_space<vmem>>, vector<16xf32>,
        tpu.vector_store %arg17[%swap3A_470, %swap3A_471], %mul3A_469 {strides = array<i32>} : memref<80x128xf32, #tpu.memory_space<vmem>>, vector<16xf32>,
        %get3A_473 = arith.index_cast %add3A_426 : i32 to index
        %get3A_474 = arith.constant 80 : index
        %get3A_475 = tpu.vector_load %arg17[%get3A_473, %get3A_474] {strides = array<i32>} : memref<80x128xf32, #tpu.memory_space<vmem>>, vector<16xf32>,
        %mul3A_476 = vector.broadcast %squeeze3A_464 : f32 to vector<16xf32>
        %mul3A_477 = arith.mulf %get3A_475, %mul3A_476 : vector<16xf32>
        %swap3A_478 = arith.index_cast %add3A_426 : i32 to index
        %swap3A_479 = arith.constant 80 : index
        %swap3A_480 = tpu.vector_load %arg17[%swap3A_478, %swap3A_479] {strides = array<i32>} : memref<80x128xf32, #tpu.memory_space<vmem>>, vector<16xf32>,
        tpu.vector_store %arg17[%swap3A_478, %swap3A_479], %mul3A_477 {strides = array<i32>} : memref<80x128xf32, #tpu.memory_space<vmem>>, vector<16xf32>,
        %slice3A_481 = vector.extract_strided_slice %exp3A {offsets = [7], sizes = [1], strides = [1]} : vector<16xf32> to vector<1xf32>
        %squeeze3A_482 = vector.extract %slice3A_481[0] : f32 from vector<1xf32>
        %get3A_483 = arith.index_cast %add3A_426 : i32 to index
        %get3A_484 = arith.constant 96 : index
        %get3A_485 = tpu.vector_load %arg17[%get3A_483, %get3A_484] {strides = array<i32>} : memref<80x128xf32, #tpu.memory_space<vmem>>, vector<16xf32>,
        %mul3A_486 = vector.broadcast %squeeze3A_482 : f32 to vector<16xf32>
        %mul3A_487 = arith.mulf %get3A_485, %mul3A_486 : vector<16xf32>
        %swap3A_488 = arith.index_cast %add3A_426 : i32 to index
        %swap3A_489 = arith.constant 96 : index
        %swap3A_490 = tpu.vector_load %arg17[%swap3A_488, %swap3A_489] {strides = array<i32>} : memref<80x128xf32, #tpu.memory_space<vmem>>, vector<16xf32>,
        tpu.vector_store %arg17[%swap3A_488, %swap3A_489], %mul3A_487 {strides = array<i32>} : memref<80x128xf32, #tpu.memory_space<vmem>>, vector<16xf32>,
        %get3A_491 = arith.index_cast %add3A_426 : i32 to index
        %get3A_492 = arith.constant 112 : index
        %get3A_493 = tpu.vector_load %arg17[%get3A_491, %get3A_492] {strides = array<i32>} : memref<80x128xf32, #tpu.memory_space<vmem>>, vector<16xf32>,
        %mul3A_494 = vector.broadcast %squeeze3A_482 : f32 to vector<16xf32>
        %mul3A_495 = arith.mulf %get3A_493, %mul3A_494 : vector<16xf32>
        %swap3A_496 = arith.index_cast %add3A_426 : i32 to index
        %swap3A_497 = arith.constant 112 : index
        %swap3A_498 = tpu.vector_load %arg17[%swap3A_496, %swap3A_497] {strides = array<i32>} : memref<80x128xf32, #tpu.memory_space<vmem>>, vector<16xf32>,
        tpu.vector_store %arg17[%swap3A_496, %swap3A_497], %mul3A_495 {strides = array<i32>} : memref<80x128xf32, #tpu.memory_space<vmem>>, vector<16xf32>,
        %mul3A_499 = arith.constant 4 : i32
        %mul3A_500 = arith.muli %scan3A_335, %mul3A_499 : i32
        %add3A_501 = arith.constant 2 : i32
        %add3A_502 = arith.addi %mul3A_500, %add3A_501 : i32
        %slice3A_503 = vector.extract_strided_slice %exp3A {offsets = [8], sizes = [1], strides = [1]} : vector<16xf32> to vector<1xf32>
        %squeeze3A_504 = vector.extract %slice3A_503[0] : f32 from vector<1xf32>
        %get3A_505 = arith.index_cast %add3A_502 : i32 to index
        %get3A_506 = arith.constant 0 : index
        %get3A_507 = tpu.vector_load %arg17[%get3A_505, %get3A_506] {strides = array<i32>} : memref<80x128xf32, #tpu.memory_space<vmem>>, vector<16xf32>,
        %mul3A_508 = vector.broadcast %squeeze3A_504 : f32 to vector<16xf32>
        %mul3A_509 = arith.mulf %get3A_507, %mul3A_508 : vector<16xf32>
        %swap3A_510 = arith.index_cast %add3A_502 : i32 to index
        %swap3A_511 = arith.constant 0 : index
        %swap3A_512 = tpu.vector_load %arg17[%swap3A_510, %swap3A_511] {strides = array<i32>} : memref<80x128xf32, #tpu.memory_space<vmem>>, vector<16xf32>,
        tpu.vector_store %arg17[%swap3A_510, %swap3A_511], %mul3A_509 {strides = array<i32>} : memref<80x128xf32, #tpu.memory_space<vmem>>, vector<16xf32>,
        %get3A_513 = arith.index_cast %add3A_502 : i32 to index
        %get3A_514 = arith.constant 16 : index
        %get3A_515 = tpu.vector_load %arg17[%get3A_513, %get3A_514] {strides = array<i32>} : memref<80x128xf32, #tpu.memory_space<vmem>>, vector<16xf32>,
        %mul3A_516 = vector.broadcast %squeeze3A_504 : f32 to vector<16xf32>
        %mul3A_517 = arith.mulf %get3A_515, %mul3A_516 : vector<16xf32>
        %swap3A_518 = arith.index_cast %add3A_502 : i32 to index
        %swap3A_519 = arith.constant 16 : index
        %swap3A_520 = tpu.vector_load %arg17[%swap3A_518, %swap3A_519] {strides = array<i32>} : memref<80x128xf32, #tpu.memory_space<vmem>>, vector<16xf32>,
        tpu.vector_store %arg17[%swap3A_518, %swap3A_519], %mul3A_517 {strides = array<i32>} : memref<80x128xf32, #tpu.memory_space<vmem>>, vector<16xf32>,
        %slice3A_521 = vector.extract_strided_slice %exp3A {offsets = [9], sizes = [1], strides = [1]} : vector<16xf32> to vector<1xf32>
        %squeeze3A_522 = vector.extract %slice3A_521[0] : f32 from vector<1xf32>
        %get3A_523 = arith.index_cast %add3A_502 : i32 to index
        %get3A_524 = arith.constant 32 : index
        %get3A_525 = tpu.vector_load %arg17[%get3A_523, %get3A_524] {strides = array<i32>} : memref<80x128xf32, #tpu.memory_space<vmem>>, vector<16xf32>,
        %mul3A_526 = vector.broadcast %squeeze3A_522 : f32 to vector<16xf32>
        %mul3A_527 = arith.mulf %get3A_525, %mul3A_526 : vector<16xf32>
        %swap3A_528 = arith.index_cast %add3A_502 : i32 to index
        %swap3A_529 = arith.constant 32 : index
        %swap3A_530 = tpu.vector_load %arg17[%swap3A_528, %swap3A_529] {strides = array<i32>} : memref<80x128xf32, #tpu.memory_space<vmem>>, vector<16xf32>,
        tpu.vector_store %arg17[%swap3A_528, %swap3A_529], %mul3A_527 {strides = array<i32>} : memref<80x128xf32, #tpu.memory_space<vmem>>, vector<16xf32>,
        %get3A_531 = arith.index_cast %add3A_502 : i32 to index
        %get3A_532 = arith.constant 48 : index
        %get3A_533 = tpu.vector_load %arg17[%get3A_531, %get3A_532] {strides = array<i32>} : memref<80x128xf32, #tpu.memory_space<vmem>>, vector<16xf32>,
        %mul3A_534 = vector.broadcast %squeeze3A_522 : f32 to vector<16xf32>
        %mul3A_535 = arith.mulf %get3A_533, %mul3A_534 : vector<16xf32>
        %swap3A_536 = arith.index_cast %add3A_502 : i32 to index
        %swap3A_537 = arith.constant 48 : index
        %swap3A_538 = tpu.vector_load %arg17[%swap3A_536, %swap3A_537] {strides = array<i32>} : memref<80x128xf32, #tpu.memory_space<vmem>>, vector<16xf32>,
        tpu.vector_store %arg17[%swap3A_536, %swap3A_537], %mul3A_535 {strides = array<i32>} : memref<80x128xf32, #tpu.memory_space<vmem>>, vector<16xf32>,
        %slice3A_539 = vector.extract_strided_slice %exp3A {offsets = [10], sizes = [1], strides = [1]} : vector<16xf32> to vector<1xf32>
        %squeeze3A_540 = vector.extract %slice3A_539[0] : f32 from vector<1xf32>
        %get3A_541 = arith.index_cast %add3A_502 : i32 to index
        %get3A_542 = arith.constant 64 : index
        %get3A_543 = tpu.vector_load %arg17[%get3A_541, %get3A_542] {strides = array<i32>} : memref<80x128xf32, #tpu.memory_space<vmem>>, vector<16xf32>,
        %mul3A_544 = vector.broadcast %squeeze3A_540 : f32 to vector<16xf32>
        %mul3A_545 = arith.mulf %get3A_543, %mul3A_544 : vector<16xf32>
        %swap3A_546 = arith.index_cast %add3A_502 : i32 to index
        %swap3A_547 = arith.constant 64 : index
        %swap3A_548 = tpu.vector_load %arg17[%swap3A_546, %swap3A_547] {strides = array<i32>} : memref<80x128xf32, #tpu.memory_space<vmem>>, vector<16xf32>,
        tpu.vector_store %arg17[%swap3A_546, %swap3A_547], %mul3A_545 {strides = array<i32>} : memref<80x128xf32, #tpu.memory_space<vmem>>, vector<16xf32>,
        %get3A_549 = arith.index_cast %add3A_502 : i32 to index
        %get3A_550 = arith.constant 80 : index
        %get3A_551 = tpu.vector_load %arg17[%get3A_549, %get3A_550] {strides = array<i32>} : memref<80x128xf32, #tpu.memory_space<vmem>>, vector<16xf32>,
        %mul3A_552 = vector.broadcast %squeeze3A_540 : f32 to vector<16xf32>
        %mul3A_553 = arith.mulf %get3A_551, %mul3A_552 : vector<16xf32>
        %swap3A_554 = arith.index_cast %add3A_502 : i32 to index
        %swap3A_555 = arith.constant 80 : index
        %swap3A_556 = tpu.vector_load %arg17[%swap3A_554, %swap3A_555] {strides = array<i32>} : memref<80x128xf32, #tpu.memory_space<vmem>>, vector<16xf32>,
        tpu.vector_store %arg17[%swap3A_554, %swap3A_555], %mul3A_553 {strides = array<i32>} : memref<80x128xf32, #tpu.memory_space<vmem>>, vector<16xf32>,
        %slice3A_557 = vector.extract_strided_slice %exp3A {offsets = [11], sizes = [1], strides = [1]} : vector<16xf32> to vector<1xf32>
        %squeeze3A_558 = vector.extract %slice3A_557[0] : f32 from vector<1xf32>
        %get3A_559 = arith.index_cast %add3A_502 : i32 to index
        %get3A_560 = arith.constant 96 : index
        %get3A_561 = tpu.vector_load %arg17[%get3A_559, %get3A_560] {strides = array<i32>} : memref<80x128xf32, #tpu.memory_space<vmem>>, vector<16xf32>,
        %mul3A_562 = vector.broadcast %squeeze3A_558 : f32 to vector<16xf32>
        %mul3A_563 = arith.mulf %get3A_561, %mul3A_562 : vector<16xf32>
        %swap3A_564 = arith.index_cast %add3A_502 : i32 to index
        %swap3A_565 = arith.constant 96 : index
        %swap3A_566 = tpu.vector_load %arg17[%swap3A_564, %swap3A_565] {strides = array<i32>} : memref<80x128xf32, #tpu.memory_space<vmem>>, vector<16xf32>,
        tpu.vector_store %arg17[%swap3A_564, %swap3A_565], %mul3A_563 {strides = array<i32>} : memref<80x128xf32, #tpu.memory_space<vmem>>, vector<16xf32>,
        %get3A_567 = arith.index_cast %add3A_502 : i32 to index
        %get3A_568 = arith.constant 112 : index
        %get3A_569 = tpu.vector_load %arg17[%get3A_567, %get3A_568] {strides = array<i32>} : memref<80x128xf32, #tpu.memory_space<vmem>>, vector<16xf32>,
        %mul3A_570 = vector.broadcast %squeeze3A_558 : f32 to vector<16xf32>
        %mul3A_571 = arith.mulf %get3A_569, %mul3A_570 : vector<16xf32>
        %swap3A_572 = arith.index_cast %add3A_502 : i32 to index
        %swap3A_573 = arith.constant 112 : index
        %swap3A_574 = tpu.vector_load %arg17[%swap3A_572, %swap3A_573] {strides = array<i32>} : memref<80x128xf32, #tpu.memory_space<vmem>>, vector<16xf32>,
        tpu.vector_store %arg17[%swap3A_572, %swap3A_573], %mul3A_571 {strides = array<i32>} : memref<80x128xf32, #tpu.memory_space<vmem>>, vector<16xf32>,
        %mul3A_575 = arith.constant 4 : i32
        %mul3A_576 = arith.muli %scan3A_335, %mul3A_575 : i32
        %add3A_577 = arith.constant 3 : i32
        %add3A_578 = arith.addi %mul3A_576, %add3A_577 : i32
        %slice3A_579 = vector.extract_strided_slice %exp3A {offsets = [12], sizes = [1], strides = [1]} : vector<16xf32> to vector<1xf32>
        %squeeze3A_580 = vector.extract %slice3A_579[0] : f32 from vector<1xf32>
        %get3A_581 = arith.index_cast %add3A_578 : i32 to index
        %get3A_582 = arith.constant 0 : index
        %get3A_583 = tpu.vector_load %arg17[%get3A_581, %get3A_582] {strides = array<i32>} : memref<80x128xf32, #tpu.memory_space<vmem>>, vector<16xf32>,
        %mul3A_584 = vector.broadcast %squeeze3A_580 : f32 to vector<16xf32>
        %mul3A_585 = arith.mulf %get3A_583, %mul3A_584 : vector<16xf32>
        %swap3A_586 = arith.index_cast %add3A_578 : i32 to index
        %swap3A_587 = arith.constant 0 : index
        %swap3A_588 = tpu.vector_load %arg17[%swap3A_586, %swap3A_587] {strides = array<i32>} : memref<80x128xf32, #tpu.memory_space<vmem>>, vector<16xf32>,
        tpu.vector_store %arg17[%swap3A_586, %swap3A_587], %mul3A_585 {strides = array<i32>} : memref<80x128xf32, #tpu.memory_space<vmem>>, vector<16xf32>,
        %get3A_589 = arith.index_cast %add3A_578 : i32 to index
        %get3A_590 = arith.constant 16 : index
        %get3A_591 = tpu.vector_load %arg17[%get3A_589, %get3A_590] {strides = array<i32>} : memref<80x128xf32, #tpu.memory_space<vmem>>, vector<16xf32>,
        %mul3A_592 = vector.broadcast %squeeze3A_580 : f32 to vector<16xf32>
        %mul3A_593 = arith.mulf %get3A_591, %mul3A_592 : vector<16xf32>
        %swap3A_594 = arith.index_cast %add3A_578 : i32 to index
        %swap3A_595 = arith.constant 16 : index
        %swap3A_596 = tpu.vector_load %arg17[%swap3A_594, %swap3A_595] {strides = array<i32>} : memref<80x128xf32, #tpu.memory_space<vmem>>, vector<16xf32>,
        tpu.vector_store %arg17[%swap3A_594, %swap3A_595], %mul3A_593 {strides = array<i32>} : memref<80x128xf32, #tpu.memory_space<vmem>>, vector<16xf32>,
        %slice3A_597 = vector.extract_strided_slice %exp3A {offsets = [13], sizes = [1], strides = [1]} : vector<16xf32> to vector<1xf32>
        %squeeze3A_598 = vector.extract %slice3A_597[0] : f32 from vector<1xf32>
        %get3A_599 = arith.index_cast %add3A_578 : i32 to index
        %get3A_600 = arith.constant 32 : index
        %get3A_601 = tpu.vector_load %arg17[%get3A_599, %get3A_600] {strides = array<i32>} : memref<80x128xf32, #tpu.memory_space<vmem>>, vector<16xf32>,
        %mul3A_602 = vector.broadcast %squeeze3A_598 : f32 to vector<16xf32>
        %mul3A_603 = arith.mulf %get3A_601, %mul3A_602 : vector<16xf32>
        %swap3A_604 = arith.index_cast %add3A_578 : i32 to index
        %swap3A_605 = arith.constant 32 : index
        %swap3A_606 = tpu.vector_load %arg17[%swap3A_604, %swap3A_605] {strides = array<i32>} : memref<80x128xf32, #tpu.memory_space<vmem>>, vector<16xf32>,
        tpu.vector_store %arg17[%swap3A_604, %swap3A_605], %mul3A_603 {strides = array<i32>} : memref<80x128xf32, #tpu.memory_space<vmem>>, vector<16xf32>,
        %get3A_607 = arith.index_cast %add3A_578 : i32 to index
        %get3A_608 = arith.constant 48 : index
        %get3A_609 = tpu.vector_load %arg17[%get3A_607, %get3A_608] {strides = array<i32>} : memref<80x128xf32, #tpu.memory_space<vmem>>, vector<16xf32>,
        %mul3A_610 = vector.broadcast %squeeze3A_598 : f32 to vector<16xf32>
        %mul3A_611 = arith.mulf %get3A_609, %mul3A_610 : vector<16xf32>
        %swap3A_612 = arith.index_cast %add3A_578 : i32 to index
        %swap3A_613 = arith.constant 48 : index
        %swap3A_614 = tpu.vector_load %arg17[%swap3A_612, %swap3A_613] {strides = array<i32>} : memref<80x128xf32, #tpu.memory_space<vmem>>, vector<16xf32>,
        tpu.vector_store %arg17[%swap3A_612, %swap3A_613], %mul3A_611 {strides = array<i32>} : memref<80x128xf32, #tpu.memory_space<vmem>>, vector<16xf32>,
        %slice3A_615 = vector.extract_strided_slice %exp3A {offsets = [14], sizes = [1], strides = [1]} : vector<16xf32> to vector<1xf32>
        %squeeze3A_616 = vector.extract %slice3A_615[0] : f32 from vector<1xf32>
        %get3A_617 = arith.index_cast %add3A_578 : i32 to index
        %get3A_618 = arith.constant 64 : index
        %get3A_619 = tpu.vector_load %arg17[%get3A_617, %get3A_618] {strides = array<i32>} : memref<80x128xf32, #tpu.memory_space<vmem>>, vector<16xf32>,
        %mul3A_620 = vector.broadcast %squeeze3A_616 : f32 to vector<16xf32>
        %mul3A_621 = arith.mulf %get3A_619, %mul3A_620 : vector<16xf32>
        %swap3A_622 = arith.index_cast %add3A_578 : i32 to index
        %swap3A_623 = arith.constant 64 : index
        %swap3A_624 = tpu.vector_load %arg17[%swap3A_622, %swap3A_623] {strides = array<i32>} : memref<80x128xf32, #tpu.memory_space<vmem>>, vector<16xf32>,
        tpu.vector_store %arg17[%swap3A_622, %swap3A_623], %mul3A_621 {strides = array<i32>} : memref<80x128xf32, #tpu.memory_space<vmem>>, vector<16xf32>,
        %get3A_625 = arith.index_cast %add3A_578 : i32 to index
        %get3A_626 = arith.constant 80 : index
        %get3A_627 = tpu.vector_load %arg17[%get3A_625, %get3A_626] {strides = array<i32>} : memref<80x128xf32, #tpu.memory_space<vmem>>, vector<16xf32>,
        %mul3A_628 = vector.broadcast %squeeze3A_616 : f32 to vector<16xf32>
        %mul3A_629 = arith.mulf %get3A_627, %mul3A_628 : vector<16xf32>
        %swap3A_630 = arith.index_cast %add3A_578 : i32 to index
        %swap3A_631 = arith.constant 80 : index
        %swap3A_632 = tpu.vector_load %arg17[%swap3A_630, %swap3A_631] {strides = array<i32>} : memref<80x128xf32, #tpu.memory_space<vmem>>, vector<16xf32>,
        tpu.vector_store %arg17[%swap3A_630, %swap3A_631], %mul3A_629 {strides = array<i32>} : memref<80x128xf32, #tpu.memory_space<vmem>>, vector<16xf32>,
        %slice3A_633 = vector.extract_strided_slice %exp3A {offsets = [15], sizes = [1], strides = [1]} : vector<16xf32> to vector<1xf32>
        %squeeze3A_634 = vector.extract %slice3A_633[0] : f32 from vector<1xf32>
        %get3A_635 = arith.index_cast %add3A_578 : i32 to index
        %get3A_636 = arith.constant 96 : index
        %get3A_637 = tpu.vector_load %arg17[%get3A_635, %get3A_636] {strides = array<i32>} : memref<80x128xf32, #tpu.memory_space<vmem>>, vector<16xf32>,
        %mul3A_638 = vector.broadcast %squeeze3A_634 : f32 to vector<16xf32>
        %mul3A_639 = arith.mulf %get3A_637, %mul3A_638 : vector<16xf32>
        %swap3A_640 = arith.index_cast %add3A_578 : i32 to index
        %swap3A_641 = arith.constant 96 : index
        %swap3A_642 = tpu.vector_load %arg17[%swap3A_640, %swap3A_641] {strides = array<i32>} : memref<80x128xf32, #tpu.memory_space<vmem>>, vector<16xf32>,
        tpu.vector_store %arg17[%swap3A_640, %swap3A_641], %mul3A_639 {strides = array<i32>} : memref<80x128xf32, #tpu.memory_space<vmem>>, vector<16xf32>,
        %get3A_643 = arith.index_cast %add3A_578 : i32 to index
        %get3A_644 = arith.constant 112 : index
        %get3A_645 = tpu.vector_load %arg17[%get3A_643, %get3A_644] {strides = array<i32>} : memref<80x128xf32, #tpu.memory_space<vmem>>, vector<16xf32>,
        %mul3A_646 = vector.broadcast %squeeze3A_634 : f32 to vector<16xf32>
        %mul3A_647 = arith.mulf %get3A_645, %mul3A_646 : vector<16xf32>
        %swap3A_648 = arith.index_cast %add3A_578 : i32 to index
        %swap3A_649 = arith.constant 112 : index
        %swap3A_650 = tpu.vector_load %arg17[%swap3A_648, %swap3A_649] {strides = array<i32>} : memref<80x128xf32, #tpu.memory_space<vmem>>, vector<16xf32>,
        tpu.vector_store %arg17[%swap3A_648, %swap3A_649], %mul3A_647 {strides = array<i32>} : memref<80x128xf32, #tpu.memory_space<vmem>>, vector<16xf32>,
      }
      %scan3A_262 = arith.constant 20 : i32
      "tpu.region"() ({
        %run_scoped3A = tpu.sem_alloc : memref<!tpu.dma_semaphore, #tpu.memory_space<semaphore_mem>>
        %dma_start3A_335 = arith.constant 0 : i32
        %dma_start3A_336 = arith.constant 0 : i32
        %dma_start3A_337 = tpu.memref_slice %arg10[%dma_start3A_335, %dma_start3A_336] : memref<10240x16xf32, #tpu.memory_space<vmem_shared>> -> memref<10240x16xf32, #tpu.memory_space<vmem_shared>>
        tpu.enqueue_indirect_dma source(%arg20 : memref<80x16xf32, #tpu.memory_space<vmem>>) target(%dma_start3A_337 : memref<10240x16xf32, #tpu.memory_space<vmem_shared>>) offsets(%arg22 : memref<80xi32, #tpu.memory_space<vmem>>) semaphore(%run_scoped3A : memref<!tpu.dma_semaphore, #tpu.memory_space<semaphore_mem>>) {add = true}
        %dma_wait3A_338 = arith.constant 0 : i32
        %dma_wait3A_339 = arith.constant 0 : i32
        %dma_wait3A_340 = tpu.memref_slice %arg10[%dma_wait3A_338, %dma_wait3A_339] : memref<10240x16xf32, #tpu.memory_space<vmem_shared>> -> memref<10240x16xf32, #tpu.memory_space<vmem_shared>>
        tpu.wait_indirect_dma semaphore(%run_scoped3A : memref<!tpu.dma_semaphore, #tpu.memory_space<semaphore_mem>>) src(%arg20 : memref<80x16xf32, #tpu.memory_space<vmem>>) dst(%dma_wait3A_340 : memref<10240x16xf32, #tpu.memory_space<vmem_shared>>)
        tpu.yield
      }) : () -> ()
      %dma_start3A_263 = arith.constant 0 : i32
      %dma_start3A_264 = arith.constant 0 : i32
      %dma_start3A_265 = tpu.memref_slice %arg9[%dma_start3A_263, %dma_start3A_264] : memref<10240x128xf32, #tpu.memory_space<vmem_shared>> -> memref<10240x128xf32, #tpu.memory_space<vmem_shared>>
      tpu.enqueue_indirect_dma source(%arg17 : memref<80x128xf32, #tpu.memory_space<vmem>>) target(%dma_start3A_265 : memref<10240x128xf32, #tpu.memory_space<vmem_shared>>) offsets(%arg22 : memref<80xi32, #tpu.memory_space<vmem>>) semaphore(%arg30 : memref<!tpu.dma_semaphore, #tpu.memory_space<semaphore_mem>>) {add = true}
      %mul3A_266 = arith.constant 2 : i32
      %mul3A_267 = arith.muli %mul3A_266, %scan3A_193 : i32
      %add3A_268 = arith.constant 2 : i32
      %add3A_269 = arith.addi %mul3A_267, %add3A_268 : i32
      %min3A = arith.constant 124 : i32
      %min3A_270 = arith.minsi %add3A_269, %min3A : i32
      %dma_wait3A_271 = arith.constant 0 : i32
      %dma_wait3A_272 = arith.constant 0 : i32
      %dma_wait3A_273 = tpu.memref_slice %arg9[%dma_wait3A_271, %dma_wait3A_272] : memref<10240x128xf32, #tpu.memory_space<vmem_shared>> -> memref<10240x128xf32, #tpu.memory_space<vmem_shared>>
      tpu.wait_indirect_dma semaphore(%arg26 : memref<!tpu.dma_semaphore, #tpu.memory_space<semaphore_mem>>) src(%arg11 : memref<80x128xf32, #tpu.memory_space<vmem>>) dst(%dma_wait3A_273 : memref<10240x128xf32, #tpu.memory_space<vmem_shared>>)
      %mul3A_274 = arith.constant 10000 : i32
      %mul3A_275 = arith.muli %add3A, %mul3A_274 : i32
      %mul3A_276 = arith.constant 80 : i32
      %mul3A_277 = arith.muli %min3A_270, %mul3A_276 : i32
      %add3A_278 = arith.addi %mul3A_275, %mul3A_277 : i32
      "tpu.region"() ({
        %run_scoped3A = tpu.sem_alloc : memref<!tpu.dma_semaphore, #tpu.memory_space<semaphore_mem>>
        %dma_start3A_335 = arith.constant 0 : i32
        %dma_start3A_336 = tpu.memref_slice %arg4[%dma_start3A_335, %add3A_278] : memref<2x320000xi32, #tpu.memory_space<hbm>> -> memref<2x80xi32, #tpu.memory_space<hbm>>
        %dma_start3A_337 = arith.constant 0 : i32
        %dma_start3A_338 = tpu.memref_slice %arg4[%dma_start3A_337, %add3A_278] : memref<2x320000xi32, #tpu.memory_space<hbm>> -> memref<2x80xi32, #tpu.memory_space<hbm>>
        tpu.enqueue_dma source(%dma_start3A_338 : memref<2x80xi32, #tpu.memory_space<hbm>>) target(%arg15 : memref<2x80xi32, #tpu.memory_space<vmem>>) target_semaphore(%run_scoped3A : memref<!tpu.dma_semaphore, #tpu.memory_space<semaphore_mem>>)
        %dma_wait3A_339 = arith.constant 0 : i32
        %dma_wait3A_340 = tpu.memref_slice %arg4[%dma_wait3A_339, %add3A_278] : memref<2x320000xi32, #tpu.memory_space<hbm>> -> memref<2x80xi32, #tpu.memory_space<hbm>>
        %dma_wait3A_341 = arith.constant 0 : i32
        %dma_wait3A_342 = tpu.memref_slice %arg4[%dma_wait3A_341, %add3A_278] : memref<2x320000xi32, #tpu.memory_space<hbm>> -> memref<2x80xi32, #tpu.memory_space<hbm>>
        tpu.wait_dma2 semaphore(%run_scoped3A : memref<!tpu.dma_semaphore, #tpu.memory_space<semaphore_mem>>) src(%dma_wait3A_342 : memref<2x80xi32, #tpu.memory_space<hbm>>) dst(%arg15 : memref<2x80xi32, #tpu.memory_space<vmem>>)
        tpu.yield
      }) : () -> ()
      %dma_start3A_279 = arith.constant 0 : i32
      %dma_start3A_280 = arith.constant 0 : i32
      %dma_start3A_281 = tpu.memref_slice %arg15[%dma_start3A_279, %dma_start3A_280] : memref<2x80xi32, #tpu.memory_space<vmem>> -> memref<1x80xi32, #tpu.memory_space<vmem>>
      %dma_start3A_282 = tpu.memref_squeeze %dma_start3A_281 : memref<1x80xi32, #tpu.memory_space<vmem>> -> memref<80xi32, #tpu.memory_space<vmem>>
      %dma_start3A_283 = arith.constant 0 : i32
      %dma_start3A_284 = arith.constant 0 : i32
      %dma_start3A_285 = tpu.memref_slice %arg3[%dma_start3A_283, %dma_start3A_284] : memref<10000x16xf32, #tpu.memory_space<hbm>> -> memref<10000x16xf32, #tpu.memory_space<hbm>>
      tpu.enqueue_indirect_dma source(%dma_start3A_285 : memref<10000x16xf32, #tpu.memory_space<hbm>>) target(%arg12 : memref<80x16xf32, #tpu.memory_space<vmem>>) offsets(%dma_start3A_282 : memref<80xi32, #tpu.memory_space<vmem>>) semaphore(%arg23 : memref<!tpu.dma_semaphore, #tpu.memory_space<semaphore_mem>>)
      %dma_start3A_286 = arith.constant 1 : i32
      %dma_start3A_287 = arith.constant 0 : i32
      %dma_start3A_288 = tpu.memref_slice %arg15[%dma_start3A_286, %dma_start3A_287] : memref<2x80xi32, #tpu.memory_space<vmem>> -> memref<1x80xi32, #tpu.memory_space<vmem>>
      %dma_start3A_289 = tpu.memref_squeeze %dma_start3A_288 : memref<1x80xi32, #tpu.memory_space<vmem>> -> memref<80xi32, #tpu.memory_space<vmem>>
      %dma_start3A_290 = arith.constant 0 : i32
      %dma_start3A_291 = arith.constant 0 : i32
      %dma_start3A_292 = tpu.memref_slice %arg3[%dma_start3A_290, %dma_start3A_291] : memref<10000x16xf32, #tpu.memory_space<hbm>> -> memref<10000x16xf32, #tpu.memory_space<hbm>>
      tpu.enqueue_indirect_dma source(%dma_start3A_292 : memref<10000x16xf32, #tpu.memory_space<hbm>>) target(%arg13 : memref<80x16xf32, #tpu.memory_space<vmem>>) offsets(%dma_start3A_289 : memref<80xi32, #tpu.memory_space<vmem>>) semaphore(%arg24 : memref<!tpu.dma_semaphore, #tpu.memory_space<semaphore_mem>>)
      %dma_start3A_293 = arith.constant 0 : i32
      %dma_start3A_294 = arith.constant 0 : i32
      %dma_start3A_295 = tpu.memref_slice %arg15[%dma_start3A_293, %dma_start3A_294] : memref<2x80xi32, #tpu.memory_space<vmem>> -> memref<1x80xi32, #tpu.memory_space<vmem>>
      %dma_start3A_296 = tpu.memref_squeeze %dma_start3A_295 : memref<1x80xi32, #tpu.memory_space<vmem>> -> memref<80xi32, #tpu.memory_space<vmem>>
      %dma_start3A_297 = arith.constant 0 : i32
      %dma_start3A_298 = arith.constant 0 : i32
      %dma_start3A_299 = tpu.memref_slice %arg2[%dma_start3A_297, %dma_start3A_298] : memref<10000x128xf32, #tpu.memory_space<hbm>> -> memref<10000x128xf32, #tpu.memory_space<hbm>>
      tpu.enqueue_indirect_dma source(%dma_start3A_299 : memref<10000x128xf32, #tpu.memory_space<hbm>>) target(%arg11 : memref<80x128xf32, #tpu.memory_space<vmem>>) offsets(%dma_start3A_296 : memref<80xi32, #tpu.memory_space<vmem>>) semaphore(%arg25 : memref<!tpu.dma_semaphore, #tpu.memory_space<semaphore_mem>>)
      %mul3A_300 = arith.constant 2 : i32
      %mul3A_301 = arith.muli %mul3A_300, %scan3A_193 : i32
      %add3A_302 = arith.constant 3 : i32
      %add3A_303 = arith.addi %mul3A_301, %add3A_302 : i32
      %min3A_304 = arith.constant 124 : i32
      %min3A_305 = arith.minsi %add3A_303, %min3A_304 : i32
      %dma_wait3A_306 = arith.constant 0 : i32
      %dma_wait3A_307 = arith.constant 0 : i32
      %dma_wait3A_308 = tpu.memref_slice %arg9[%dma_wait3A_306, %dma_wait3A_307] : memref<10240x128xf32, #tpu.memory_space<vmem_shared>> -> memref<10240x128xf32, #tpu.memory_space<vmem_shared>>
      tpu.wait_indirect_dma semaphore(%arg30 : memref<!tpu.dma_semaphore, #tpu.memory_space<semaphore_mem>>) src(%arg17 : memref<80x128xf32, #tpu.memory_space<vmem>>) dst(%dma_wait3A_308 : memref<10240x128xf32, #tpu.memory_space<vmem_shared>>)
      %mul3A_309 = arith.constant 10000 : i32
      %mul3A_310 = arith.muli %add3A, %mul3A_309 : i32
      %mul3A_311 = arith.constant 80 : i32
      %mul3A_312 = arith.muli %min3A_305, %mul3A_311 : i32
      %add3A_313 = arith.addi %mul3A_310, %mul3A_312 : i32
      "tpu.region"() ({
        %run_scoped3A = tpu.sem_alloc : memref<!tpu.dma_semaphore, #tpu.memory_space<semaphore_mem>>
        %dma_start3A_335 = arith.constant 0 : i32
        %dma_start3A_336 = tpu.memref_slice %arg4[%dma_start3A_335, %add3A_313] : memref<2x320000xi32, #tpu.memory_space<hbm>> -> memref<2x80xi32, #tpu.memory_space<hbm>>
        %dma_start3A_337 = arith.constant 0 : i32
        %dma_start3A_338 = tpu.memref_slice %arg4[%dma_start3A_337, %add3A_313] : memref<2x320000xi32, #tpu.memory_space<hbm>> -> memref<2x80xi32, #tpu.memory_space<hbm>>
        tpu.enqueue_dma source(%dma_start3A_338 : memref<2x80xi32, #tpu.memory_space<hbm>>) target(%arg21 : memref<2x80xi32, #tpu.memory_space<vmem>>) target_semaphore(%run_scoped3A : memref<!tpu.dma_semaphore, #tpu.memory_space<semaphore_mem>>)
        %dma_wait3A_339 = arith.constant 0 : i32
        %dma_wait3A_340 = tpu.memref_slice %arg4[%dma_wait3A_339, %add3A_313] : memref<2x320000xi32, #tpu.memory_space<hbm>> -> memref<2x80xi32, #tpu.memory_space<hbm>>
        %dma_wait3A_341 = arith.constant 0 : i32
        %dma_wait3A_342 = tpu.memref_slice %arg4[%dma_wait3A_341, %add3A_313] : memref<2x320000xi32, #tpu.memory_space<hbm>> -> memref<2x80xi32, #tpu.memory_space<hbm>>
        tpu.wait_dma2 semaphore(%run_scoped3A : memref<!tpu.dma_semaphore, #tpu.memory_space<semaphore_mem>>) src(%dma_wait3A_342 : memref<2x80xi32, #tpu.memory_space<hbm>>) dst(%arg21 : memref<2x80xi32, #tpu.memory_space<vmem>>)
        tpu.yield
      }) : () -> ()
      %dma_start3A_314 = arith.constant 0 : i32
      %dma_start3A_315 = arith.constant 0 : i32
      %dma_start3A_316 = tpu.memref_slice %arg21[%dma_start3A_314, %dma_start3A_315] : memref<2x80xi32, #tpu.memory_space<vmem>> -> memref<1x80xi32, #tpu.memory_space<vmem>>
      %dma_start3A_317 = tpu.memref_squeeze %dma_start3A_316 : memref<1x80xi32, #tpu.memory_space<vmem>> -> memref<80xi32, #tpu.memory_space<vmem>>
      %dma_start3A_318 = arith.constant 0 : i32
      %dma_start3A_319 = arith.constant 0 : i32
      %dma_start3A_320 = tpu.memref_slice %arg3[%dma_start3A_318, %dma_start3A_319] : memref<10000x16xf32, #tpu.memory_space<hbm>> -> memref<10000x16xf32, #tpu.memory_space<hbm>>
      tpu.enqueue_indirect_dma source(%dma_start3A_320 : memref<10000x16xf32, #tpu.memory_space<hbm>>) target(%arg18 : memref<80x16xf32, #tpu.memory_space<vmem>>) offsets(%dma_start3A_317 : memref<80xi32, #tpu.memory_space<vmem>>) semaphore(%arg27 : memref<!tpu.dma_semaphore, #tpu.memory_space<semaphore_mem>>)
      %dma_start3A_321 = arith.constant 1 : i32
      %dma_start3A_322 = arith.constant 0 : i32
      %dma_start3A_323 = tpu.memref_slice %arg21[%dma_start3A_321, %dma_start3A_322] : memref<2x80xi32, #tpu.memory_space<vmem>> -> memref<1x80xi32, #tpu.memory_space<vmem>>
      %dma_start3A_324 = tpu.memref_squeeze %dma_start3A_323 : memref<1x80xi32, #tpu.memory_space<vmem>> -> memref<80xi32, #tpu.memory_space<vmem>>
      %dma_start3A_325 = arith.constant 0 : i32
      %dma_start3A_326 = arith.constant 0 : i32
      %dma_start3A_327 = tpu.memref_slice %arg3[%dma_start3A_325, %dma_start3A_326] : memref<10000x16xf32, #tpu.memory_space<hbm>> -> memref<10000x16xf32, #tpu.memory_space<hbm>>
      tpu.enqueue_indirect_dma source(%dma_start3A_327 : memref<10000x16xf32, #tpu.memory_space<hbm>>) target(%arg19 : memref<80x16xf32, #tpu.memory_space<vmem>>) offsets(%dma_start3A_324 : memref<80xi32, #tpu.memory_space<vmem>>) semaphore(%arg28 : memref<!tpu.dma_semaphore, #tpu.memory_space<semaphore_mem>>)
      %dma_start3A_328 = arith.constant 0 : i32
      %dma_start3A_329 = arith.constant 0 : i32
      %dma_start3A_330 = tpu.memref_slice %arg21[%dma_start3A_328, %dma_start3A_329] : memref<2x80xi32, #tpu.memory_space<vmem>> -> memref<1x80xi32, #tpu.memory_space<vmem>>
      %dma_start3A_331 = tpu.memref_squeeze %dma_start3A_330 : memref<1x80xi32, #tpu.memory_space<vmem>> -> memref<80xi32, #tpu.memory_space<vmem>>
      %dma_start3A_332 = arith.constant 0 : i32
      %dma_start3A_333 = arith.constant 0 : i32
      %dma_start3A_334 = tpu.memref_slice %arg2[%dma_start3A_332, %dma_start3A_333] : memref<10000x128xf32, #tpu.memory_space<hbm>> -> memref<10000x128xf32, #tpu.memory_space<hbm>>
      tpu.enqueue_indirect_dma source(%dma_start3A_334 : memref<10000x128xf32, #tpu.memory_space<hbm>>) target(%arg17 : memref<80x128xf32, #tpu.memory_space<vmem>>) offsets(%dma_start3A_331 : memref<80xi32, #tpu.memory_space<vmem>>) semaphore(%arg29 : memref<!tpu.dma_semaphore, #tpu.memory_space<semaphore_mem>>)
    }
    %scan3A_124 = arith.constant 62 : i32
    %dma_wait3A = arith.constant 0 : i32
    %dma_wait3A_125 = arith.constant 0 : i32
    %dma_wait3A_126 = tpu.memref_slice %arg15[%dma_wait3A, %dma_wait3A_125] : memref<2x80xi32, #tpu.memory_space<vmem>> -> memref<1x80xi32, #tpu.memory_space<vmem>>
    %dma_wait3A_127 = tpu.memref_squeeze %dma_wait3A_126 : memref<1x80xi32, #tpu.memory_space<vmem>> -> memref<80xi32, #tpu.memory_space<vmem>>
    %dma_wait3A_128 = arith.constant 0 : i32
    %dma_wait3A_129 = arith.constant 0 : i32
    %dma_wait3A_130 = tpu.memref_slice %arg3[%dma_wait3A_128, %dma_wait3A_129] : memref<10000x16xf32, #tpu.memory_space<hbm>> -> memref<10000x16xf32, #tpu.memory_space<hbm>>
    tpu.wait_indirect_dma semaphore(%arg23 : memref<!tpu.dma_semaphore, #tpu.memory_space<semaphore_mem>>) src(%dma_wait3A_130 : memref<10000x16xf32, #tpu.memory_space<hbm>>) dst(%arg12 : memref<80x16xf32, #tpu.memory_space<vmem>>)
    %dma_wait3A_131 = arith.constant 1 : i32
    %dma_wait3A_132 = arith.constant 0 : i32
    %dma_wait3A_133 = tpu.memref_slice %arg15[%dma_wait3A_131, %dma_wait3A_132] : memref<2x80xi32, #tpu.memory_space<vmem>> -> memref<1x80xi32, #tpu.memory_space<vmem>>
    %dma_wait3A_134 = tpu.memref_squeeze %dma_wait3A_133 : memref<1x80xi32, #tpu.memory_space<vmem>> -> memref<80xi32, #tpu.memory_space<vmem>>
    %dma_wait3A_135 = arith.constant 0 : i32
    %dma_wait3A_136 = arith.constant 0 : i32
    %dma_wait3A_137 = tpu.memref_slice %arg3[%dma_wait3A_135, %dma_wait3A_136] : memref<10000x16xf32, #tpu.memory_space<hbm>> -> memref<10000x16xf32, #tpu.memory_space<hbm>>
    tpu.wait_indirect_dma semaphore(%arg24 : memref<!tpu.dma_semaphore, #tpu.memory_space<semaphore_mem>>) src(%dma_wait3A_137 : memref<10000x16xf32, #tpu.memory_space<hbm>>) dst(%arg13 : memref<80x16xf32, #tpu.memory_space<vmem>>)
    %dma_wait3A_138 = arith.constant 0 : i32
    %dma_wait3A_139 = arith.constant 0 : i32
    %dma_wait3A_140 = tpu.memref_slice %arg15[%dma_wait3A_138, %dma_wait3A_139] : memref<2x80xi32, #tpu.memory_space<vmem>> -> memref<1x80xi32, #tpu.memory_space<vmem>>
    %dma_wait3A_141 = tpu.memref_squeeze %dma_wait3A_140 : memref<1x80xi32, #tpu.memory_space<vmem>> -> memref<80xi32, #tpu.memory_space<vmem>>
    %dma_wait3A_142 = arith.constant 0 : i32
    %dma_wait3A_143 = arith.constant 0 : i32
    %dma_wait3A_144 = tpu.memref_slice %arg2[%dma_wait3A_142, %dma_wait3A_143] : memref<10000x128xf32, #tpu.memory_space<hbm>> -> memref<10000x128xf32, #tpu.memory_space<hbm>>
    tpu.wait_indirect_dma semaphore(%arg25 : memref<!tpu.dma_semaphore, #tpu.memory_space<semaphore_mem>>) src(%dma_wait3A_144 : memref<10000x128xf32, #tpu.memory_space<hbm>>) dst(%arg11 : memref<80x128xf32, #tpu.memory_space<vmem>>)
    %scan3A_145 = arith.constant 0 : i32
    %scan3A_146 = arith.constant 0 : i32
    %scan3A_147 = arith.constant 5 : i32
    %scan3A_148 = arith.addi %scan3A_146, %scan3A_147 : i32
    %scan3A_149 = arith.constant 1 : i32
    scf.for %scan3A_193 = %scan3A_146 to %scan3A_148 step %scan3A_149  : i32 {
      %mul3A_194 = arith.constant 16 : i32
      %mul3A_195 = arith.muli %scan3A_193, %mul3A_194 : i32
      %get3A = arith.constant 1 : i32
      %get3A_196 = arith.index_cast %get3A : i32 to index
      %get3A_197 = arith.index_cast %mul3A_195 : i32 to index
      %get3A_198 = tpu.vector_load %arg15[%get3A_196, %get3A_197] {strides = array<i32>} : memref<2x80xi32, #tpu.memory_space<vmem>>, vector<16xi32>,
      %mul3A_199 = arith.constant 16 : i32
      %mul3A_200 = arith.muli %scan3A_193, %mul3A_199 : i32
      %swap3A = arith.index_cast %mul3A_200 : i32 to index
      %swap3A_201 = tpu.vector_load %arg16[%swap3A] {strides = array<i32>} : memref<80xi32, #tpu.memory_space<vmem>>, vector<16xi32>,
      tpu.vector_store %arg16[%swap3A], %get3A_198 {strides = array<i32>} : memref<80xi32, #tpu.memory_space<vmem>>, vector<16xi32>,
    }
    %scan3A_150 = arith.constant 5 : i32
    %scan3A_151 = arith.constant 0 : i32
    %scan3A_152 = arith.constant 0 : i32
    %scan3A_153 = arith.constant 20 : i32
    %scan3A_154 = arith.addi %scan3A_152, %scan3A_153 : i32
    %scan3A_155 = arith.constant 1 : i32
    scf.for %scan3A_193 = %scan3A_152 to %scan3A_154 step %scan3A_155  : i32 {
      %mul3A_194 = arith.constant 4 : i32
      %mul3A_195 = arith.muli %scan3A_193, %mul3A_194 : i32
      %add3A_196 = vector.broadcast %mul3A_195 : i32 to vector<16xi32>
      %add3A_197 = arith.addi %add3A_196, %select_n3A : vector<16xi32>
      %gather3A = tpu.vector_load_idx %arg12[%add3A_197, %select_n3A_69] : memref<80x16xf32, #tpu.memory_space<vmem>>[vector<16xi32>, vector<16xi32>], vector<16xf32>,
      %add3A_198 = arith.constant 4 : i32
      %add3A_199 = vector.broadcast %add3A_198 : i32 to vector<16xi32>
      %add3A_200 = arith.addi %select_n3A_69, %add3A_199 : vector<16xi32>
      %gather3A_201 = tpu.vector_load_idx %arg13[%add3A_197, %add3A_200] : memref<80x16xf32, #tpu.memory_space<vmem>>[vector<16xi32>, vector<16xi32>], vector<16xf32>,
      %add3A_202 = arith.addf %gather3A, %gather3A_201 : vector<16xf32>
      %gt3A = arith.constant 0.000000e+00 : f32
      %gt3A_203 = vector.broadcast %gt3A : f32 to vector<16xf32>
      %gt3A_204 = arith.cmpf ogt, %add3A_202, %gt3A_203 : vector<16xf32>
      %mul3A_205 = arith.constant 2.000000e-01 : f32
      %mul3A_206 = vector.broadcast %mul3A_205 : f32 to vector<16xf32>
      %mul3A_207 = arith.mulf %add3A_202, %mul3A_206 : vector<16xf32>
      %select_n3A_208 = arith.select %gt3A_204, %add3A_202, %mul3A_207 : vector<16xi1>, vector<16xf32>
      %exp3A = math.exp %select_n3A_208 : vector<16xf32>
      tpu.vector_store_idx %arg14[%add3A_197, %select_n3A_69], %exp3A : memref<80x16xf32, #tpu.memory_space<vmem>>[vector<16xi32>, vector<16xi32>], vector<16xf32>,
      %mul3A_209 = arith.constant 4 : i32
      %mul3A_210 = arith.muli %scan3A_193, %mul3A_209 : i32
      %add3A_211 = arith.constant 0 : i32
      %add3A_212 = arith.addi %mul3A_210, %add3A_211 : i32
      %slice3A = vector.extract_strided_slice %exp3A {offsets = [0], sizes = [1], strides = [1]} : vector<16xf32> to vector<1xf32>
      %squeeze3A = vector.extract %slice3A[0] : f32 from vector<1xf32>
      %get3A = arith.index_cast %add3A_212 : i32 to index
      %get3A_213 = arith.constant 0 : index
      %get3A_214 = tpu.vector_load %arg11[%get3A, %get3A_213] {strides = array<i32>} : memref<80x128xf32, #tpu.memory_space<vmem>>, vector<16xf32>,
      %mul3A_215 = vector.broadcast %squeeze3A : f32 to vector<16xf32>
      %mul3A_216 = arith.mulf %get3A_214, %mul3A_215 : vector<16xf32>
      %swap3A = arith.index_cast %add3A_212 : i32 to index
      %swap3A_217 = arith.constant 0 : index
      %swap3A_218 = tpu.vector_load %arg11[%swap3A, %swap3A_217] {strides = array<i32>} : memref<80x128xf32, #tpu.memory_space<vmem>>, vector<16xf32>,
      tpu.vector_store %arg11[%swap3A, %swap3A_217], %mul3A_216 {strides = array<i32>} : memref<80x128xf32, #tpu.memory_space<vmem>>, vector<16xf32>,
      %get3A_219 = arith.index_cast %add3A_212 : i32 to index
      %get3A_220 = arith.constant 16 : index
      %get3A_221 = tpu.vector_load %arg11[%get3A_219, %get3A_220] {strides = array<i32>} : memref<80x128xf32, #tpu.memory_space<vmem>>, vector<16xf32>,
      %mul3A_222 = vector.broadcast %squeeze3A : f32 to vector<16xf32>
      %mul3A_223 = arith.mulf %get3A_221, %mul3A_222 : vector<16xf32>
      %swap3A_224 = arith.index_cast %add3A_212 : i32 to index
      %swap3A_225 = arith.constant 16 : index
      %swap3A_226 = tpu.vector_load %arg11[%swap3A_224, %swap3A_225] {strides = array<i32>} : memref<80x128xf32, #tpu.memory_space<vmem>>, vector<16xf32>,
      tpu.vector_store %arg11[%swap3A_224, %swap3A_225], %mul3A_223 {strides = array<i32>} : memref<80x128xf32, #tpu.memory_space<vmem>>, vector<16xf32>,
      %slice3A_227 = vector.extract_strided_slice %exp3A {offsets = [1], sizes = [1], strides = [1]} : vector<16xf32> to vector<1xf32>
      %squeeze3A_228 = vector.extract %slice3A_227[0] : f32 from vector<1xf32>
      %get3A_229 = arith.index_cast %add3A_212 : i32 to index
      %get3A_230 = arith.constant 32 : index
      %get3A_231 = tpu.vector_load %arg11[%get3A_229, %get3A_230] {strides = array<i32>} : memref<80x128xf32, #tpu.memory_space<vmem>>, vector<16xf32>,
      %mul3A_232 = vector.broadcast %squeeze3A_228 : f32 to vector<16xf32>
      %mul3A_233 = arith.mulf %get3A_231, %mul3A_232 : vector<16xf32>
      %swap3A_234 = arith.index_cast %add3A_212 : i32 to index
      %swap3A_235 = arith.constant 32 : index
      %swap3A_236 = tpu.vector_load %arg11[%swap3A_234, %swap3A_235] {strides = array<i32>} : memref<80x128xf32, #tpu.memory_space<vmem>>, vector<16xf32>,
      tpu.vector_store %arg11[%swap3A_234, %swap3A_235], %mul3A_233 {strides = array<i32>} : memref<80x128xf32, #tpu.memory_space<vmem>>, vector<16xf32>,
      %get3A_237 = arith.index_cast %add3A_212 : i32 to index
      %get3A_238 = arith.constant 48 : index
      %get3A_239 = tpu.vector_load %arg11[%get3A_237, %get3A_238] {strides = array<i32>} : memref<80x128xf32, #tpu.memory_space<vmem>>, vector<16xf32>,
      %mul3A_240 = vector.broadcast %squeeze3A_228 : f32 to vector<16xf32>
      %mul3A_241 = arith.mulf %get3A_239, %mul3A_240 : vector<16xf32>
      %swap3A_242 = arith.index_cast %add3A_212 : i32 to index
      %swap3A_243 = arith.constant 48 : index
      %swap3A_244 = tpu.vector_load %arg11[%swap3A_242, %swap3A_243] {strides = array<i32>} : memref<80x128xf32, #tpu.memory_space<vmem>>, vector<16xf32>,
      tpu.vector_store %arg11[%swap3A_242, %swap3A_243], %mul3A_241 {strides = array<i32>} : memref<80x128xf32, #tpu.memory_space<vmem>>, vector<16xf32>,
      %slice3A_245 = vector.extract_strided_slice %exp3A {offsets = [2], sizes = [1], strides = [1]} : vector<16xf32> to vector<1xf32>
      %squeeze3A_246 = vector.extract %slice3A_245[0] : f32 from vector<1xf32>
      %get3A_247 = arith.index_cast %add3A_212 : i32 to index
      %get3A_248 = arith.constant 64 : index
      %get3A_249 = tpu.vector_load %arg11[%get3A_247, %get3A_248] {strides = array<i32>} : memref<80x128xf32, #tpu.memory_space<vmem>>, vector<16xf32>,
      %mul3A_250 = vector.broadcast %squeeze3A_246 : f32 to vector<16xf32>
      %mul3A_251 = arith.mulf %get3A_249, %mul3A_250 : vector<16xf32>
      %swap3A_252 = arith.index_cast %add3A_212 : i32 to index
      %swap3A_253 = arith.constant 64 : index
      %swap3A_254 = tpu.vector_load %arg11[%swap3A_252, %swap3A_253] {strides = array<i32>} : memref<80x128xf32, #tpu.memory_space<vmem>>, vector<16xf32>,
      tpu.vector_store %arg11[%swap3A_252, %swap3A_253], %mul3A_251 {strides = array<i32>} : memref<80x128xf32, #tpu.memory_space<vmem>>, vector<16xf32>,
      %get3A_255 = arith.index_cast %add3A_212 : i32 to index
      %get3A_256 = arith.constant 80 : index
      %get3A_257 = tpu.vector_load %arg11[%get3A_255, %get3A_256] {strides = array<i32>} : memref<80x128xf32, #tpu.memory_space<vmem>>, vector<16xf32>,
      %mul3A_258 = vector.broadcast %squeeze3A_246 : f32 to vector<16xf32>
      %mul3A_259 = arith.mulf %get3A_257, %mul3A_258 : vector<16xf32>
      %swap3A_260 = arith.index_cast %add3A_212 : i32 to index
      %swap3A_261 = arith.constant 80 : index
      %swap3A_262 = tpu.vector_load %arg11[%swap3A_260, %swap3A_261] {strides = array<i32>} : memref<80x128xf32, #tpu.memory_space<vmem>>, vector<16xf32>,
      tpu.vector_store %arg11[%swap3A_260, %swap3A_261], %mul3A_259 {strides = array<i32>} : memref<80x128xf32, #tpu.memory_space<vmem>>, vector<16xf32>,
      %slice3A_263 = vector.extract_strided_slice %exp3A {offsets = [3], sizes = [1], strides = [1]} : vector<16xf32> to vector<1xf32>
      %squeeze3A_264 = vector.extract %slice3A_263[0] : f32 from vector<1xf32>
      %get3A_265 = arith.index_cast %add3A_212 : i32 to index
      %get3A_266 = arith.constant 96 : index
      %get3A_267 = tpu.vector_load %arg11[%get3A_265, %get3A_266] {strides = array<i32>} : memref<80x128xf32, #tpu.memory_space<vmem>>, vector<16xf32>,
      %mul3A_268 = vector.broadcast %squeeze3A_264 : f32 to vector<16xf32>
      %mul3A_269 = arith.mulf %get3A_267, %mul3A_268 : vector<16xf32>
      %swap3A_270 = arith.index_cast %add3A_212 : i32 to index
      %swap3A_271 = arith.constant 96 : index
      %swap3A_272 = tpu.vector_load %arg11[%swap3A_270, %swap3A_271] {strides = array<i32>} : memref<80x128xf32, #tpu.memory_space<vmem>>, vector<16xf32>,
      tpu.vector_store %arg11[%swap3A_270, %swap3A_271], %mul3A_269 {strides = array<i32>} : memref<80x128xf32, #tpu.memory_space<vmem>>, vector<16xf32>,
      %get3A_273 = arith.index_cast %add3A_212 : i32 to index
      %get3A_274 = arith.constant 112 : index
      %get3A_275 = tpu.vector_load %arg11[%get3A_273, %get3A_274] {strides = array<i32>} : memref<80x128xf32, #tpu.memory_space<vmem>>, vector<16xf32>,
      %mul3A_276 = vector.broadcast %squeeze3A_264 : f32 to vector<16xf32>
      %mul3A_277 = arith.mulf %get3A_275, %mul3A_276 : vector<16xf32>
      %swap3A_278 = arith.index_cast %add3A_212 : i32 to index
      %swap3A_279 = arith.constant 112 : index
      %swap3A_280 = tpu.vector_load %arg11[%swap3A_278, %swap3A_279] {strides = array<i32>} : memref<80x128xf32, #tpu.memory_space<vmem>>, vector<16xf32>,
      tpu.vector_store %arg11[%swap3A_278, %swap3A_279], %mul3A_277 {strides = array<i32>} : memref<80x128xf32, #tpu.memory_space<vmem>>, vector<16xf32>,
      %mul3A_281 = arith.constant 4 : i32
      %mul3A_282 = arith.muli %scan3A_193, %mul3A_281 : i32
      %add3A_283 = arith.constant 1 : i32
      %add3A_284 = arith.addi %mul3A_282, %add3A_283 : i32
      %slice3A_285 = vector.extract_strided_slice %exp3A {offsets = [4], sizes = [1], strides = [1]} : vector<16xf32> to vector<1xf32>
      %squeeze3A_286 = vector.extract %slice3A_285[0] : f32 from vector<1xf32>
      %get3A_287 = arith.index_cast %add3A_284 : i32 to index
      %get3A_288 = arith.constant 0 : index
      %get3A_289 = tpu.vector_load %arg11[%get3A_287, %get3A_288] {strides = array<i32>} : memref<80x128xf32, #tpu.memory_space<vmem>>, vector<16xf32>,
      %mul3A_290 = vector.broadcast %squeeze3A_286 : f32 to vector<16xf32>
      %mul3A_291 = arith.mulf %get3A_289, %mul3A_290 : vector<16xf32>
      %swap3A_292 = arith.index_cast %add3A_284 : i32 to index
      %swap3A_293 = arith.constant 0 : index
      %swap3A_294 = tpu.vector_load %arg11[%swap3A_292, %swap3A_293] {strides = array<i32>} : memref<80x128xf32, #tpu.memory_space<vmem>>, vector<16xf32>,
      tpu.vector_store %arg11[%swap3A_292, %swap3A_293], %mul3A_291 {strides = array<i32>} : memref<80x128xf32, #tpu.memory_space<vmem>>, vector<16xf32>,
      %get3A_295 = arith.index_cast %add3A_284 : i32 to index
      %get3A_296 = arith.constant 16 : index
      %get3A_297 = tpu.vector_load %arg11[%get3A_295, %get3A_296] {strides = array<i32>} : memref<80x128xf32, #tpu.memory_space<vmem>>, vector<16xf32>,
      %mul3A_298 = vector.broadcast %squeeze3A_286 : f32 to vector<16xf32>
      %mul3A_299 = arith.mulf %get3A_297, %mul3A_298 : vector<16xf32>
      %swap3A_300 = arith.index_cast %add3A_284 : i32 to index
      %swap3A_301 = arith.constant 16 : index
      %swap3A_302 = tpu.vector_load %arg11[%swap3A_300, %swap3A_301] {strides = array<i32>} : memref<80x128xf32, #tpu.memory_space<vmem>>, vector<16xf32>,
      tpu.vector_store %arg11[%swap3A_300, %swap3A_301], %mul3A_299 {strides = array<i32>} : memref<80x128xf32, #tpu.memory_space<vmem>>, vector<16xf32>,
      %slice3A_303 = vector.extract_strided_slice %exp3A {offsets = [5], sizes = [1], strides = [1]} : vector<16xf32> to vector<1xf32>
      %squeeze3A_304 = vector.extract %slice3A_303[0] : f32 from vector<1xf32>
      %get3A_305 = arith.index_cast %add3A_284 : i32 to index
      %get3A_306 = arith.constant 32 : index
      %get3A_307 = tpu.vector_load %arg11[%get3A_305, %get3A_306] {strides = array<i32>} : memref<80x128xf32, #tpu.memory_space<vmem>>, vector<16xf32>,
      %mul3A_308 = vector.broadcast %squeeze3A_304 : f32 to vector<16xf32>
      %mul3A_309 = arith.mulf %get3A_307, %mul3A_308 : vector<16xf32>
      %swap3A_310 = arith.index_cast %add3A_284 : i32 to index
      %swap3A_311 = arith.constant 32 : index
      %swap3A_312 = tpu.vector_load %arg11[%swap3A_310, %swap3A_311] {strides = array<i32>} : memref<80x128xf32, #tpu.memory_space<vmem>>, vector<16xf32>,
      tpu.vector_store %arg11[%swap3A_310, %swap3A_311], %mul3A_309 {strides = array<i32>} : memref<80x128xf32, #tpu.memory_space<vmem>>, vector<16xf32>,
      %get3A_313 = arith.index_cast %add3A_284 : i32 to index
      %get3A_314 = arith.constant 48 : index
      %get3A_315 = tpu.vector_load %arg11[%get3A_313, %get3A_314] {strides = array<i32>} : memref<80x128xf32, #tpu.memory_space<vmem>>, vector<16xf32>,
      %mul3A_316 = vector.broadcast %squeeze3A_304 : f32 to vector<16xf32>
      %mul3A_317 = arith.mulf %get3A_315, %mul3A_316 : vector<16xf32>
      %swap3A_318 = arith.index_cast %add3A_284 : i32 to index
      %swap3A_319 = arith.constant 48 : index
      %swap3A_320 = tpu.vector_load %arg11[%swap3A_318, %swap3A_319] {strides = array<i32>} : memref<80x128xf32, #tpu.memory_space<vmem>>, vector<16xf32>,
      tpu.vector_store %arg11[%swap3A_318, %swap3A_319], %mul3A_317 {strides = array<i32>} : memref<80x128xf32, #tpu.memory_space<vmem>>, vector<16xf32>,
      %slice3A_321 = vector.extract_strided_slice %exp3A {offsets = [6], sizes = [1], strides = [1]} : vector<16xf32> to vector<1xf32>
      %squeeze3A_322 = vector.extract %slice3A_321[0] : f32 from vector<1xf32>
      %get3A_323 = arith.index_cast %add3A_284 : i32 to index
      %get3A_324 = arith.constant 64 : index
      %get3A_325 = tpu.vector_load %arg11[%get3A_323, %get3A_324] {strides = array<i32>} : memref<80x128xf32, #tpu.memory_space<vmem>>, vector<16xf32>,
      %mul3A_326 = vector.broadcast %squeeze3A_322 : f32 to vector<16xf32>
      %mul3A_327 = arith.mulf %get3A_325, %mul3A_326 : vector<16xf32>
      %swap3A_328 = arith.index_cast %add3A_284 : i32 to index
      %swap3A_329 = arith.constant 64 : index
      %swap3A_330 = tpu.vector_load %arg11[%swap3A_328, %swap3A_329] {strides = array<i32>} : memref<80x128xf32, #tpu.memory_space<vmem>>, vector<16xf32>,
      tpu.vector_store %arg11[%swap3A_328, %swap3A_329], %mul3A_327 {strides = array<i32>} : memref<80x128xf32, #tpu.memory_space<vmem>>, vector<16xf32>,
      %get3A_331 = arith.index_cast %add3A_284 : i32 to index
      %get3A_332 = arith.constant 80 : index
      %get3A_333 = tpu.vector_load %arg11[%get3A_331, %get3A_332] {strides = array<i32>} : memref<80x128xf32, #tpu.memory_space<vmem>>, vector<16xf32>,
      %mul3A_334 = vector.broadcast %squeeze3A_322 : f32 to vector<16xf32>
      %mul3A_335 = arith.mulf %get3A_333, %mul3A_334 : vector<16xf32>
      %swap3A_336 = arith.index_cast %add3A_284 : i32 to index
      %swap3A_337 = arith.constant 80 : index
      %swap3A_338 = tpu.vector_load %arg11[%swap3A_336, %swap3A_337] {strides = array<i32>} : memref<80x128xf32, #tpu.memory_space<vmem>>, vector<16xf32>,
      tpu.vector_store %arg11[%swap3A_336, %swap3A_337], %mul3A_335 {strides = array<i32>} : memref<80x128xf32, #tpu.memory_space<vmem>>, vector<16xf32>,
      %slice3A_339 = vector.extract_strided_slice %exp3A {offsets = [7], sizes = [1], strides = [1]} : vector<16xf32> to vector<1xf32>
      %squeeze3A_340 = vector.extract %slice3A_339[0] : f32 from vector<1xf32>
      %get3A_341 = arith.index_cast %add3A_284 : i32 to index
      %get3A_342 = arith.constant 96 : index
      %get3A_343 = tpu.vector_load %arg11[%get3A_341, %get3A_342] {strides = array<i32>} : memref<80x128xf32, #tpu.memory_space<vmem>>, vector<16xf32>,
      %mul3A_344 = vector.broadcast %squeeze3A_340 : f32 to vector<16xf32>
      %mul3A_345 = arith.mulf %get3A_343, %mul3A_344 : vector<16xf32>
      %swap3A_346 = arith.index_cast %add3A_284 : i32 to index
      %swap3A_347 = arith.constant 96 : index
      %swap3A_348 = tpu.vector_load %arg11[%swap3A_346, %swap3A_347] {strides = array<i32>} : memref<80x128xf32, #tpu.memory_space<vmem>>, vector<16xf32>,
      tpu.vector_store %arg11[%swap3A_346, %swap3A_347], %mul3A_345 {strides = array<i32>} : memref<80x128xf32, #tpu.memory_space<vmem>>, vector<16xf32>,
      %get3A_349 = arith.index_cast %add3A_284 : i32 to index
      %get3A_350 = arith.constant 112 : index
      %get3A_351 = tpu.vector_load %arg11[%get3A_349, %get3A_350] {strides = array<i32>} : memref<80x128xf32, #tpu.memory_space<vmem>>, vector<16xf32>,
      %mul3A_352 = vector.broadcast %squeeze3A_340 : f32 to vector<16xf32>
      %mul3A_353 = arith.mulf %get3A_351, %mul3A_352 : vector<16xf32>
      %swap3A_354 = arith.index_cast %add3A_284 : i32 to index
      %swap3A_355 = arith.constant 112 : index
      %swap3A_356 = tpu.vector_load %arg11[%swap3A_354, %swap3A_355] {strides = array<i32>} : memref<80x128xf32, #tpu.memory_space<vmem>>, vector<16xf32>,
      tpu.vector_store %arg11[%swap3A_354, %swap3A_355], %mul3A_353 {strides = array<i32>} : memref<80x128xf32, #tpu.memory_space<vmem>>, vector<16xf32>,
      %mul3A_357 = arith.constant 4 : i32
      %mul3A_358 = arith.muli %scan3A_193, %mul3A_357 : i32
      %add3A_359 = arith.constant 2 : i32
      %add3A_360 = arith.addi %mul3A_358, %add3A_359 : i32
      %slice3A_361 = vector.extract_strided_slice %exp3A {offsets = [8], sizes = [1], strides = [1]} : vector<16xf32> to vector<1xf32>
      %squeeze3A_362 = vector.extract %slice3A_361[0] : f32 from vector<1xf32>
      %get3A_363 = arith.index_cast %add3A_360 : i32 to index
      %get3A_364 = arith.constant 0 : index
      %get3A_365 = tpu.vector_load %arg11[%get3A_363, %get3A_364] {strides = array<i32>} : memref<80x128xf32, #tpu.memory_space<vmem>>, vector<16xf32>,
      %mul3A_366 = vector.broadcast %squeeze3A_362 : f32 to vector<16xf32>
      %mul3A_367 = arith.mulf %get3A_365, %mul3A_366 : vector<16xf32>
      %swap3A_368 = arith.index_cast %add3A_360 : i32 to index
      %swap3A_369 = arith.constant 0 : index
      %swap3A_370 = tpu.vector_load %arg11[%swap3A_368, %swap3A_369] {strides = array<i32>} : memref<80x128xf32, #tpu.memory_space<vmem>>, vector<16xf32>,
      tpu.vector_store %arg11[%swap3A_368, %swap3A_369], %mul3A_367 {strides = array<i32>} : memref<80x128xf32, #tpu.memory_space<vmem>>, vector<16xf32>,
      %get3A_371 = arith.index_cast %add3A_360 : i32 to index
      %get3A_372 = arith.constant 16 : index
      %get3A_373 = tpu.vector_load %arg11[%get3A_371, %get3A_372] {strides = array<i32>} : memref<80x128xf32, #tpu.memory_space<vmem>>, vector<16xf32>,
      %mul3A_374 = vector.broadcast %squeeze3A_362 : f32 to vector<16xf32>
      %mul3A_375 = arith.mulf %get3A_373, %mul3A_374 : vector<16xf32>
      %swap3A_376 = arith.index_cast %add3A_360 : i32 to index
      %swap3A_377 = arith.constant 16 : index
      %swap3A_378 = tpu.vector_load %arg11[%swap3A_376, %swap3A_377] {strides = array<i32>} : memref<80x128xf32, #tpu.memory_space<vmem>>, vector<16xf32>,
      tpu.vector_store %arg11[%swap3A_376, %swap3A_377], %mul3A_375 {strides = array<i32>} : memref<80x128xf32, #tpu.memory_space<vmem>>, vector<16xf32>,
      %slice3A_379 = vector.extract_strided_slice %exp3A {offsets = [9], sizes = [1], strides = [1]} : vector<16xf32> to vector<1xf32>
      %squeeze3A_380 = vector.extract %slice3A_379[0] : f32 from vector<1xf32>
      %get3A_381 = arith.index_cast %add3A_360 : i32 to index
      %get3A_382 = arith.constant 32 : index
      %get3A_383 = tpu.vector_load %arg11[%get3A_381, %get3A_382] {strides = array<i32>} : memref<80x128xf32, #tpu.memory_space<vmem>>, vector<16xf32>,
      %mul3A_384 = vector.broadcast %squeeze3A_380 : f32 to vector<16xf32>
      %mul3A_385 = arith.mulf %get3A_383, %mul3A_384 : vector<16xf32>
      %swap3A_386 = arith.index_cast %add3A_360 : i32 to index
      %swap3A_387 = arith.constant 32 : index
      %swap3A_388 = tpu.vector_load %arg11[%swap3A_386, %swap3A_387] {strides = array<i32>} : memref<80x128xf32, #tpu.memory_space<vmem>>, vector<16xf32>,
      tpu.vector_store %arg11[%swap3A_386, %swap3A_387], %mul3A_385 {strides = array<i32>} : memref<80x128xf32, #tpu.memory_space<vmem>>, vector<16xf32>,
      %get3A_389 = arith.index_cast %add3A_360 : i32 to index
      %get3A_390 = arith.constant 48 : index
      %get3A_391 = tpu.vector_load %arg11[%get3A_389, %get3A_390] {strides = array<i32>} : memref<80x128xf32, #tpu.memory_space<vmem>>, vector<16xf32>,
      %mul3A_392 = vector.broadcast %squeeze3A_380 : f32 to vector<16xf32>
      %mul3A_393 = arith.mulf %get3A_391, %mul3A_392 : vector<16xf32>
      %swap3A_394 = arith.index_cast %add3A_360 : i32 to index
      %swap3A_395 = arith.constant 48 : index
      %swap3A_396 = tpu.vector_load %arg11[%swap3A_394, %swap3A_395] {strides = array<i32>} : memref<80x128xf32, #tpu.memory_space<vmem>>, vector<16xf32>,
      tpu.vector_store %arg11[%swap3A_394, %swap3A_395], %mul3A_393 {strides = array<i32>} : memref<80x128xf32, #tpu.memory_space<vmem>>, vector<16xf32>,
      %slice3A_397 = vector.extract_strided_slice %exp3A {offsets = [10], sizes = [1], strides = [1]} : vector<16xf32> to vector<1xf32>
      %squeeze3A_398 = vector.extract %slice3A_397[0] : f32 from vector<1xf32>
      %get3A_399 = arith.index_cast %add3A_360 : i32 to index
      %get3A_400 = arith.constant 64 : index
      %get3A_401 = tpu.vector_load %arg11[%get3A_399, %get3A_400] {strides = array<i32>} : memref<80x128xf32, #tpu.memory_space<vmem>>, vector<16xf32>,
      %mul3A_402 = vector.broadcast %squeeze3A_398 : f32 to vector<16xf32>
      %mul3A_403 = arith.mulf %get3A_401, %mul3A_402 : vector<16xf32>
      %swap3A_404 = arith.index_cast %add3A_360 : i32 to index
      %swap3A_405 = arith.constant 64 : index
      %swap3A_406 = tpu.vector_load %arg11[%swap3A_404, %swap3A_405] {strides = array<i32>} : memref<80x128xf32, #tpu.memory_space<vmem>>, vector<16xf32>,
      tpu.vector_store %arg11[%swap3A_404, %swap3A_405], %mul3A_403 {strides = array<i32>} : memref<80x128xf32, #tpu.memory_space<vmem>>, vector<16xf32>,
      %get3A_407 = arith.index_cast %add3A_360 : i32 to index
      %get3A_408 = arith.constant 80 : index
      %get3A_409 = tpu.vector_load %arg11[%get3A_407, %get3A_408] {strides = array<i32>} : memref<80x128xf32, #tpu.memory_space<vmem>>, vector<16xf32>,
      %mul3A_410 = vector.broadcast %squeeze3A_398 : f32 to vector<16xf32>
      %mul3A_411 = arith.mulf %get3A_409, %mul3A_410 : vector<16xf32>
      %swap3A_412 = arith.index_cast %add3A_360 : i32 to index
      %swap3A_413 = arith.constant 80 : index
      %swap3A_414 = tpu.vector_load %arg11[%swap3A_412, %swap3A_413] {strides = array<i32>} : memref<80x128xf32, #tpu.memory_space<vmem>>, vector<16xf32>,
      tpu.vector_store %arg11[%swap3A_412, %swap3A_413], %mul3A_411 {strides = array<i32>} : memref<80x128xf32, #tpu.memory_space<vmem>>, vector<16xf32>,
      %slice3A_415 = vector.extract_strided_slice %exp3A {offsets = [11], sizes = [1], strides = [1]} : vector<16xf32> to vector<1xf32>
      %squeeze3A_416 = vector.extract %slice3A_415[0] : f32 from vector<1xf32>
      %get3A_417 = arith.index_cast %add3A_360 : i32 to index
      %get3A_418 = arith.constant 96 : index
      %get3A_419 = tpu.vector_load %arg11[%get3A_417, %get3A_418] {strides = array<i32>} : memref<80x128xf32, #tpu.memory_space<vmem>>, vector<16xf32>,
      %mul3A_420 = vector.broadcast %squeeze3A_416 : f32 to vector<16xf32>
      %mul3A_421 = arith.mulf %get3A_419, %mul3A_420 : vector<16xf32>
      %swap3A_422 = arith.index_cast %add3A_360 : i32 to index
      %swap3A_423 = arith.constant 96 : index
      %swap3A_424 = tpu.vector_load %arg11[%swap3A_422, %swap3A_423] {strides = array<i32>} : memref<80x128xf32, #tpu.memory_space<vmem>>, vector<16xf32>,
      tpu.vector_store %arg11[%swap3A_422, %swap3A_423], %mul3A_421 {strides = array<i32>} : memref<80x128xf32, #tpu.memory_space<vmem>>, vector<16xf32>,
      %get3A_425 = arith.index_cast %add3A_360 : i32 to index
      %get3A_426 = arith.constant 112 : index
      %get3A_427 = tpu.vector_load %arg11[%get3A_425, %get3A_426] {strides = array<i32>} : memref<80x128xf32, #tpu.memory_space<vmem>>, vector<16xf32>,
      %mul3A_428 = vector.broadcast %squeeze3A_416 : f32 to vector<16xf32>
      %mul3A_429 = arith.mulf %get3A_427, %mul3A_428 : vector<16xf32>
      %swap3A_430 = arith.index_cast %add3A_360 : i32 to index
      %swap3A_431 = arith.constant 112 : index
      %swap3A_432 = tpu.vector_load %arg11[%swap3A_430, %swap3A_431] {strides = array<i32>} : memref<80x128xf32, #tpu.memory_space<vmem>>, vector<16xf32>,
      tpu.vector_store %arg11[%swap3A_430, %swap3A_431], %mul3A_429 {strides = array<i32>} : memref<80x128xf32, #tpu.memory_space<vmem>>, vector<16xf32>,
      %mul3A_433 = arith.constant 4 : i32
      %mul3A_434 = arith.muli %scan3A_193, %mul3A_433 : i32
      %add3A_435 = arith.constant 3 : i32
      %add3A_436 = arith.addi %mul3A_434, %add3A_435 : i32
      %slice3A_437 = vector.extract_strided_slice %exp3A {offsets = [12], sizes = [1], strides = [1]} : vector<16xf32> to vector<1xf32>
      %squeeze3A_438 = vector.extract %slice3A_437[0] : f32 from vector<1xf32>
      %get3A_439 = arith.index_cast %add3A_436 : i32 to index
      %get3A_440 = arith.constant 0 : index
      %get3A_441 = tpu.vector_load %arg11[%get3A_439, %get3A_440] {strides = array<i32>} : memref<80x128xf32, #tpu.memory_space<vmem>>, vector<16xf32>,
      %mul3A_442 = vector.broadcast %squeeze3A_438 : f32 to vector<16xf32>
      %mul3A_443 = arith.mulf %get3A_441, %mul3A_442 : vector<16xf32>
      %swap3A_444 = arith.index_cast %add3A_436 : i32 to index
      %swap3A_445 = arith.constant 0 : index
      %swap3A_446 = tpu.vector_load %arg11[%swap3A_444, %swap3A_445] {strides = array<i32>} : memref<80x128xf32, #tpu.memory_space<vmem>>, vector<16xf32>,
      tpu.vector_store %arg11[%swap3A_444, %swap3A_445], %mul3A_443 {strides = array<i32>} : memref<80x128xf32, #tpu.memory_space<vmem>>, vector<16xf32>,
      %get3A_447 = arith.index_cast %add3A_436 : i32 to index
      %get3A_448 = arith.constant 16 : index
      %get3A_449 = tpu.vector_load %arg11[%get3A_447, %get3A_448] {strides = array<i32>} : memref<80x128xf32, #tpu.memory_space<vmem>>, vector<16xf32>,
      %mul3A_450 = vector.broadcast %squeeze3A_438 : f32 to vector<16xf32>
      %mul3A_451 = arith.mulf %get3A_449, %mul3A_450 : vector<16xf32>
      %swap3A_452 = arith.index_cast %add3A_436 : i32 to index
      %swap3A_453 = arith.constant 16 : index
      %swap3A_454 = tpu.vector_load %arg11[%swap3A_452, %swap3A_453] {strides = array<i32>} : memref<80x128xf32, #tpu.memory_space<vmem>>, vector<16xf32>,
      tpu.vector_store %arg11[%swap3A_452, %swap3A_453], %mul3A_451 {strides = array<i32>} : memref<80x128xf32, #tpu.memory_space<vmem>>, vector<16xf32>,
      %slice3A_455 = vector.extract_strided_slice %exp3A {offsets = [13], sizes = [1], strides = [1]} : vector<16xf32> to vector<1xf32>
      %squeeze3A_456 = vector.extract %slice3A_455[0] : f32 from vector<1xf32>
      %get3A_457 = arith.index_cast %add3A_436 : i32 to index
      %get3A_458 = arith.constant 32 : index
      %get3A_459 = tpu.vector_load %arg11[%get3A_457, %get3A_458] {strides = array<i32>} : memref<80x128xf32, #tpu.memory_space<vmem>>, vector<16xf32>,
      %mul3A_460 = vector.broadcast %squeeze3A_456 : f32 to vector<16xf32>
      %mul3A_461 = arith.mulf %get3A_459, %mul3A_460 : vector<16xf32>
      %swap3A_462 = arith.index_cast %add3A_436 : i32 to index
      %swap3A_463 = arith.constant 32 : index
      %swap3A_464 = tpu.vector_load %arg11[%swap3A_462, %swap3A_463] {strides = array<i32>} : memref<80x128xf32, #tpu.memory_space<vmem>>, vector<16xf32>,
      tpu.vector_store %arg11[%swap3A_462, %swap3A_463], %mul3A_461 {strides = array<i32>} : memref<80x128xf32, #tpu.memory_space<vmem>>, vector<16xf32>,
      %get3A_465 = arith.index_cast %add3A_436 : i32 to index
      %get3A_466 = arith.constant 48 : index
      %get3A_467 = tpu.vector_load %arg11[%get3A_465, %get3A_466] {strides = array<i32>} : memref<80x128xf32, #tpu.memory_space<vmem>>, vector<16xf32>,
      %mul3A_468 = vector.broadcast %squeeze3A_456 : f32 to vector<16xf32>
      %mul3A_469 = arith.mulf %get3A_467, %mul3A_468 : vector<16xf32>
      %swap3A_470 = arith.index_cast %add3A_436 : i32 to index
      %swap3A_471 = arith.constant 48 : index
      %swap3A_472 = tpu.vector_load %arg11[%swap3A_470, %swap3A_471] {strides = array<i32>} : memref<80x128xf32, #tpu.memory_space<vmem>>, vector<16xf32>,
      tpu.vector_store %arg11[%swap3A_470, %swap3A_471], %mul3A_469 {strides = array<i32>} : memref<80x128xf32, #tpu.memory_space<vmem>>, vector<16xf32>,
      %slice3A_473 = vector.extract_strided_slice %exp3A {offsets = [14], sizes = [1], strides = [1]} : vector<16xf32> to vector<1xf32>
      %squeeze3A_474 = vector.extract %slice3A_473[0] : f32 from vector<1xf32>
      %get3A_475 = arith.index_cast %add3A_436 : i32 to index
      %get3A_476 = arith.constant 64 : index
      %get3A_477 = tpu.vector_load %arg11[%get3A_475, %get3A_476] {strides = array<i32>} : memref<80x128xf32, #tpu.memory_space<vmem>>, vector<16xf32>,
      %mul3A_478 = vector.broadcast %squeeze3A_474 : f32 to vector<16xf32>
      %mul3A_479 = arith.mulf %get3A_477, %mul3A_478 : vector<16xf32>
      %swap3A_480 = arith.index_cast %add3A_436 : i32 to index
      %swap3A_481 = arith.constant 64 : index
      %swap3A_482 = tpu.vector_load %arg11[%swap3A_480, %swap3A_481] {strides = array<i32>} : memref<80x128xf32, #tpu.memory_space<vmem>>, vector<16xf32>,
      tpu.vector_store %arg11[%swap3A_480, %swap3A_481], %mul3A_479 {strides = array<i32>} : memref<80x128xf32, #tpu.memory_space<vmem>>, vector<16xf32>,
      %get3A_483 = arith.index_cast %add3A_436 : i32 to index
      %get3A_484 = arith.constant 80 : index
      %get3A_485 = tpu.vector_load %arg11[%get3A_483, %get3A_484] {strides = array<i32>} : memref<80x128xf32, #tpu.memory_space<vmem>>, vector<16xf32>,
      %mul3A_486 = vector.broadcast %squeeze3A_474 : f32 to vector<16xf32>
      %mul3A_487 = arith.mulf %get3A_485, %mul3A_486 : vector<16xf32>
      %swap3A_488 = arith.index_cast %add3A_436 : i32 to index
      %swap3A_489 = arith.constant 80 : index
      %swap3A_490 = tpu.vector_load %arg11[%swap3A_488, %swap3A_489] {strides = array<i32>} : memref<80x128xf32, #tpu.memory_space<vmem>>, vector<16xf32>,
      tpu.vector_store %arg11[%swap3A_488, %swap3A_489], %mul3A_487 {strides = array<i32>} : memref<80x128xf32, #tpu.memory_space<vmem>>, vector<16xf32>,
      %slice3A_491 = vector.extract_strided_slice %exp3A {offsets = [15], sizes = [1], strides = [1]} : vector<16xf32> to vector<1xf32>
      %squeeze3A_492 = vector.extract %slice3A_491[0] : f32 from vector<1xf32>
      %get3A_493 = arith.index_cast %add3A_436 : i32 to index
      %get3A_494 = arith.constant 96 : index
      %get3A_495 = tpu.vector_load %arg11[%get3A_493, %get3A_494] {strides = array<i32>} : memref<80x128xf32, #tpu.memory_space<vmem>>, vector<16xf32>,
      %mul3A_496 = vector.broadcast %squeeze3A_492 : f32 to vector<16xf32>
      %mul3A_497 = arith.mulf %get3A_495, %mul3A_496 : vector<16xf32>
      %swap3A_498 = arith.index_cast %add3A_436 : i32 to index
      %swap3A_499 = arith.constant 96 : index
      %swap3A_500 = tpu.vector_load %arg11[%swap3A_498, %swap3A_499] {strides = array<i32>} : memref<80x128xf32, #tpu.memory_space<vmem>>, vector<16xf32>,
      tpu.vector_store %arg11[%swap3A_498, %swap3A_499], %mul3A_497 {strides = array<i32>} : memref<80x128xf32, #tpu.memory_space<vmem>>, vector<16xf32>,
      %get3A_501 = arith.index_cast %add3A_436 : i32 to index
      %get3A_502 = arith.constant 112 : index
      %get3A_503 = tpu.vector_load %arg11[%get3A_501, %get3A_502] {strides = array<i32>} : memref<80x128xf32, #tpu.memory_space<vmem>>, vector<16xf32>,
      %mul3A_504 = vector.broadcast %squeeze3A_492 : f32 to vector<16xf32>
      %mul3A_505 = arith.mulf %get3A_503, %mul3A_504 : vector<16xf32>
      %swap3A_506 = arith.index_cast %add3A_436 : i32 to index
      %swap3A_507 = arith.constant 112 : index
      %swap3A_508 = tpu.vector_load %arg11[%swap3A_506, %swap3A_507] {strides = array<i32>} : memref<80x128xf32, #tpu.memory_space<vmem>>, vector<16xf32>,
      tpu.vector_store %arg11[%swap3A_506, %swap3A_507], %mul3A_505 {strides = array<i32>} : memref<80x128xf32, #tpu.memory_space<vmem>>, vector<16xf32>,
    }
    %scan3A_156 = arith.constant 20 : i32
    "tpu.region"() ({
      %run_scoped3A = tpu.sem_alloc : memref<!tpu.dma_semaphore, #tpu.memory_space<semaphore_mem>>
      %dma_start3A_193 = arith.constant 0 : i32
      %dma_start3A_194 = arith.constant 0 : i32
      %dma_start3A_195 = tpu.memref_slice %arg10[%dma_start3A_193, %dma_start3A_194] : memref<10240x16xf32, #tpu.memory_space<vmem_shared>> -> memref<10240x16xf32, #tpu.memory_space<vmem_shared>>
      tpu.enqueue_indirect_dma source(%arg14 : memref<80x16xf32, #tpu.memory_space<vmem>>) target(%dma_start3A_195 : memref<10240x16xf32, #tpu.memory_space<vmem_shared>>) offsets(%arg16 : memref<80xi32, #tpu.memory_space<vmem>>) semaphore(%run_scoped3A : memref<!tpu.dma_semaphore, #tpu.memory_space<semaphore_mem>>) {add = true}
      %dma_wait3A_196 = arith.constant 0 : i32
      %dma_wait3A_197 = arith.constant 0 : i32
      %dma_wait3A_198 = tpu.memref_slice %arg10[%dma_wait3A_196, %dma_wait3A_197] : memref<10240x16xf32, #tpu.memory_space<vmem_shared>> -> memref<10240x16xf32, #tpu.memory_space<vmem_shared>>
      tpu.wait_indirect_dma semaphore(%run_scoped3A : memref<!tpu.dma_semaphore, #tpu.memory_space<semaphore_mem>>) src(%arg14 : memref<80x16xf32, #tpu.memory_space<vmem>>) dst(%dma_wait3A_198 : memref<10240x16xf32, #tpu.memory_space<vmem_shared>>)
      tpu.yield
    }) : () -> ()
    %dma_start3A_157 = arith.constant 0 : i32
    %dma_start3A_158 = arith.constant 0 : i32
    %dma_start3A_159 = tpu.memref_slice %arg9[%dma_start3A_157, %dma_start3A_158] : memref<10240x128xf32, #tpu.memory_space<vmem_shared>> -> memref<10240x128xf32, #tpu.memory_space<vmem_shared>>
    tpu.enqueue_indirect_dma source(%arg11 : memref<80x128xf32, #tpu.memory_space<vmem>>) target(%dma_start3A_159 : memref<10240x128xf32, #tpu.memory_space<vmem_shared>>) offsets(%arg16 : memref<80xi32, #tpu.memory_space<vmem>>) semaphore(%arg26 : memref<!tpu.dma_semaphore, #tpu.memory_space<semaphore_mem>>) {add = true}
    %dma_wait3A_160 = arith.constant 0 : i32
    %dma_wait3A_161 = arith.constant 0 : i32
    %dma_wait3A_162 = tpu.memref_slice %arg9[%dma_wait3A_160, %dma_wait3A_161] : memref<10240x128xf32, #tpu.memory_space<vmem_shared>> -> memref<10240x128xf32, #tpu.memory_space<vmem_shared>>
    tpu.wait_indirect_dma semaphore(%arg26 : memref<!tpu.dma_semaphore, #tpu.memory_space<semaphore_mem>>) src(%arg11 : memref<80x128xf32, #tpu.memory_space<vmem>>) dst(%dma_wait3A_162 : memref<10240x128xf32, #tpu.memory_space<vmem_shared>>)
    %dma_wait3A_163 = arith.constant 0 : i32
    %dma_wait3A_164 = arith.constant 0 : i32
    %dma_wait3A_165 = tpu.memref_slice %arg21[%dma_wait3A_163, %dma_wait3A_164] : memref<2x80xi32, #tpu.memory_space<vmem>> -> memref<1x80xi32, #tpu.memory_space<vmem>>
    %dma_wait3A_166 = tpu.memref_squeeze %dma_wait3A_165 : memref<1x80xi32, #tpu.memory_space<vmem>> -> memref<80xi32, #tpu.memory_space<vmem>>
    %dma_wait3A_167 = arith.constant 0 : i32
    %dma_wait3A_168 = arith.constant 0 : i32
    %dma_wait3A_169 = tpu.memref_slice %arg3[%dma_wait3A_167, %dma_wait3A_168] : memref<10000x16xf32, #tpu.memory_space<hbm>> -> memref<10000x16xf32, #tpu.memory_space<hbm>>
    tpu.wait_indirect_dma semaphore(%arg27 : memref<!tpu.dma_semaphore, #tpu.memory_space<semaphore_mem>>) src(%dma_wait3A_169 : memref<10000x16xf32, #tpu.memory_space<hbm>>) dst(%arg18 : memref<80x16xf32, #tpu.memory_space<vmem>>)
    %dma_wait3A_170 = arith.constant 1 : i32
    %dma_wait3A_171 = arith.constant 0 : i32
    %dma_wait3A_172 = tpu.memref_slice %arg21[%dma_wait3A_170, %dma_wait3A_171] : memref<2x80xi32, #tpu.memory_space<vmem>> -> memref<1x80xi32, #tpu.memory_space<vmem>>
    %dma_wait3A_173 = tpu.memref_squeeze %dma_wait3A_172 : memref<1x80xi32, #tpu.memory_space<vmem>> -> memref<80xi32, #tpu.memory_space<vmem>>
    %dma_wait3A_174 = arith.constant 0 : i32
    %dma_wait3A_175 = arith.constant 0 : i32
    %dma_wait3A_176 = tpu.memref_slice %arg3[%dma_wait3A_174, %dma_wait3A_175] : memref<10000x16xf32, #tpu.memory_space<hbm>> -> memref<10000x16xf32, #tpu.memory_space<hbm>>
    tpu.wait_indirect_dma semaphore(%arg28 : memref<!tpu.dma_semaphore, #tpu.memory_space<semaphore_mem>>) src(%dma_wait3A_176 : memref<10000x16xf32, #tpu.memory_space<hbm>>) dst(%arg19 : memref<80x16xf32, #tpu.memory_space<vmem>>)
    %dma_wait3A_177 = arith.constant 0 : i32
    %dma_wait3A_178 = arith.constant 0 : i32
    %dma_wait3A_179 = tpu.memref_slice %arg21[%dma_wait3A_177, %dma_wait3A_178] : memref<2x80xi32, #tpu.memory_space<vmem>> -> memref<1x80xi32, #tpu.memory_space<vmem>>
    %dma_wait3A_180 = tpu.memref_squeeze %dma_wait3A_179 : memref<1x80xi32, #tpu.memory_space<vmem>> -> memref<80xi32, #tpu.memory_space<vmem>>
    %dma_wait3A_181 = arith.constant 0 : i32
    %dma_wait3A_182 = arith.constant 0 : i32
    %dma_wait3A_183 = tpu.memref_slice %arg2[%dma_wait3A_181, %dma_wait3A_182] : memref<10000x128xf32, #tpu.memory_space<hbm>> -> memref<10000x128xf32, #tpu.memory_space<hbm>>
    tpu.wait_indirect_dma semaphore(%arg29 : memref<!tpu.dma_semaphore, #tpu.memory_space<semaphore_mem>>) src(%dma_wait3A_183 : memref<10000x128xf32, #tpu.memory_space<hbm>>) dst(%arg17 : memref<80x128xf32, #tpu.memory_space<vmem>>)
    %barrier3A_184 = arith.constant 0 : index
    tpu.barrier barrier_id(%barrier3A_184)
    %eq3A_185 = arith.constant 0 : i32
    %eq3A_186 = arith.cmpi eq, %arg0, %eq3A_185 : i32
    %convert_element_type3A = arith.extui %eq3A_186 : i1 to i32
    %cond3A = arith.constant 0 : i32
    %cond3A_187 = arith.cmpi ne, %convert_element_type3A, %cond3A : i32
    scf.if %cond3A_187 {
      %scan3A_193 = arith.constant 0 : i32
      %scan3A_194 = arith.constant 0 : i32
      %scan3A_195 = arith.constant 8 : i32
      %scan3A_196 = arith.addi %scan3A_194, %scan3A_195 : i32
      %scan3A_197 = arith.constant 1 : i32
      scf.for %scan3A_199 = %scan3A_194 to %scan3A_196 step %scan3A_197  : i32 {
        %mul3A_200 = arith.constant 80 : i32
        %mul3A_201 = arith.muli %scan3A_199, %mul3A_200 : i32
        %add3A_202 = arith.addi %mul3A_14, %mul3A_201 : i32
        "tpu.region"() ({
          %run_scoped3A = tpu.sem_alloc : memref<!tpu.dma_semaphore, #tpu.memory_space<semaphore_mem>>
          %dma_start3A_203 = arith.constant 0 : i32
          %dma_start3A_204 = tpu.memref_slice %arg9[%add3A_202, %dma_start3A_203] : memref<10240x128xf32, #tpu.memory_space<vmem_shared>> -> memref<80x128xf32, #tpu.memory_space<vmem_shared>>
          %dma_start3A_205 = arith.constant 0 : i32
          %dma_start3A_206 = tpu.memref_slice %arg9[%add3A_202, %dma_start3A_205] : memref<10240x128xf32, #tpu.memory_space<vmem_shared>> -> memref<80x128xf32, #tpu.memory_space<vmem_shared>>
          tpu.enqueue_dma source(%dma_start3A_206 : memref<80x128xf32, #tpu.memory_space<vmem_shared>>) target(%arg11 : memref<80x128xf32, #tpu.memory_space<vmem>>) target_semaphore(%run_scoped3A : memref<!tpu.dma_semaphore, #tpu.memory_space<semaphore_mem>>)
          %dma_wait3A_207 = arith.constant 0 : i32
          %dma_wait3A_208 = tpu.memref_slice %arg9[%add3A_202, %dma_wait3A_207] : memref<10240x128xf32, #tpu.memory_space<vmem_shared>> -> memref<80x128xf32, #tpu.memory_space<vmem_shared>>
          %dma_wait3A_209 = arith.constant 0 : i32
          %dma_wait3A_210 = tpu.memref_slice %arg9[%add3A_202, %dma_wait3A_209] : memref<10240x128xf32, #tpu.memory_space<vmem_shared>> -> memref<80x128xf32, #tpu.memory_space<vmem_shared>>
          tpu.wait_dma2 semaphore(%run_scoped3A : memref<!tpu.dma_semaphore, #tpu.memory_space<semaphore_mem>>) src(%dma_wait3A_210 : memref<80x128xf32, #tpu.memory_space<vmem_shared>>) dst(%arg11 : memref<80x128xf32, #tpu.memory_space<vmem>>)
          tpu.yield
        }) : () -> ()
        "tpu.region"() ({
          %run_scoped3A = tpu.sem_alloc : memref<!tpu.dma_semaphore, #tpu.memory_space<semaphore_mem>>
          %dma_start3A_203 = arith.constant 0 : i32
          %dma_start3A_204 = tpu.memref_slice %arg5[%add3A_202, %dma_start3A_203] : memref<10240x128xf32, #tpu.memory_space<hbm>> -> memref<80x128xf32, #tpu.memory_space<hbm>>
          %dma_start3A_205 = arith.constant 0 : i32
          %dma_start3A_206 = tpu.memref_slice %arg5[%add3A_202, %dma_start3A_205] : memref<10240x128xf32, #tpu.memory_space<hbm>> -> memref<80x128xf32, #tpu.memory_space<hbm>>
          tpu.enqueue_dma source(%arg11 : memref<80x128xf32, #tpu.memory_space<vmem>>) target(%dma_start3A_206 : memref<80x128xf32, #tpu.memory_space<hbm>>) target_semaphore(%run_scoped3A : memref<!tpu.dma_semaphore, #tpu.memory_space<semaphore_mem>>)
          %dma_wait3A_207 = arith.constant 0 : i32
          %dma_wait3A_208 = tpu.memref_slice %arg5[%add3A_202, %dma_wait3A_207] : memref<10240x128xf32, #tpu.memory_space<hbm>> -> memref<80x128xf32, #tpu.memory_space<hbm>>
          %dma_wait3A_209 = arith.constant 0 : i32
          %dma_wait3A_210 = tpu.memref_slice %arg5[%add3A_202, %dma_wait3A_209] : memref<10240x128xf32, #tpu.memory_space<hbm>> -> memref<80x128xf32, #tpu.memory_space<hbm>>
          tpu.wait_dma2 semaphore(%run_scoped3A : memref<!tpu.dma_semaphore, #tpu.memory_space<semaphore_mem>>) src(%arg11 : memref<80x128xf32, #tpu.memory_space<vmem>>) dst(%dma_wait3A_210 : memref<80x128xf32, #tpu.memory_space<hbm>>)
          tpu.yield
        }) : () -> ()
        "tpu.region"() ({
          %run_scoped3A = tpu.sem_alloc : memref<!tpu.dma_semaphore, #tpu.memory_space<semaphore_mem>>
          %dma_start3A_203 = arith.constant 0 : i32
          %dma_start3A_204 = tpu.memref_slice %arg10[%add3A_202, %dma_start3A_203] : memref<10240x16xf32, #tpu.memory_space<vmem_shared>> -> memref<80x16xf32, #tpu.memory_space<vmem_shared>>
          %dma_start3A_205 = arith.constant 0 : i32
          %dma_start3A_206 = tpu.memref_slice %arg10[%add3A_202, %dma_start3A_205] : memref<10240x16xf32, #tpu.memory_space<vmem_shared>> -> memref<80x16xf32, #tpu.memory_space<vmem_shared>>
          tpu.enqueue_dma source(%dma_start3A_206 : memref<80x16xf32, #tpu.memory_space<vmem_shared>>) target(%arg14 : memref<80x16xf32, #tpu.memory_space<vmem>>) target_semaphore(%run_scoped3A : memref<!tpu.dma_semaphore, #tpu.memory_space<semaphore_mem>>)
          %dma_wait3A_207 = arith.constant 0 : i32
          %dma_wait3A_208 = tpu.memref_slice %arg10[%add3A_202, %dma_wait3A_207] : memref<10240x16xf32, #tpu.memory_space<vmem_shared>> -> memref<80x16xf32, #tpu.memory_space<vmem_shared>>
          %dma_wait3A_209 = arith.constant 0 : i32
          %dma_wait3A_210 = tpu.memref_slice %arg10[%add3A_202, %dma_wait3A_209] : memref<10240x16xf32, #tpu.memory_space<vmem_shared>> -> memref<80x16xf32, #tpu.memory_space<vmem_shared>>
          tpu.wait_dma2 semaphore(%run_scoped3A : memref<!tpu.dma_semaphore, #tpu.memory_space<semaphore_mem>>) src(%dma_wait3A_210 : memref<80x16xf32, #tpu.memory_space<vmem_shared>>) dst(%arg14 : memref<80x16xf32, #tpu.memory_space<vmem>>)
          tpu.yield
        }) : () -> ()
        "tpu.region"() ({
          %run_scoped3A = tpu.sem_alloc : memref<!tpu.dma_semaphore, #tpu.memory_space<semaphore_mem>>
          %dma_start3A_203 = arith.constant 0 : i32
          %dma_start3A_204 = tpu.memref_slice %arg7[%add3A_202, %dma_start3A_203] : memref<10240x16xf32, #tpu.memory_space<hbm>> -> memref<80x16xf32, #tpu.memory_space<hbm>>
          %dma_start3A_205 = arith.constant 0 : i32
          %dma_start3A_206 = tpu.memref_slice %arg7[%add3A_202, %dma_start3A_205] : memref<10240x16xf32, #tpu.memory_space<hbm>> -> memref<80x16xf32, #tpu.memory_space<hbm>>
          tpu.enqueue_dma source(%arg14 : memref<80x16xf32, #tpu.memory_space<vmem>>) target(%dma_start3A_206 : memref<80x16xf32, #tpu.memory_space<hbm>>) target_semaphore(%run_scoped3A : memref<!tpu.dma_semaphore, #tpu.memory_space<semaphore_mem>>)
          %dma_wait3A_207 = arith.constant 0 : i32
          %dma_wait3A_208 = tpu.memref_slice %arg7[%add3A_202, %dma_wait3A_207] : memref<10240x16xf32, #tpu.memory_space<hbm>> -> memref<80x16xf32, #tpu.memory_space<hbm>>
          %dma_wait3A_209 = arith.constant 0 : i32
          %dma_wait3A_210 = tpu.memref_slice %arg7[%add3A_202, %dma_wait3A_209] : memref<10240x16xf32, #tpu.memory_space<hbm>> -> memref<80x16xf32, #tpu.memory_space<hbm>>
          tpu.wait_dma2 semaphore(%run_scoped3A : memref<!tpu.dma_semaphore, #tpu.memory_space<semaphore_mem>>) src(%arg14 : memref<80x16xf32, #tpu.memory_space<vmem>>) dst(%dma_wait3A_210 : memref<80x16xf32, #tpu.memory_space<hbm>>)
          tpu.yield
        }) : () -> ()
      }
      %scan3A_198 = arith.constant 8 : i32
    } else {
    }
    %eq3A_188 = arith.constant 1 : i32
    %eq3A_189 = arith.cmpi eq, %arg0, %eq3A_188 : i32
    %convert_element_type3A_190 = arith.extui %eq3A_189 : i1 to i32
    %cond3A_191 = arith.constant 0 : i32
    %cond3A_192 = arith.cmpi ne, %convert_element_type3A_190, %cond3A_191 : i32
    scf.if %cond3A_192 {
      %scan3A_193 = arith.constant 0 : i32
      %scan3A_194 = arith.constant 0 : i32
      %scan3A_195 = arith.constant 8 : i32
      %scan3A_196 = arith.addi %scan3A_194, %scan3A_195 : i32
      %scan3A_197 = arith.constant 1 : i32
      scf.for %scan3A_199 = %scan3A_194 to %scan3A_196 step %scan3A_197  : i32 {
        %mul3A_200 = arith.constant 80 : i32
        %mul3A_201 = arith.muli %scan3A_199, %mul3A_200 : i32
        %add3A_202 = arith.addi %mul3A_14, %mul3A_201 : i32
        "tpu.region"() ({
          %run_scoped3A = tpu.sem_alloc : memref<!tpu.dma_semaphore, #tpu.memory_space<semaphore_mem>>
          %dma_start3A_203 = arith.constant 0 : i32
          %dma_start3A_204 = tpu.memref_slice %arg9[%add3A_202, %dma_start3A_203] : memref<10240x128xf32, #tpu.memory_space<vmem_shared>> -> memref<80x128xf32, #tpu.memory_space<vmem_shared>>
          %dma_start3A_205 = arith.constant 0 : i32
          %dma_start3A_206 = tpu.memref_slice %arg9[%add3A_202, %dma_start3A_205] : memref<10240x128xf32, #tpu.memory_space<vmem_shared>> -> memref<80x128xf32, #tpu.memory_space<vmem_shared>>
          tpu.enqueue_dma source(%dma_start3A_206 : memref<80x128xf32, #tpu.memory_space<vmem_shared>>) target(%arg11 : memref<80x128xf32, #tpu.memory_space<vmem>>) target_semaphore(%run_scoped3A : memref<!tpu.dma_semaphore, #tpu.memory_space<semaphore_mem>>)
          %dma_wait3A_207 = arith.constant 0 : i32
          %dma_wait3A_208 = tpu.memref_slice %arg9[%add3A_202, %dma_wait3A_207] : memref<10240x128xf32, #tpu.memory_space<vmem_shared>> -> memref<80x128xf32, #tpu.memory_space<vmem_shared>>
          %dma_wait3A_209 = arith.constant 0 : i32
          %dma_wait3A_210 = tpu.memref_slice %arg9[%add3A_202, %dma_wait3A_209] : memref<10240x128xf32, #tpu.memory_space<vmem_shared>> -> memref<80x128xf32, #tpu.memory_space<vmem_shared>>
          tpu.wait_dma2 semaphore(%run_scoped3A : memref<!tpu.dma_semaphore, #tpu.memory_space<semaphore_mem>>) src(%dma_wait3A_210 : memref<80x128xf32, #tpu.memory_space<vmem_shared>>) dst(%arg11 : memref<80x128xf32, #tpu.memory_space<vmem>>)
          tpu.yield
        }) : () -> ()
        "tpu.region"() ({
          %run_scoped3A = tpu.sem_alloc : memref<!tpu.dma_semaphore, #tpu.memory_space<semaphore_mem>>
          %dma_start3A_203 = arith.constant 0 : i32
          %dma_start3A_204 = tpu.memref_slice %arg6[%add3A_202, %dma_start3A_203] : memref<10240x128xf32, #tpu.memory_space<hbm>> -> memref<80x128xf32, #tpu.memory_space<hbm>>
          %dma_start3A_205 = arith.constant 0 : i32
          %dma_start3A_206 = tpu.memref_slice %arg6[%add3A_202, %dma_start3A_205] : memref<10240x128xf32, #tpu.memory_space<hbm>> -> memref<80x128xf32, #tpu.memory_space<hbm>>
          tpu.enqueue_dma source(%arg11 : memref<80x128xf32, #tpu.memory_space<vmem>>) target(%dma_start3A_206 : memref<80x128xf32, #tpu.memory_space<hbm>>) target_semaphore(%run_scoped3A : memref<!tpu.dma_semaphore, #tpu.memory_space<semaphore_mem>>)
          %dma_wait3A_207 = arith.constant 0 : i32
          %dma_wait3A_208 = tpu.memref_slice %arg6[%add3A_202, %dma_wait3A_207] : memref<10240x128xf32, #tpu.memory_space<hbm>> -> memref<80x128xf32, #tpu.memory_space<hbm>>
          %dma_wait3A_209 = arith.constant 0 : i32
          %dma_wait3A_210 = tpu.memref_slice %arg6[%add3A_202, %dma_wait3A_209] : memref<10240x128xf32, #tpu.memory_space<hbm>> -> memref<80x128xf32, #tpu.memory_space<hbm>>
          tpu.wait_dma2 semaphore(%run_scoped3A : memref<!tpu.dma_semaphore, #tpu.memory_space<semaphore_mem>>) src(%arg11 : memref<80x128xf32, #tpu.memory_space<vmem>>) dst(%dma_wait3A_210 : memref<80x128xf32, #tpu.memory_space<hbm>>)
          tpu.yield
        }) : () -> ()
        "tpu.region"() ({
          %run_scoped3A = tpu.sem_alloc : memref<!tpu.dma_semaphore, #tpu.memory_space<semaphore_mem>>
          %dma_start3A_203 = arith.constant 0 : i32
          %dma_start3A_204 = tpu.memref_slice %arg10[%add3A_202, %dma_start3A_203] : memref<10240x16xf32, #tpu.memory_space<vmem_shared>> -> memref<80x16xf32, #tpu.memory_space<vmem_shared>>
          %dma_start3A_205 = arith.constant 0 : i32
          %dma_start3A_206 = tpu.memref_slice %arg10[%add3A_202, %dma_start3A_205] : memref<10240x16xf32, #tpu.memory_space<vmem_shared>> -> memref<80x16xf32, #tpu.memory_space<vmem_shared>>
          tpu.enqueue_dma source(%dma_start3A_206 : memref<80x16xf32, #tpu.memory_space<vmem_shared>>) target(%arg14 : memref<80x16xf32, #tpu.memory_space<vmem>>) target_semaphore(%run_scoped3A : memref<!tpu.dma_semaphore, #tpu.memory_space<semaphore_mem>>)
          %dma_wait3A_207 = arith.constant 0 : i32
          %dma_wait3A_208 = tpu.memref_slice %arg10[%add3A_202, %dma_wait3A_207] : memref<10240x16xf32, #tpu.memory_space<vmem_shared>> -> memref<80x16xf32, #tpu.memory_space<vmem_shared>>
          %dma_wait3A_209 = arith.constant 0 : i32
          %dma_wait3A_210 = tpu.memref_slice %arg10[%add3A_202, %dma_wait3A_209] : memref<10240x16xf32, #tpu.memory_space<vmem_shared>> -> memref<80x16xf32, #tpu.memory_space<vmem_shared>>
          tpu.wait_dma2 semaphore(%run_scoped3A : memref<!tpu.dma_semaphore, #tpu.memory_space<semaphore_mem>>) src(%dma_wait3A_210 : memref<80x16xf32, #tpu.memory_space<vmem_shared>>) dst(%arg14 : memref<80x16xf32, #tpu.memory_space<vmem>>)
          tpu.yield
        }) : () -> ()
        "tpu.region"() ({
          %run_scoped3A = tpu.sem_alloc : memref<!tpu.dma_semaphore, #tpu.memory_space<semaphore_mem>>
          %dma_start3A_203 = arith.constant 0 : i32
          %dma_start3A_204 = tpu.memref_slice %arg8[%add3A_202, %dma_start3A_203] : memref<10240x16xf32, #tpu.memory_space<hbm>> -> memref<80x16xf32, #tpu.memory_space<hbm>>
          %dma_start3A_205 = arith.constant 0 : i32
          %dma_start3A_206 = tpu.memref_slice %arg8[%add3A_202, %dma_start3A_205] : memref<10240x16xf32, #tpu.memory_space<hbm>> -> memref<80x16xf32, #tpu.memory_space<hbm>>
          tpu.enqueue_dma source(%arg14 : memref<80x16xf32, #tpu.memory_space<vmem>>) target(%dma_start3A_206 : memref<80x16xf32, #tpu.memory_space<hbm>>) target_semaphore(%run_scoped3A : memref<!tpu.dma_semaphore, #tpu.memory_space<semaphore_mem>>)
          %dma_wait3A_207 = arith.constant 0 : i32
          %dma_wait3A_208 = tpu.memref_slice %arg8[%add3A_202, %dma_wait3A_207] : memref<10240x16xf32, #tpu.memory_space<hbm>> -> memref<80x16xf32, #tpu.memory_space<hbm>>
          %dma_wait3A_209 = arith.constant 0 : i32
          %dma_wait3A_210 = tpu.memref_slice %arg8[%add3A_202, %dma_wait3A_209] : memref<10240x16xf32, #tpu.memory_space<hbm>> -> memref<80x16xf32, #tpu.memory_space<hbm>>
          tpu.wait_dma2 semaphore(%run_scoped3A : memref<!tpu.dma_semaphore, #tpu.memory_space<semaphore_mem>>) src(%arg14 : memref<80x16xf32, #tpu.memory_space<vmem>>) dst(%dma_wait3A_210 : memref<80x16xf32, #tpu.memory_space<hbm>>)
          tpu.yield
        }) : () -> ()
      }
      %scan3A_198 = arith.constant 8 : i32
    } else {
    }
    return
  }
}

module attributes {stable_mosaic.version = 14 : i64} {
  func.func @_tcA_body(%arg0: i32, %arg1: memref<400x128xf32, #tpu.memory_space<vmem>>, %arg2: memref<128x128xf32, #tpu.memory_space<vmem>>, %arg3: memref<128x16xf32, #tpu.memory_space<vmem>>, %arg4: memref<400x128xf32, #tpu.memory_space<vmem>>, %arg5: memref<400x16xf32, #tpu.memory_space<vmem>>) attributes {dimension_semantics = [#tpu.dimension_semantics<arbitrary>], iteration_bounds = array<i64: 25>, scalar_prefetch = 0 : i64, scratch_operands = 0 : i64, tpu.core_type = #tpu.core_type<tc>, window_params = [{transform_indices = @transform_0, window_bounds = array<i64: 400, 128>}, {pipeline_mode = #tpu.pipeline_mode<synchronous>, transform_indices = @transform_1, window_bounds = array<i64: 128, 128>}, {pipeline_mode = #tpu.pipeline_mode<synchronous>, transform_indices = @transform_2, window_bounds = array<i64: 128, 16>}, {transform_indices = @transform_3, window_bounds = array<i64: 400, 128>}, {transform_indices = @transform_4, window_bounds = array<i64: 400, 16>}]} {
    %get3A = arith.constant 0 : index
    %get3A_0 = arith.constant 0 : index
    %get3A_1 = vector.load %arg1[%get3A, %get3A_0] : memref<400x128xf32, #tpu.memory_space<vmem>>, vector<400x128xf32>
    %get3A_2 = arith.constant 0 : index
    %get3A_3 = arith.constant 0 : index
    %get3A_4 = vector.load %arg2[%get3A_2, %get3A_3] : memref<128x128xf32, #tpu.memory_space<vmem>>, vector<128x128xf32>
    %dot_general3A = arith.constant dense<0.000000e+00> : vector<400x128xf32>
    %dot_general3A_5 = tpu.matmul %get3A_1, %get3A_4, %dot_general3A {dimension_numbers = #tpu.dot_dimension_numbers<[1], [0], [0], [1], [0, 0, 1, 1], [], []>, transpose_lhs_hint = false} : vector<400x128xf32>, vector<128x128xf32>, vector<400x128xf32> -> vector<400x128xf32>
    %swap3A = arith.constant 0 : index
    %swap3A_6 = arith.constant 0 : index
    %swap3A_7 = vector.load %arg4[%swap3A, %swap3A_6] : memref<400x128xf32, #tpu.memory_space<vmem>>, vector<400x128xf32>
    tpu.vector_store %arg4[%swap3A, %swap3A_6], %dot_general3A_5 {strides = array<i32>} : memref<400x128xf32, #tpu.memory_space<vmem>>, vector<400x128xf32>,
    %get3A_8 = arith.constant 0 : index
    %get3A_9 = arith.constant 0 : index
    %get3A_10 = vector.load %arg3[%get3A_8, %get3A_9] : memref<128x16xf32, #tpu.memory_space<vmem>>, vector<128x16xf32>
    %dot_general3A_11 = arith.constant dense<0.000000e+00> : vector<400x16xf32>
    %dot_general3A_12 = tpu.matmul %dot_general3A_5, %get3A_10, %dot_general3A_11 {dimension_numbers = #tpu.dot_dimension_numbers<[1], [0], [0], [1], [0, 0, 1, 1], [], []>, transpose_lhs_hint = false} : vector<400x128xf32>, vector<128x16xf32>, vector<400x16xf32> -> vector<400x16xf32>
    %swap3A_13 = arith.constant 0 : index
    %swap3A_14 = arith.constant 0 : index
    %swap3A_15 = vector.load %arg5[%swap3A_13, %swap3A_14] : memref<400x16xf32, #tpu.memory_space<vmem>>, vector<400x16xf32>
    tpu.vector_store %arg5[%swap3A_13, %swap3A_14], %dot_general3A_12 {strides = array<i32>} : memref<400x16xf32, #tpu.memory_space<vmem>>, vector<400x16xf32>,
    return
  }
  func.func @transform_0(%arg0: i32) -> (i32, i32) {
    %c0_i32 = arith.constant 0 : i32
    %c0_i32_0 = arith.constant 0 : i32
    return %arg0, %c0_i32 : i32, i32
  }
  func.func @transform_1(%arg0: i32) -> (i32, i32) {
    %c0_i32 = arith.constant 0 : i32
    %c0_i32_0 = arith.constant 0 : i32
    %c0_i32_1 = arith.constant 0 : i32
    return %c0_i32, %c0_i32_0 : i32, i32
  }
  func.func @transform_2(%arg0: i32) -> (i32, i32) {
    %c0_i32 = arith.constant 0 : i32
    %c0_i32_0 = arith.constant 0 : i32
    %c0_i32_1 = arith.constant 0 : i32
    return %c0_i32, %c0_i32_0 : i32, i32
  }
  func.func @transform_3(%arg0: i32) -> (i32, i32) {
    %c0_i32 = arith.constant 0 : i32
    %c0_i32_0 = arith.constant 0 : i32
    return %arg0, %c0_i32 : i32, i32
  }
  func.func @transform_4(%arg0: i32) -> (i32, i32) {
    %c0_i32 = arith.constant 0 : i32
    %c0_i32_0 = arith.constant 0 : i32
    return %arg0, %c0_i32 : i32, i32
  }
}

module attributes {stable_mosaic.version = 14 : i64} {
  func.func @_tcB_body(%arg0: i32, %arg1: memref<400x128xf32, #tpu.memory_space<vmem>>, %arg2: memref<400x128xf32, #tpu.memory_space<vmem>>, %arg3: memref<400x16xf32, #tpu.memory_space<vmem>>, %arg4: memref<400x16xf32, #tpu.memory_space<vmem>>, %arg5: memref<128x128xf32, #tpu.memory_space<vmem>>, %arg6: memref<128x16xf32, #tpu.memory_space<vmem>>, %arg7: memref<400x128xf32, #tpu.memory_space<vmem>>, %arg8: memref<400x16xf32, #tpu.memory_space<vmem>>) attributes {dimension_semantics = [#tpu.dimension_semantics<arbitrary>], iteration_bounds = array<i64: 25>, scalar_prefetch = 0 : i64, scratch_operands = 0 : i64, tpu.core_type = #tpu.core_type<tc>, window_params = [{transform_indices = @transform_0, window_bounds = array<i64: 400, 128>}, {transform_indices = @transform_1, window_bounds = array<i64: 400, 128>}, {transform_indices = @transform_2, window_bounds = array<i64: 400, 16>}, {transform_indices = @transform_3, window_bounds = array<i64: 400, 16>}, {pipeline_mode = #tpu.pipeline_mode<synchronous>, transform_indices = @transform_4, window_bounds = array<i64: 128, 128>}, {pipeline_mode = #tpu.pipeline_mode<synchronous>, transform_indices = @transform_5, window_bounds = array<i64: 128, 16>}, {transform_indices = @transform_6, window_bounds = array<i64: 400, 128>}, {transform_indices = @transform_7, window_bounds = array<i64: 400, 16>}]} {
    %get3A = arith.constant 0 : index
    %get3A_0 = arith.constant 0 : index
    %get3A_1 = vector.load %arg1[%get3A, %get3A_0] : memref<400x128xf32, #tpu.memory_space<vmem>>, vector<400x128xf32>
    %get3A_2 = arith.constant 0 : index
    %get3A_3 = arith.constant 0 : index
    %get3A_4 = vector.load %arg2[%get3A_2, %get3A_3] : memref<400x128xf32, #tpu.memory_space<vmem>>, vector<400x128xf32>
    %add3A = arith.addf %get3A_1, %get3A_4 : vector<400x128xf32>
    %get3A_5 = arith.constant 0 : index
    %get3A_6 = arith.constant 0 : index
    %get3A_7 = vector.load %arg3[%get3A_5, %get3A_6] : memref<400x16xf32, #tpu.memory_space<vmem>>, vector<400x4xf32>
    %get3A_8 = arith.constant 0 : index
    %get3A_9 = arith.constant 0 : index
    %get3A_10 = vector.load %arg4[%get3A_8, %get3A_9] : memref<400x16xf32, #tpu.memory_space<vmem>>, vector<400x4xf32>
    %add3A_11 = arith.addf %get3A_7, %get3A_10 : vector<400x4xf32>
    %add3A_12 = arith.constant 9.99999971E-10 : f32
    %add3A_13 = vector.broadcast %add3A_12 : f32 to vector<400x4xf32>
    %add3A_14 = arith.addf %add3A_11, %add3A_13 : vector<400x4xf32>
    %div3A = arith.constant 1.000000e+00 : f32
    %div3A_15 = vector.broadcast %div3A : f32 to vector<400x4xf32>
    %div3A_16 = arith.divf %div3A_15, %add3A_14 : vector<400x4xf32>
    %iota3A = tpu.iota {dimensions = array<i32: 0>} : vector<4x128xi32>
    %iota3A_17 = tpu.iota {dimensions = array<i32: 1>} : vector<4x128xi32>
    %jit3A = arith.constant 32 : i32
    %div3A_18 = vector.broadcast %jit3A : i32 to vector<4x128xi32>
    %div3A_19 = arith.divsi %iota3A_17, %div3A_18 : vector<4x128xi32>
    %sign3A = arith.constant 0 : i32
    %sign3A_20 = vector.broadcast %sign3A : i32 to vector<4x128xi32>
    %sign3A_21 = arith.cmpi sgt, %iota3A_17, %sign3A_20 : vector<4x128xi32>
    %sign3A_22 = arith.extui %sign3A_21 : vector<4x128xi1> to vector<4x128xi32>
    %sign3A_23 = arith.constant 0 : i32
    %sign3A_24 = vector.broadcast %sign3A_23 : i32 to vector<4x128xi32>
    %sign3A_25 = arith.cmpi slt, %iota3A_17, %sign3A_24 : vector<4x128xi32>
    %sign3A_26 = arith.extui %sign3A_25 : vector<4x128xi1> to vector<4x128xi32>
    %sign3A_27 = arith.subi %sign3A_22, %sign3A_26 : vector<4x128xi32>
    %sign3A_28 = arith.constant 0 : i32
    %sign3A_29 = arith.cmpi sgt, %jit3A, %sign3A_28 : i32
    %sign3A_30 = arith.extui %sign3A_29 : i1 to i32
    %sign3A_31 = arith.constant 0 : i32
    %sign3A_32 = arith.cmpi slt, %jit3A, %sign3A_31 : i32
    %sign3A_33 = arith.extui %sign3A_32 : i1 to i32
    %sign3A_34 = arith.subi %sign3A_30, %sign3A_33 : i32
    %ne3A = vector.broadcast %sign3A_34 : i32 to vector<4x128xi32>
    %ne3A_35 = arith.cmpi ne, %sign3A_27, %ne3A : vector<4x128xi32>
    %rem3A = vector.broadcast %jit3A : i32 to vector<4x128xi32>
    %rem3A_36 = arith.remsi %iota3A_17, %rem3A : vector<4x128xi32>
    %ne3A_37 = arith.constant 0 : i32
    %ne3A_38 = vector.broadcast %ne3A_37 : i32 to vector<4x128xi32>
    %ne3A_39 = arith.cmpi ne, %rem3A_36, %ne3A_38 : vector<4x128xi32>
    %and3A = arith.andi %ne3A_35, %ne3A_39 : vector<4x128xi1>
    %sub3A = arith.constant 1 : i32
    %sub3A_40 = vector.broadcast %sub3A : i32 to vector<4x128xi32>
    %sub3A_41 = arith.subi %div3A_19, %sub3A_40 : vector<4x128xi32>
    %select_n3A = arith.select %and3A, %sub3A_41, %div3A_19 : vector<4x128xi1>, vector<4x128xi32>
    %eq3A = arith.cmpi eq, %select_n3A, %iota3A : vector<4x128xi32>
    %convert_element_type3A = arith.extui %eq3A : vector<4x128xi1> to vector<4x128xi32>
    %convert_element_type3A_42 = arith.sitofp %convert_element_type3A : vector<4x128xi32> to vector<4x128xf32>
    %dot_general3A = arith.constant dense<0.000000e+00> : vector<400x128xf32>
    %dot_general3A_43 = tpu.matmul %div3A_16, %convert_element_type3A_42, %dot_general3A {dimension_numbers = #tpu.dot_dimension_numbers<[1], [0], [0], [1], [0, 0, 1, 1], [], []>, transpose_lhs_hint = false} : vector<400x4xf32>, vector<4x128xf32>, vector<400x128xf32> -> vector<400x128xf32>
    %max3A = arith.constant 0.000000e+00 : f32
    %max3A_44 = vector.broadcast %max3A : f32 to vector<400x128xf32>
    %max3A_45 = arith.maximumf %add3A, %max3A_44 : vector<400x128xf32>
    %mul3A = arith.mulf %max3A_45, %dot_general3A_43 : vector<400x128xf32>
    %get3A_46 = arith.constant 0 : index
    %get3A_47 = arith.constant 0 : index
    %get3A_48 = vector.load %arg5[%get3A_46, %get3A_47] : memref<128x128xf32, #tpu.memory_space<vmem>>, vector<128x128xf32>
    %dot_general3A_49 = arith.constant dense<0.000000e+00> : vector<400x128xf32>
    %dot_general3A_50 = tpu.matmul %mul3A, %get3A_48, %dot_general3A_49 {dimension_numbers = #tpu.dot_dimension_numbers<[1], [0], [0], [1], [0, 0, 1, 1], [], []>, transpose_lhs_hint = false} : vector<400x128xf32>, vector<128x128xf32>, vector<400x128xf32> -> vector<400x128xf32>
    %swap3A = arith.constant 0 : index
    %swap3A_51 = arith.constant 0 : index
    %swap3A_52 = vector.load %arg7[%swap3A, %swap3A_51] : memref<400x128xf32, #tpu.memory_space<vmem>>, vector<400x128xf32>
    tpu.vector_store %arg7[%swap3A, %swap3A_51], %dot_general3A_50 {strides = array<i32>} : memref<400x128xf32, #tpu.memory_space<vmem>>, vector<400x128xf32>,
    %get3A_53 = arith.constant 0 : index
    %get3A_54 = arith.constant 0 : index
    %get3A_55 = vector.load %arg6[%get3A_53, %get3A_54] : memref<128x16xf32, #tpu.memory_space<vmem>>, vector<128x16xf32>
    %dot_general3A_56 = arith.constant dense<0.000000e+00> : vector<400x16xf32>
    %dot_general3A_57 = tpu.matmul %dot_general3A_50, %get3A_55, %dot_general3A_56 {dimension_numbers = #tpu.dot_dimension_numbers<[1], [0], [0], [1], [0, 0, 1, 1], [], []>, transpose_lhs_hint = false} : vector<400x128xf32>, vector<128x16xf32>, vector<400x16xf32> -> vector<400x16xf32>
    %swap3A_58 = arith.constant 0 : index
    %swap3A_59 = arith.constant 0 : index
    %swap3A_60 = vector.load %arg8[%swap3A_58, %swap3A_59] : memref<400x16xf32, #tpu.memory_space<vmem>>, vector<400x16xf32>
    tpu.vector_store %arg8[%swap3A_58, %swap3A_59], %dot_general3A_57 {strides = array<i32>} : memref<400x16xf32, #tpu.memory_space<vmem>>, vector<400x16xf32>,
    return
  }
  func.func @transform_0(%arg0: i32) -> (i32, i32) {
    %c0_i32 = arith.constant 0 : i32
    %c0_i32_0 = arith.constant 0 : i32
    return %arg0, %c0_i32 : i32, i32
  }
  func.func @transform_1(%arg0: i32) -> (i32, i32) {
    %c0_i32 = arith.constant 0 : i32
    %c0_i32_0 = arith.constant 0 : i32
    return %arg0, %c0_i32 : i32, i32
  }
  func.func @transform_2(%arg0: i32) -> (i32, i32) {
    %c0_i32 = arith.constant 0 : i32
    %c0_i32_0 = arith.constant 0 : i32
    return %arg0, %c0_i32 : i32, i32
  }
  func.func @transform_3(%arg0: i32) -> (i32, i32) {
    %c0_i32 = arith.constant 0 : i32
    %c0_i32_0 = arith.constant 0 : i32
    return %arg0, %c0_i32 : i32, i32
  }
  func.func @transform_4(%arg0: i32) -> (i32, i32) {
    %c0_i32 = arith.constant 0 : i32
    %c0_i32_0 = arith.constant 0 : i32
    %c0_i32_1 = arith.constant 0 : i32
    return %c0_i32, %c0_i32_0 : i32, i32
  }
  func.func @transform_5(%arg0: i32) -> (i32, i32) {
    %c0_i32 = arith.constant 0 : i32
    %c0_i32_0 = arith.constant 0 : i32
    %c0_i32_1 = arith.constant 0 : i32
    return %c0_i32, %c0_i32_0 : i32, i32
  }
  func.func @transform_6(%arg0: i32) -> (i32, i32) {
    %c0_i32 = arith.constant 0 : i32
    %c0_i32_0 = arith.constant 0 : i32
    return %arg0, %c0_i32 : i32, i32
  }
  func.func @transform_7(%arg0: i32) -> (i32, i32) {
    %c0_i32 = arith.constant 0 : i32
    %c0_i32_0 = arith.constant 0 : i32
    return %arg0, %c0_i32 : i32, i32
  }
}

module attributes {stable_mosaic.version = 14 : i64} {
  func.func @_tcC_body(%arg0: i32, %arg1: memref<400x128xf32, #tpu.memory_space<vmem>>, %arg2: memref<400x128xf32, #tpu.memory_space<vmem>>, %arg3: memref<400x16xf32, #tpu.memory_space<vmem>>, %arg4: memref<400x16xf32, #tpu.memory_space<vmem>>, %arg5: memref<400x32xf32, #tpu.memory_space<vmem>>) attributes {dimension_semantics = [#tpu.dimension_semantics<arbitrary>], iteration_bounds = array<i64: 25>, scalar_prefetch = 0 : i64, scratch_operands = 0 : i64, tpu.core_type = #tpu.core_type<tc>, window_params = [{transform_indices = @transform_0, window_bounds = array<i64: 400, 128>}, {transform_indices = @transform_1, window_bounds = array<i64: 400, 128>}, {transform_indices = @transform_2, window_bounds = array<i64: 400, 16>}, {transform_indices = @transform_3, window_bounds = array<i64: 400, 16>}, {transform_indices = @transform_4, window_bounds = array<i64: 400, 32>}]} {
    %get3A = arith.constant 0 : index
    %get3A_0 = arith.constant 0 : index
    %get3A_1 = vector.load %arg1[%get3A, %get3A_0] : memref<400x128xf32, #tpu.memory_space<vmem>>, vector<400x128xf32>
    %get3A_2 = arith.constant 0 : index
    %get3A_3 = arith.constant 0 : index
    %get3A_4 = vector.load %arg2[%get3A_2, %get3A_3] : memref<400x128xf32, #tpu.memory_space<vmem>>, vector<400x128xf32>
    %add3A = arith.addf %get3A_1, %get3A_4 : vector<400x128xf32>
    %get3A_5 = arith.constant 0 : index
    %get3A_6 = arith.constant 0 : index
    %get3A_7 = vector.load %arg3[%get3A_5, %get3A_6] : memref<400x16xf32, #tpu.memory_space<vmem>>, vector<400x4xf32>
    %get3A_8 = arith.constant 0 : index
    %get3A_9 = arith.constant 0 : index
    %get3A_10 = vector.load %arg4[%get3A_8, %get3A_9] : memref<400x16xf32, #tpu.memory_space<vmem>>, vector<400x4xf32>
    %add3A_11 = arith.addf %get3A_7, %get3A_10 : vector<400x4xf32>
    %add3A_12 = arith.constant 9.99999971E-10 : f32
    %add3A_13 = vector.broadcast %add3A_12 : f32 to vector<400x4xf32>
    %add3A_14 = arith.addf %add3A_11, %add3A_13 : vector<400x4xf32>
    %div3A = arith.constant 1.000000e+00 : f32
    %div3A_15 = vector.broadcast %div3A : f32 to vector<400x4xf32>
    %div3A_16 = arith.divf %div3A_15, %add3A_14 : vector<400x4xf32>
    %iota3A = tpu.iota {dimensions = array<i32: 0>} : vector<4x128xi32>
    %iota3A_17 = tpu.iota {dimensions = array<i32: 1>} : vector<4x128xi32>
    %jit3A = arith.constant 32 : i32
    %div3A_18 = vector.broadcast %jit3A : i32 to vector<4x128xi32>
    %div3A_19 = arith.divsi %iota3A_17, %div3A_18 : vector<4x128xi32>
    %sign3A = arith.constant 0 : i32
    %sign3A_20 = vector.broadcast %sign3A : i32 to vector<4x128xi32>
    %sign3A_21 = arith.cmpi sgt, %iota3A_17, %sign3A_20 : vector<4x128xi32>
    %sign3A_22 = arith.extui %sign3A_21 : vector<4x128xi1> to vector<4x128xi32>
    %sign3A_23 = arith.constant 0 : i32
    %sign3A_24 = vector.broadcast %sign3A_23 : i32 to vector<4x128xi32>
    %sign3A_25 = arith.cmpi slt, %iota3A_17, %sign3A_24 : vector<4x128xi32>
    %sign3A_26 = arith.extui %sign3A_25 : vector<4x128xi1> to vector<4x128xi32>
    %sign3A_27 = arith.subi %sign3A_22, %sign3A_26 : vector<4x128xi32>
    %sign3A_28 = arith.constant 0 : i32
    %sign3A_29 = arith.cmpi sgt, %jit3A, %sign3A_28 : i32
    %sign3A_30 = arith.extui %sign3A_29 : i1 to i32
    %sign3A_31 = arith.constant 0 : i32
    %sign3A_32 = arith.cmpi slt, %jit3A, %sign3A_31 : i32
    %sign3A_33 = arith.extui %sign3A_32 : i1 to i32
    %sign3A_34 = arith.subi %sign3A_30, %sign3A_33 : i32
    %ne3A = vector.broadcast %sign3A_34 : i32 to vector<4x128xi32>
    %ne3A_35 = arith.cmpi ne, %sign3A_27, %ne3A : vector<4x128xi32>
    %rem3A = vector.broadcast %jit3A : i32 to vector<4x128xi32>
    %rem3A_36 = arith.remsi %iota3A_17, %rem3A : vector<4x128xi32>
    %ne3A_37 = arith.constant 0 : i32
    %ne3A_38 = vector.broadcast %ne3A_37 : i32 to vector<4x128xi32>
    %ne3A_39 = arith.cmpi ne, %rem3A_36, %ne3A_38 : vector<4x128xi32>
    %and3A = arith.andi %ne3A_35, %ne3A_39 : vector<4x128xi1>
    %sub3A = arith.constant 1 : i32
    %sub3A_40 = vector.broadcast %sub3A : i32 to vector<4x128xi32>
    %sub3A_41 = arith.subi %div3A_19, %sub3A_40 : vector<4x128xi32>
    %select_n3A = arith.select %and3A, %sub3A_41, %div3A_19 : vector<4x128xi1>, vector<4x128xi32>
    %eq3A = arith.cmpi eq, %select_n3A, %iota3A : vector<4x128xi32>
    %convert_element_type3A = arith.extui %eq3A : vector<4x128xi1> to vector<4x128xi32>
    %convert_element_type3A_42 = arith.sitofp %convert_element_type3A : vector<4x128xi32> to vector<4x128xf32>
    %dot_general3A = arith.constant dense<0.000000e+00> : vector<400x128xf32>
    %dot_general3A_43 = tpu.matmul %div3A_16, %convert_element_type3A_42, %dot_general3A {dimension_numbers = #tpu.dot_dimension_numbers<[1], [0], [0], [1], [0, 0, 1, 1], [], []>, transpose_lhs_hint = false} : vector<400x4xf32>, vector<4x128xf32>, vector<400x128xf32> -> vector<400x128xf32>
    %max3A = arith.constant 0.000000e+00 : f32
    %max3A_44 = vector.broadcast %max3A : f32 to vector<400x128xf32>
    %max3A_45 = arith.maximumf %add3A, %max3A_44 : vector<400x128xf32>
    %mul3A = arith.mulf %max3A_45, %dot_general3A_43 : vector<400x128xf32>
    %iota3A_46 = tpu.iota {dimensions = array<i32: 0>} : vector<128x32xi32>
    %iota3A_47 = tpu.iota {dimensions = array<i32: 1>} : vector<128x32xi32>
    %jit3A_48 = arith.constant 32 : i32
    %eq3A_49 = arith.constant 0 : i32
    %eq3A_50 = arith.cmpi eq, %jit3A_48, %eq3A_49 : i32
    %jit3A_51 = arith.constant 1 : i32
    %select_n3A_52 = arith.select %eq3A_50, %jit3A_51, %jit3A_48 : i32
    %rem3A_53 = vector.broadcast %select_n3A_52 : i32 to vector<128x32xi32>
    %rem3A_54 = arith.remsi %iota3A_46, %rem3A_53 : vector<128x32xi32>
    %ne3A_55 = arith.constant 0 : i32
    %ne3A_56 = vector.broadcast %ne3A_55 : i32 to vector<128x32xi32>
    %ne3A_57 = arith.cmpi ne, %rem3A_54, %ne3A_56 : vector<128x32xi32>
    %lt3A = arith.constant 0 : i32
    %lt3A_58 = vector.broadcast %lt3A : i32 to vector<128x32xi32>
    %lt3A_59 = arith.cmpi slt, %rem3A_54, %lt3A_58 : vector<128x32xi32>
    %lt3A_60 = arith.constant 0 : i32
    %lt3A_61 = arith.cmpi slt, %select_n3A_52, %lt3A_60 : i32
    %ne3A_62 = vector.broadcast %lt3A_61 : i1 to vector<128x32xi1>
    %ne3A_63 = vector.broadcast %ne3A_62 : vector<128x32xi1> to vector<128x32xi1>
    %ne3A_64 = arith.xori %lt3A_59, %ne3A_63 : vector<128x32xi1>
    %and3A_65 = arith.andi %ne3A_64, %ne3A_57 : vector<128x32xi1>
    %add3A_66 = vector.broadcast %select_n3A_52 : i32 to vector<128x32xi32>
    %add3A_67 = arith.addi %rem3A_54, %add3A_66 : vector<128x32xi32>
    %select_n3A_68 = arith.select %and3A_65, %add3A_67, %rem3A_54 : vector<128x32xi1>, vector<128x32xi32>
    %eq3A_69 = arith.cmpi eq, %select_n3A_68, %iota3A_47 : vector<128x32xi32>
    %convert_element_type3A_70 = arith.extui %eq3A_69 : vector<128x32xi1> to vector<128x32xi32>
    %convert_element_type3A_71 = arith.sitofp %convert_element_type3A_70 : vector<128x32xi32> to vector<128x32xf32>
    %mul3A_72 = arith.constant 2.500000e-01 : f32
    %mul3A_73 = vector.broadcast %mul3A_72 : f32 to vector<128x32xf32>
    %mul3A_74 = arith.mulf %convert_element_type3A_71, %mul3A_73 : vector<128x32xf32>
    %dot_general3A_75 = arith.constant dense<0.000000e+00> : vector<400x32xf32>
    %dot_general3A_76 = tpu.matmul %mul3A, %mul3A_74, %dot_general3A_75 {dimension_numbers = #tpu.dot_dimension_numbers<[1], [0], [0], [1], [0, 0, 1, 1], [], []>, transpose_lhs_hint = false} : vector<400x128xf32>, vector<128x32xf32>, vector<400x32xf32> -> vector<400x32xf32>
    %swap3A = arith.constant 0 : index
    %swap3A_77 = arith.constant 0 : index
    %swap3A_78 = vector.load %arg5[%swap3A, %swap3A_77] : memref<400x32xf32, #tpu.memory_space<vmem>>, vector<400x32xf32>
    tpu.vector_store %arg5[%swap3A, %swap3A_77], %dot_general3A_76 {strides = array<i32>} : memref<400x32xf32, #tpu.memory_space<vmem>>, vector<400x32xf32>,
    return
  }
  func.func @transform_0(%arg0: i32) -> (i32, i32) {
    %c0_i32 = arith.constant 0 : i32
    %c0_i32_0 = arith.constant 0 : i32
    return %arg0, %c0_i32 : i32, i32
  }
  func.func @transform_1(%arg0: i32) -> (i32, i32) {
    %c0_i32 = arith.constant 0 : i32
    %c0_i32_0 = arith.constant 0 : i32
    return %arg0, %c0_i32 : i32, i32
  }
  func.func @transform_2(%arg0: i32) -> (i32, i32) {
    %c0_i32 = arith.constant 0 : i32
    %c0_i32_0 = arith.constant 0 : i32
    return %arg0, %c0_i32 : i32, i32
  }
  func.func @transform_3(%arg0: i32) -> (i32, i32) {
    %c0_i32 = arith.constant 0 : i32
    %c0_i32_0 = arith.constant 0 : i32
    return %arg0, %c0_i32 : i32, i32
  }
  func.func @transform_4(%arg0: i32) -> (i32, i32) {
    %c0_i32 = arith.constant 0 : i32
    %c0_i32_0 = arith.constant 0 : i32
    return %arg0, %c0_i32 : i32, i32
  }
}

</mosaic_0001>

<sc_bundles>
// kernel: kernel.10.cloned.1.call-start
scs
__scs_entry_jumppad:
0x0: {  	(pc) =	sbr.rel $0x88, $3  }
0x1: {  	(tag) =	ssettag $0x0;
	lr =	simm.s32 $0x1  }
0x2: {  	[smem:$0x3F99] =	sst lr;
	_ =	strace $0xD0000000  }
0x3: {  	_ = 	snop  }
0x4: {  	_ = 	snop  }
0x5: {  	_ = 	snop  }
0x6: {  	_ = 	snop  }
0x7: {  	_ = 	snop  }
__scs_overlays_trampoline_lowered:
0x8: {  	[smem:$0x3FA8] =	sst s0  }
0x9: {  	[smem:$0x3FA9] =	sst s1  }
0xa: {  	[smem:$0x3FAA] =	sst s2  }
0xb: {  	[smem:$0x3FAB] =	sst s3  }
0xc: {  	[smem:$0x3FAC] =	sst s4  }
0xd: {  	[smem:$0x3FAD] =	sst s5  }
0xe: {  	[smem:$0x3FAE] =	sst s6  }
0xf: {  	[smem:$0x3FAF] =	sst s7  }
0x10: {  	[smem:$0x3FB0] =	sst s8  }
0x11: {  	[smem:$0x3FB1] =	sst s9;
	s0 =	simm.s32 @!p0 $0x0  }
0x12: {  	s1 =	sld [smem:$0x3F97];
	s0 =	simm.s32 @p0 $0x1  }
0x13: {  	[smem:$0x3FB2] =	sst s0;
	s0 =	simm.s32 @!p1 $0x0  }
0x14: {  	s2 =	sld [smem:$0x3F96];
	s0 =	simm.s32 @p1 $0x1  }
0x15: {  	[smem:$0x3FB3] =	sst s0;
	s0 =	simm.s32 @!p2 $0x0  }
0x16: {  	s3 =	sld [smem:$0x3FDB];
	s0 =	simm.s32 @p2 $0x1  }
0x17: {  	s4 =	simm.s32 $0x1BF5;
	[smem:$0x3FB5] =	sst s0  }
0x18: {  	s0 =	sld [smem:$0x3F98];
	_ =	swait.ge [sflag:s4], $0x0  }
0x19: {  	s7 =	sld [smem:$0x3F99]  }
0x1a: {  	s8 =	sadd.s32 $0xFFFFE003, lr  }
0x1b: {  	s9 =	sadd.s32 $0xFFFFFEF7, lr;
	s5 =	simm.s32 $0xFFFFFFFF;
	p2 =	slt.u32 s8, $0xFFFFF086  }
0x1c: {  	p1 =	slt.u32 s9, $0xF7A;
	s5 =	simm.s32 @!p2 $0x0  }
0x1d: {  	s5 =	simm.s32 @p1 $0x1;
	p0 =	seq.s32 s7, s2  }
0x1e: {  	s7 =	smul.u32 @!p0 $0xF7A, s2;
	p2 =	seq.s32 @!p0 s5, $0x0  }
0x1f: {  	s9 =	smul.u32 $0xF7A, s1;
	s8 =	simm.s32 @!p0 $0x1BF5;
	p2 =	por !p2, p0  }
0x20: {  	[sflag:s8] =	ssyncset.s32 @!p0 $0xFFFFF086;
	s6 =	sadd.s32 @!p0 s3, s7;
	s7 =	simm.s32 @!p0 $0x108  }
0x21: {  	s3 =	sadd.s32 s3, s9;
	s6 =	sadd.s32 @!p0 $0x88, s6;
	s7 =	simm.s32 @p2 $0x1082  }
0x22: {  	[simem:s7], [sflag:s8] =	dma.local @!p0 [hbm:s6], $0xF7A  }
0x23: {  	s9 =	sor.u32 $0xD0000000, s2;
	s6 =	simm.s32 $0x108;
	_ =	swait.ge @!p0 [sflag:s8], $0x0  }
0x24: {  	s3 =	sadd.s32 $0x88, s3;
	s6 =	simm.s32 @!p1 $0x1082;
	[sflag:s4] =	ssyncset.s32 $0xFFFFF086  }
0x25: {  	[simem:s6], [sflag:s4] =	dma.local [hbm:s3], $0xF7A  }
0x26: {  	[smem:$0x3F99] =	sst s1;
	(tag) =	ssettag s2;
	_ =	strace s9  }
0x27: {  	s1 =	sld [smem:$0x3FA9]  }
0x28: {  	s2 =	sld [smem:$0x3FAA]  }
0x29: {  	s4 =	sld [smem:$0x3FAC]  }
0x2a: {  	p0 =	seq.s32 s5, $0x0;
	s5 =	sld [smem:$0x3FAD]  }
0x2b: {  	s6 =	sld [smem:$0x3FAE]  }
0x2c: {  	s7 =	sld [smem:$0x3FAF]  }
0x2d: {  	s3 =	simm.s32 $0x108;
	s8 =	sld [smem:$0x3FB0]  }
0x2e: {  	s3 =	simm.s32 @!p0 $0x1082;
	s9 =	sld [smem:$0x3FB1]  }
0x2f: {  	lr =	sadd.s32 s0, s3;
	s0 =	sld [smem:$0x3FA8]  }
0x30: {  	s3 =	sld [smem:$0x3FAB]  }
0x31: {  	[smem:$0x3FB4] =	sst s10  }
0x32: {  	s10 =	sld [smem:$0x3FB2];
	_ =	sdelay $0x3  }
0x33: {  	p0 =	seq.s32 s10, $0x1;
	s10 =	sld [smem:$0x3FB4];
	_ =	sdelay $0x3  }
0x34: {  	[smem:$0x3FB4] =	sst s10  }
0x35: {  	s10 =	sld [smem:$0x3FB3];
	_ =	sdelay $0x3  }
0x36: {  	p1 =	seq.s32 s10, $0x1;
	s10 =	sld [smem:$0x3FB4];
	_ =	sdelay $0x3  }
0x37: {  	[smem:$0x3FB4] =	sst s10  }
0x38: {  	s10 =	sld [smem:$0x3FB5]  }
0x39: {  	_ = 	snop;
	(pc) =	sbr.ind lr, $3  }
0x3a: {  	_ = 	snop  }
0x3b: {  	_ = 	snop  }
0x3c: {  	p2 =	seq.s32 s10, $0x1;
	s10 =	sld [smem:$0x3FB4]  }
0x3d: {  	_ =	shalt  }
0x3e: {  	_ =	shalt  }
0x3f: {  	_ =	shalt  }
0x40: {  	_ =	shalt  }
0x41: {  	_ =	shalt  }
0x42: {  	_ =	shalt  }
0x43: {  	_ =	shalt  }
0x44: {  	_ =	shalt  }
0x45: {  	_ =	shalt  }
0x46: {  	_ =	shalt  }
0x47: {  	_ =	shalt  }
0x48: {  	_ =	shalt  }
0x49: {  	_ =	shalt  }
0x4a: {  	_ =	shalt  }
0x4b: {  	_ =	shalt  }
0x4c: {  	_ =	shalt  }
0x4d: {  	_ =	shalt  }
0x4e: {  	_ =	shalt  }
0x4f: {  	_ =	shalt  }
0x50: {  	_ =	shalt  }
0x51: {  	_ =	shalt  }
0x52: {  	_ =	shalt  }
0x53: {  	_ =	shalt  }
0x54: {  	_ =	shalt  }
0x55: {  	_ =	shalt  }
0x56: {  	_ =	shalt  }
0x57: {  	_ =	shalt  }
0x58: {  	_ =	shalt  }
0x59: {  	_ =	shalt  }
0x5a: {  	_ =	shalt  }
0x5b: {  	_ =	shalt  }
0x5c: {  	_ =	shalt  }
0x5d: {  	_ =	shalt  }
0x5e: {  	_ =	shalt  }
0x5f: {  	_ =	shalt  }
0x60: {  	_ =	shalt  }
0x61: {  	_ =	shalt  }
0x62: {  	_ =	shalt  }
0x63: {  	_ =	shalt  }
0x64: {  	_ =	shalt  }
0x65: {  	_ =	shalt  }
0x66: {  	_ =	shalt  }
0x67: {  	_ =	shalt  }
0x68: {  	_ =	shalt  }
0x69: {  	_ =	shalt  }
0x6a: {  	_ =	shalt  }
0x6b: {  	_ =	shalt  }
0x6c: {  	_ =	shalt  }
0x6d: {  	_ =	shalt  }
0x6e: {  	_ =	shalt  }
0x6f: {  	_ =	shalt  }
0x70: {  	_ =	shalt  }
0x71: {  	_ =	shalt  }
0x72: {  	_ =	shalt  }
0x73: {  	_ =	shalt  }
0x74: {  	_ =	shalt  }
0x75: {  	_ =	shalt  }
0x76: {  	_ =	shalt  }
0x77: {  	_ =	shalt  }
0x78: {  	_ =	shalt  }
0x79: {  	_ =	shalt  }
0x7a: {  	_ =	shalt  }
0x7b: {  	_ =	shalt  }
0x7c: {  	_ =	shalt  }
0x7d: {  	_ =	shalt  }
0x7e: {  	_ =	shalt  }
0x7f: {  	_ =	shalt  }
0x80: {  	_ =	shalt  }
0x81: {  	_ =	shalt  }
0x82: {  	_ =	shalt  }
0x83: {  	_ =	shalt  }
0x84: {  	_ =	shalt  }
0x85: {  	_ =	shalt  }
0x86: {  	_ =	shalt  }
0x87: {  	_ =	shalt  }
.Lfunc_end0:
.L_simem_size_0:
called_computation.1_lowered:
.L_overlay_start_0:
0x88: {  	s2 =	sld [smem:$0x3FD9]  }
0x89: {  	s3 =	sld [smem:$0x3FFE];
	_ =	sdelay $0x1  }
0x8a: {  	s1 =	srdreg.scid  }
0x8b: {  	s0 =	sand.u32 $0x1, s1  }
0x8c: {  	s17 =	sshll.u32 s0, $0xA;
	s2 =	sadd.s32 s3, s2  }
0x8d: {  	s2 =	sadd.s32 s2, s17  }
0x8e: {  	[smem:$0x3FC0] =	sst s2  }
0x8f: {  	_ = 	snop  }
0x90: {  	s2 =	sld [smem:$0x3FD0];
	(tm) =	ssettm $0x1  }
0x91: {  	s18 =	sld [smem:$0x3FFB];
	_ =	sdelay $0x3  }
0x92: {  	_ =	strace s18  }
0x93: {  	s3 =	sld [smem:$0x3FFC];
	_ =	sdelay $0x3  }
0x94: {  	_ =	strace s3  }
0x95: {  	s3 =	sld [smem:$0x3FFD];
	_ =	sdelay $0x3  }
0x96: {  	_ =	strace s3  }
0x97: {  	_ =	strace $0x8FFFFFFF  }
0x98: {  	s19 =	sld [smem:$0x3FDB];
	_ =	sdelay $0x1  }
0x99: {  	s4 =	simm.s32 $_scs_section_size  }
0x9a: {  	s5 =	simm.s32 $_size__tile_overlayer_lowered;
	s6 =	simm.s32 $_tile_overlayer_lowered  }
0x9b: {  	s22 =	simm.s32 $0x1BFF;
	s21 =	sshll.u32 s6, $0x1;
	s3 =	sadd.s32 s4, s19  }
0x9c: {  	s7 =	simm.s32 $0x0;
	s20 =	sshll.u32 s5, $0x1;
	s5 =	sadd.s32 s21, s3  }
0x9d: {  	[timem:s7], [sflag:s22] =	dma.local [hbm:s5], s20  }
0x9e: {  	_ =	swait.ge [sflag:s22], s20  }
0x9f: {  	s4 =	ssub.s32 $0x0, s20;
	[sflag:s22] =	ssyncset.done $0x0  }
0xa0: {  	[sflag:s22] =	ssyncadd.s32 s4;
	_ =	sdelay $0x1  }
0xa1: {  	s23 =	simm.s32 $0x1B8B  }
0xa2: {  	_ =	swait.ge [sflag:s23], $0x1  }
0xa3: {  	[sflag:s23] =	ssyncset.done $0x0  }
0xa4: {  	s25 =	simm.s32 $0x1B8E;
	s24 =	sld [smem:$0x3FFE];
	[sflag:s23] =	ssyncadd.s32 $0xFFFFFFFF  }
0xa5: {  	s26 =	simm.s32 $execute0_lowered;
	[smem:$0x3FD2] =	sst s25  }
0xa6: {  	s5 =	sshll.u32 s26, $0x1;
	_ =	strace $0x80000049;
	[dreg:$0x1] =	wrdreg $0xFFFFFFFF  }
0xa7: {  	s28 =	simm.s32 $_size_execute0_lowered;
	s3 =	sadd.s32 s3, s5;
	[dreg:$0x0] =	wrdreg $0x0  }
0xa8: {  	s5 =	sshll.u32 s28, $0x1;
	[dreg:$0x2] =	wrdreg s3  }
0xa9: {  	[dreg:$0x3] =	wrdreg s5  }
0xaa: {  	[dreg:$0x4] =	wrdreg $0xC0  }
0xab: {  	_ =	task [dreg:s7], $0x5FFFF  }
0xac: {  	[dreg:$0x1] =	wrdreg $0xFFFFFFFF  }
0xad: {  	[dreg:$0x0] =	wrdreg $0x60  }
0xae: {  	[dreg:$0x2] =	wrdreg s24  }
0xaf: {  	[dreg:$0x3] =	wrdreg s2  }
0xb0: {  	[dreg:$0x4] =	wrdreg $0x0  }
0xb1: {  	[dreg:$0x5] =	wrdreg $0x140000  }
0xb2: {  	[dreg:$0x6] =	wrdreg $0x9  }
0xb3: {  	_ =	task.clear_ibuf [dreg:s7], $0x7FFFF;
	_ =	strace $0x90000049  }
0xb4: {  	s29 =	simm.s32 $0x9;
	_ =	strace $0x8000004B  }
0xb5: {  	_ =	swait.ge [sflag:s29], $0x1  }
0xb6: {  	[sflag:s29] =	ssyncadd.s32 $0xFFFFFFFF  }
0xb7: {  	_ =	strace $0x9000004B  }
0xb8: {  	_ =	sfence  }
0xb9: {  	s30 =	sld [smem:$0x0];
	_ =	sdelay $0x2  }
0xba: {  	s31 =	sshll.u32 s1, $0xD;
	s1 =	sshrl.u32 s1, $0x2  }
0xbb: {  	s3 =	sand.u32 $0x4000, s31;
	s1 =	sadd.s32 s1, s30  }
0xbc: {  	s0 =	sor.u32 s3, s0;
	s1 =	sshll.u32 s1, $0x11  }
0xbd: {  	s0 =	sor.u32 s1, s0  }
0xbe: {  	s0 =	sadd.s32 $0x8F2B, s0  }
0xbf: {  	[sflag:s0] =	ssyncadd.remote.s32 $0x1  }
0xc0: {  	_ =	sfence.sel $0xFFFF  }
0xc1: {  	[dreg:$0x0] =	wrdreg $0xFFFFFFFF;
	(pc) =	sbr.abs _section_cstart, $3  }
0xc2: {  	[dreg:$0x1] =	wrdreg $0xFFFFFFFF  }
0xc3: {  	_ =	task.clear_ibuf [dreg:s7], $0x2FFFF;
	_ =	strace $0x9FFFFFFF  }
0xc4: {  	(tm) =	ssettm $0x7FFFFFFF  }
0xc5: {  	_ =	shalt  }
tec
execute0_lowered:
.L_overlay_start_1:
0x0: {  	(tag) =	ssettag $0x1  }
0x1: {  	s0 =	rddreg [dreg:$0x0]  }
0x2: {  	s1 =	rddreg [dreg:$0x1]  }
0x3: {  	s16 =	rddreg [dreg:$0x2]  }
0x4: {  	s18 =	rddreg [dreg:$0x3]  }
0x5: {  	s4 =	simm.s32 $0x0;
	s2 =	srdreg.scid;
	s19 =	stileid.u32  }
0x6: {  	s31 =	simm.s32 $0x19FF0;
	s28 =	simm.s32 $0x1;
	s3 =	smul.u32 $0x2800, s19  }
0x7: {  	s29 =	simm.s32 $0x2;
	[smem:$0x7FF] =	sst s4;
	s8 =	smul.u32 $0x500, s19  }
0x8: {  	s2 =	sand.u32 $0x1, s2;
	s5 =	sadd.s32 $0x16800, s0;
	s12 =	smul.u32 $0x280, s19  }
0x9: {  	s7 =	sadd.s32 $0x2E00, s0;
	s21 =	smul.u32 $0x50000, s19;
	_ =	strace $0x8000004A  }
0xa: {  	s6 =	sshll.u32 s2, $0x4;
	s10 =	ssub.s32 $0x2, s2;
	p0 =	seq.s32 s2, $0x1  }
0xb: {  	s9 =	sor.u32 s19, s6;
	s6 =	sadd.s32 $0x3DA00, s0;
	s3 =	sadd.s32 s3, s0  }
0xc: {  	s0 =	sadd.s32 s8, s0;
	s11 =	sshrl.u32 s10, $0x1;
	s23 =	sshrl.u32 s21, $0x2  }
0xd: {  	s9 =	smul.u32 $0x2710, s9;
	s10 =	ssub.s32 s10, s11;
	s2 =	sadd.s32 s23, s16  }
0xe: {  	s11 =	sadd.s32 $0x140, s12;
	s23 =	smul.u32 $0xA000, s19;
	s30 =	sadd.s32 $0x42A00, s0  }
0xf: {  	s0 =	simm.s32 $0x5;
	s10 =	smax.u32 s10, $0x1;
	[dreg:$0x9] =	wrdreg s2  }
0x10: {  	s2 =	sadd.s32 $0xA0, s12;
	s15 =	sshll.u32 s11, $0x7;
	s13 =	sshrl.u32 s9, $0x3  }
0x11: {  	s22 =	sadd.s32 $0xA0, s9;
	s9 =	sadd.s32 $0xF0, s9;
	[dreg:$0x8] =	wrdreg s10  }
0x12: {  	s10 =	sadd.s32 $0xF0, s12;
	s26 =	sshll.u32 s2, $0x7;
	s17 =	sadd.s32 s15, s16  }
0x13: {  	s2 =	sshll.u32 s2, $0x4;
	s20 =	sadd.s32 s7, s13;
	[dreg:$0x6] =	wrdreg s22  }
0x14: {  	[dreg:$0x7] =	wrdreg s9;
	s9 =	sor.u32 $0x50, s12;
	s14 =	sshll.u32 s10, $0x7  }
0x15: {  	s13 =	sadd.s32 s26, s16;
	[dreg:$0xd] =	wrdreg s17;
	s17 =	sadd.s32 s8, s1  }
0x16: {  	s1 =	sadd.s32 $0x190, s12;
	s8 =	sadd.s32 $0x1E0, s12;
	s12 =	sadd.s32 $0x230, s12  }
0x17: {  	s2 =	sadd.s32 s2, s18;
	s24 =	sshll.u32 s9, $0x7;
	[dreg:$0xb] =	wrdreg s13  }
0x18: {  	s14 =	sadd.s32 s14, s16;
	s21 =	sshll.u32 s1, $0x7;
	s22 =	sshll.u32 s8, $0x7  }
0x19: {  	s9 =	sshll.u32 s9, $0x4;
	s26 =	sshll.u32 s12, $0x7;
	[dreg:$0x13] =	wrdreg s2  }
0x1a: {  	s1 =	sshll.u32 s1, $0x4;
	s19 =	sshll.u32 s8, $0x4;
	[dreg:$0x5] =	wrdreg s20  }
0x1b: {  	s8 =	simm.s32 $0x1CCF0;
	s25 =	sadd.s32 s24, s16;
	[dreg:$0xc] =	wrdreg s14  }
0x1c: {  	s2 =	simm.s32 $0x0;
	s13 =	sadd.s32 s21, s16;
	[dreg:$0xa] =	wrdreg s25  }
0x1d: {  	s24 =	sadd.s32 s22, s16;
	s14 =	sadd.s32 s26, s16;
	[dreg:$0xe] =	wrdreg s13  }
0x1e: {  	s9 =	sadd.s32 s9, s18;
	s21 =	sshll.u32 s12, $0x4;
	[dreg:$0xf] =	wrdreg s24  }
0x1f: {  	s1 =	sadd.s32 s1, s18;
	s22 =	sadd.s32 s19, s18;
	[dreg:$0x10] =	wrdreg s14  }
0x20: {  	s26 =	sadd.s32 $0xA, s20;
	s19 =	simm.s32 $0x19000;
	[dreg:$0x12] =	wrdreg s9  }
0x21: {  	s12 =	simm.s32 $0x6;
	s20 =	simm.s32 $0x1D1F0;
	[dreg:$0x16] =	wrdreg s1  }
0x22: {  	s25 =	sshrl.u32 s23, $0x2;
	s14 =	sshll.u32 s11, $0x4;
	[dreg:$0x17] =	wrdreg s22  }
0x23: {  	s23 =	sadd.s32 s21, s18;
	s24 =	sadd.s32 $0x47A00, s3;
	[dreg:$0x1b] =	wrdreg s26  }
0x24: {  	s11 =	simm.s32 $0x16800;
	s22 =	simm.s32 $0x19500;
	s21 =	simm.s32 $0x7  }
0x25: {  	s9 =	simm.s32 $0x4;
	s13 =	sadd.s32 s25, s18;
	[dreg:$0x18] =	wrdreg s23  }
0x26: {  	s16 =	sadd.s32 s14, s18;
	[dreg:$0x19] =	wrdreg s24;
	s25 =	sadd.s32 $0x6FA00, s3  }
.Ltmp0:
0x27: {  	s14 =	simm.s32 $0x19A00;
	[dreg:$0x11] =	wrdreg s13;
	(pc) =	sbr.rel .LBB2_1-.Ltmp0, $4  }
0x28: {  	s23 =	simm.s32 $0x1D6F0;
	s24 =	simm.s32 $0x1C7F0;
	[dreg:$0x15] =	wrdreg s16  }
0x29: {  	v0 =	vlaneseq.u32;
	s3 =	simm.s32 $0x3;
	s13 =	sshll.u32 s10, $0x4;
	[dreg:$0x1a] =	wrdreg s25  }
0x2a: {  	v2 =	vshrl.u32 v0, $0x2;
	v0 =	vand.u32 $0x3, v0;
	s10 =	simm.s32 $0x8;
	s15 =	sadd.s32 s13, s18;
	s13 =	simm.s32 $0x9  }
0x2b: {  	v1 =	vimm.f32 $0.0e+00;
	v2 =	vmul.u32 $0x10, v2;
	v3 =	vor.u32 $0x4, v0;
	s18 =	simm.s32 $0x19F00;
	[dreg:$0x14] =	wrdreg s15;
	s15 =	simm.s32 $0x50  }
.LBB2_20:
0x2c: {  	s2 =	sadd.s32 $0x1, s2;
	s1 =	rddreg [dreg:$0x8]  }
0x2d: {  	p1 =	sne.s32 s2, s1  }
.Ltmp1:
0x2e: {  	_ = 	snop;
	(pc) =	sbr.rel @!p1 .LBB2_21-.Ltmp1, $1  }
0x2f: {  	_ =	sdelay $0x3  }
.LBB2_1:
0x30: {  	[dreg:$0x1c] =	wrdreg s2;
	s1 =	simm.s32 $0x0;
	s2 =	simm.s32 $0x0  }
.LBB2_2:
0x31: {  	p1 =	sne.s32 s2, $0x9FC0  }
.Ltmp2:
0x32: {  	_ = 	snop;
	(pc) =	sbr.rel @p1 .LBB2_2-.Ltmp2, $4  }
0x33: {  	s16 =	sand.u32 $0xFE00, s2  }
0x34: {  	s25 =	sand.u32 $0x70, s1;
	s16 =	sshrl.u32 s16, $0x2  }
0x35: {  	s16 =	sor.u32 s25, s16  }
0x36: {  	s1 =	sadd.s32 $0x10, s1;
	s2 =	sadd.s32 $0x40, s2;
	[tilespmem:s16+$0x16800] =	vst v1  }
0x37: {  	s1 =	simm.s32 $0x40;
	s2 =	simm.s32 $0x0  }
.LBB2_4:
0x38: {  	p1 =	sne.s32 s1, $0x13C0;
	[tilespmem:s2+$0x19A00] =	vst v1;
	s16 =	smov.u32 s1;
	s1 =	sadd.s32 $0x40, s1  }
.Ltmp3:
0x39: {  	[tilespmem:s2+$0x1D1F0] =	vst v1;
	(pc) =	sbr.rel @p1 .LBB2_4-.Ltmp3, $2  }
0x3a: {  	_ =	sdelay $0x2  }
0x3b: {  	s2 =	sshra.s32 s16, $0x2  }
0x3c: {  	[tilespmem:s2+$0x19A00] =	vst v1  }
0x3d: {  	[tilespmem:s2+$0x1D1F0] =	vst v1;
	s1 =	rddreg [dreg:$0x9]  }
0x3e: {  	[spmem:s1] =	stream.linear.scatter [tilespmem:s11], [sflag:$0x9], $0x2800, $0x38;
	[tilespmem:$0x1D7E0] =	vst v63  }
0x3f: {  	_ =	swait.ge [sflag:s13], $0x2800  }
0x40: {  	[sflag:s13] =	ssyncset.done $0x0  }
0x41: {  	s26 =	rddreg [dreg:$0xa];
	[sflag:s13] =	ssyncadd.s32 $0xFFFFD800  }
0x42: {  	[spmem:s26] =	stream.linear.scatter [tilespmem:s11], [sflag:$0x9], $0x2800, $0x38;
	[tilespmem:$0x1D7E0] =	vst v63  }
0x43: {  	_ =	swait.ge [sflag:s13], $0x2800  }
0x44: {  	[sflag:s13] =	ssyncset.done $0x0  }
0x45: {  	s2 =	rddreg [dreg:$0xb];
	[sflag:s13] =	ssyncadd.s32 $0xFFFFD800  }
0x46: {  	[spmem:s2] =	stream.linear.scatter [tilespmem:s11], [sflag:$0x9], $0x2800, $0x38;
	[tilespmem:$0x1D7E0] =	vst v63  }
0x47: {  	_ =	swait.ge [sflag:s13], $0x2800  }
0x48: {  	[sflag:s13] =	ssyncset.done $0x0  }
0x49: {  	s16 =	rddreg [dreg:$0xc];
	[sflag:s13] =	ssyncadd.s32 $0xFFFFD800  }
0x4a: {  	[spmem:s16] =	stream.linear.scatter [tilespmem:s11], [sflag:$0x9], $0x2800, $0x38;
	[tilespmem:$0x1D7E0] =	vst v63  }
0x4b: {  	_ =	swait.ge [sflag:s13], $0x2800  }
0x4c: {  	[sflag:s13] =	ssyncset.done $0x0  }
0x4d: {  	s25 =	rddreg [dreg:$0xd];
	[sflag:s13] =	ssyncadd.s32 $0xFFFFD800  }
0x4e: {  	[spmem:s25] =	stream.linear.scatter [tilespmem:s11], [sflag:$0x9], $0x2800, $0x38;
	[tilespmem:$0x1D7E0] =	vst v63  }
0x4f: {  	_ =	swait.ge [sflag:s13], $0x2800  }
0x50: {  	[sflag:s13] =	ssyncset.done $0x0  }
0x51: {  	s26 =	rddreg [dreg:$0xe];
	[sflag:s13] =	ssyncadd.s32 $0xFFFFD800  }
0x52: {  	[spmem:s26] =	stream.linear.scatter [tilespmem:s11], [sflag:$0x9], $0x2800, $0x38;
	[tilespmem:$0x1D7E0] =	vst v63  }
0x53: {  	_ =	swait.ge [sflag:s13], $0x2800  }
0x54: {  	[sflag:s13] =	ssyncset.done $0x0  }
0x55: {  	s2 =	rddreg [dreg:$0xf];
	[sflag:s13] =	ssyncadd.s32 $0xFFFFD800  }
0x56: {  	[spmem:s2] =	stream.linear.scatter [tilespmem:s11], [sflag:$0x9], $0x2800, $0x38;
	[tilespmem:$0x1D7E0] =	vst v63  }
0x57: {  	_ =	swait.ge [sflag:s13], $0x2800  }
0x58: {  	[sflag:s13] =	ssyncset.done $0x0  }
0x59: {  	s16 =	rddreg [dreg:$0x10];
	[sflag:s13] =	ssyncadd.s32 $0xFFFFD800  }
0x5a: {  	[spmem:s16] =	stream.linear.scatter [tilespmem:s11], [sflag:$0x9], $0x2800, $0x38;
	[tilespmem:$0x1D7E0] =	vst v63  }
0x5b: {  	_ =	swait.ge [sflag:s13], $0x2800  }
0x5c: {  	[sflag:s13] =	ssyncset.done $0x0  }
0x5d: {  	s25 =	rddreg [dreg:$0x11];
	[sflag:s13] =	ssyncadd.s32 $0xFFFFD800  }
0x5e: {  	[spmem:s25] =	stream.linear.scatter [tilespmem:s14], [sflag:$0x9], $0x500, $0x38;
	[tilespmem:$0x1D7E0] =	vst v63  }
0x5f: {  	_ =	swait.ge [sflag:s13], $0x500  }
0x60: {  	[sflag:s13] =	ssyncset.done $0x0  }
0x61: {  	s26 =	rddreg [dreg:$0x12];
	[sflag:s13] =	ssyncadd.s32 $0xFFFFFB00  }
0x62: {  	[spmem:s26] =	stream.linear.scatter [tilespmem:s14], [sflag:$0x9], $0x500, $0x38;
	[tilespmem:$0x1D7E0] =	vst v63  }
0x63: {  	_ =	swait.ge [sflag:s13], $0x500  }
0x64: {  	[sflag:s13] =	ssyncset.done $0x0  }
0x65: {  	s2 =	rddreg [dreg:$0x13];
	[sflag:s13] =	ssyncadd.s32 $0xFFFFFB00  }
0x66: {  	[spmem:s2] =	stream.linear.scatter [tilespmem:s14], [sflag:$0x9], $0x500, $0x38;
	[tilespmem:$0x1D7E0] =	vst v63  }
0x67: {  	_ =	swait.ge [sflag:s13], $0x500  }
0x68: {  	[sflag:s13] =	ssyncset.done $0x0  }
0x69: {  	s16 =	rddreg [dreg:$0x14];
	[sflag:s13] =	ssyncadd.s32 $0xFFFFFB00  }
0x6a: {  	[spmem:s16] =	stream.linear.scatter [tilespmem:s14], [sflag:$0x9], $0x500, $0x38;
	[tilespmem:$0x1D7E0] =	vst v63  }
0x6b: {  	_ =	swait.ge [sflag:s13], $0x500  }
0x6c: {  	[sflag:s13] =	ssyncset.done $0x0  }
0x6d: {  	s25 =	rddreg [dreg:$0x15];
	[sflag:s13] =	ssyncadd.s32 $0xFFFFFB00  }
0x6e: {  	[spmem:s25] =	stream.linear.scatter [tilespmem:s14], [sflag:$0x9], $0x500, $0x38;
	[tilespmem:$0x1D7E0] =	vst v63  }
0x6f: {  	_ =	swait.ge [sflag:s13], $0x500  }
0x70: {  	[sflag:s13] =	ssyncset.done $0x0  }
0x71: {  	s26 =	rddreg [dreg:$0x16];
	[sflag:s13] =	ssyncadd.s32 $0xFFFFFB00  }
0x72: {  	[spmem:s26] =	stream.linear.scatter [tilespmem:s14], [sflag:$0x9], $0x500, $0x38;
	[tilespmem:$0x1D7E0] =	vst v63  }
0x73: {  	_ =	swait.ge [sflag:s13], $0x500  }
0x74: {  	[sflag:s13] =	ssyncset.done $0x0  }
0x75: {  	s2 =	rddreg [dreg:$0x17];
	[sflag:s13] =	ssyncadd.s32 $0xFFFFFB00  }
0x76: {  	[spmem:s2] =	stream.linear.scatter [tilespmem:s14], [sflag:$0x9], $0x500, $0x38;
	[tilespmem:$0x1D7E0] =	vst v63  }
0x77: {  	_ =	swait.ge [sflag:s13], $0x500  }
0x78: {  	[sflag:s13] =	ssyncset.done $0x0  }
0x79: {  	s16 =	rddreg [dreg:$0x18];
	[sflag:s13] =	ssyncadd.s32 $0xFFFFFB00  }
0x7a: {  	[spmem:s16] =	stream.linear.scatter [tilespmem:s14], [sflag:$0x9], $0x500, $0x38;
	[tilespmem:$0x1D7E0] =	vst v63  }
0x7b: {  	_ =	swait.ge [sflag:s13], $0x500  }
0x7c: {  	[sflag:s13] =	ssyncset.done $0x0  }
0x7d: {  	[sflag:s13] =	ssyncadd.s32 $0xFFFFFB00  }
0x7e: {  	[bflag:$0x0] =	sbarrier.arrive $0xFFFF  }
0x7f: {  	s26 =	simm.s32 $0x4E200;
	s25 =	rddreg [dreg:$0x5]  }
0x80: {  	[tilespmem:s18], [sflag:$0x9] =	stream.strided.gather [hbm4b:s25+s15], $0xA0, s26, s15, $0x38;
	[tilespmem:$0x1D7E0] =	vst v63  }
0x81: {  	_ =	swait.ge [sflag:s13], $0xA0  }
0x82: {  	[sflag:s13] =	ssyncset.done $0x0  }
0x83: {  	[sflag:s13] =	ssyncadd.s32 $0xFFFFFF60  }
0x84: {  	[tilespmem:s19], [sflag:$0x1] =	stream.indirect.gather [hbm4b:s6+s15], $0x10, s18, s15, $0xb8;
	[tilespmem:$0x1D7E0] =	vst v63  }
0x85: {  	s16 =	simm.s32 $0x19F50  }
0x86: {  	[tilespmem:s22], [sflag:$0x2] =	stream.indirect.gather [hbm4b:s6+s15], $0x10, s16, s15, $0xb8;
	[tilespmem:$0x1D7E0] =	vst v63  }
0x87: {  	_ = 	snop  }
0x88: {  	[tilespmem:s11], [sflag:$0x3] =	stream.indirect.gather [hbm4b:s5+s15], $0x80, s18, s15, $0xb8;
	[tilespmem:$0x1D7E0] =	vst v63  }
0x89: {  	s25 =	rddreg [dreg:$0x1b]  }
0x8a: {  	[tilespmem:s23], [sflag:$0x9] =	stream.strided.gather [hbm4b:s25+s15], $0xA0, s26, s15, $0x38;
	[tilespmem:$0x1D7E0] =	vst v63  }
0x8b: {  	_ =	swait.ge [sflag:s13], $0xA0  }
0x8c: {  	[sflag:s13] =	ssyncset.done $0x0  }
0x8d: {  	[sflag:s13] =	ssyncadd.s32 $0xFFFFFF60  }
0x8e: {  	[tilespmem:s24], [sflag:$0x5] =	stream.indirect.gather [hbm4b:s6+s15], $0x10, s23, s15, $0xb8;
	[tilespmem:$0x1D7E0] =	vst v63  }
0x8f: {  	s26 =	simm.s32 $0x1D740  }
0x90: {  	[tilespmem:s8], [sflag:$0x6] =	stream.indirect.gather [hbm4b:s6+s15], $0x10, s26, s15, $0xb8;
	[tilespmem:$0x1D7E0] =	vst v63  }
0x91: {  	s1 =	simm.s32 $0x0  }
0x92: {  	[tilespmem:s31], [sflag:$0x7] =	stream.indirect.gather [hbm4b:s5+s15], $0x80, s23, s15, $0xb8;
	[tilespmem:$0x1D7E0] =	vst v63  }
.LBB2_6:
0x93: {  	_ =	swait.ge [sflag:s28], $0x500  }
0x94: {  	[sflag:s28] =	ssyncset.done $0x0  }
0x95: {  	[sflag:s28] =	ssyncadd.s32 $0xFFFFFB00  }
0x96: {  	_ =	swait.ge [sflag:s29], $0x500  }
0x97: {  	[sflag:s29] =	ssyncset.done $0x0  }
0x98: {  	[sflag:s29] =	ssyncadd.s32 $0xFFFFFB00  }
0x99: {  	_ =	swait.ge [sflag:s3], $0x2800  }
0x9a: {  	[sflag:s3] =	ssyncset.done $0x0  }
0x9b: {  	[sflag:s3] =	ssyncadd.s32 $0xFFFFD800  }
0x9c: {  	v4 =	vld [tilespmem:$0x19F50]  }
0x9d: {  	s2 =	simm.s32 $0x0;
	v5 =	vld [tilespmem:$0x19F60]  }
0x9e: {  	v7 =	vmov s2;
	v6 =	vld [tilespmem:$0x19F70]  }
0x9f: {  	v7 =	vshll.u32 v7, $0x4;
	v8 =	vld [tilespmem:$0x19F80]  }
0xa0: {  	v7 =	vor.u32 v2, v7;
	v9 =	vld [tilespmem:$0x19F90]  }
0xa1: {  	v10 =	vor.u32 v0, v7;
	[tilespmem:$0x19FA0] =	vst v4  }
0xa2: {  	[tilespmem:$0x19FB0] =	vst v5;
	v4 =	vor.u32 v3, v7  }
0xa3: {  	[tilespmem:$0x19FC0] =	vst v6  }
0xa4: {  	[tilespmem:$0x19FD0] =	vst v8  }
0xa5: {  	[tilespmem:$0x19FE0] =	vst v9  }
0xa6: {  	v5 =	vld.idx.msk [tilespmem:v10+s19+$0x0], $0xffff  }
0xa7: {  	v4 =	vld.idx.msk [tilespmem:v4+s22+$0x0], $0xffff;
	_ =	sdelay $0x4  }
0xa8: {  	v4 =	vadd.f32 v4, v5;
	_ =	sdelay $0x1  }
0xa9: {  	v5 =	vmul.f32 $2.000000030e-01, v4  }
0xaa: {  	vm0 =	vgt.f32 v4, $0.0e+00  }
0xab: {  	v4 =	vsel vm0, v4, v5  }
0xac: {  	v4 =	vmul.f32 $1.442695020e+00, v4;
	_ =	sdelay $0x1  }
0xad: {  	(erf) = vpow2.f32 v4;
	_ =	sdelay $0x8  }
0xae: {  	v4 =	vpop (erf)  }
0xaf: {  	s2 =	simm.s32 $0x16900;
	[tilespmem:v10+s14+$0x0] =	vst.idx.msk $0xffff, v4  }
0xb0: {  	v8 =	vld [tilespmem:s2+$0xA0]  }
0xb1: {  	s25 =	simm.s32 $0x4;
	s26 =	simm.s32 $0x16900;
	v6 =	vbroadcast v4, $0x5;
	v5 =	vbroadcast v4, $0x7;
	v7 =	vld [tilespmem:s2+$0xB0]  }
.LBB2_7:
0xb2: {  	p1 =	sne.s32 s25, $0x4C  }
0xb3: {  	v9 =	vld [tilespmem:s2+$0xC0];
	s26 =	sadd.s32 $0x200, s26;
	s16 =	smov.u32 s25;
	s25 =	sadd.s32 $0x4, s25  }
0xb4: {  	v10 =	vbroadcast v4, $0xD;
	v11 =	vld [tilespmem:s2+$0xD0]  }
0xb5: {  	v12 =	vld [tilespmem:s2+$0xFFFFFF00]  }
0xb6: {  	v14 =	vbroadcast v4, $0xE;
	v13 =	vld [tilespmem:s2+$0xFFFFFF10];
	v8 =	vmul.f32 v8, v10  }
0xb7: {  	v15 =	vld [tilespmem:s2+$0xFFFFFF20];
	v7 =	vmul.f32 v7, v10  }
0xb8: {  	v10 =	vbroadcast v4, $0x0;
	v16 =	vld [tilespmem:s2+$0xFFFFFF30];
	[tilespmem:s2+$0xA0] =	vst v8;
	v8 =	vmul.f32 v9, v14  }
0xb9: {  	v9 =	vld [tilespmem:s2+$0xFFFFFF40];
	[tilespmem:s2+$0xB0] =	vst v7;
	v7 =	vmul.f32 v11, v14  }
0xba: {  	v11 =	vmul.f32 v10, v12;
	v12 =	vbroadcast v4, $0x1;
	v14 =	vld [tilespmem:s2+$0xFFFFFF50];
	[tilespmem:s2+$0xC0] =	vst v8  }
0xbb: {  	v8 =	vmul.f32 v10, v13;
	v10 =	vld [tilespmem:s2+$0xFFFFFF60];
	[tilespmem:s2+$0xD0] =	vst v7  }
0xbc: {  	[tilespmem:s2+$0xFFFFFF00] =	vst v11;
	v7 =	vmul.f32 v12, v15;
	v11 =	vbroadcast v4, $0x2;
	v13 =	vld [tilespmem:s2+$0xFFFFFF70]  }
0xbd: {  	[tilespmem:s2+$0xFFFFFF10] =	vst v8;
	v8 =	vmul.f32 v16, v12;
	v12 =	vld [tilespmem:s2+$0xFFFFFF80]  }
0xbe: {  	[tilespmem:s2+$0xFFFFFF20] =	vst v7;
	v7 =	vmul.f32 v9, v11;
	v9 =	vbroadcast v4, $0x3;
	v15 =	vld [tilespmem:s2+$0xFFFFFF90]  }
0xbf: {  	[tilespmem:s2+$0xFFFFFF30] =	vst v8;
	v8 =	vmul.f32 v14, v11;
	v11 =	vld [tilespmem:s2+$0xFFFFFFA0]  }
0xc0: {  	[tilespmem:s2+$0xFFFFFF40] =	vst v7;
	v7 =	vmul.f32 v10, v9;
	v10 =	vbroadcast v4, $0x4;
	v14 =	vld [tilespmem:s2+$0xFFFFFFB0]  }
0xc1: {  	[tilespmem:s2+$0xFFFFFF50] =	vst v8;
	v8 =	vmul.f32 v13, v9;
	v9 =	vld [tilespmem:s2+$0xFFFFFFC0]  }
0xc2: {  	[tilespmem:s2+$0xFFFFFF60] =	vst v7;
	v7 =	vmul.f32 v12, v10;
	v12 =	vld [tilespmem:s2+$0xFFFFFFD0]  }
0xc3: {  	[tilespmem:s2+$0xFFFFFF70] =	vst v8;
	v8 =	vmul.f32 v15, v10;
	v10 =	vld [tilespmem:s2+$0xFFFFFFE0]  }
0xc4: {  	[tilespmem:s2+$0xFFFFFF80] =	vst v7;
	v7 =	vmul.f32 v11, v6;
	v11 =	vbroadcast v4, $0x6;
	v13 =	vld [tilespmem:s2+$0xFFFFFFF0]  }
0xc5: {  	[tilespmem:s2+$0xFFFFFF90] =	vst v8;
	v6 =	vmul.f32 v14, v6;
	v8 =	vld [tilespmem:s2+$0x0]  }
0xc6: {  	[tilespmem:s2+$0xFFFFFFA0] =	vst v7;
	v7 =	vmul.f32 v9, v11;
	v9 =	vld [tilespmem:s2+$0x10]  }
0xc7: {  	[tilespmem:s2+$0xFFFFFFB0] =	vst v6;
	v6 =	vmul.f32 v12, v11;
	v11 =	vld [tilespmem:s2+$0x20]  }
0xc8: {  	[tilespmem:s2+$0xFFFFFFC0] =	vst v7;
	v7 =	vmul.f32 v10, v5;
	v10 =	vbroadcast v4, $0x8;
	v12 =	vld [tilespmem:s2+$0x30]  }
0xc9: {  	[tilespmem:s2+$0xFFFFFFD0] =	vst v6;
	v5 =	vmul.f32 v13, v5;
	v6 =	vld [tilespmem:s2+$0x40]  }
0xca: {  	[tilespmem:s2+$0xFFFFFFE0] =	vst v7;
	v7 =	vmul.f32 v8, v10;
	v8 =	vbroadcast v4, $0x9;
	v13 =	vld [tilespmem:s2+$0x50]  }
0xcb: {  	[tilespmem:s2+$0xFFFFFFF0] =	vst v5;
	v5 =	vmul.f32 v9, v10;
	v9 =	vld [tilespmem:s2+$0x60]  }
0xcc: {  	v10 =	vmov s16;
	[tilespmem:s2+$0x0] =	vst v7;
	v7 =	vmul.f32 v11, v8;
	v11 =	vbroadcast v4, $0xA;
	v14 =	vld [tilespmem:s2+$0x70]  }
0xcd: {  	v10 =	vshll.u32 v10, $0x4;
	[tilespmem:s2+$0x10] =	vst v5;
	v5 =	vmul.f32 v12, v8;
	v8 =	vld [tilespmem:s2+$0x80]  }
0xce: {  	v10 =	vor.u32 v2, v10;
	[tilespmem:s2+$0x20] =	vst v7;
	v6 =	vmul.f32 v6, v11;
	v7 =	vbroadcast v4, $0xB;
	v12 =	vld [tilespmem:s2+$0x90]  }
0xcf: {  	v15 =	vor.u32 v0, v10;
	v10 =	vor.u32 v3, v10;
	[tilespmem:s2+$0x30] =	vst v5;
	v5 =	vmul.f32 v13, v11;
	v11 =	vld [tilespmem:s2+$0xE0]  }
0xd0: {  	[tilespmem:s2+$0x40] =	vst v6;
	v6 =	vmul.f32 v9, v7;
	v9 =	vbroadcast v4, $0xC;
	v13 =	vld [tilespmem:s2+$0xF0]  }
0xd1: {  	[tilespmem:s2+$0x50] =	vst v5;
	v5 =	vmul.f32 v14, v7  }
0xd2: {  	v4 =	vbroadcast v4, $0xF;
	[tilespmem:s2+$0x60] =	vst v6;
	v6 =	vmul.f32 v8, v9  }
0xd3: {  	[tilespmem:s2+$0x70] =	vst v5;
	v5 =	vmul.f32 v12, v9  }
0xd4: {  	[tilespmem:s2+$0x80] =	vst v6;
	v6 =	vmul.f32 v11, v4  }
0xd5: {  	[tilespmem:s2+$0x90] =	vst v5;
	v4 =	vmul.f32 v13, v4  }
0xd6: {  	[tilespmem:s2+$0xE0] =	vst v6  }
0xd7: {  	[tilespmem:s2+$0xF0] =	vst v4;
	s2 =	smov.u32 s26  }
0xd8: {  	v4 =	vld.idx.msk [tilespmem:v15+s19+$0x0], $0xffff  }
0xd9: {  	v5 =	vld.idx.msk [tilespmem:v10+s22+$0x0], $0xffff;
	_ =	sdelay $0x5  }
0xda: {  	v4 =	vadd.f32 v5, v4;
	_ =	sdelay $0x1  }
0xdb: {  	v5 =	vmul.f32 $2.000000030e-01, v4  }
0xdc: {  	vm0 =	vgt.f32 v4, $0.0e+00  }
0xdd: {  	v4 =	vsel vm0, v4, v5  }
0xde: {  	v4 =	vmul.f32 $1.442695020e+00, v4;
	_ =	sdelay $0x1  }
0xdf: {  	(erf) = vpow2.f32 v4;
	_ =	sdelay $0x7  }
.Ltmp4:
0xe0: {  	(pc) =	sbr.rel @p1 .LBB2_7-.Ltmp4, $4  }
0xe1: {  	v4 =	vpop (erf)  }
0xe2: {  	[tilespmem:v15+s14+$0x0] =	vst.idx.msk $0xffff, v4;
	v6 =	vbroadcast v4, $0x5;
	v5 =	vbroadcast v4, $0x7  }
0xe3: {  	v8 =	vld [tilespmem:s26+$0xA0]  }
0xe4: {  	v7 =	vld [tilespmem:s26+$0xB0]  }
0xe5: {  	v9 =	vld [tilespmem:s2+$0xC0]  }
0xe6: {  	v10 =	vbroadcast v4, $0xD;
	v11 =	vld [tilespmem:s2+$0xD0]  }
0xe7: {  	v12 =	vld [tilespmem:s2+$0xFFFFFF00]  }
0xe8: {  	v13 =	vld [tilespmem:s2+$0xFFFFFF10];
	v14 =	vbroadcast v4, $0xE;
	v8 =	vmul.f32 v8, v10  }
0xe9: {  	v15 =	vld [tilespmem:s2+$0xFFFFFF20];
	v7 =	vmul.f32 v7, v10  }
0xea: {  	v16 =	vld [tilespmem:s2+$0xFFFFFF30];
	v10 =	vbroadcast v4, $0x0;
	[tilespmem:s2+$0xA0] =	vst v8;
	v8 =	vmul.f32 v9, v14  }
0xeb: {  	v9 =	vld [tilespmem:s2+$0xFFFFFF40];
	[tilespmem:s2+$0xB0] =	vst v7;
	v7 =	vmul.f32 v11, v14  }
0xec: {  	v52 =	vbroadcast v4, $0x1;
	v53 =	vld [tilespmem:s2+$0xFFFFFF50];
	v11 =	vmul.f32 v10, v12;
	[tilespmem:s2+$0xC0] =	vst v8  }
0xed: {  	v8 =	vmul.f32 v10, v13;
	v10 =	vld [tilespmem:s2+$0xFFFFFF60];
	[tilespmem:s2+$0xD0] =	vst v7  }
0xee: {  	v54 =	vld [tilespmem:s2+$0xFFFFFF70];
	[tilespmem:s2+$0xFFFFFF00] =	vst v11;
	v7 =	vmul.f32 v52, v15;
	v11 =	vbroadcast v4, $0x2  }
0xef: {  	v55 =	vld [tilespmem:s2+$0xFFFFFF80];
	[tilespmem:s2+$0xFFFFFF10] =	vst v8;
	v8 =	vmul.f32 v16, v52  }
0xf0: {  	v56 =	vld [tilespmem:s2+$0xFFFFFF90];
	[tilespmem:s2+$0xFFFFFF20] =	vst v7;
	v7 =	vmul.f32 v9, v11;
	v9 =	vbroadcast v4, $0x3  }
0xf1: {  	[tilespmem:s2+$0xFFFFFF30] =	vst v8;
	v8 =	vmul.f32 v53, v11;
	v11 =	vld [tilespmem:s2+$0xFFFFFFA0]  }
0xf2: {  	v57 =	vld [tilespmem:s2+$0xFFFFFFB0];
	[tilespmem:s2+$0xFFFFFF40] =	vst v7;
	v7 =	vmul.f32 v10, v9;
	v10 =	vbroadcast v4, $0x4  }
0xf3: {  	[tilespmem:s2+$0xFFFFFF50] =	vst v8;
	v8 =	vmul.f32 v54, v9;
	v9 =	vld [tilespmem:s2+$0xFFFFFFC0]  }
0xf4: {  	v58 =	vld [tilespmem:s2+$0xFFFFFFD0];
	[tilespmem:s2+$0xFFFFFF60] =	vst v7;
	v7 =	vmul.f32 v55, v10  }
0xf5: {  	[tilespmem:s2+$0xFFFFFF70] =	vst v8;
	v8 =	vmul.f32 v56, v10;
	v10 =	vld [tilespmem:s2+$0xFFFFFFE0]  }
0xf6: {  	v59 =	vld [tilespmem:s2+$0xFFFFFFF0];
	[tilespmem:s2+$0xFFFFFF80] =	vst v7;
	v7 =	vmul.f32 v11, v6;
	v11 =	vbroadcast v4, $0x6  }
0xf7: {  	v6 =	vmul.f32 v57, v6;
	[tilespmem:s2+$0xFFFFFF90] =	vst v8;
	v8 =	vld [tilespmem:s2+$0x0]  }
0xf8: {  	[tilespmem:s2+$0xFFFFFFA0] =	vst v7;
	v7 =	vmul.f32 v9, v11;
	v9 =	vld [tilespmem:s2+$0x10]  }
0xf9: {  	[tilespmem:s2+$0xFFFFFFB0] =	vst v6;
	v6 =	vmul.f32 v58, v11;
	v11 =	vld [tilespmem:s2+$0x20]  }
0xfa: {  	v60 =	vld [tilespmem:s2+$0x30];
	[tilespmem:s2+$0xFFFFFFC0] =	vst v7;
	v7 =	vmul.f32 v10, v5;
	v10 =	vbroadcast v4, $0x8  }
0xfb: {  	[tilespmem:s2+$0xFFFFFFD0] =	vst v6;
	v5 =	vmul.f32 v59, v5;
	v6 =	vld [tilespmem:s2+$0x40]  }
0xfc: {  	v61 =	vld [tilespmem:s2+$0x50];
	[tilespmem:s2+$0xFFFFFFE0] =	vst v7;
	v7 =	vmul.f32 v8, v10;
	v8 =	vbroadcast v4, $0x9  }
0xfd: {  	[tilespmem:s2+$0xFFFFFFF0] =	vst v5;
	v5 =	vmul.f32 v9, v10;
	v9 =	vld [tilespmem:s2+$0x60]  }
0xfe: {  	v10 =	vbroadcast v4, $0xA;
	[tilespmem:s2+$0x0] =	vst v7;
	v7 =	vmul.f32 v11, v8;
	v11 =	vld [tilespmem:s2+$0x70]  }
0xff: {  	[tilespmem:s2+$0x10] =	vst v5;
	v5 =	vmul.f32 v60, v8;
	v8 =	vld [tilespmem:s2+$0x80]  }
0x100: {  	v62 =	vld [tilespmem:s2+$0x90];
	v6 =	vmul.f32 v6, v10;
	[tilespmem:s2+$0x20] =	vst v7;
	v7 =	vbroadcast v4, $0xB  }
0x101: {  	[tilespmem:s2+$0x30] =	vst v5;
	v5 =	vmul.f32 v61, v10;
	v10 =	vld [tilespmem:s2+$0xE0]  }
0x102: {  	v63 =	vld [tilespmem:s2+$0xF0];
	[tilespmem:s2+$0x40] =	vst v6;
	v6 =	vmul.f32 v9, v7;
	v9 =	vbroadcast v4, $0xC  }
0x103: {  	[tilespmem:s2+$0x50] =	vst v5;
	v5 =	vmul.f32 v11, v7  }
0x104: {  	v4 =	vbroadcast v4, $0xF;
	[tilespmem:s2+$0x60] =	vst v6;
	v6 =	vmul.f32 v8, v9  }
0x105: {  	[tilespmem:s2+$0x70] =	vst v5;
	v5 =	vmul.f32 v62, v9  }
0x106: {  	[tilespmem:s2+$0x80] =	vst v6;
	v6 =	vmul.f32 v10, v4  }
0x107: {  	v4 =	vmul.f32 v63, v4;
	[tilespmem:s2+$0x90] =	vst v5  }
0x108: {  	[tilespmem:s2+$0xE0] =	vst v6  }
0x109: {  	s25 =	rddreg [dreg:$0x3];
	s16 =	simm.s32 $0x19FA0;
	[tilespmem:s2+$0xF0] =	vst v4  }
0x10a: {  	[spmem:s25] =	stream.indirect.scatter.add.f32 [tilespmem:s14], [sflag:$0x9], $0x10, s16, s15, $0xb8;
	[tilespmem:$0x1D7E0] =	vst v63  }
0x10b: {  	_ =	swait.ge [sflag:s13], $0x500  }
0x10c: {  	[sflag:s13] =	ssyncset.done $0x0  }
0x10d: {  	[sflag:s13] =	ssyncadd.s32 $0xFFFFFB00  }
0x10e: {  	s26 =	rddreg [dreg:$0x2]  }
0x10f: {  	[spmem:s26] =	stream.indirect.scatter.add.f32 [tilespmem:s11], [sflag:$0x4], $0x80, s16, s15, $0xb8;
	[tilespmem:$0x1D7E0] =	vst v63  }
0x110: {  	_ =	swait.ge [sflag:s0], $0x500  }
0x111: {  	[sflag:s0] =	ssyncset.done $0x0  }
0x112: {  	[sflag:s0] =	ssyncadd.s32 $0xFFFFFB00  }
0x113: {  	_ =	swait.ge [sflag:s12], $0x500  }
0x114: {  	[sflag:s12] =	ssyncset.done $0x0  }
0x115: {  	[sflag:s12] =	ssyncadd.s32 $0xFFFFFB00  }
0x116: {  	_ =	swait.ge [sflag:s21], $0x2800  }
0x117: {  	[sflag:s21] =	ssyncset.done $0x0  }
0x118: {  	[sflag:s21] =	ssyncadd.s32 $0xFFFFD800  }
0x119: {  	v4 =	vld [tilespmem:$0x1D740]  }
0x11a: {  	s31 =	simm.s32 $0x0;
	v5 =	vld [tilespmem:$0x1D750]  }
0x11b: {  	v7 =	vmov s31;
	v6 =	vld [tilespmem:$0x1D760]  }
0x11c: {  	v7 =	vshll.u32 v7, $0x4;
	v8 =	vld [tilespmem:$0x1D770]  }
0x11d: {  	v7 =	vor.u32 v2, v7;
	v9 =	vld [tilespmem:$0x1D780]  }
0x11e: {  	v10 =	vor.u32 v0, v7;
	[tilespmem:$0x1D790] =	vst v4  }
0x11f: {  	[tilespmem:$0x1D7A0] =	vst v5;
	v4 =	vor.u32 v3, v7  }
0x120: {  	[tilespmem:$0x1D7B0] =	vst v6  }
0x121: {  	[tilespmem:$0x1D7C0] =	vst v8  }
0x122: {  	[tilespmem:$0x1D7D0] =	vst v9  }
0x123: {  	v5 =	vld.idx.msk [tilespmem:v10+s24+$0x0], $0xffff  }
0x124: {  	v4 =	vld.idx.msk [tilespmem:v4+s8+$0x0], $0xffff;
	_ =	sdelay $0x4  }
0x125: {  	v4 =	vadd.f32 v4, v5;
	_ =	sdelay $0x1  }
0x126: {  	v5 =	vmul.f32 $2.000000030e-01, v4  }
0x127: {  	vm0 =	vgt.f32 v4, $0.0e+00  }
0x128: {  	v4 =	vsel vm0, v4, v5  }
0x129: {  	v4 =	vmul.f32 $1.442695020e+00, v4;
	_ =	sdelay $0x1  }
0x12a: {  	(erf) = vpow2.f32 v4;
	_ =	sdelay $0x8  }
0x12b: {  	v4 =	vpop (erf)  }
0x12c: {  	s2 =	simm.s32 $0x1A0F0;
	[tilespmem:v10+s20+$0x0] =	vst.idx.msk $0xffff, v4  }
0x12d: {  	v8 =	vld [tilespmem:s2+$0xA0]  }
0x12e: {  	s25 =	simm.s32 $0x4;
	s26 =	simm.s32 $0x1A0F0;
	v6 =	vbroadcast v4, $0x5;
	v5 =	vbroadcast v4, $0x7;
	v7 =	vld [tilespmem:s2+$0xB0]  }
.LBB2_9:
0x12f: {  	p1 =	sne.s32 s25, $0x4C  }
0x130: {  	v9 =	vld [tilespmem:s2+$0xC0];
	s26 =	sadd.s32 $0x200, s26;
	s16 =	smov.u32 s25;
	s25 =	sadd.s32 $0x4, s25  }
0x131: {  	v10 =	vbroadcast v4, $0xD;
	v11 =	vld [tilespmem:s2+$0xD0]  }
0x132: {  	v12 =	vld [tilespmem:s2+$0xFFFFFF00]  }
0x133: {  	v14 =	vbroadcast v4, $0xE;
	v13 =	vld [tilespmem:s2+$0xFFFFFF10];
	v8 =	vmul.f32 v8, v10  }
0x134: {  	v15 =	vld [tilespmem:s2+$0xFFFFFF20];
	v7 =	vmul.f32 v7, v10  }
0x135: {  	v10 =	vbroadcast v4, $0x0;
	v16 =	vld [tilespmem:s2+$0xFFFFFF30];
	[tilespmem:s2+$0xA0] =	vst v8;
	v8 =	vmul.f32 v9, v14  }
0x136: {  	v9 =	vld [tilespmem:s2+$0xFFFFFF40];
	[tilespmem:s2+$0xB0] =	vst v7;
	v7 =	vmul.f32 v11, v14  }
0x137: {  	v11 =	vmul.f32 v10, v12;
	v12 =	vbroadcast v4, $0x1;
	v14 =	vld [tilespmem:s2+$0xFFFFFF50];
	[tilespmem:s2+$0xC0] =	vst v8  }
0x138: {  	v8 =	vmul.f32 v10, v13;
	v10 =	vld [tilespmem:s2+$0xFFFFFF60];
	[tilespmem:s2+$0xD0] =	vst v7  }
0x139: {  	[tilespmem:s2+$0xFFFFFF00] =	vst v11;
	v7 =	vmul.f32 v12, v15;
	v11 =	vbroadcast v4, $0x2;
	v13 =	vld [tilespmem:s2+$0xFFFFFF70]  }
0x13a: {  	[tilespmem:s2+$0xFFFFFF10] =	vst v8;
	v8 =	vmul.f32 v16, v12;
	v12 =	vld [tilespmem:s2+$0xFFFFFF80]  }
0x13b: {  	[tilespmem:s2+$0xFFFFFF20] =	vst v7;
	v7 =	vmul.f32 v9, v11;
	v9 =	vbroadcast v4, $0x3;
	v15 =	vld [tilespmem:s2+$0xFFFFFF90]  }
0x13c: {  	[tilespmem:s2+$0xFFFFFF30] =	vst v8;
	v8 =	vmul.f32 v14, v11;
	v11 =	vld [tilespmem:s2+$0xFFFFFFA0]  }
0x13d: {  	[tilespmem:s2+$0xFFFFFF40] =	vst v7;
	v7 =	vmul.f32 v10, v9;
	v10 =	vbroadcast v4, $0x4;
	v14 =	vld [tilespmem:s2+$0xFFFFFFB0]  }
0x13e: {  	[tilespmem:s2+$0xFFFFFF50] =	vst v8;
	v8 =	vmul.f32 v13, v9;
	v9 =	vld [tilespmem:s2+$0xFFFFFFC0]  }
0x13f: {  	[tilespmem:s2+$0xFFFFFF60] =	vst v7;
	v7 =	vmul.f32 v12, v10;
	v12 =	vld [tilespmem:s2+$0xFFFFFFD0]  }
0x140: {  	[tilespmem:s2+$0xFFFFFF70] =	vst v8;
	v8 =	vmul.f32 v15, v10;
	v10 =	vld [tilespmem:s2+$0xFFFFFFE0]  }
0x141: {  	[tilespmem:s2+$0xFFFFFF80] =	vst v7;
	v7 =	vmul.f32 v11, v6;
	v11 =	vbroadcast v4, $0x6;
	v13 =	vld [tilespmem:s2+$0xFFFFFFF0]  }
0x142: {  	[tilespmem:s2+$0xFFFFFF90] =	vst v8;
	v6 =	vmul.f32 v14, v6;
	v8 =	vld [tilespmem:s2+$0x0]  }
0x143: {  	[tilespmem:s2+$0xFFFFFFA0] =	vst v7;
	v7 =	vmul.f32 v9, v11;
	v9 =	vld [tilespmem:s2+$0x10]  }
0x144: {  	[tilespmem:s2+$0xFFFFFFB0] =	vst v6;
	v6 =	vmul.f32 v12, v11;
	v11 =	vld [tilespmem:s2+$0x20]  }
0x145: {  	[tilespmem:s2+$0xFFFFFFC0] =	vst v7;
	v7 =	vmul.f32 v10, v5;
	v10 =	vbroadcast v4, $0x8;
	v12 =	vld [tilespmem:s2+$0x30]  }
0x146: {  	[tilespmem:s2+$0xFFFFFFD0] =	vst v6;
	v5 =	vmul.f32 v13, v5;
	v6 =	vld [tilespmem:s2+$0x40]  }
0x147: {  	[tilespmem:s2+$0xFFFFFFE0] =	vst v7;
	v7 =	vmul.f32 v8, v10;
	v8 =	vbroadcast v4, $0x9;
	v13 =	vld [tilespmem:s2+$0x50]  }
0x148: {  	[tilespmem:s2+$0xFFFFFFF0] =	vst v5;
	v5 =	vmul.f32 v9, v10;
	v9 =	vld [tilespmem:s2+$0x60]  }
0x149: {  	v10 =	vmov s16;
	[tilespmem:s2+$0x0] =	vst v7;
	v7 =	vmul.f32 v11, v8;
	v11 =	vbroadcast v4, $0xA;
	v14 =	vld [tilespmem:s2+$0x70]  }
0x14a: {  	v10 =	vshll.u32 v10, $0x4;
	[tilespmem:s2+$0x10] =	vst v5;
	v5 =	vmul.f32 v12, v8;
	v8 =	vld [tilespmem:s2+$0x80]  }
0x14b: {  	v10 =	vor.u32 v2, v10;
	[tilespmem:s2+$0x20] =	vst v7;
	v6 =	vmul.f32 v6, v11;
	v7 =	vbroadcast v4, $0xB;
	v12 =	vld [tilespmem:s2+$0x90]  }
0x14c: {  	v15 =	vor.u32 v0, v10;
	v10 =	vor.u32 v3, v10;
	[tilespmem:s2+$0x30] =	vst v5;
	v5 =	vmul.f32 v13, v11;
	v11 =	vld [tilespmem:s2+$0xE0]  }
0x14d: {  	[tilespmem:s2+$0x40] =	vst v6;
	v6 =	vmul.f32 v9, v7;
	v9 =	vbroadcast v4, $0xC;
	v13 =	vld [tilespmem:s2+$0xF0]  }
0x14e: {  	[tilespmem:s2+$0x50] =	vst v5;
	v5 =	vmul.f32 v14, v7  }
0x14f: {  	v4 =	vbroadcast v4, $0xF;
	[tilespmem:s2+$0x60] =	vst v6;
	v6 =	vmul.f32 v8, v9  }
0x150: {  	[tilespmem:s2+$0x70] =	vst v5;
	v5 =	vmul.f32 v12, v9  }
0x151: {  	[tilespmem:s2+$0x80] =	vst v6;
	v6 =	vmul.f32 v11, v4  }
0x152: {  	[tilespmem:s2+$0x90] =	vst v5;
	v4 =	vmul.f32 v13, v4  }
0x153: {  	[tilespmem:s2+$0xE0] =	vst v6  }
0x154: {  	[tilespmem:s2+$0xF0] =	vst v4;
	s2 =	smov.u32 s26  }
0x155: {  	v4 =	vld.idx.msk [tilespmem:v15+s24+$0x0], $0xffff  }
0x156: {  	v5 =	vld.idx.msk [tilespmem:v10+s8+$0x0], $0xffff;
	_ =	sdelay $0x5  }
0x157: {  	v4 =	vadd.f32 v5, v4;
	_ =	sdelay $0x1  }
0x158: {  	v5 =	vmul.f32 $2.000000030e-01, v4  }
0x159: {  	vm0 =	vgt.f32 v4, $0.0e+00  }
0x15a: {  	v4 =	vsel vm0, v4, v5  }
0x15b: {  	v4 =	vmul.f32 $1.442695020e+00, v4;
	_ =	sdelay $0x1  }
0x15c: {  	(erf) = vpow2.f32 v4;
	_ =	sdelay $0x7  }
.Ltmp5:
0x15d: {  	(pc) =	sbr.rel @p1 .LBB2_9-.Ltmp5, $4  }
0x15e: {  	v4 =	vpop (erf)  }
0x15f: {  	[tilespmem:v15+s20+$0x0] =	vst.idx.msk $0xffff, v4;
	v6 =	vbroadcast v4, $0x5;
	v5 =	vbroadcast v4, $0x7  }
0x160: {  	v8 =	vld [tilespmem:s26+$0xA0]  }
0x161: {  	v7 =	vld [tilespmem:s26+$0xB0]  }
0x162: {  	v9 =	vld [tilespmem:s2+$0xC0]  }
0x163: {  	v10 =	vbroadcast v4, $0xD;
	v11 =	vld [tilespmem:s2+$0xD0]  }
0x164: {  	v12 =	vld [tilespmem:s2+$0xFFFFFF00]  }
0x165: {  	v13 =	vld [tilespmem:s2+$0xFFFFFF10];
	v14 =	vbroadcast v4, $0xE;
	v8 =	vmul.f32 v8, v10  }
0x166: {  	v15 =	vld [tilespmem:s2+$0xFFFFFF20];
	v7 =	vmul.f32 v7, v10  }
0x167: {  	v53 =	vbroadcast v4, $0x0;
	v16 =	vld [tilespmem:s2+$0xFFFFFF30];
	[tilespmem:s2+$0xA0] =	vst v8;
	v54 =	vmul.f32 v9, v14  }
0x168: {  	v55 =	vld [tilespmem:s2+$0xFFFFFF40];
	v56 =	vmul.f32 v11, v14;
	[tilespmem:s2+$0xB0] =	vst v7  }
0x169: {  	v58 =	vbroadcast v4, $0x1;
	v59 =	vld [tilespmem:s2+$0xFFFFFF50];
	v57 =	vmul.f32 v53, v12;
	[tilespmem:s2+$0xC0] =	vst v54  }
0x16a: {  	v61 =	vld [tilespmem:s2+$0xFFFFFF60];
	v60 =	vmul.f32 v53, v13;
	[tilespmem:s2+$0xD0] =	vst v56  }
0x16b: {  	v63 =	vbroadcast v4, $0x2;
	v18 =	vld [tilespmem:s2+$0xFFFFFF70];
	v62 =	vmul.f32 v58, v15;
	[tilespmem:s2+$0xFFFFFF00] =	vst v57  }
0x16c: {  	v20 =	vld [tilespmem:s2+$0xFFFFFF80];
	v19 =	vmul.f32 v16, v58;
	[tilespmem:s2+$0xFFFFFF10] =	vst v60  }
0x16d: {  	v22 =	vbroadcast v4, $0x3;
	v23 =	vld [tilespmem:s2+$0xFFFFFF90];
	v21 =	vmul.f32 v55, v63;
	[tilespmem:s2+$0xFFFFFF20] =	vst v62  }
0x16e: {  	v25 =	vld [tilespmem:s2+$0xFFFFFFA0];
	v24 =	vmul.f32 v59, v63;
	[tilespmem:s2+$0xFFFFFF30] =	vst v19  }
0x16f: {  	v27 =	vbroadcast v4, $0x4;
	v28 =	vld [tilespmem:s2+$0xFFFFFFB0];
	v26 =	vmul.f32 v61, v22;
	[tilespmem:s2+$0xFFFFFF40] =	vst v21  }
0x170: {  	v30 =	vld [tilespmem:s2+$0xFFFFFFC0];
	v29 =	vmul.f32 v18, v22;
	[tilespmem:s2+$0xFFFFFF50] =	vst v24  }
0x171: {  	v32 =	vld [tilespmem:s2+$0xFFFFFFD0];
	v31 =	vmul.f32 v20, v27;
	[tilespmem:s2+$0xFFFFFF60] =	vst v26  }
0x172: {  	v34 =	vld [tilespmem:s2+$0xFFFFFFE0];
	v33 =	vmul.f32 v23, v27;
	[tilespmem:s2+$0xFFFFFF70] =	vst v29  }
0x173: {  	v36 =	vbroadcast v4, $0x6;
	v37 =	vld [tilespmem:s2+$0xFFFFFFF0];
	v35 =	vmul.f32 v25, v6;
	[tilespmem:s2+$0xFFFFFF80] =	vst v31  }
0x174: {  	v39 =	vld [tilespmem:s2+$0x0];
	v38 =	vmul.f32 v28, v6;
	[tilespmem:s2+$0xFFFFFF90] =	vst v33  }
0x175: {  	v43 =	vld [tilespmem:s2+$0x20];
	v40 =	vmul.f32 v30, v36;
	[tilespmem:s2+$0xFFFFFFA0] =	vst v35  }
0x176: {  	v41 =	vld [tilespmem:s2+$0x10];
	v42 =	vmul.f32 v32, v36;
	[tilespmem:s2+$0xFFFFFFB0] =	vst v38  }
0x177: {  	v45 =	vbroadcast v4, $0x8;
	v47 =	vld [tilespmem:s2+$0x40];
	v44 =	vmul.f32 v34, v5;
	[tilespmem:s2+$0xFFFFFFC0] =	vst v40  }
0x178: {  	v46 =	vld [tilespmem:s2+$0x30];
	v49 =	vbroadcast v4, $0x9;
	v5 =	vmul.f32 v37, v5;
	[tilespmem:s2+$0xFFFFFFD0] =	vst v42  }
0x179: {  	v51 =	vld [tilespmem:s2+$0x60];
	v48 =	vmul.f32 v39, v45;
	[tilespmem:s2+$0xFFFFFFE0] =	vst v44  }
0x17a: {  	v52 =	vmul.f32 v43, v49;
	v53 =	vbroadcast v4, $0xA;
	v55 =	vld [tilespmem:s2+$0x80];
	[tilespmem:s2+$0xFFFFFFF0] =	vst v5  }
0x17b: {  	v50 =	vld [tilespmem:s2+$0x50];
	v5 =	vmul.f32 v41, v45;
	[tilespmem:s2+$0x0] =	vst v48  }
0x17c: {  	v58 =	vld [tilespmem:s2+$0xE0];
	[tilespmem:s2+$0x20] =	vst v52;
	v6 =	vmul.f32 v47, v53;
	v56 =	vbroadcast v4, $0xB  }
0x17d: {  	v54 =	vld [tilespmem:s2+$0x70];
	v60 =	vbroadcast v4, $0xC;
	[tilespmem:s2+$0x10] =	vst v5;
	v5 =	vmul.f32 v46, v49  }
0x17e: {  	v61 =	vld [tilespmem:s2+$0xF0];
	[tilespmem:s2+$0x40] =	vst v6;
	v59 =	vmul.f32 v51, v56  }
0x17f: {  	v57 =	vld [tilespmem:s2+$0x90];
	v4 =	vbroadcast v4, $0xF;
	v62 =	vmul.f32 v55, v60;
	[tilespmem:s2+$0x30] =	vst v5  }
0x180: {  	v5 =	vmul.f32 v50, v53;
	[tilespmem:s2+$0x60] =	vst v59  }
0x181: {  	v63 =	vmul.f32 v58, v4;
	[tilespmem:s2+$0x80] =	vst v62  }
0x182: {  	[tilespmem:s2+$0x50] =	vst v5;
	v5 =	vmul.f32 v54, v56  }
0x183: {  	v4 =	vmul.f32 v61, v4;
	[tilespmem:s2+$0xE0] =	vst v63  }
0x184: {  	[tilespmem:s2+$0x70] =	vst v5;
	v5 =	vmul.f32 v57, v60  }
0x185: {  	[tilespmem:s2+$0xF0] =	vst v4  }
0x186: {  	s16 =	rddreg [dreg:$0x3];
	s25 =	simm.s32 $0x1D790;
	[tilespmem:s2+$0x90] =	vst v5  }
0x187: {  	[spmem:s16] =	stream.indirect.scatter.add.f32 [tilespmem:s20], [sflag:$0x9], $0x10, s25, s15, $0xb8;
	[tilespmem:$0x1D7E0] =	vst v63  }
0x188: {  	_ =	swait.ge [sflag:s13], $0x500  }
0x189: {  	[sflag:s13] =	ssyncset.done $0x0  }
0x18a: {  	[sflag:s13] =	ssyncadd.s32 $0xFFFFFB00  }
0x18b: {  	s26 =	simm.s32 $0x19FF0;
	s16 =	rddreg [dreg:$0x2]  }
0x18c: {  	[spmem:s16] =	stream.indirect.scatter.add.f32 [tilespmem:s26], [sflag:$0x8], $0x80, s25, s15, $0xb8;
	[tilespmem:$0x1D7E0] =	vst v63  }
0x18d: {  	s2 =	smul.u32 $0xA0, s1;
	_ =	swait.ge [sflag:s9], $0x2800  }
0x18e: {  	s25 =	rddreg [dreg:$0x6]  }
0x18f: {  	s2 =	sadd.s32 s2, s25  }
0x190: {  	[sflag:s9] =	ssyncset.done $0x0;
	s2 =	sshrl.u32 s2, $0x3  }
0x191: {  	[sflag:s9] =	ssyncadd.s32 $0xFFFFD800;
	s25 =	simm.s32 $0x4E200;
	s2 =	sadd.s32 s7, s2  }
0x192: {  	[tilespmem:s18], [sflag:$0x9] =	stream.strided.gather [hbm4b:s2+s15], $0xA0, s25, s15, $0x38;
	[tilespmem:$0x1D7E0] =	vst v63  }
0x193: {  	_ =	swait.ge [sflag:s13], $0xA0  }
0x194: {  	[sflag:s13] =	ssyncset.done $0x0  }
0x195: {  	[sflag:s13] =	ssyncadd.s32 $0xFFFFFF60  }
0x196: {  	[tilespmem:s19], [sflag:$0x1] =	stream.indirect.gather [hbm4b:s6+s15], $0x10, s18, s15, $0xb8;
	[tilespmem:$0x1D7E0] =	vst v63  }
0x197: {  	s16 =	simm.s32 $0x19F50;
	s2 =	sshll.u32 s1, $0x1  }
0x198: {  	[tilespmem:s22], [sflag:$0x2] =	stream.indirect.gather [hbm4b:s6+s15], $0x10, s16, s15, $0xb8;
	[tilespmem:$0x1D7E0] =	vst v63  }
0x199: {  	s2 =	smin.u32 s2, $0x79  }
0x19a: {  	[tilespmem:s11], [sflag:$0x3] =	stream.indirect.gather [hbm4b:s5+s15], $0x80, s18, s15, $0xb8;
	[tilespmem:$0x1D7E0] =	vst v63  }
0x19b: {  	s2 =	smul.u32 $0x50, s2;
	_ =	swait.ge [sflag:s10], $0x2800  }
0x19c: {  	s16 =	rddreg [dreg:$0x7]  }
0x19d: {  	s2 =	sadd.s32 s2, s16  }
0x19e: {  	[sflag:s10] =	ssyncset.done $0x0;
	s2 =	sshrl.u32 s2, $0x3  }
0x19f: {  	[sflag:s10] =	ssyncadd.s32 $0xFFFFD800;
	s2 =	sadd.s32 s7, s2  }
0x1a0: {  	[tilespmem:s23], [sflag:$0x9] =	stream.strided.gather [hbm4b:s2+s15], $0xA0, s25, s15, $0x38;
	[tilespmem:$0x1D7E0] =	vst v63  }
0x1a1: {  	_ =	swait.ge [sflag:s13], $0xA0  }
0x1a2: {  	s1 =	sadd.s32 $0x1, s1;
	[sflag:s13] =	ssyncset.done $0x0  }
0x1a3: {  	p1 =	sne.s32 s1, $0x3E;
	[sflag:s13] =	ssyncadd.s32 $0xFFFFFF60  }
0x1a4: {  	[tilespmem:s24], [sflag:$0x5] =	stream.indirect.gather [hbm4b:s6+s15], $0x10, s23, s15, $0xb8;
	[tilespmem:$0x1D7E0] =	vst v63  }
.Ltmp6:
0x1a5: {  	_ = 	snop;
	(pc) =	sbr.rel @p1 .LBB2_6-.Ltmp6, $4  }
0x1a6: {  	s25 =	simm.s32 $0x1D740  }
0x1a7: {  	[tilespmem:s8], [sflag:$0x6] =	stream.indirect.gather [hbm4b:s6+s15], $0x10, s25, s15, $0xb8;
	[tilespmem:$0x1D7E0] =	vst v63  }
0x1a8: {  	s31 =	simm.s32 $0x19FF0  }
0x1a9: {  	[tilespmem:s26], [sflag:$0x7] =	stream.indirect.gather [hbm4b:s5+s15], $0x80, s23, s15, $0xb8;
	[tilespmem:$0x1D7E0] =	vst v63  }
0x1aa: {  	_ =	swait.ge [sflag:s28], $0x500  }
0x1ab: {  	[sflag:s28] =	ssyncset.done $0x0  }
0x1ac: {  	[sflag:s28] =	ssyncadd.s32 $0xFFFFFB00  }
0x1ad: {  	_ =	swait.ge [sflag:s29], $0x500  }
0x1ae: {  	[sflag:s29] =	ssyncset.done $0x0  }
0x1af: {  	[sflag:s29] =	ssyncadd.s32 $0xFFFFFB00  }
0x1b0: {  	_ =	swait.ge [sflag:s3], $0x2800  }
0x1b1: {  	[sflag:s3] =	ssyncset.done $0x0  }
0x1b2: {  	[sflag:s3] =	ssyncadd.s32 $0xFFFFD800  }
0x1b3: {  	v4 =	vld [tilespmem:$0x19F50]  }
0x1b4: {  	s1 =	simm.s32 $0x0;
	v5 =	vld [tilespmem:$0x19F60]  }
0x1b5: {  	v7 =	vmov s1;
	v6 =	vld [tilespmem:$0x19F70]  }
0x1b6: {  	v7 =	vshll.u32 v7, $0x4;
	v8 =	vld [tilespmem:$0x19F80]  }
0x1b7: {  	v7 =	vor.u32 v2, v7;
	v9 =	vld [tilespmem:$0x19F90]  }
0x1b8: {  	v10 =	vor.u32 v0, v7;
	[tilespmem:$0x19FA0] =	vst v4  }
0x1b9: {  	[tilespmem:$0x19FB0] =	vst v5;
	v4 =	vor.u32 v3, v7  }
0x1ba: {  	[tilespmem:$0x19FC0] =	vst v6  }
0x1bb: {  	[tilespmem:$0x19FD0] =	vst v8  }
0x1bc: {  	[tilespmem:$0x19FE0] =	vst v9  }
0x1bd: {  	v5 =	vld.idx.msk [tilespmem:v10+s19+$0x0], $0xffff  }
0x1be: {  	v4 =	vld.idx.msk [tilespmem:v4+s22+$0x0], $0xffff;
	_ =	sdelay $0x4  }
0x1bf: {  	v4 =	vadd.f32 v4, v5;
	_ =	sdelay $0x1  }
0x1c0: {  	v5 =	vmul.f32 $2.000000030e-01, v4  }
0x1c1: {  	vm0 =	vgt.f32 v4, $0.0e+00  }
0x1c2: {  	v4 =	vsel vm0, v4, v5  }
0x1c3: {  	v4 =	vmul.f32 $1.442695020e+00, v4;
	_ =	sdelay $0x1  }
0x1c4: {  	(erf) = vpow2.f32 v4;
	_ =	sdelay $0x8  }
0x1c5: {  	v4 =	vpop (erf)  }
0x1c6: {  	s1 =	simm.s32 $0x16900;
	[tilespmem:v10+s14+$0x0] =	vst.idx.msk $0xffff, v4  }
0x1c7: {  	v8 =	vld [tilespmem:s1+$0xA0]  }
0x1c8: {  	s2 =	simm.s32 $0x4;
	s25 =	simm.s32 $0x16900;
	v6 =	vbroadcast v4, $0x5;
	v5 =	vbroadcast v4, $0x7;
	v7 =	vld [tilespmem:s1+$0xB0]  }
.LBB2_12:
0x1c9: {  	p1 =	sne.s32 s2, $0x4C  }
0x1ca: {  	v9 =	vld [tilespmem:s1+$0xC0];
	s25 =	sadd.s32 $0x200, s25;
	s16 =	smov.u32 s2;
	s2 =	sadd.s32 $0x4, s2  }
0x1cb: {  	v10 =	vbroadcast v4, $0xD;
	v11 =	vld [tilespmem:s1+$0xD0]  }
0x1cc: {  	v12 =	vld [tilespmem:s1+$0xFFFFFF00]  }
0x1cd: {  	v14 =	vbroadcast v4, $0xE;
	v13 =	vld [tilespmem:s1+$0xFFFFFF10];
	v8 =	vmul.f32 v8, v10  }
0x1ce: {  	v15 =	vld [tilespmem:s1+$0xFFFFFF20];
	v7 =	vmul.f32 v7, v10  }
0x1cf: {  	v10 =	vbroadcast v4, $0x0;
	v16 =	vld [tilespmem:s1+$0xFFFFFF30];
	[tilespmem:s1+$0xA0] =	vst v8;
	v8 =	vmul.f32 v9, v14  }
0x1d0: {  	v9 =	vld [tilespmem:s1+$0xFFFFFF40];
	[tilespmem:s1+$0xB0] =	vst v7;
	v7 =	vmul.f32 v11, v14  }
0x1d1: {  	v11 =	vmul.f32 v10, v12;
	v12 =	vbroadcast v4, $0x1;
	v14 =	vld [tilespmem:s1+$0xFFFFFF50];
	[tilespmem:s1+$0xC0] =	vst v8  }
0x1d2: {  	v8 =	vmul.f32 v10, v13;
	v10 =	vld [tilespmem:s1+$0xFFFFFF60];
	[tilespmem:s1+$0xD0] =	vst v7  }
0x1d3: {  	[tilespmem:s1+$0xFFFFFF00] =	vst v11;
	v7 =	vmul.f32 v12, v15;
	v11 =	vbroadcast v4, $0x2;
	v13 =	vld [tilespmem:s1+$0xFFFFFF70]  }
0x1d4: {  	[tilespmem:s1+$0xFFFFFF10] =	vst v8;
	v8 =	vmul.f32 v16, v12;
	v12 =	vld [tilespmem:s1+$0xFFFFFF80]  }
0x1d5: {  	[tilespmem:s1+$0xFFFFFF20] =	vst v7;
	v7 =	vmul.f32 v9, v11;
	v9 =	vbroadcast v4, $0x3;
	v15 =	vld [tilespmem:s1+$0xFFFFFF90]  }
0x1d6: {  	[tilespmem:s1+$0xFFFFFF30] =	vst v8;
	v8 =	vmul.f32 v14, v11;
	v11 =	vld [tilespmem:s1+$0xFFFFFFA0]  }
0x1d7: {  	[tilespmem:s1+$0xFFFFFF40] =	vst v7;
	v7 =	vmul.f32 v10, v9;
	v10 =	vbroadcast v4, $0x4;
	v14 =	vld [tilespmem:s1+$0xFFFFFFB0]  }
0x1d8: {  	[tilespmem:s1+$0xFFFFFF50] =	vst v8;
	v8 =	vmul.f32 v13, v9;
	v9 =	vld [tilespmem:s1+$0xFFFFFFC0]  }
0x1d9: {  	[tilespmem:s1+$0xFFFFFF60] =	vst v7;
	v7 =	vmul.f32 v12, v10;
	v12 =	vld [tilespmem:s1+$0xFFFFFFD0]  }
0x1da: {  	[tilespmem:s1+$0xFFFFFF70] =	vst v8;
	v8 =	vmul.f32 v15, v10;
	v10 =	vld [tilespmem:s1+$0xFFFFFFE0]  }
0x1db: {  	[tilespmem:s1+$0xFFFFFF80] =	vst v7;
	v7 =	vmul.f32 v11, v6;
	v11 =	vbroadcast v4, $0x6;
	v13 =	vld [tilespmem:s1+$0xFFFFFFF0]  }
0x1dc: {  	[tilespmem:s1+$0xFFFFFF90] =	vst v8;
	v6 =	vmul.f32 v14, v6;
	v8 =	vld [tilespmem:s1+$0x0]  }
0x1dd: {  	[tilespmem:s1+$0xFFFFFFA0] =	vst v7;
	v7 =	vmul.f32 v9, v11;
	v9 =	vld [tilespmem:s1+$0x10]  }
0x1de: {  	[tilespmem:s1+$0xFFFFFFB0] =	vst v6;
	v6 =	vmul.f32 v12, v11;
	v11 =	vld [tilespmem:s1+$0x20]  }
0x1df: {  	[tilespmem:s1+$0xFFFFFFC0] =	vst v7;
	v7 =	vmul.f32 v10, v5;
	v10 =	vbroadcast v4, $0x8;
	v12 =	vld [tilespmem:s1+$0x30]  }
0x1e0: {  	[tilespmem:s1+$0xFFFFFFD0] =	vst v6;
	v5 =	vmul.f32 v13, v5;
	v6 =	vld [tilespmem:s1+$0x40]  }
0x1e1: {  	[tilespmem:s1+$0xFFFFFFE0] =	vst v7;
	v7 =	vmul.f32 v8, v10;
	v8 =	vbroadcast v4, $0x9;
	v13 =	vld [tilespmem:s1+$0x50]  }
0x1e2: {  	[tilespmem:s1+$0xFFFFFFF0] =	vst v5;
	v5 =	vmul.f32 v9, v10;
	v9 =	vld [tilespmem:s1+$0x60]  }
0x1e3: {  	v10 =	vmov s16;
	[tilespmem:s1+$0x0] =	vst v7;
	v7 =	vmul.f32 v11, v8;
	v11 =	vbroadcast v4, $0xA;
	v14 =	vld [tilespmem:s1+$0x70]  }
0x1e4: {  	v10 =	vshll.u32 v10, $0x4;
	[tilespmem:s1+$0x10] =	vst v5;
	v5 =	vmul.f32 v12, v8;
	v8 =	vld [tilespmem:s1+$0x80]  }
0x1e5: {  	v10 =	vor.u32 v2, v10;
	[tilespmem:s1+$0x20] =	vst v7;
	v6 =	vmul.f32 v6, v11;
	v7 =	vbroadcast v4, $0xB;
	v12 =	vld [tilespmem:s1+$0x90]  }
0x1e6: {  	v15 =	vor.u32 v0, v10;
	v10 =	vor.u32 v3, v10;
	[tilespmem:s1+$0x30] =	vst v5;
	v5 =	vmul.f32 v13, v11;
	v11 =	vld [tilespmem:s1+$0xE0]  }
0x1e7: {  	[tilespmem:s1+$0x40] =	vst v6;
	v6 =	vmul.f32 v9, v7;
	v9 =	vbroadcast v4, $0xC;
	v13 =	vld [tilespmem:s1+$0xF0]  }
0x1e8: {  	[tilespmem:s1+$0x50] =	vst v5;
	v5 =	vmul.f32 v14, v7  }
0x1e9: {  	v4 =	vbroadcast v4, $0xF;
	[tilespmem:s1+$0x60] =	vst v6;
	v6 =	vmul.f32 v8, v9  }
0x1ea: {  	[tilespmem:s1+$0x70] =	vst v5;
	v5 =	vmul.f32 v12, v9  }
0x1eb: {  	[tilespmem:s1+$0x80] =	vst v6;
	v6 =	vmul.f32 v11, v4  }
0x1ec: {  	[tilespmem:s1+$0x90] =	vst v5;
	v4 =	vmul.f32 v13, v4  }
0x1ed: {  	[tilespmem:s1+$0xE0] =	vst v6  }
0x1ee: {  	[tilespmem:s1+$0xF0] =	vst v4;
	s1 =	smov.u32 s25  }
0x1ef: {  	v4 =	vld.idx.msk [tilespmem:v15+s19+$0x0], $0xffff  }
0x1f0: {  	v5 =	vld.idx.msk [tilespmem:v10+s22+$0x0], $0xffff;
	_ =	sdelay $0x5  }
0x1f1: {  	v4 =	vadd.f32 v5, v4;
	_ =	sdelay $0x1  }
0x1f2: {  	v5 =	vmul.f32 $2.000000030e-01, v4  }
0x1f3: {  	vm0 =	vgt.f32 v4, $0.0e+00  }
0x1f4: {  	v4 =	vsel vm0, v4, v5  }
0x1f5: {  	v4 =	vmul.f32 $1.442695020e+00, v4;
	_ =	sdelay $0x1  }
0x1f6: {  	(erf) = vpow2.f32 v4;
	_ =	sdelay $0x7  }
.Ltmp7:
0x1f7: {  	(pc) =	sbr.rel @p1 .LBB2_12-.Ltmp7, $4  }
0x1f8: {  	v4 =	vpop (erf)  }
0x1f9: {  	[tilespmem:v15+s14+$0x0] =	vst.idx.msk $0xffff, v4;
	v6 =	vbroadcast v4, $0x5;
	v5 =	vbroadcast v4, $0x7  }
0x1fa: {  	v8 =	vld [tilespmem:s25+$0xA0]  }
0x1fb: {  	v7 =	vld [tilespmem:s25+$0xB0]  }
0x1fc: {  	v9 =	vld [tilespmem:s1+$0xC0]  }
0x1fd: {  	v10 =	vbroadcast v4, $0xD;
	v11 =	vld [tilespmem:s1+$0xD0]  }
0x1fe: {  	v12 =	vld [tilespmem:s1+$0xFFFFFF00]  }
0x1ff: {  	v13 =	vld [tilespmem:s1+$0xFFFFFF10];
	v14 =	vbroadcast v4, $0xE;
	v8 =	vmul.f32 v8, v10  }
0x200: {  	v15 =	vld [tilespmem:s1+$0xFFFFFF20];
	v7 =	vmul.f32 v7, v10  }
0x201: {  	v53 =	vbroadcast v4, $0x0;
	v16 =	vld [tilespmem:s1+$0xFFFFFF30];
	[tilespmem:s1+$0xA0] =	vst v8;
	v54 =	vmul.f32 v9, v14  }
0x202: {  	v55 =	vld [tilespmem:s1+$0xFFFFFF40];
	v56 =	vmul.f32 v11, v14;
	[tilespmem:s1+$0xB0] =	vst v7  }
0x203: {  	v58 =	vbroadcast v4, $0x1;
	v59 =	vld [tilespmem:s1+$0xFFFFFF50];
	v57 =	vmul.f32 v53, v12;
	[tilespmem:s1+$0xC0] =	vst v54  }
0x204: {  	v61 =	vld [tilespmem:s1+$0xFFFFFF60];
	v60 =	vmul.f32 v53, v13;
	[tilespmem:s1+$0xD0] =	vst v56  }
0x205: {  	v63 =	vbroadcast v4, $0x2;
	v18 =	vld [tilespmem:s1+$0xFFFFFF70];
	v62 =	vmul.f32 v58, v15;
	[tilespmem:s1+$0xFFFFFF00] =	vst v57  }
0x206: {  	v20 =	vld [tilespmem:s1+$0xFFFFFF80];
	v19 =	vmul.f32 v16, v58;
	[tilespmem:s1+$0xFFFFFF10] =	vst v60  }
0x207: {  	v22 =	vbroadcast v4, $0x3;
	v23 =	vld [tilespmem:s1+$0xFFFFFF90];
	v21 =	vmul.f32 v55, v63;
	[tilespmem:s1+$0xFFFFFF20] =	vst v62  }
0x208: {  	v25 =	vld [tilespmem:s1+$0xFFFFFFA0];
	v24 =	vmul.f32 v59, v63;
	[tilespmem:s1+$0xFFFFFF30] =	vst v19  }
0x209: {  	v27 =	vbroadcast v4, $0x4;
	v28 =	vld [tilespmem:s1+$0xFFFFFFB0];
	v26 =	vmul.f32 v61, v22;
	[tilespmem:s1+$0xFFFFFF40] =	vst v21  }
0x20a: {  	v30 =	vld [tilespmem:s1+$0xFFFFFFC0];
	v29 =	vmul.f32 v18, v22;
	[tilespmem:s1+$0xFFFFFF50] =	vst v24  }
0x20b: {  	v32 =	vld [tilespmem:s1+$0xFFFFFFD0];
	v31 =	vmul.f32 v20, v27;
	[tilespmem:s1+$0xFFFFFF60] =	vst v26  }
0x20c: {  	v34 =	vld [tilespmem:s1+$0xFFFFFFE0];
	v33 =	vmul.f32 v23, v27;
	[tilespmem:s1+$0xFFFFFF70] =	vst v29  }
0x20d: {  	v36 =	vbroadcast v4, $0x6;
	v37 =	vld [tilespmem:s1+$0xFFFFFFF0];
	v35 =	vmul.f32 v25, v6;
	[tilespmem:s1+$0xFFFFFF80] =	vst v31  }
0x20e: {  	v39 =	vld [tilespmem:s1+$0x0];
	v38 =	vmul.f32 v28, v6;
	[tilespmem:s1+$0xFFFFFF90] =	vst v33  }
0x20f: {  	v43 =	vld [tilespmem:s1+$0x20];
	v40 =	vmul.f32 v30, v36;
	[tilespmem:s1+$0xFFFFFFA0] =	vst v35  }
0x210: {  	v41 =	vld [tilespmem:s1+$0x10];
	v42 =	vmul.f32 v32, v36;
	[tilespmem:s1+$0xFFFFFFB0] =	vst v38  }
0x211: {  	v45 =	vbroadcast v4, $0x8;
	v47 =	vld [tilespmem:s1+$0x40];
	v44 =	vmul.f32 v34, v5;
	[tilespmem:s1+$0xFFFFFFC0] =	vst v40  }
0x212: {  	v46 =	vld [tilespmem:s1+$0x30];
	v49 =	vbroadcast v4, $0x9;
	v5 =	vmul.f32 v37, v5;
	[tilespmem:s1+$0xFFFFFFD0] =	vst v42  }
0x213: {  	v51 =	vld [tilespmem:s1+$0x60];
	v48 =	vmul.f32 v39, v45;
	[tilespmem:s1+$0xFFFFFFE0] =	vst v44  }
0x214: {  	v52 =	vmul.f32 v43, v49;
	v53 =	vbroadcast v4, $0xA;
	v55 =	vld [tilespmem:s1+$0x80];
	[tilespmem:s1+$0xFFFFFFF0] =	vst v5  }
0x215: {  	v50 =	vld [tilespmem:s1+$0x50];
	v5 =	vmul.f32 v41, v45;
	[tilespmem:s1+$0x0] =	vst v48  }
0x216: {  	v58 =	vld [tilespmem:s1+$0xE0];
	[tilespmem:s1+$0x20] =	vst v52;
	v6 =	vmul.f32 v47, v53;
	v56 =	vbroadcast v4, $0xB  }
0x217: {  	v54 =	vld [tilespmem:s1+$0x70];
	v60 =	vbroadcast v4, $0xC;
	[tilespmem:s1+$0x10] =	vst v5;
	v5 =	vmul.f32 v46, v49  }
0x218: {  	v61 =	vld [tilespmem:s1+$0xF0];
	[tilespmem:s1+$0x40] =	vst v6;
	v59 =	vmul.f32 v51, v56  }
0x219: {  	v57 =	vld [tilespmem:s1+$0x90];
	v4 =	vbroadcast v4, $0xF;
	v62 =	vmul.f32 v55, v60;
	[tilespmem:s1+$0x30] =	vst v5  }
0x21a: {  	v5 =	vmul.f32 v50, v53;
	[tilespmem:s1+$0x60] =	vst v59  }
0x21b: {  	v63 =	vmul.f32 v58, v4;
	[tilespmem:s1+$0x80] =	vst v62  }
0x21c: {  	[tilespmem:s1+$0x50] =	vst v5;
	v5 =	vmul.f32 v54, v56  }
0x21d: {  	v4 =	vmul.f32 v61, v4;
	[tilespmem:s1+$0xE0] =	vst v63  }
0x21e: {  	[tilespmem:s1+$0x70] =	vst v5;
	v5 =	vmul.f32 v57, v60  }
0x21f: {  	[tilespmem:s1+$0xF0] =	vst v4  }
0x220: {  	s25 =	rddreg [dreg:$0x3];
	s2 =	simm.s32 $0x19FA0;
	[tilespmem:s1+$0x90] =	vst v5  }
0x221: {  	[spmem:s25] =	stream.indirect.scatter.add.f32 [tilespmem:s14], [sflag:$0x9], $0x10, s2, s15, $0xb8;
	[tilespmem:$0x1D7E0] =	vst v63  }
0x222: {  	_ =	swait.ge [sflag:s13], $0x500  }
0x223: {  	[sflag:s13] =	ssyncset.done $0x0  }
0x224: {  	[sflag:s13] =	ssyncadd.s32 $0xFFFFFB00  }
0x225: {  	s26 =	rddreg [dreg:$0x2]  }
0x226: {  	[spmem:s26] =	stream.indirect.scatter.add.f32 [tilespmem:s11], [sflag:$0x4], $0x80, s2, s15, $0xb8;
	[tilespmem:$0x1D7E0] =	vst v63  }
0x227: {  	_ =	swait.ge [sflag:s9], $0x2800  }
0x228: {  	[sflag:s9] =	ssyncset.done $0x0  }
0x229: {  	[sflag:s9] =	ssyncadd.s32 $0xFFFFD800  }
0x22a: {  	_ =	swait.ge [sflag:s0], $0x500  }
0x22b: {  	[sflag:s0] =	ssyncset.done $0x0  }
0x22c: {  	[sflag:s0] =	ssyncadd.s32 $0xFFFFFB00  }
0x22d: {  	_ =	swait.ge [sflag:s12], $0x500  }
0x22e: {  	[sflag:s12] =	ssyncset.done $0x0  }
0x22f: {  	[sflag:s12] =	ssyncadd.s32 $0xFFFFFB00  }
.Ltmp8:
0x230: {  	_ =	swait.ge [sflag:s21], $0x2800;
	(pc) =	sbr.rel @!p0 .LBB2_14-.Ltmp8, $3  }
0x231: {  	[sflag:s21] =	ssyncset.done $0x0  }
0x232: {  	[sflag:s21] =	ssyncadd.s32 $0xFFFFD800  }
0x233: {  	[bflag:$0x0] =	sbarrier.arrive $0xFFFF;
	_ =	sdelay $0x1  }
0x234: {  	s2 =	rddreg [dreg:$0x9]  }
0x235: {  	[tilespmem:s11], [sflag:$0x9] =	stream.linear.gather [spmem:s2], $0x2800, $0x38;
	[tilespmem:$0x1D7E0] =	vst v63  }
0x236: {  	_ =	swait.ge [sflag:s13], $0x2800  }
0x237: {  	[sflag:s13] =	ssyncset.done $0x0  }
0x238: {  	s16 =	rddreg [dreg:$0x1a];
	[sflag:s13] =	ssyncadd.s32 $0xFFFFD800  }
0x239: {  	[hbm4b:s16+s4] =	stream.linear.scatter [tilespmem:s11], [sflag:$0x9], $0x2800, $0x38;
	[tilespmem:$0x1D7E0] =	vst v63  }
0x23a: {  	_ =	swait.ge [sflag:s13], $0x2800  }
0x23b: {  	[sflag:s13] =	ssyncset.done $0x0  }
0x23c: {  	s25 =	rddreg [dreg:$0x11];
	[sflag:s13] =	ssyncadd.s32 $0xFFFFD800  }
0x23d: {  	[tilespmem:s14], [sflag:$0x9] =	stream.linear.gather [spmem:s25], $0x500, $0x38;
	[tilespmem:$0x1D7E0] =	vst v63  }
0x23e: {  	_ =	swait.ge [sflag:s13], $0x500  }
0x23f: {  	[sflag:s13] =	ssyncset.done $0x0  }
0x240: {  	s1 =	sadd.s32 $0x0, s30;
	[sflag:s13] =	ssyncadd.s32 $0xFFFFFB00  }
0x241: {  	[hbm4b:s1+s4] =	stream.linear.scatter [tilespmem:s14], [sflag:$0x9], $0x500, $0x38;
	[tilespmem:$0x1D7E0] =	vst v63  }
0x242: {  	_ =	swait.ge [sflag:s13], $0x500  }
0x243: {  	s2 =	sadd.s32 $0x2800, s2;
	s1 =	simm.s32 $0xA0;
	[sflag:s13] =	ssyncset.done $0x0  }
.LBB2_18:
0x244: {  	[sflag:s13] =	ssyncadd.s32 $0xFFFFFB00  }
0x245: {  	s16 =	sadd.s32 $0x500, s16;
	s25 =	sadd.s32 $0x500, s25;
	s26 =	smov.u32 s1  }
0x246: {  	[tilespmem:s11], [sflag:$0x9] =	stream.linear.gather [spmem:s2], $0x2800, $0x38;
	[tilespmem:$0x1D7E0] =	vst v63  }
0x247: {  	p1 =	sne.s32 s1, $0x460;
	s1 =	sadd.s32 $0xA0, s1;
	_ =	swait.ge [sflag:s13], $0x2800  }
0x248: {  	[sflag:s13] =	ssyncset.done $0x0  }
0x249: {  	[sflag:s13] =	ssyncadd.s32 $0xFFFFD800  }
0x24a: {  	[hbm4b:s16+s4] =	stream.linear.scatter [tilespmem:s11], [sflag:$0x9], $0x2800, $0x38;
	[tilespmem:$0x1D7E0] =	vst v63  }
0x24b: {  	_ =	swait.ge [sflag:s13], $0x2800  }
0x24c: {  	[sflag:s13] =	ssyncset.done $0x0  }
0x24d: {  	[sflag:s13] =	ssyncadd.s32 $0xFFFFD800  }
0x24e: {  	[tilespmem:s14], [sflag:$0x9] =	stream.linear.gather [spmem:s25], $0x500, $0x38;
	[tilespmem:$0x1D7E0] =	vst v63  }
0x24f: {  	_ =	swait.ge [sflag:s13], $0x500  }
.Ltmp9:
0x250: {  	[sflag:s13] =	ssyncset.done $0x0;
	(pc) =	sbr.rel @p1 .LBB2_18-.Ltmp9, $4  }
0x251: {  	s26 =	sadd.s32 s26, s30;
	[sflag:s13] =	ssyncadd.s32 $0xFFFFFB00  }
0x252: {  	[hbm4b:s26+s4] =	stream.linear.scatter [tilespmem:s14], [sflag:$0x9], $0x500, $0x38;
	[tilespmem:$0x1D7E0] =	vst v63  }
0x253: {  	_ =	swait.ge [sflag:s13], $0x500  }
0x254: {  	s2 =	sadd.s32 $0x2800, s2;
	[sflag:s13] =	ssyncset.done $0x0  }
.Ltmp10:
0x255: {  	(pc) =	sbr.rel .LBB2_20-.Ltmp10, $2  }
0x256: {  	_ =	sdelay $0x2  }
0x257: {  	[sflag:s13] =	ssyncadd.s32 $0xFFFFFB00;
	s2 =	rddreg [dreg:$0x1c]  }
.LBB2_14:
0x258: {  	s2 =	rddreg [dreg:$0x9]  }
0x259: {  	[tilespmem:s11], [sflag:$0x9] =	stream.linear.gather [spmem:s2], $0x2800, $0x38;
	[tilespmem:$0x1D7E0] =	vst v63  }
0x25a: {  	_ =	swait.ge [sflag:s13], $0x2800  }
0x25b: {  	[sflag:s13] =	ssyncset.done $0x0  }
0x25c: {  	s16 =	rddreg [dreg:$0x19];
	[sflag:s13] =	ssyncadd.s32 $0xFFFFD800  }
0x25d: {  	[hbm4b:s16+s4] =	stream.linear.scatter [tilespmem:s11], [sflag:$0x9], $0x2800, $0x38;
	[tilespmem:$0x1D7E0] =	vst v63  }
0x25e: {  	_ =	swait.ge [sflag:s13], $0x2800  }
0x25f: {  	[sflag:s13] =	ssyncset.done $0x0  }
0x260: {  	s25 =	rddreg [dreg:$0x11];
	[sflag:s13] =	ssyncadd.s32 $0xFFFFD800  }
0x261: {  	[tilespmem:s14], [sflag:$0x9] =	stream.linear.gather [spmem:s25], $0x500, $0x38;
	[tilespmem:$0x1D7E0] =	vst v63  }
0x262: {  	_ =	swait.ge [sflag:s13], $0x500  }
0x263: {  	[sflag:s13] =	ssyncset.done $0x0  }
0x264: {  	s1 =	sadd.s32 $0x0, s17;
	[sflag:s13] =	ssyncadd.s32 $0xFFFFFB00  }
0x265: {  	[hbm4b:s1+s4] =	stream.linear.scatter [tilespmem:s14], [sflag:$0x9], $0x500, $0x38;
	[tilespmem:$0x1D7E0] =	vst v63  }
0x266: {  	_ =	swait.ge [sflag:s13], $0x500  }
0x267: {  	s2 =	sadd.s32 $0x2800, s2;
	s1 =	simm.s32 $0xA0;
	[sflag:s13] =	ssyncset.done $0x0  }
.LBB2_15:
0x268: {  	[sflag:s13] =	ssyncadd.s32 $0xFFFFFB00  }
0x269: {  	s16 =	sadd.s32 $0x500, s16;
	s25 =	sadd.s32 $0x500, s25;
	s26 =	smov.u32 s1  }
0x26a: {  	[tilespmem:s11], [sflag:$0x9] =	stream.linear.gather [spmem:s2], $0x2800, $0x38;
	[tilespmem:$0x1D7E0] =	vst v63  }
0x26b: {  	p1 =	seq.s32 s1, $0x460;
	s1 =	sadd.s32 $0xA0, s1;
	_ =	swait.ge [sflag:s13], $0x2800  }
0x26c: {  	[sflag:s13] =	ssyncset.done $0x0  }
0x26d: {  	[sflag:s13] =	ssyncadd.s32 $0xFFFFD800  }
0x26e: {  	[hbm4b:s16+s4] =	stream.linear.scatter [tilespmem:s11], [sflag:$0x9], $0x2800, $0x38;
	[tilespmem:$0x1D7E0] =	vst v63  }
0x26f: {  	_ =	swait.ge [sflag:s13], $0x2800  }
0x270: {  	[sflag:s13] =	ssyncset.done $0x0  }
0x271: {  	[sflag:s13] =	ssyncadd.s32 $0xFFFFD800  }
0x272: {  	[tilespmem:s14], [sflag:$0x9] =	stream.linear.gather [spmem:s25], $0x500, $0x38;
	[tilespmem:$0x1D7E0] =	vst v63  }
0x273: {  	_ =	swait.ge [sflag:s13], $0x500  }
.Ltmp11:
0x274: {  	[sflag:s13] =	ssyncset.done $0x0;
	(pc) =	sbr.rel @!p1 .LBB2_15-.Ltmp11, $4  }
0x275: {  	s26 =	sadd.s32 s26, s17;
	[sflag:s13] =	ssyncadd.s32 $0xFFFFFB00  }
0x276: {  	[hbm4b:s26+s4] =	stream.linear.scatter [tilespmem:s14], [sflag:$0x9], $0x500, $0x38;
	[tilespmem:$0x1D7E0] =	vst v63  }
0x277: {  	_ =	swait.ge [sflag:s13], $0x500  }
0x278: {  	s2 =	sadd.s32 $0x2800, s2;
	[sflag:s13] =	ssyncset.done $0x0  }
.Ltmp12:
0x279: {  	(pc) =	sbr.rel .LBB2_20-.Ltmp12, $2  }
0x27a: {  	_ =	sdelay $0x2  }
0x27b: {  	[sflag:s13] =	ssyncadd.s32 $0xFFFFFB00;
	s2 =	rddreg [dreg:$0x1c]  }
.LBB2_21:
0x27c: {  	_ =	sfence.sel $0x180000  }
0x27d: {  	[bflag:$0x0] =	sbarrier.arrive $0xFFFF  }
0x27e: {  	_ =	strace $0x9000004A  }
0x27f: {  	s0 =	stileid.u32;
	[bflag:$0x2] =	sbarrier.arrive $0xFFFF  }
0x280: {  	p0 =	sne.s32 s0, $0x0;
	s0 =	rddreg [dreg:$0x4]  }
0x281: {  	s0 =	sadd.s32 @!p0 $0x100000, s0  }
0x282: {  	[sflag:s0] =	ssyncadd.tile.s32 @!p0 $0x1;
	_ =	shalt  }
.Lfunc_end2:
_tile_overlayer_lowered:
.L_overlay_start_2:
0x283: {  	(tag) =	ssettag $0x2  }
0x284: {  	s0 =	rddreg [dreg:$0x0];
	s2 =	stileid.u32  }
0x285: {  	s1 =	rddreg [dreg:$0x1];
	p0 =	sne.s32 s2, $0x0  }
0x286: {  	s3 =	rddreg [dreg:$0x2];
	[bflag:$0x3] =	sbarrier.arrive $0xFFFF;
	s2 =	simm.s32 @!p0 $0x1C09  }
0x287: {  	[timem:s3], [sflag:s2] =	dma.local @!p0 [hbm:s0], s1  }
0x288: {  	s0 =	simm.s32 @!p0 $0x9  }
0x289: {  	_ =	swait.ge @!p0 [sflag:s0], s1  }
0x28a: {  	s1 =	ssub.s32 @!p0 $0x0, s1;
	[sflag:s0] =	ssyncset.done @!p0 $0x0  }
0x28b: {  	[sflag:s0] =	ssyncadd.s32 @!p0 s1  }
0x28c: {  	[bflag:$0x3] =	sbarrier.arrive $0xFFFF  }
0x28d: {  	_ =	shalt  }

// kernel: kernel.7.cloned.1.call-start
scs
__scs_entry_jumppad:
0x0: {  	(pc) =	sbr.rel $0x88, $3  }
0x1: {  	(tag) =	ssettag $0x0;
	lr =	simm.s32 $0x1  }
0x2: {  	[smem:$0x3F99] =	sst lr;
	_ =	strace $0xD0000000  }
0x3: {  	_ = 	snop  }
0x4: {  	_ = 	snop  }
0x5: {  	_ = 	snop  }
0x6: {  	_ = 	snop  }
0x7: {  	_ = 	snop  }
__scs_overlays_trampoline_lowered:
0x8: {  	[smem:$0x3FA8] =	sst s0  }
0x9: {  	[smem:$0x3FA9] =	sst s1  }
0xa: {  	[smem:$0x3FAA] =	sst s2  }
0xb: {  	[smem:$0x3FAB] =	sst s3  }
0xc: {  	[smem:$0x3FAC] =	sst s4  }
0xd: {  	[smem:$0x3FAD] =	sst s5  }
0xe: {  	[smem:$0x3FAE] =	sst s6  }
0xf: {  	[smem:$0x3FAF] =	sst s7  }
0x10: {  	[smem:$0x3FB0] =	sst s8  }
0x11: {  	[smem:$0x3FB1] =	sst s9;
	s0 =	simm.s32 @!p0 $0x0  }
0x12: {  	s1 =	sld [smem:$0x3F97];
	s0 =	simm.s32 @p0 $0x1  }
0x13: {  	[smem:$0x3FB2] =	sst s0;
	s0 =	simm.s32 @!p1 $0x0  }
0x14: {  	s2 =	sld [smem:$0x3F96];
	s0 =	simm.s32 @p1 $0x1  }
0x15: {  	[smem:$0x3FB3] =	sst s0;
	s0 =	simm.s32 @!p2 $0x0  }
0x16: {  	s3 =	sld [smem:$0x3FDB];
	s0 =	simm.s32 @p2 $0x1  }
0x17: {  	s4 =	simm.s32 $0x1BF5;
	[smem:$0x3FB5] =	sst s0  }
0x18: {  	s0 =	sld [smem:$0x3F98];
	_ =	swait.ge [sflag:s4], $0x0  }
0x19: {  	s7 =	sld [smem:$0x3F99]  }
0x1a: {  	s8 =	sadd.s32 $0xFFFFE003, lr  }
0x1b: {  	s9 =	sadd.s32 $0xFFFFFEF7, lr;
	s5 =	simm.s32 $0xFFFFFFFF;
	p2 =	slt.u32 s8, $0xFFFFF086  }
0x1c: {  	p1 =	slt.u32 s9, $0xF7A;
	s5 =	simm.s32 @!p2 $0x0  }
0x1d: {  	s5 =	simm.s32 @p1 $0x1;
	p0 =	seq.s32 s7, s2  }
0x1e: {  	s7 =	smul.u32 @!p0 $0xF7A, s2;
	p2 =	seq.s32 @!p0 s5, $0x0  }
0x1f: {  	s9 =	smul.u32 $0xF7A, s1;
	s8 =	simm.s32 @!p0 $0x1BF5;
	p2 =	por !p2, p0  }
0x20: {  	[sflag:s8] =	ssyncset.s32 @!p0 $0xFFFFF086;
	s6 =	sadd.s32 @!p0 s3, s7;
	s7 =	simm.s32 @!p0 $0x108  }
0x21: {  	s3 =	sadd.s32 s3, s9;
	s6 =	sadd.s32 @!p0 $0x88, s6;
	s7 =	simm.s32 @p2 $0x1082  }
0x22: {  	[simem:s7], [sflag:s8] =	dma.local @!p0 [hbm:s6], $0xF7A  }
0x23: {  	s9 =	sor.u32 $0xD0000000, s2;
	s6 =	simm.s32 $0x108;
	_ =	swait.ge @!p0 [sflag:s8], $0x0  }
0x24: {  	s3 =	sadd.s32 $0x88, s3;
	s6 =	simm.s32 @!p1 $0x1082;
	[sflag:s4] =	ssyncset.s32 $0xFFFFF086  }
0x25: {  	[simem:s6], [sflag:s4] =	dma.local [hbm:s3], $0xF7A  }
0x26: {  	[smem:$0x3F99] =	sst s1;
	(tag) =	ssettag s2;
	_ =	strace s9  }
0x27: {  	s1 =	sld [smem:$0x3FA9]  }
0x28: {  	s2 =	sld [smem:$0x3FAA]  }
0x29: {  	s4 =	sld [smem:$0x3FAC]  }
0x2a: {  	p0 =	seq.s32 s5, $0x0;
	s5 =	sld [smem:$0x3FAD]  }
0x2b: {  	s6 =	sld [smem:$0x3FAE]  }
0x2c: {  	s7 =	sld [smem:$0x3FAF]  }
0x2d: {  	s3 =	simm.s32 $0x108;
	s8 =	sld [smem:$0x3FB0]  }
0x2e: {  	s3 =	simm.s32 @!p0 $0x1082;
	s9 =	sld [smem:$0x3FB1]  }
0x2f: {  	lr =	sadd.s32 s0, s3;
	s0 =	sld [smem:$0x3FA8]  }
0x30: {  	s3 =	sld [smem:$0x3FAB]  }
0x31: {  	[smem:$0x3FB4] =	sst s10  }
0x32: {  	s10 =	sld [smem:$0x3FB2];
	_ =	sdelay $0x3  }
0x33: {  	p0 =	seq.s32 s10, $0x1;
	s10 =	sld [smem:$0x3FB4];
	_ =	sdelay $0x3  }
0x34: {  	[smem:$0x3FB4] =	sst s10  }
0x35: {  	s10 =	sld [smem:$0x3FB3];
	_ =	sdelay $0x3  }
0x36: {  	p1 =	seq.s32 s10, $0x1;
	s10 =	sld [smem:$0x3FB4];
	_ =	sdelay $0x3  }
0x37: {  	[smem:$0x3FB4] =	sst s10  }
0x38: {  	s10 =	sld [smem:$0x3FB5]  }
0x39: {  	_ = 	snop;
	(pc) =	sbr.ind lr, $3  }
0x3a: {  	_ = 	snop  }
0x3b: {  	_ = 	snop  }
0x3c: {  	p2 =	seq.s32 s10, $0x1;
	s10 =	sld [smem:$0x3FB4]  }
0x3d: {  	_ =	shalt  }
0x3e: {  	_ =	shalt  }
0x3f: {  	_ =	shalt  }
0x40: {  	_ =	shalt  }
0x41: {  	_ =	shalt  }
0x42: {  	_ =	shalt  }
0x43: {  	_ =	shalt  }
0x44: {  	_ =	shalt  }
0x45: {  	_ =	shalt  }
0x46: {  	_ =	shalt  }
0x47: {  	_ =	shalt  }
0x48: {  	_ =	shalt  }
0x49: {  	_ =	shalt  }
0x4a: {  	_ =	shalt  }
0x4b: {  	_ =	shalt  }
0x4c: {  	_ =	shalt  }
0x4d: {  	_ =	shalt  }
0x4e: {  	_ =	shalt  }
0x4f: {  	_ =	shalt  }
0x50: {  	_ =	shalt  }
0x51: {  	_ =	shalt  }
0x52: {  	_ =	shalt  }
0x53: {  	_ =	shalt  }
0x54: {  	_ =	shalt  }
0x55: {  	_ =	shalt  }
0x56: {  	_ =	shalt  }
0x57: {  	_ =	shalt  }
0x58: {  	_ =	shalt  }
0x59: {  	_ =	shalt  }
0x5a: {  	_ =	shalt  }
0x5b: {  	_ =	shalt  }
0x5c: {  	_ =	shalt  }
0x5d: {  	_ =	shalt  }
0x5e: {  	_ =	shalt  }
0x5f: {  	_ =	shalt  }
0x60: {  	_ =	shalt  }
0x61: {  	_ =	shalt  }
0x62: {  	_ =	shalt  }
0x63: {  	_ =	shalt  }
0x64: {  	_ =	shalt  }
0x65: {  	_ =	shalt  }
0x66: {  	_ =	shalt  }
0x67: {  	_ =	shalt  }
0x68: {  	_ =	shalt  }
0x69: {  	_ =	shalt  }
0x6a: {  	_ =	shalt  }
0x6b: {  	_ =	shalt  }
0x6c: {  	_ =	shalt  }
0x6d: {  	_ =	shalt  }
0x6e: {  	_ =	shalt  }
0x6f: {  	_ =	shalt  }
0x70: {  	_ =	shalt  }
0x71: {  	_ =	shalt  }
0x72: {  	_ =	shalt  }
0x73: {  	_ =	shalt  }
0x74: {  	_ =	shalt  }
0x75: {  	_ =	shalt  }
0x76: {  	_ =	shalt  }
0x77: {  	_ =	shalt  }
0x78: {  	_ =	shalt  }
0x79: {  	_ =	shalt  }
0x7a: {  	_ =	shalt  }
0x7b: {  	_ =	shalt  }
0x7c: {  	_ =	shalt  }
0x7d: {  	_ =	shalt  }
0x7e: {  	_ =	shalt  }
0x7f: {  	_ =	shalt  }
0x80: {  	_ =	shalt  }
0x81: {  	_ =	shalt  }
0x82: {  	_ =	shalt  }
0x83: {  	_ =	shalt  }
0x84: {  	_ =	shalt  }
0x85: {  	_ =	shalt  }
0x86: {  	_ =	shalt  }
0x87: {  	_ =	shalt  }
.Lfunc_end0:
.L_simem_size_0:
called_computation_lowered:
.L_overlay_start_0:
0x88: {  	s2 =	sld [smem:$0x3FD9]  }
0x89: {  	s3 =	sld [smem:$0x3FFE];
	_ =	sdelay $0x1  }
0x8a: {  	s1 =	srdreg.scid  }
0x8b: {  	s0 =	sand.u32 $0x1, s1  }
0x8c: {  	s17 =	sshll.u32 s0, $0xA;
	s2 =	sadd.s32 s3, s2  }
0x8d: {  	s2 =	sadd.s32 s2, s17  }
0x8e: {  	[smem:$0x3FC0] =	sst s2  }
0x8f: {  	_ = 	snop  }
0x90: {  	s2 =	sld [smem:$0x3FD0];
	(tm) =	ssettm $0x1  }
0x91: {  	s18 =	sld [smem:$0x3FFB];
	_ =	sdelay $0x3  }
0x92: {  	_ =	strace s18  }
0x93: {  	s3 =	sld [smem:$0x3FFC];
	_ =	sdelay $0x3  }
0x94: {  	_ =	strace s3  }
0x95: {  	s3 =	sld [smem:$0x3FFD];
	_ =	sdelay $0x3  }
0x96: {  	_ =	strace s3  }
0x97: {  	_ =	strace $0x8FFFFFFF  }
0x98: {  	s19 =	sld [smem:$0x3FDB];
	_ =	sdelay $0x1  }
0x99: {  	s4 =	simm.s32 $_scs_section_size  }
0x9a: {  	s5 =	simm.s32 $_size__tile_overlayer_lowered;
	s6 =	simm.s32 $_tile_overlayer_lowered  }
0x9b: {  	s22 =	simm.s32 $0x1BFF;
	s21 =	sshll.u32 s6, $0x1;
	s3 =	sadd.s32 s4, s19  }
0x9c: {  	s7 =	simm.s32 $0x0;
	s20 =	sshll.u32 s5, $0x1;
	s5 =	sadd.s32 s21, s3  }
0x9d: {  	[timem:s7], [sflag:s22] =	dma.local [hbm:s5], s20  }
0x9e: {  	_ =	swait.ge [sflag:s22], s20  }
0x9f: {  	s4 =	ssub.s32 $0x0, s20;
	[sflag:s22] =	ssyncset.done $0x0  }
0xa0: {  	[sflag:s22] =	ssyncadd.s32 s4;
	_ =	sdelay $0x1  }
0xa1: {  	s23 =	simm.s32 $0x1B8B  }
0xa2: {  	_ =	swait.ge [sflag:s23], $0x1  }
0xa3: {  	[sflag:s23] =	ssyncset.done $0x0  }
0xa4: {  	s25 =	simm.s32 $0x1B8E;
	s24 =	sld [smem:$0x3FFE];
	[sflag:s23] =	ssyncadd.s32 $0xFFFFFFFF  }
0xa5: {  	s26 =	simm.s32 $execute0_lowered;
	[smem:$0x3FD2] =	sst s25  }
0xa6: {  	s5 =	sshll.u32 s26, $0x1;
	_ =	strace $0x80000046;
	[dreg:$0x1] =	wrdreg $0xFFFFFFFF  }
0xa7: {  	s28 =	simm.s32 $_size_execute0_lowered;
	s3 =	sadd.s32 s3, s5;
	[dreg:$0x0] =	wrdreg $0x0  }
0xa8: {  	s5 =	sshll.u32 s28, $0x1;
	[dreg:$0x2] =	wrdreg s3  }
0xa9: {  	[dreg:$0x3] =	wrdreg s5  }
0xaa: {  	[dreg:$0x4] =	wrdreg $0xC0  }
0xab: {  	_ =	task [dreg:s7], $0x5FFFF  }
0xac: {  	[dreg:$0x1] =	wrdreg $0xFFFFFFFF  }
0xad: {  	[dreg:$0x0] =	wrdreg $0x60  }
0xae: {  	[dreg:$0x2] =	wrdreg s24  }
0xaf: {  	[dreg:$0x3] =	wrdreg s2  }
0xb0: {  	[dreg:$0x4] =	wrdreg $0x0  }
0xb1: {  	[dreg:$0x5] =	wrdreg $0x140000  }
0xb2: {  	[dreg:$0x6] =	wrdreg $0x9  }
0xb3: {  	_ =	task.clear_ibuf [dreg:s7], $0x7FFFF;
	_ =	strace $0x90000046  }
0xb4: {  	s29 =	simm.s32 $0x9;
	_ =	strace $0x80000048  }
0xb5: {  	_ =	swait.ge [sflag:s29], $0x1  }
0xb6: {  	[sflag:s29] =	ssyncadd.s32 $0xFFFFFFFF  }
0xb7: {  	_ =	strace $0x90000048  }
0xb8: {  	_ =	sfence  }
0xb9: {  	s30 =	sld [smem:$0x0];
	_ =	sdelay $0x2  }
0xba: {  	s31 =	sshll.u32 s1, $0xD;
	s1 =	sshrl.u32 s1, $0x2  }
0xbb: {  	s3 =	sand.u32 $0x4000, s31;
	s1 =	sadd.s32 s1, s30  }
0xbc: {  	s0 =	sor.u32 s3, s0;
	s1 =	sshll.u32 s1, $0x11  }
0xbd: {  	s0 =	sor.u32 s1, s0  }
0xbe: {  	s0 =	sadd.s32 $0x8F2B, s0  }
0xbf: {  	[sflag:s0] =	ssyncadd.remote.s32 $0x1  }
0xc0: {  	_ =	sfence.sel $0xFFFF  }
0xc1: {  	[dreg:$0x0] =	wrdreg $0xFFFFFFFF;
	(pc) =	sbr.abs _section_cstart, $3  }
0xc2: {  	[dreg:$0x1] =	wrdreg $0xFFFFFFFF  }
0xc3: {  	_ =	task.clear_ibuf [dreg:s7], $0x2FFFF;
	_ =	strace $0x9FFFFFFF  }
0xc4: {  	(tm) =	ssettm $0x7FFFFFFF  }
0xc5: {  	_ =	shalt  }
tec
execute0_lowered:
.L_overlay_start_1:
0x0: {  	(tag) =	ssettag $0x1  }
0x1: {  	s0 =	rddreg [dreg:$0x0]  }
0x2: {  	s1 =	rddreg [dreg:$0x1]  }
0x3: {  	s16 =	rddreg [dreg:$0x2]  }
0x4: {  	s18 =	rddreg [dreg:$0x3]  }
0x5: {  	s4 =	simm.s32 $0x0;
	s2 =	srdreg.scid;
	s19 =	stileid.u32  }
0x6: {  	s31 =	simm.s32 $0x19FF0;
	s28 =	simm.s32 $0x1;
	s3 =	smul.u32 $0x2800, s19  }
0x7: {  	s29 =	simm.s32 $0x2;
	[smem:$0x7FF] =	sst s4;
	s8 =	smul.u32 $0x500, s19  }
0x8: {  	s2 =	sand.u32 $0x1, s2;
	s5 =	sadd.s32 $0x16800, s0;
	s12 =	smul.u32 $0x280, s19  }
0x9: {  	s7 =	sadd.s32 $0x2E00, s0;
	s21 =	smul.u32 $0x50000, s19;
	_ =	strace $0x80000047  }
0xa: {  	s6 =	sshll.u32 s2, $0x4;
	s10 =	ssub.s32 $0x2, s2;
	p0 =	seq.s32 s2, $0x1  }
0xb: {  	s9 =	sor.u32 s19, s6;
	s6 =	sadd.s32 $0x3DA00, s0;
	s3 =	sadd.s32 s3, s0  }
0xc: {  	s0 =	sadd.s32 s8, s0;
	s11 =	sshrl.u32 s10, $0x1;
	s23 =	sshrl.u32 s21, $0x2  }
0xd: {  	s9 =	smul.u32 $0x2710, s9;
	s10 =	ssub.s32 s10, s11;
	s2 =	sadd.s32 s23, s16  }
0xe: {  	s11 =	sadd.s32 $0x140, s12;
	s23 =	smul.u32 $0xA000, s19;
	s30 =	sadd.s32 $0x42A00, s0  }
0xf: {  	s0 =	simm.s32 $0x5;
	s10 =	smax.u32 s10, $0x1;
	[dreg:$0x9] =	wrdreg s2  }
0x10: {  	s2 =	sadd.s32 $0xA0, s12;
	s15 =	sshll.u32 s11, $0x7;
	s13 =	sshrl.u32 s9, $0x3  }
0x11: {  	s22 =	sadd.s32 $0xA0, s9;
	s9 =	sadd.s32 $0xF0, s9;
	[dreg:$0x8] =	wrdreg s10  }
0x12: {  	s10 =	sadd.s32 $0xF0, s12;
	s26 =	sshll.u32 s2, $0x7;
	s17 =	sadd.s32 s15, s16  }
0x13: {  	s2 =	sshll.u32 s2, $0x4;
	s20 =	sadd.s32 s7, s13;
	[dreg:$0x6] =	wrdreg s22  }
0x14: {  	[dreg:$0x7] =	wrdreg s9;
	s9 =	sor.u32 $0x50, s12;
	s14 =	sshll.u32 s10, $0x7  }
0x15: {  	s13 =	sadd.s32 s26, s16;
	[dreg:$0xd] =	wrdreg s17;
	s17 =	sadd.s32 s8, s1  }
0x16: {  	s1 =	sadd.s32 $0x190, s12;
	s8 =	sadd.s32 $0x1E0, s12;
	s12 =	sadd.s32 $0x230, s12  }
0x17: {  	s2 =	sadd.s32 s2, s18;
	s24 =	sshll.u32 s9, $0x7;
	[dreg:$0xb] =	wrdreg s13  }
0x18: {  	s14 =	sadd.s32 s14, s16;
	s21 =	sshll.u32 s1, $0x7;
	s22 =	sshll.u32 s8, $0x7  }
0x19: {  	s9 =	sshll.u32 s9, $0x4;
	s26 =	sshll.u32 s12, $0x7;
	[dreg:$0x13] =	wrdreg s2  }
0x1a: {  	s1 =	sshll.u32 s1, $0x4;
	s19 =	sshll.u32 s8, $0x4;
	[dreg:$0x5] =	wrdreg s20  }
0x1b: {  	s8 =	simm.s32 $0x1CCF0;
	s25 =	sadd.s32 s24, s16;
	[dreg:$0xc] =	wrdreg s14  }
0x1c: {  	s2 =	simm.s32 $0x0;
	s13 =	sadd.s32 s21, s16;
	[dreg:$0xa] =	wrdreg s25  }
0x1d: {  	s24 =	sadd.s32 s22, s16;
	s14 =	sadd.s32 s26, s16;
	[dreg:$0xe] =	wrdreg s13  }
0x1e: {  	s9 =	sadd.s32 s9, s18;
	s21 =	sshll.u32 s12, $0x4;
	[dreg:$0xf] =	wrdreg s24  }
0x1f: {  	s1 =	sadd.s32 s1, s18;
	s22 =	sadd.s32 s19, s18;
	[dreg:$0x10] =	wrdreg s14  }
0x20: {  	s26 =	sadd.s32 $0xA, s20;
	s19 =	simm.s32 $0x19000;
	[dreg:$0x12] =	wrdreg s9  }
0x21: {  	s12 =	simm.s32 $0x6;
	s20 =	simm.s32 $0x1D1F0;
	[dreg:$0x16] =	wrdreg s1  }
0x22: {  	s25 =	sshrl.u32 s23, $0x2;
	s14 =	sshll.u32 s11, $0x4;
	[dreg:$0x17] =	wrdreg s22  }
0x23: {  	s23 =	sadd.s32 s21, s18;
	s24 =	sadd.s32 $0x47A00, s3;
	[dreg:$0x1b] =	wrdreg s26  }
0x24: {  	s11 =	simm.s32 $0x16800;
	s22 =	simm.s32 $0x19500;
	s21 =	simm.s32 $0x7  }
0x25: {  	s9 =	simm.s32 $0x4;
	s13 =	sadd.s32 s25, s18;
	[dreg:$0x18] =	wrdreg s23  }
0x26: {  	s16 =	sadd.s32 s14, s18;
	[dreg:$0x19] =	wrdreg s24;
	s25 =	sadd.s32 $0x6FA00, s3  }
.Ltmp0:
0x27: {  	s14 =	simm.s32 $0x19A00;
	[dreg:$0x11] =	wrdreg s13;
	(pc) =	sbr.rel .LBB2_1-.Ltmp0, $4  }
0x28: {  	s23 =	simm.s32 $0x1D6F0;
	s24 =	simm.s32 $0x1C7F0;
	[dreg:$0x15] =	wrdreg s16  }
0x29: {  	v0 =	vlaneseq.u32;
	s3 =	simm.s32 $0x3;
	s13 =	sshll.u32 s10, $0x4;
	[dreg:$0x1a] =	wrdreg s25  }
0x2a: {  	v2 =	vshrl.u32 v0, $0x2;
	v0 =	vand.u32 $0x3, v0;
	s10 =	simm.s32 $0x8;
	s15 =	sadd.s32 s13, s18;
	s13 =	simm.s32 $0x9  }
0x2b: {  	v1 =	vimm.f32 $0.0e+00;
	v2 =	vmul.u32 $0x10, v2;
	v3 =	vor.u32 $0x4, v0;
	s18 =	simm.s32 $0x19F00;
	[dreg:$0x14] =	wrdreg s15;
	s15 =	simm.s32 $0x50  }
.LBB2_20:
0x2c: {  	s2 =	sadd.s32 $0x1, s2;
	s1 =	rddreg [dreg:$0x8]  }
0x2d: {  	p1 =	sne.s32 s2, s1  }
.Ltmp1:
0x2e: {  	_ = 	snop;
	(pc) =	sbr.rel @!p1 .LBB2_21-.Ltmp1, $1  }
0x2f: {  	_ =	sdelay $0x3  }
.LBB2_1:
0x30: {  	[dreg:$0x1c] =	wrdreg s2;
	s1 =	simm.s32 $0x0;
	s2 =	simm.s32 $0x0  }
.LBB2_2:
0x31: {  	p1 =	sne.s32 s2, $0x9FC0  }
.Ltmp2:
0x32: {  	_ = 	snop;
	(pc) =	sbr.rel @p1 .LBB2_2-.Ltmp2, $4  }
0x33: {  	s16 =	sand.u32 $0xFE00, s2  }
0x34: {  	s25 =	sand.u32 $0x70, s1;
	s16 =	sshrl.u32 s16, $0x2  }
0x35: {  	s16 =	sor.u32 s25, s16  }
0x36: {  	s1 =	sadd.s32 $0x10, s1;
	s2 =	sadd.s32 $0x40, s2;
	[tilespmem:s16+$0x16800] =	vst v1  }
0x37: {  	s1 =	simm.s32 $0x40;
	s2 =	simm.s32 $0x0  }
.LBB2_4:
0x38: {  	p1 =	sne.s32 s1, $0x13C0;
	[tilespmem:s2+$0x19A00] =	vst v1;
	s16 =	smov.u32 s1;
	s1 =	sadd.s32 $0x40, s1  }
.Ltmp3:
0x39: {  	[tilespmem:s2+$0x1D1F0] =	vst v1;
	(pc) =	sbr.rel @p1 .LBB2_4-.Ltmp3, $2  }
0x3a: {  	_ =	sdelay $0x2  }
0x3b: {  	s2 =	sshra.s32 s16, $0x2  }
0x3c: {  	[tilespmem:s2+$0x19A00] =	vst v1  }
0x3d: {  	[tilespmem:s2+$0x1D1F0] =	vst v1;
	s1 =	rddreg [dreg:$0x9]  }
0x3e: {  	[spmem:s1] =	stream.linear.scatter [tilespmem:s11], [sflag:$0x9], $0x2800, $0x38;
	[tilespmem:$0x1D7E0] =	vst v63  }
0x3f: {  	_ =	swait.ge [sflag:s13], $0x2800  }
0x40: {  	[sflag:s13] =	ssyncset.done $0x0  }
0x41: {  	s26 =	rddreg [dreg:$0xa];
	[sflag:s13] =	ssyncadd.s32 $0xFFFFD800  }
0x42: {  	[spmem:s26] =	stream.linear.scatter [tilespmem:s11], [sflag:$0x9], $0x2800, $0x38;
	[tilespmem:$0x1D7E0] =	vst v63  }
0x43: {  	_ =	swait.ge [sflag:s13], $0x2800  }
0x44: {  	[sflag:s13] =	ssyncset.done $0x0  }
0x45: {  	s2 =	rddreg [dreg:$0xb];
	[sflag:s13] =	ssyncadd.s32 $0xFFFFD800  }
0x46: {  	[spmem:s2] =	stream.linear.scatter [tilespmem:s11], [sflag:$0x9], $0x2800, $0x38;
	[tilespmem:$0x1D7E0] =	vst v63  }
0x47: {  	_ =	swait.ge [sflag:s13], $0x2800  }
0x48: {  	[sflag:s13] =	ssyncset.done $0x0  }
0x49: {  	s16 =	rddreg [dreg:$0xc];
	[sflag:s13] =	ssyncadd.s32 $0xFFFFD800  }
0x4a: {  	[spmem:s16] =	stream.linear.scatter [tilespmem:s11], [sflag:$0x9], $0x2800, $0x38;
	[tilespmem:$0x1D7E0] =	vst v63  }
0x4b: {  	_ =	swait.ge [sflag:s13], $0x2800  }
0x4c: {  	[sflag:s13] =	ssyncset.done $0x0  }
0x4d: {  	s25 =	rddreg [dreg:$0xd];
	[sflag:s13] =	ssyncadd.s32 $0xFFFFD800  }
0x4e: {  	[spmem:s25] =	stream.linear.scatter [tilespmem:s11], [sflag:$0x9], $0x2800, $0x38;
	[tilespmem:$0x1D7E0] =	vst v63  }
0x4f: {  	_ =	swait.ge [sflag:s13], $0x2800  }
0x50: {  	[sflag:s13] =	ssyncset.done $0x0  }
0x51: {  	s26 =	rddreg [dreg:$0xe];
	[sflag:s13] =	ssyncadd.s32 $0xFFFFD800  }
0x52: {  	[spmem:s26] =	stream.linear.scatter [tilespmem:s11], [sflag:$0x9], $0x2800, $0x38;
	[tilespmem:$0x1D7E0] =	vst v63  }
0x53: {  	_ =	swait.ge [sflag:s13], $0x2800  }
0x54: {  	[sflag:s13] =	ssyncset.done $0x0  }
0x55: {  	s2 =	rddreg [dreg:$0xf];
	[sflag:s13] =	ssyncadd.s32 $0xFFFFD800  }
0x56: {  	[spmem:s2] =	stream.linear.scatter [tilespmem:s11], [sflag:$0x9], $0x2800, $0x38;
	[tilespmem:$0x1D7E0] =	vst v63  }
0x57: {  	_ =	swait.ge [sflag:s13], $0x2800  }
0x58: {  	[sflag:s13] =	ssyncset.done $0x0  }
0x59: {  	s16 =	rddreg [dreg:$0x10];
	[sflag:s13] =	ssyncadd.s32 $0xFFFFD800  }
0x5a: {  	[spmem:s16] =	stream.linear.scatter [tilespmem:s11], [sflag:$0x9], $0x2800, $0x38;
	[tilespmem:$0x1D7E0] =	vst v63  }
0x5b: {  	_ =	swait.ge [sflag:s13], $0x2800  }
0x5c: {  	[sflag:s13] =	ssyncset.done $0x0  }
0x5d: {  	s25 =	rddreg [dreg:$0x11];
	[sflag:s13] =	ssyncadd.s32 $0xFFFFD800  }
0x5e: {  	[spmem:s25] =	stream.linear.scatter [tilespmem:s14], [sflag:$0x9], $0x500, $0x38;
	[tilespmem:$0x1D7E0] =	vst v63  }
0x5f: {  	_ =	swait.ge [sflag:s13], $0x500  }
0x60: {  	[sflag:s13] =	ssyncset.done $0x0  }
0x61: {  	s26 =	rddreg [dreg:$0x12];
	[sflag:s13] =	ssyncadd.s32 $0xFFFFFB00  }
0x62: {  	[spmem:s26] =	stream.linear.scatter [tilespmem:s14], [sflag:$0x9], $0x500, $0x38;
	[tilespmem:$0x1D7E0] =	vst v63  }
0x63: {  	_ =	swait.ge [sflag:s13], $0x500  }
0x64: {  	[sflag:s13] =	ssyncset.done $0x0  }
0x65: {  	s2 =	rddreg [dreg:$0x13];
	[sflag:s13] =	ssyncadd.s32 $0xFFFFFB00  }
0x66: {  	[spmem:s2] =	stream.linear.scatter [tilespmem:s14], [sflag:$0x9], $0x500, $0x38;
	[tilespmem:$0x1D7E0] =	vst v63  }
0x67: {  	_ =	swait.ge [sflag:s13], $0x500  }
0x68: {  	[sflag:s13] =	ssyncset.done $0x0  }
0x69: {  	s16 =	rddreg [dreg:$0x14];
	[sflag:s13] =	ssyncadd.s32 $0xFFFFFB00  }
0x6a: {  	[spmem:s16] =	stream.linear.scatter [tilespmem:s14], [sflag:$0x9], $0x500, $0x38;
	[tilespmem:$0x1D7E0] =	vst v63  }
0x6b: {  	_ =	swait.ge [sflag:s13], $0x500  }
0x6c: {  	[sflag:s13] =	ssyncset.done $0x0  }
0x6d: {  	s25 =	rddreg [dreg:$0x15];
	[sflag:s13] =	ssyncadd.s32 $0xFFFFFB00  }
0x6e: {  	[spmem:s25] =	stream.linear.scatter [tilespmem:s14], [sflag:$0x9], $0x500, $0x38;
	[tilespmem:$0x1D7E0] =	vst v63  }
0x6f: {  	_ =	swait.ge [sflag:s13], $0x500  }
0x70: {  	[sflag:s13] =	ssyncset.done $0x0  }
0x71: {  	s26 =	rddreg [dreg:$0x16];
	[sflag:s13] =	ssyncadd.s32 $0xFFFFFB00  }
0x72: {  	[spmem:s26] =	stream.linear.scatter [tilespmem:s14], [sflag:$0x9], $0x500, $0x38;
	[tilespmem:$0x1D7E0] =	vst v63  }
0x73: {  	_ =	swait.ge [sflag:s13], $0x500  }
0x74: {  	[sflag:s13] =	ssyncset.done $0x0  }
0x75: {  	s2 =	rddreg [dreg:$0x17];
	[sflag:s13] =	ssyncadd.s32 $0xFFFFFB00  }
0x76: {  	[spmem:s2] =	stream.linear.scatter [tilespmem:s14], [sflag:$0x9], $0x500, $0x38;
	[tilespmem:$0x1D7E0] =	vst v63  }
0x77: {  	_ =	swait.ge [sflag:s13], $0x500  }
0x78: {  	[sflag:s13] =	ssyncset.done $0x0  }
0x79: {  	s16 =	rddreg [dreg:$0x18];
	[sflag:s13] =	ssyncadd.s32 $0xFFFFFB00  }
0x7a: {  	[spmem:s16] =	stream.linear.scatter [tilespmem:s14], [sflag:$0x9], $0x500, $0x38;
	[tilespmem:$0x1D7E0] =	vst v63  }
0x7b: {  	_ =	swait.ge [sflag:s13], $0x500  }
0x7c: {  	[sflag:s13] =	ssyncset.done $0x0  }
0x7d: {  	[sflag:s13] =	ssyncadd.s32 $0xFFFFFB00  }
0x7e: {  	[bflag:$0x0] =	sbarrier.arrive $0xFFFF  }
0x7f: {  	s26 =	simm.s32 $0x4E200;
	s25 =	rddreg [dreg:$0x5]  }
0x80: {  	[tilespmem:s18], [sflag:$0x9] =	stream.strided.gather [hbm4b:s25+s15], $0xA0, s26, s15, $0x38;
	[tilespmem:$0x1D7E0] =	vst v63  }
0x81: {  	_ =	swait.ge [sflag:s13], $0xA0  }
0x82: {  	[sflag:s13] =	ssyncset.done $0x0  }
0x83: {  	[sflag:s13] =	ssyncadd.s32 $0xFFFFFF60  }
0x84: {  	[tilespmem:s19], [sflag:$0x1] =	stream.indirect.gather [hbm4b:s6+s15], $0x10, s18, s15, $0xb8;
	[tilespmem:$0x1D7E0] =	vst v63  }
0x85: {  	s16 =	simm.s32 $0x19F50  }
0x86: {  	[tilespmem:s22], [sflag:$0x2] =	stream.indirect.gather [hbm4b:s6+s15], $0x10, s16, s15, $0xb8;
	[tilespmem:$0x1D7E0] =	vst v63  }
0x87: {  	_ = 	snop  }
0x88: {  	[tilespmem:s11], [sflag:$0x3] =	stream.indirect.gather [hbm4b:s5+s15], $0x80, s18, s15, $0xb8;
	[tilespmem:$0x1D7E0] =	vst v63  }
0x89: {  	s25 =	rddreg [dreg:$0x1b]  }
0x8a: {  	[tilespmem:s23], [sflag:$0x9] =	stream.strided.gather [hbm4b:s25+s15], $0xA0, s26, s15, $0x38;
	[tilespmem:$0x1D7E0] =	vst v63  }
0x8b: {  	_ =	swait.ge [sflag:s13], $0xA0  }
0x8c: {  	[sflag:s13] =	ssyncset.done $0x0  }
0x8d: {  	[sflag:s13] =	ssyncadd.s32 $0xFFFFFF60  }
0x8e: {  	[tilespmem:s24], [sflag:$0x5] =	stream.indirect.gather [hbm4b:s6+s15], $0x10, s23, s15, $0xb8;
	[tilespmem:$0x1D7E0] =	vst v63  }
0x8f: {  	s26 =	simm.s32 $0x1D740  }
0x90: {  	[tilespmem:s8], [sflag:$0x6] =	stream.indirect.gather [hbm4b:s6+s15], $0x10, s26, s15, $0xb8;
	[tilespmem:$0x1D7E0] =	vst v63  }
0x91: {  	s1 =	simm.s32 $0x0  }
0x92: {  	[tilespmem:s31], [sflag:$0x7] =	stream.indirect.gather [hbm4b:s5+s15], $0x80, s23, s15, $0xb8;
	[tilespmem:$0x1D7E0] =	vst v63  }
.LBB2_6:
0x93: {  	_ =	swait.ge [sflag:s28], $0x500  }
0x94: {  	[sflag:s28] =	ssyncset.done $0x0  }
0x95: {  	[sflag:s28] =	ssyncadd.s32 $0xFFFFFB00  }
0x96: {  	_ =	swait.ge [sflag:s29], $0x500  }
0x97: {  	[sflag:s29] =	ssyncset.done $0x0  }
0x98: {  	[sflag:s29] =	ssyncadd.s32 $0xFFFFFB00  }
0x99: {  	_ =	swait.ge [sflag:s3], $0x2800  }
0x9a: {  	[sflag:s3] =	ssyncset.done $0x0  }
0x9b: {  	[sflag:s3] =	ssyncadd.s32 $0xFFFFD800  }
0x9c: {  	v4 =	vld [tilespmem:$0x19F50]  }
0x9d: {  	s2 =	simm.s32 $0x0;
	v5 =	vld [tilespmem:$0x19F60]  }
0x9e: {  	v7 =	vmov s2;
	v6 =	vld [tilespmem:$0x19F70]  }
0x9f: {  	v7 =	vshll.u32 v7, $0x4;
	v8 =	vld [tilespmem:$0x19F80]  }
0xa0: {  	v7 =	vor.u32 v2, v7;
	v9 =	vld [tilespmem:$0x19F90]  }
0xa1: {  	v10 =	vor.u32 v0, v7;
	[tilespmem:$0x19FA0] =	vst v4  }
0xa2: {  	[tilespmem:$0x19FB0] =	vst v5;
	v4 =	vor.u32 v3, v7  }
0xa3: {  	[tilespmem:$0x19FC0] =	vst v6  }
0xa4: {  	[tilespmem:$0x19FD0] =	vst v8  }
0xa5: {  	[tilespmem:$0x19FE0] =	vst v9  }
0xa6: {  	v5 =	vld.idx.msk [tilespmem:v10+s19+$0x0], $0xffff  }
0xa7: {  	v4 =	vld.idx.msk [tilespmem:v4+s22+$0x0], $0xffff;
	_ =	sdelay $0x4  }
0xa8: {  	v4 =	vadd.f32 v4, v5;
	_ =	sdelay $0x1  }
0xa9: {  	v5 =	vmul.f32 $2.000000030e-01, v4  }
0xaa: {  	vm0 =	vgt.f32 v4, $0.0e+00  }
0xab: {  	v4 =	vsel vm0, v4, v5  }
0xac: {  	v4 =	vmul.f32 $1.442695020e+00, v4;
	_ =	sdelay $0x1  }
0xad: {  	(erf) = vpow2.f32 v4;
	_ =	sdelay $0x8  }
0xae: {  	v4 =	vpop (erf)  }
0xaf: {  	s2 =	simm.s32 $0x16900;
	[tilespmem:v10+s14+$0x0] =	vst.idx.msk $0xffff, v4  }
0xb0: {  	v8 =	vld [tilespmem:s2+$0xA0]  }
0xb1: {  	s25 =	simm.s32 $0x4;
	s26 =	simm.s32 $0x16900;
	v6 =	vbroadcast v4, $0x5;
	v5 =	vbroadcast v4, $0x7;
	v7 =	vld [tilespmem:s2+$0xB0]  }
.LBB2_7:
0xb2: {  	p1 =	sne.s32 s25, $0x4C  }
0xb3: {  	v9 =	vld [tilespmem:s2+$0xC0];
	s26 =	sadd.s32 $0x200, s26;
	s16 =	smov.u32 s25;
	s25 =	sadd.s32 $0x4, s25  }
0xb4: {  	v10 =	vbroadcast v4, $0xD;
	v11 =	vld [tilespmem:s2+$0xD0]  }
0xb5: {  	v12 =	vld [tilespmem:s2+$0xFFFFFF00]  }
0xb6: {  	v14 =	vbroadcast v4, $0xE;
	v13 =	vld [tilespmem:s2+$0xFFFFFF10];
	v8 =	vmul.f32 v8, v10  }
0xb7: {  	v15 =	vld [tilespmem:s2+$0xFFFFFF20];
	v7 =	vmul.f32 v7, v10  }
0xb8: {  	v10 =	vbroadcast v4, $0x0;
	v16 =	vld [tilespmem:s2+$0xFFFFFF30];
	[tilespmem:s2+$0xA0] =	vst v8;
	v8 =	vmul.f32 v9, v14  }
0xb9: {  	v9 =	vld [tilespmem:s2+$0xFFFFFF40];
	[tilespmem:s2+$0xB0] =	vst v7;
	v7 =	vmul.f32 v11, v14  }
0xba: {  	v11 =	vmul.f32 v10, v12;
	v12 =	vbroadcast v4, $0x1;
	v14 =	vld [tilespmem:s2+$0xFFFFFF50];
	[tilespmem:s2+$0xC0] =	vst v8  }
0xbb: {  	v8 =	vmul.f32 v10, v13;
	v10 =	vld [tilespmem:s2+$0xFFFFFF60];
	[tilespmem:s2+$0xD0] =	vst v7  }
0xbc: {  	[tilespmem:s2+$0xFFFFFF00] =	vst v11;
	v7 =	vmul.f32 v12, v15;
	v11 =	vbroadcast v4, $0x2;
	v13 =	vld [tilespmem:s2+$0xFFFFFF70]  }
0xbd: {  	[tilespmem:s2+$0xFFFFFF10] =	vst v8;
	v8 =	vmul.f32 v16, v12;
	v12 =	vld [tilespmem:s2+$0xFFFFFF80]  }
0xbe: {  	[tilespmem:s2+$0xFFFFFF20] =	vst v7;
	v7 =	vmul.f32 v9, v11;
	v9 =	vbroadcast v4, $0x3;
	v15 =	vld [tilespmem:s2+$0xFFFFFF90]  }
0xbf: {  	[tilespmem:s2+$0xFFFFFF30] =	vst v8;
	v8 =	vmul.f32 v14, v11;
	v11 =	vld [tilespmem:s2+$0xFFFFFFA0]  }
0xc0: {  	[tilespmem:s2+$0xFFFFFF40] =	vst v7;
	v7 =	vmul.f32 v10, v9;
	v10 =	vbroadcast v4, $0x4;
	v14 =	vld [tilespmem:s2+$0xFFFFFFB0]  }
0xc1: {  	[tilespmem:s2+$0xFFFFFF50] =	vst v8;
	v8 =	vmul.f32 v13, v9;
	v9 =	vld [tilespmem:s2+$0xFFFFFFC0]  }
0xc2: {  	[tilespmem:s2+$0xFFFFFF60] =	vst v7;
	v7 =	vmul.f32 v12, v10;
	v12 =	vld [tilespmem:s2+$0xFFFFFFD0]  }
0xc3: {  	[tilespmem:s2+$0xFFFFFF70] =	vst v8;
	v8 =	vmul.f32 v15, v10;
	v10 =	vld [tilespmem:s2+$0xFFFFFFE0]  }
0xc4: {  	[tilespmem:s2+$0xFFFFFF80] =	vst v7;
	v7 =	vmul.f32 v11, v6;
	v11 =	vbroadcast v4, $0x6;
	v13 =	vld [tilespmem:s2+$0xFFFFFFF0]  }
0xc5: {  	[tilespmem:s2+$0xFFFFFF90] =	vst v8;
	v6 =	vmul.f32 v14, v6;
	v8 =	vld [tilespmem:s2+$0x0]  }
0xc6: {  	[tilespmem:s2+$0xFFFFFFA0] =	vst v7;
	v7 =	vmul.f32 v9, v11;
	v9 =	vld [tilespmem:s2+$0x10]  }
0xc7: {  	[tilespmem:s2+$0xFFFFFFB0] =	vst v6;
	v6 =	vmul.f32 v12, v11;
	v11 =	vld [tilespmem:s2+$0x20]  }
0xc8: {  	[tilespmem:s2+$0xFFFFFFC0] =	vst v7;
	v7 =	vmul.f32 v10, v5;
	v10 =	vbroadcast v4, $0x8;
	v12 =	vld [tilespmem:s2+$0x30]  }
0xc9: {  	[tilespmem:s2+$0xFFFFFFD0] =	vst v6;
	v5 =	vmul.f32 v13, v5;
	v6 =	vld [tilespmem:s2+$0x40]  }
0xca: {  	[tilespmem:s2+$0xFFFFFFE0] =	vst v7;
	v7 =	vmul.f32 v8, v10;
	v8 =	vbroadcast v4, $0x9;
	v13 =	vld [tilespmem:s2+$0x50]  }
0xcb: {  	[tilespmem:s2+$0xFFFFFFF0] =	vst v5;
	v5 =	vmul.f32 v9, v10;
	v9 =	vld [tilespmem:s2+$0x60]  }
0xcc: {  	v10 =	vmov s16;
	[tilespmem:s2+$0x0] =	vst v7;
	v7 =	vmul.f32 v11, v8;
	v11 =	vbroadcast v4, $0xA;
	v14 =	vld [tilespmem:s2+$0x70]  }
0xcd: {  	v10 =	vshll.u32 v10, $0x4;
	[tilespmem:s2+$0x10] =	vst v5;
	v5 =	vmul.f32 v12, v8;
	v8 =	vld [tilespmem:s2+$0x80]  }
0xce: {  	v10 =	vor.u32 v2, v10;
	[tilespmem:s2+$0x20] =	vst v7;
	v6 =	vmul.f32 v6, v11;
	v7 =	vbroadcast v4, $0xB;
	v12 =	vld [tilespmem:s2+$0x90]  }
0xcf: {  	v15 =	vor.u32 v0, v10;
	v10 =	vor.u32 v3, v10;
	[tilespmem:s2+$0x30] =	vst v5;
	v5 =	vmul.f32 v13, v11;
	v11 =	vld [tilespmem:s2+$0xE0]  }
0xd0: {  	[tilespmem:s2+$0x40] =	vst v6;
	v6 =	vmul.f32 v9, v7;
	v9 =	vbroadcast v4, $0xC;
	v13 =	vld [tilespmem:s2+$0xF0]  }
0xd1: {  	[tilespmem:s2+$0x50] =	vst v5;
	v5 =	vmul.f32 v14, v7  }
0xd2: {  	v4 =	vbroadcast v4, $0xF;
	[tilespmem:s2+$0x60] =	vst v6;
	v6 =	vmul.f32 v8, v9  }
0xd3: {  	[tilespmem:s2+$0x70] =	vst v5;
	v5 =	vmul.f32 v12, v9  }
0xd4: {  	[tilespmem:s2+$0x80] =	vst v6;
	v6 =	vmul.f32 v11, v4  }
0xd5: {  	[tilespmem:s2+$0x90] =	vst v5;
	v4 =	vmul.f32 v13, v4  }
0xd6: {  	[tilespmem:s2+$0xE0] =	vst v6  }
0xd7: {  	[tilespmem:s2+$0xF0] =	vst v4;
	s2 =	smov.u32 s26  }
0xd8: {  	v4 =	vld.idx.msk [tilespmem:v15+s19+$0x0], $0xffff  }
0xd9: {  	v5 =	vld.idx.msk [tilespmem:v10+s22+$0x0], $0xffff;
	_ =	sdelay $0x5  }
0xda: {  	v4 =	vadd.f32 v5, v4;
	_ =	sdelay $0x1  }
0xdb: {  	v5 =	vmul.f32 $2.000000030e-01, v4  }
0xdc: {  	vm0 =	vgt.f32 v4, $0.0e+00  }
0xdd: {  	v4 =	vsel vm0, v4, v5  }
0xde: {  	v4 =	vmul.f32 $1.442695020e+00, v4;
	_ =	sdelay $0x1  }
0xdf: {  	(erf) = vpow2.f32 v4;
	_ =	sdelay $0x7  }
.Ltmp4:
0xe0: {  	(pc) =	sbr.rel @p1 .LBB2_7-.Ltmp4, $4  }
0xe1: {  	v4 =	vpop (erf)  }
0xe2: {  	[tilespmem:v15+s14+$0x0] =	vst.idx.msk $0xffff, v4;
	v6 =	vbroadcast v4, $0x5;
	v5 =	vbroadcast v4, $0x7  }
0xe3: {  	v8 =	vld [tilespmem:s26+$0xA0]  }
0xe4: {  	v7 =	vld [tilespmem:s26+$0xB0]  }
0xe5: {  	v9 =	vld [tilespmem:s2+$0xC0]  }
0xe6: {  	v10 =	vbroadcast v4, $0xD;
	v11 =	vld [tilespmem:s2+$0xD0]  }
0xe7: {  	v12 =	vld [tilespmem:s2+$0xFFFFFF00]  }
0xe8: {  	v13 =	vld [tilespmem:s2+$0xFFFFFF10];
	v14 =	vbroadcast v4, $0xE;
	v8 =	vmul.f32 v8, v10  }
0xe9: {  	v15 =	vld [tilespmem:s2+$0xFFFFFF20];
	v7 =	vmul.f32 v7, v10  }
0xea: {  	v16 =	vld [tilespmem:s2+$0xFFFFFF30];
	v10 =	vbroadcast v4, $0x0;
	[tilespmem:s2+$0xA0] =	vst v8;
	v8 =	vmul.f32 v9, v14  }
0xeb: {  	v9 =	vld [tilespmem:s2+$0xFFFFFF40];
	[tilespmem:s2+$0xB0] =	vst v7;
	v7 =	vmul.f32 v11, v14  }
0xec: {  	v52 =	vbroadcast v4, $0x1;
	v53 =	vld [tilespmem:s2+$0xFFFFFF50];
	v11 =	vmul.f32 v10, v12;
	[tilespmem:s2+$0xC0] =	vst v8  }
0xed: {  	v8 =	vmul.f32 v10, v13;
	v10 =	vld [tilespmem:s2+$0xFFFFFF60];
	[tilespmem:s2+$0xD0] =	vst v7  }
0xee: {  	v54 =	vld [tilespmem:s2+$0xFFFFFF70];
	[tilespmem:s2+$0xFFFFFF00] =	vst v11;
	v7 =	vmul.f32 v52, v15;
	v11 =	vbroadcast v4, $0x2  }
0xef: {  	v55 =	vld [tilespmem:s2+$0xFFFFFF80];
	[tilespmem:s2+$0xFFFFFF10] =	vst v8;
	v8 =	vmul.f32 v16, v52  }
0xf0: {  	v56 =	vld [tilespmem:s2+$0xFFFFFF90];
	[tilespmem:s2+$0xFFFFFF20] =	vst v7;
	v7 =	vmul.f32 v9, v11;
	v9 =	vbroadcast v4, $0x3  }
0xf1: {  	[tilespmem:s2+$0xFFFFFF30] =	vst v8;
	v8 =	vmul.f32 v53, v11;
	v11 =	vld [tilespmem:s2+$0xFFFFFFA0]  }
0xf2: {  	v57 =	vld [tilespmem:s2+$0xFFFFFFB0];
	[tilespmem:s2+$0xFFFFFF40] =	vst v7;
	v7 =	vmul.f32 v10, v9;
	v10 =	vbroadcast v4, $0x4  }
0xf3: {  	[tilespmem:s2+$0xFFFFFF50] =	vst v8;
	v8 =	vmul.f32 v54, v9;
	v9 =	vld [tilespmem:s2+$0xFFFFFFC0]  }
0xf4: {  	v58 =	vld [tilespmem:s2+$0xFFFFFFD0];
	[tilespmem:s2+$0xFFFFFF60] =	vst v7;
	v7 =	vmul.f32 v55, v10  }
0xf5: {  	[tilespmem:s2+$0xFFFFFF70] =	vst v8;
	v8 =	vmul.f32 v56, v10;
	v10 =	vld [tilespmem:s2+$0xFFFFFFE0]  }
0xf6: {  	v59 =	vld [tilespmem:s2+$0xFFFFFFF0];
	[tilespmem:s2+$0xFFFFFF80] =	vst v7;
	v7 =	vmul.f32 v11, v6;
	v11 =	vbroadcast v4, $0x6  }
0xf7: {  	v6 =	vmul.f32 v57, v6;
	[tilespmem:s2+$0xFFFFFF90] =	vst v8;
	v8 =	vld [tilespmem:s2+$0x0]  }
0xf8: {  	[tilespmem:s2+$0xFFFFFFA0] =	vst v7;
	v7 =	vmul.f32 v9, v11;
	v9 =	vld [tilespmem:s2+$0x10]  }
0xf9: {  	[tilespmem:s2+$0xFFFFFFB0] =	vst v6;
	v6 =	vmul.f32 v58, v11;
	v11 =	vld [tilespmem:s2+$0x20]  }
0xfa: {  	v60 =	vld [tilespmem:s2+$0x30];
	[tilespmem:s2+$0xFFFFFFC0] =	vst v7;
	v7 =	vmul.f32 v10, v5;
	v10 =	vbroadcast v4, $0x8  }
0xfb: {  	[tilespmem:s2+$0xFFFFFFD0] =	vst v6;
	v5 =	vmul.f32 v59, v5;
	v6 =	vld [tilespmem:s2+$0x40]  }
0xfc: {  	v61 =	vld [tilespmem:s2+$0x50];
	[tilespmem:s2+$0xFFFFFFE0] =	vst v7;
	v7 =	vmul.f32 v8, v10;
	v8 =	vbroadcast v4, $0x9  }
0xfd: {  	[tilespmem:s2+$0xFFFFFFF0] =	vst v5;
	v5 =	vmul.f32 v9, v10;
	v9 =	vld [tilespmem:s2+$0x60]  }
0xfe: {  	v10 =	vbroadcast v4, $0xA;
	[tilespmem:s2+$0x0] =	vst v7;
	v7 =	vmul.f32 v11, v8;
	v11 =	vld [tilespmem:s2+$0x70]  }
0xff: {  	[tilespmem:s2+$0x10] =	vst v5;
	v5 =	vmul.f32 v60, v8;
	v8 =	vld [tilespmem:s2+$0x80]  }
0x100: {  	v62 =	vld [tilespmem:s2+$0x90];
	v6 =	vmul.f32 v6, v10;
	[tilespmem:s2+$0x20] =	vst v7;
	v7 =	vbroadcast v4, $0xB  }
0x101: {  	[tilespmem:s2+$0x30] =	vst v5;
	v5 =	vmul.f32 v61, v10;
	v10 =	vld [tilespmem:s2+$0xE0]  }
0x102: {  	v63 =	vld [tilespmem:s2+$0xF0];
	[tilespmem:s2+$0x40] =	vst v6;
	v6 =	vmul.f32 v9, v7;
	v9 =	vbroadcast v4, $0xC  }
0x103: {  	[tilespmem:s2+$0x50] =	vst v5;
	v5 =	vmul.f32 v11, v7  }
0x104: {  	v4 =	vbroadcast v4, $0xF;
	[tilespmem:s2+$0x60] =	vst v6;
	v6 =	vmul.f32 v8, v9  }
0x105: {  	[tilespmem:s2+$0x70] =	vst v5;
	v5 =	vmul.f32 v62, v9  }
0x106: {  	[tilespmem:s2+$0x80] =	vst v6;
	v6 =	vmul.f32 v10, v4  }
0x107: {  	v4 =	vmul.f32 v63, v4;
	[tilespmem:s2+$0x90] =	vst v5  }
0x108: {  	[tilespmem:s2+$0xE0] =	vst v6  }
0x109: {  	s25 =	rddreg [dreg:$0x3];
	s16 =	simm.s32 $0x19FA0;
	[tilespmem:s2+$0xF0] =	vst v4  }
0x10a: {  	[spmem:s25] =	stream.indirect.scatter.add.f32 [tilespmem:s14], [sflag:$0x9], $0x10, s16, s15, $0xb8;
	[tilespmem:$0x1D7E0] =	vst v63  }
0x10b: {  	_ =	swait.ge [sflag:s13], $0x500  }
0x10c: {  	[sflag:s13] =	ssyncset.done $0x0  }
0x10d: {  	[sflag:s13] =	ssyncadd.s32 $0xFFFFFB00  }
0x10e: {  	s26 =	rddreg [dreg:$0x2]  }
0x10f: {  	[spmem:s26] =	stream.indirect.scatter.add.f32 [tilespmem:s11], [sflag:$0x4], $0x80, s16, s15, $0xb8;
	[tilespmem:$0x1D7E0] =	vst v63  }
0x110: {  	_ =	swait.ge [sflag:s0], $0x500  }
0x111: {  	[sflag:s0] =	ssyncset.done $0x0  }
0x112: {  	[sflag:s0] =	ssyncadd.s32 $0xFFFFFB00  }
0x113: {  	_ =	swait.ge [sflag:s12], $0x500  }
0x114: {  	[sflag:s12] =	ssyncset.done $0x0  }
0x115: {  	[sflag:s12] =	ssyncadd.s32 $0xFFFFFB00  }
0x116: {  	_ =	swait.ge [sflag:s21], $0x2800  }
0x117: {  	[sflag:s21] =	ssyncset.done $0x0  }
0x118: {  	[sflag:s21] =	ssyncadd.s32 $0xFFFFD800  }
0x119: {  	v4 =	vld [tilespmem:$0x1D740]  }
0x11a: {  	s31 =	simm.s32 $0x0;
	v5 =	vld [tilespmem:$0x1D750]  }
0x11b: {  	v7 =	vmov s31;
	v6 =	vld [tilespmem:$0x1D760]  }
0x11c: {  	v7 =	vshll.u32 v7, $0x4;
	v8 =	vld [tilespmem:$0x1D770]  }
0x11d: {  	v7 =	vor.u32 v2, v7;
	v9 =	vld [tilespmem:$0x1D780]  }
0x11e: {  	v10 =	vor.u32 v0, v7;
	[tilespmem:$0x1D790] =	vst v4  }
0x11f: {  	[tilespmem:$0x1D7A0] =	vst v5;
	v4 =	vor.u32 v3, v7  }
0x120: {  	[tilespmem:$0x1D7B0] =	vst v6  }
0x121: {  	[tilespmem:$0x1D7C0] =	vst v8  }
0x122: {  	[tilespmem:$0x1D7D0] =	vst v9  }
0x123: {  	v5 =	vld.idx.msk [tilespmem:v10+s24+$0x0], $0xffff  }
0x124: {  	v4 =	vld.idx.msk [tilespmem:v4+s8+$0x0], $0xffff;
	_ =	sdelay $0x4  }
0x125: {  	v4 =	vadd.f32 v4, v5;
	_ =	sdelay $0x1  }
0x126: {  	v5 =	vmul.f32 $2.000000030e-01, v4  }
0x127: {  	vm0 =	vgt.f32 v4, $0.0e+00  }
0x128: {  	v4 =	vsel vm0, v4, v5  }
0x129: {  	v4 =	vmul.f32 $1.442695020e+00, v4;
	_ =	sdelay $0x1  }
0x12a: {  	(erf) = vpow2.f32 v4;
	_ =	sdelay $0x8  }
0x12b: {  	v4 =	vpop (erf)  }
0x12c: {  	s2 =	simm.s32 $0x1A0F0;
	[tilespmem:v10+s20+$0x0] =	vst.idx.msk $0xffff, v4  }
0x12d: {  	v8 =	vld [tilespmem:s2+$0xA0]  }
0x12e: {  	s25 =	simm.s32 $0x4;
	s26 =	simm.s32 $0x1A0F0;
	v6 =	vbroadcast v4, $0x5;
	v5 =	vbroadcast v4, $0x7;
	v7 =	vld [tilespmem:s2+$0xB0]  }
.LBB2_9:
0x12f: {  	p1 =	sne.s32 s25, $0x4C  }
0x130: {  	v9 =	vld [tilespmem:s2+$0xC0];
	s26 =	sadd.s32 $0x200, s26;
	s16 =	smov.u32 s25;
	s25 =	sadd.s32 $0x4, s25  }
0x131: {  	v10 =	vbroadcast v4, $0xD;
	v11 =	vld [tilespmem:s2+$0xD0]  }
0x132: {  	v12 =	vld [tilespmem:s2+$0xFFFFFF00]  }
0x133: {  	v14 =	vbroadcast v4, $0xE;
	v13 =	vld [tilespmem:s2+$0xFFFFFF10];
	v8 =	vmul.f32 v8, v10  }
0x134: {  	v15 =	vld [tilespmem:s2+$0xFFFFFF20];
	v7 =	vmul.f32 v7, v10  }
0x135: {  	v10 =	vbroadcast v4, $0x0;
	v16 =	vld [tilespmem:s2+$0xFFFFFF30];
	[tilespmem:s2+$0xA0] =	vst v8;
	v8 =	vmul.f32 v9, v14  }
0x136: {  	v9 =	vld [tilespmem:s2+$0xFFFFFF40];
	[tilespmem:s2+$0xB0] =	vst v7;
	v7 =	vmul.f32 v11, v14  }
0x137: {  	v11 =	vmul.f32 v10, v12;
	v12 =	vbroadcast v4, $0x1;
	v14 =	vld [tilespmem:s2+$0xFFFFFF50];
	[tilespmem:s2+$0xC0] =	vst v8  }
0x138: {  	v8 =	vmul.f32 v10, v13;
	v10 =	vld [tilespmem:s2+$0xFFFFFF60];
	[tilespmem:s2+$0xD0] =	vst v7  }
0x139: {  	[tilespmem:s2+$0xFFFFFF00] =	vst v11;
	v7 =	vmul.f32 v12, v15;
	v11 =	vbroadcast v4, $0x2;
	v13 =	vld [tilespmem:s2+$0xFFFFFF70]  }
0x13a: {  	[tilespmem:s2+$0xFFFFFF10] =	vst v8;
	v8 =	vmul.f32 v16, v12;
	v12 =	vld [tilespmem:s2+$0xFFFFFF80]  }
0x13b: {  	[tilespmem:s2+$0xFFFFFF20] =	vst v7;
	v7 =	vmul.f32 v9, v11;
	v9 =	vbroadcast v4, $0x3;
	v15 =	vld [tilespmem:s2+$0xFFFFFF90]  }
0x13c: {  	[tilespmem:s2+$0xFFFFFF30] =	vst v8;
	v8 =	vmul.f32 v14, v11;
	v11 =	vld [tilespmem:s2+$0xFFFFFFA0]  }
0x13d: {  	[tilespmem:s2+$0xFFFFFF40] =	vst v7;
	v7 =	vmul.f32 v10, v9;
	v10 =	vbroadcast v4, $0x4;
	v14 =	vld [tilespmem:s2+$0xFFFFFFB0]  }
0x13e: {  	[tilespmem:s2+$0xFFFFFF50] =	vst v8;
	v8 =	vmul.f32 v13, v9;
	v9 =	vld [tilespmem:s2+$0xFFFFFFC0]  }
0x13f: {  	[tilespmem:s2+$0xFFFFFF60] =	vst v7;
	v7 =	vmul.f32 v12, v10;
	v12 =	vld [tilespmem:s2+$0xFFFFFFD0]  }
0x140: {  	[tilespmem:s2+$0xFFFFFF70] =	vst v8;
	v8 =	vmul.f32 v15, v10;
	v10 =	vld [tilespmem:s2+$0xFFFFFFE0]  }
0x141: {  	[tilespmem:s2+$0xFFFFFF80] =	vst v7;
	v7 =	vmul.f32 v11, v6;
	v11 =	vbroadcast v4, $0x6;
	v13 =	vld [tilespmem:s2+$0xFFFFFFF0]  }
0x142: {  	[tilespmem:s2+$0xFFFFFF90] =	vst v8;
	v6 =	vmul.f32 v14, v6;
	v8 =	vld [tilespmem:s2+$0x0]  }
0x143: {  	[tilespmem:s2+$0xFFFFFFA0] =	vst v7;
	v7 =	vmul.f32 v9, v11;
	v9 =	vld [tilespmem:s2+$0x10]  }
0x144: {  	[tilespmem:s2+$0xFFFFFFB0] =	vst v6;
	v6 =	vmul.f32 v12, v11;
	v11 =	vld [tilespmem:s2+$0x20]  }
0x145: {  	[tilespmem:s2+$0xFFFFFFC0] =	vst v7;
	v7 =	vmul.f32 v10, v5;
	v10 =	vbroadcast v4, $0x8;
	v12 =	vld [tilespmem:s2+$0x30]  }
0x146: {  	[tilespmem:s2+$0xFFFFFFD0] =	vst v6;
	v5 =	vmul.f32 v13, v5;
	v6 =	vld [tilespmem:s2+$0x40]  }
0x147: {  	[tilespmem:s2+$0xFFFFFFE0] =	vst v7;
	v7 =	vmul.f32 v8, v10;
	v8 =	vbroadcast v4, $0x9;
	v13 =	vld [tilespmem:s2+$0x50]  }
0x148: {  	[tilespmem:s2+$0xFFFFFFF0] =	vst v5;
	v5 =	vmul.f32 v9, v10;
	v9 =	vld [tilespmem:s2+$0x60]  }
0x149: {  	v10 =	vmov s16;
	[tilespmem:s2+$0x0] =	vst v7;
	v7 =	vmul.f32 v11, v8;
	v11 =	vbroadcast v4, $0xA;
	v14 =	vld [tilespmem:s2+$0x70]  }
0x14a: {  	v10 =	vshll.u32 v10, $0x4;
	[tilespmem:s2+$0x10] =	vst v5;
	v5 =	vmul.f32 v12, v8;
	v8 =	vld [tilespmem:s2+$0x80]  }
0x14b: {  	v10 =	vor.u32 v2, v10;
	[tilespmem:s2+$0x20] =	vst v7;
	v6 =	vmul.f32 v6, v11;
	v7 =	vbroadcast v4, $0xB;
	v12 =	vld [tilespmem:s2+$0x90]  }
0x14c: {  	v15 =	vor.u32 v0, v10;
	v10 =	vor.u32 v3, v10;
	[tilespmem:s2+$0x30] =	vst v5;
	v5 =	vmul.f32 v13, v11;
	v11 =	vld [tilespmem:s2+$0xE0]  }
0x14d: {  	[tilespmem:s2+$0x40] =	vst v6;
	v6 =	vmul.f32 v9, v7;
	v9 =	vbroadcast v4, $0xC;
	v13 =	vld [tilespmem:s2+$0xF0]  }
0x14e: {  	[tilespmem:s2+$0x50] =	vst v5;
	v5 =	vmul.f32 v14, v7  }
0x14f: {  	v4 =	vbroadcast v4, $0xF;
	[tilespmem:s2+$0x60] =	vst v6;
	v6 =	vmul.f32 v8, v9  }
0x150: {  	[tilespmem:s2+$0x70] =	vst v5;
	v5 =	vmul.f32 v12, v9  }
0x151: {  	[tilespmem:s2+$0x80] =	vst v6;
	v6 =	vmul.f32 v11, v4  }
0x152: {  	[tilespmem:s2+$0x90] =	vst v5;
	v4 =	vmul.f32 v13, v4  }
0x153: {  	[tilespmem:s2+$0xE0] =	vst v6  }
0x154: {  	[tilespmem:s2+$0xF0] =	vst v4;
	s2 =	smov.u32 s26  }
0x155: {  	v4 =	vld.idx.msk [tilespmem:v15+s24+$0x0], $0xffff  }
0x156: {  	v5 =	vld.idx.msk [tilespmem:v10+s8+$0x0], $0xffff;
	_ =	sdelay $0x5  }
0x157: {  	v4 =	vadd.f32 v5, v4;
	_ =	sdelay $0x1  }
0x158: {  	v5 =	vmul.f32 $2.000000030e-01, v4  }
0x159: {  	vm0 =	vgt.f32 v4, $0.0e+00  }
0x15a: {  	v4 =	vsel vm0, v4, v5  }
0x15b: {  	v4 =	vmul.f32 $1.442695020e+00, v4;
	_ =	sdelay $0x1  }
0x15c: {  	(erf) = vpow2.f32 v4;
	_ =	sdelay $0x7  }
.Ltmp5:
0x15d: {  	(pc) =	sbr.rel @p1 .LBB2_9-.Ltmp5, $4  }
0x15e: {  	v4 =	vpop (erf)  }
0x15f: {  	[tilespmem:v15+s20+$0x0] =	vst.idx.msk $0xffff, v4;
	v6 =	vbroadcast v4, $0x5;
	v5 =	vbroadcast v4, $0x7  }
0x160: {  	v8 =	vld [tilespmem:s26+$0xA0]  }
0x161: {  	v7 =	vld [tilespmem:s26+$0xB0]  }
0x162: {  	v9 =	vld [tilespmem:s2+$0xC0]  }
0x163: {  	v10 =	vbroadcast v4, $0xD;
	v11 =	vld [tilespmem:s2+$0xD0]  }
0x164: {  	v12 =	vld [tilespmem:s2+$0xFFFFFF00]  }
0x165: {  	v13 =	vld [tilespmem:s2+$0xFFFFFF10];
	v14 =	vbroadcast v4, $0xE;
	v8 =	vmul.f32 v8, v10  }
0x166: {  	v15 =	vld [tilespmem:s2+$0xFFFFFF20];
	v7 =	vmul.f32 v7, v10  }
0x167: {  	v53 =	vbroadcast v4, $0x0;
	v16 =	vld [tilespmem:s2+$0xFFFFFF30];
	[tilespmem:s2+$0xA0] =	vst v8;
	v54 =	vmul.f32 v9, v14  }
0x168: {  	v55 =	vld [tilespmem:s2+$0xFFFFFF40];
	v56 =	vmul.f32 v11, v14;
	[tilespmem:s2+$0xB0] =	vst v7  }
0x169: {  	v58 =	vbroadcast v4, $0x1;
	v59 =	vld [tilespmem:s2+$0xFFFFFF50];
	v57 =	vmul.f32 v53, v12;
	[tilespmem:s2+$0xC0] =	vst v54  }
0x16a: {  	v61 =	vld [tilespmem:s2+$0xFFFFFF60];
	v60 =	vmul.f32 v53, v13;
	[tilespmem:s2+$0xD0] =	vst v56  }
0x16b: {  	v63 =	vbroadcast v4, $0x2;
	v18 =	vld [tilespmem:s2+$0xFFFFFF70];
	v62 =	vmul.f32 v58, v15;
	[tilespmem:s2+$0xFFFFFF00] =	vst v57  }
0x16c: {  	v20 =	vld [tilespmem:s2+$0xFFFFFF80];
	v19 =	vmul.f32 v16, v58;
	[tilespmem:s2+$0xFFFFFF10] =	vst v60  }
0x16d: {  	v22 =	vbroadcast v4, $0x3;
	v23 =	vld [tilespmem:s2+$0xFFFFFF90];
	v21 =	vmul.f32 v55, v63;
	[tilespmem:s2+$0xFFFFFF20] =	vst v62  }
0x16e: {  	v25 =	vld [tilespmem:s2+$0xFFFFFFA0];
	v24 =	vmul.f32 v59, v63;
	[tilespmem:s2+$0xFFFFFF30] =	vst v19  }
0x16f: {  	v27 =	vbroadcast v4, $0x4;
	v28 =	vld [tilespmem:s2+$0xFFFFFFB0];
	v26 =	vmul.f32 v61, v22;
	[tilespmem:s2+$0xFFFFFF40] =	vst v21  }
0x170: {  	v30 =	vld [tilespmem:s2+$0xFFFFFFC0];
	v29 =	vmul.f32 v18, v22;
	[tilespmem:s2+$0xFFFFFF50] =	vst v24  }
0x171: {  	v32 =	vld [tilespmem:s2+$0xFFFFFFD0];
	v31 =	vmul.f32 v20, v27;
	[tilespmem:s2+$0xFFFFFF60] =	vst v26  }
0x172: {  	v34 =	vld [tilespmem:s2+$0xFFFFFFE0];
	v33 =	vmul.f32 v23, v27;
	[tilespmem:s2+$0xFFFFFF70] =	vst v29  }
0x173: {  	v36 =	vbroadcast v4, $0x6;
	v37 =	vld [tilespmem:s2+$0xFFFFFFF0];
	v35 =	vmul.f32 v25, v6;
	[tilespmem:s2+$0xFFFFFF80] =	vst v31  }
0x174: {  	v39 =	vld [tilespmem:s2+$0x0];
	v38 =	vmul.f32 v28, v6;
	[tilespmem:s2+$0xFFFFFF90] =	vst v33  }
0x175: {  	v43 =	vld [tilespmem:s2+$0x20];
	v40 =	vmul.f32 v30, v36;
	[tilespmem:s2+$0xFFFFFFA0] =	vst v35  }
0x176: {  	v41 =	vld [tilespmem:s2+$0x10];
	v42 =	vmul.f32 v32, v36;
	[tilespmem:s2+$0xFFFFFFB0] =	vst v38  }
0x177: {  	v45 =	vbroadcast v4, $0x8;
	v47 =	vld [tilespmem:s2+$0x40];
	v44 =	vmul.f32 v34, v5;
	[tilespmem:s2+$0xFFFFFFC0] =	vst v40  }
0x178: {  	v46 =	vld [tilespmem:s2+$0x30];
	v49 =	vbroadcast v4, $0x9;
	v5 =	vmul.f32 v37, v5;
	[tilespmem:s2+$0xFFFFFFD0] =	vst v42  }
0x179: {  	v51 =	vld [tilespmem:s2+$0x60];
	v48 =	vmul.f32 v39, v45;
	[tilespmem:s2+$0xFFFFFFE0] =	vst v44  }
0x17a: {  	v52 =	vmul.f32 v43, v49;
	v53 =	vbroadcast v4, $0xA;
	v55 =	vld [tilespmem:s2+$0x80];
	[tilespmem:s2+$0xFFFFFFF0] =	vst v5  }
0x17b: {  	v50 =	vld [tilespmem:s2+$0x50];
	v5 =	vmul.f32 v41, v45;
	[tilespmem:s2+$0x0] =	vst v48  }
0x17c: {  	v58 =	vld [tilespmem:s2+$0xE0];
	[tilespmem:s2+$0x20] =	vst v52;
	v6 =	vmul.f32 v47, v53;
	v56 =	vbroadcast v4, $0xB  }
0x17d: {  	v54 =	vld [tilespmem:s2+$0x70];
	v60 =	vbroadcast v4, $0xC;
	[tilespmem:s2+$0x10] =	vst v5;
	v5 =	vmul.f32 v46, v49  }
0x17e: {  	v61 =	vld [tilespmem:s2+$0xF0];
	[tilespmem:s2+$0x40] =	vst v6;
	v59 =	vmul.f32 v51, v56  }
0x17f: {  	v57 =	vld [tilespmem:s2+$0x90];
	v4 =	vbroadcast v4, $0xF;
	v62 =	vmul.f32 v55, v60;
	[tilespmem:s2+$0x30] =	vst v5  }
0x180: {  	v5 =	vmul.f32 v50, v53;
	[tilespmem:s2+$0x60] =	vst v59  }
0x181: {  	v63 =	vmul.f32 v58, v4;
	[tilespmem:s2+$0x80] =	vst v62  }
0x182: {  	[tilespmem:s2+$0x50] =	vst v5;
	v5 =	vmul.f32 v54, v56  }
0x183: {  	v4 =	vmul.f32 v61, v4;
	[tilespmem:s2+$0xE0] =	vst v63  }
0x184: {  	[tilespmem:s2+$0x70] =	vst v5;
	v5 =	vmul.f32 v57, v60  }
0x185: {  	[tilespmem:s2+$0xF0] =	vst v4  }
0x186: {  	s16 =	rddreg [dreg:$0x3];
	s25 =	simm.s32 $0x1D790;
	[tilespmem:s2+$0x90] =	vst v5  }
0x187: {  	[spmem:s16] =	stream.indirect.scatter.add.f32 [tilespmem:s20], [sflag:$0x9], $0x10, s25, s15, $0xb8;
	[tilespmem:$0x1D7E0] =	vst v63  }
0x188: {  	_ =	swait.ge [sflag:s13], $0x500  }
0x189: {  	[sflag:s13] =	ssyncset.done $0x0  }
0x18a: {  	[sflag:s13] =	ssyncadd.s32 $0xFFFFFB00  }
0x18b: {  	s26 =	simm.s32 $0x19FF0;
	s16 =	rddreg [dreg:$0x2]  }
0x18c: {  	[spmem:s16] =	stream.indirect.scatter.add.f32 [tilespmem:s26], [sflag:$0x8], $0x80, s25, s15, $0xb8;
	[tilespmem:$0x1D7E0] =	vst v63  }
0x18d: {  	s2 =	smul.u32 $0xA0, s1;
	_ =	swait.ge [sflag:s9], $0x2800  }
0x18e: {  	s25 =	rddreg [dreg:$0x6]  }
0x18f: {  	s2 =	sadd.s32 s2, s25  }
0x190: {  	[sflag:s9] =	ssyncset.done $0x0;
	s2 =	sshrl.u32 s2, $0x3  }
0x191: {  	[sflag:s9] =	ssyncadd.s32 $0xFFFFD800;
	s25 =	simm.s32 $0x4E200;
	s2 =	sadd.s32 s7, s2  }
0x192: {  	[tilespmem:s18], [sflag:$0x9] =	stream.strided.gather [hbm4b:s2+s15], $0xA0, s25, s15, $0x38;
	[tilespmem:$0x1D7E0] =	vst v63  }
0x193: {  	_ =	swait.ge [sflag:s13], $0xA0  }
0x194: {  	[sflag:s13] =	ssyncset.done $0x0  }
0x195: {  	[sflag:s13] =	ssyncadd.s32 $0xFFFFFF60  }
0x196: {  	[tilespmem:s19], [sflag:$0x1] =	stream.indirect.gather [hbm4b:s6+s15], $0x10, s18, s15, $0xb8;
	[tilespmem:$0x1D7E0] =	vst v63  }
0x197: {  	s16 =	simm.s32 $0x19F50;
	s2 =	sshll.u32 s1, $0x1  }
0x198: {  	[tilespmem:s22], [sflag:$0x2] =	stream.indirect.gather [hbm4b:s6+s15], $0x10, s16, s15, $0xb8;
	[tilespmem:$0x1D7E0] =	vst v63  }
0x199: {  	s2 =	smin.u32 s2, $0x79  }
0x19a: {  	[tilespmem:s11], [sflag:$0x3] =	stream.indirect.gather [hbm4b:s5+s15], $0x80, s18, s15, $0xb8;
	[tilespmem:$0x1D7E0] =	vst v63  }
0x19b: {  	s2 =	smul.u32 $0x50, s2;
	_ =	swait.ge [sflag:s10], $0x2800  }
0x19c: {  	s16 =	rddreg [dreg:$0x7]  }
0x19d: {  	s2 =	sadd.s32 s2, s16  }
0x19e: {  	[sflag:s10] =	ssyncset.done $0x0;
	s2 =	sshrl.u32 s2, $0x3  }
0x19f: {  	[sflag:s10] =	ssyncadd.s32 $0xFFFFD800;
	s2 =	sadd.s32 s7, s2  }
0x1a0: {  	[tilespmem:s23], [sflag:$0x9] =	stream.strided.gather [hbm4b:s2+s15], $0xA0, s25, s15, $0x38;
	[tilespmem:$0x1D7E0] =	vst v63  }
0x1a1: {  	_ =	swait.ge [sflag:s13], $0xA0  }
0x1a2: {  	s1 =	sadd.s32 $0x1, s1;
	[sflag:s13] =	ssyncset.done $0x0  }
0x1a3: {  	p1 =	sne.s32 s1, $0x3E;
	[sflag:s13] =	ssyncadd.s32 $0xFFFFFF60  }
0x1a4: {  	[tilespmem:s24], [sflag:$0x5] =	stream.indirect.gather [hbm4b:s6+s15], $0x10, s23, s15, $0xb8;
	[tilespmem:$0x1D7E0] =	vst v63  }
.Ltmp6:
0x1a5: {  	_ = 	snop;
	(pc) =	sbr.rel @p1 .LBB2_6-.Ltmp6, $4  }
0x1a6: {  	s25 =	simm.s32 $0x1D740  }
0x1a7: {  	[tilespmem:s8], [sflag:$0x6] =	stream.indirect.gather [hbm4b:s6+s15], $0x10, s25, s15, $0xb8;
	[tilespmem:$0x1D7E0] =	vst v63  }
0x1a8: {  	s31 =	simm.s32 $0x19FF0  }
0x1a9: {  	[tilespmem:s26], [sflag:$0x7] =	stream.indirect.gather [hbm4b:s5+s15], $0x80, s23, s15, $0xb8;
	[tilespmem:$0x1D7E0] =	vst v63  }
0x1aa: {  	_ =	swait.ge [sflag:s28], $0x500  }
0x1ab: {  	[sflag:s28] =	ssyncset.done $0x0  }
0x1ac: {  	[sflag:s28] =	ssyncadd.s32 $0xFFFFFB00  }
0x1ad: {  	_ =	swait.ge [sflag:s29], $0x500  }
0x1ae: {  	[sflag:s29] =	ssyncset.done $0x0  }
0x1af: {  	[sflag:s29] =	ssyncadd.s32 $0xFFFFFB00  }
0x1b0: {  	_ =	swait.ge [sflag:s3], $0x2800  }
0x1b1: {  	[sflag:s3] =	ssyncset.done $0x0  }
0x1b2: {  	[sflag:s3] =	ssyncadd.s32 $0xFFFFD800  }
0x1b3: {  	v4 =	vld [tilespmem:$0x19F50]  }
0x1b4: {  	s1 =	simm.s32 $0x0;
	v5 =	vld [tilespmem:$0x19F60]  }
0x1b5: {  	v7 =	vmov s1;
	v6 =	vld [tilespmem:$0x19F70]  }
0x1b6: {  	v7 =	vshll.u32 v7, $0x4;
	v8 =	vld [tilespmem:$0x19F80]  }
0x1b7: {  	v7 =	vor.u32 v2, v7;
	v9 =	vld [tilespmem:$0x19F90]  }
0x1b8: {  	v10 =	vor.u32 v0, v7;
	[tilespmem:$0x19FA0] =	vst v4  }
0x1b9: {  	[tilespmem:$0x19FB0] =	vst v5;
	v4 =	vor.u32 v3, v7  }
0x1ba: {  	[tilespmem:$0x19FC0] =	vst v6  }
0x1bb: {  	[tilespmem:$0x19FD0] =	vst v8  }
0x1bc: {  	[tilespmem:$0x19FE0] =	vst v9  }
0x1bd: {  	v5 =	vld.idx.msk [tilespmem:v10+s19+$0x0], $0xffff  }
0x1be: {  	v4 =	vld.idx.msk [tilespmem:v4+s22+$0x0], $0xffff;
	_ =	sdelay $0x4  }
0x1bf: {  	v4 =	vadd.f32 v4, v5;
	_ =	sdelay $0x1  }
0x1c0: {  	v5 =	vmul.f32 $2.000000030e-01, v4  }
0x1c1: {  	vm0 =	vgt.f32 v4, $0.0e+00  }
0x1c2: {  	v4 =	vsel vm0, v4, v5  }
0x1c3: {  	v4 =	vmul.f32 $1.442695020e+00, v4;
	_ =	sdelay $0x1  }
0x1c4: {  	(erf) = vpow2.f32 v4;
	_ =	sdelay $0x8  }
0x1c5: {  	v4 =	vpop (erf)  }
0x1c6: {  	s1 =	simm.s32 $0x16900;
	[tilespmem:v10+s14+$0x0] =	vst.idx.msk $0xffff, v4  }
0x1c7: {  	v8 =	vld [tilespmem:s1+$0xA0]  }
0x1c8: {  	s2 =	simm.s32 $0x4;
	s25 =	simm.s32 $0x16900;
	v6 =	vbroadcast v4, $0x5;
	v5 =	vbroadcast v4, $0x7;
	v7 =	vld [tilespmem:s1+$0xB0]  }
.LBB2_12:
0x1c9: {  	p1 =	sne.s32 s2, $0x4C  }
0x1ca: {  	v9 =	vld [tilespmem:s1+$0xC0];
	s25 =	sadd.s32 $0x200, s25;
	s16 =	smov.u32 s2;
	s2 =	sadd.s32 $0x4, s2  }
0x1cb: {  	v10 =	vbroadcast v4, $0xD;
	v11 =	vld [tilespmem:s1+$0xD0]  }
0x1cc: {  	v12 =	vld [tilespmem:s1+$0xFFFFFF00]  }
0x1cd: {  	v14 =	vbroadcast v4, $0xE;
	v13 =	vld [tilespmem:s1+$0xFFFFFF10];
	v8 =	vmul.f32 v8, v10  }
0x1ce: {  	v15 =	vld [tilespmem:s1+$0xFFFFFF20];
	v7 =	vmul.f32 v7, v10  }
0x1cf: {  	v10 =	vbroadcast v4, $0x0;
	v16 =	vld [tilespmem:s1+$0xFFFFFF30];
	[tilespmem:s1+$0xA0] =	vst v8;
	v8 =	vmul.f32 v9, v14  }
0x1d0: {  	v9 =	vld [tilespmem:s1+$0xFFFFFF40];
	[tilespmem:s1+$0xB0] =	vst v7;
	v7 =	vmul.f32 v11, v14  }
0x1d1: {  	v11 =	vmul.f32 v10, v12;
	v12 =	vbroadcast v4, $0x1;
	v14 =	vld [tilespmem:s1+$0xFFFFFF50];
	[tilespmem:s1+$0xC0] =	vst v8  }
0x1d2: {  	v8 =	vmul.f32 v10, v13;
	v10 =	vld [tilespmem:s1+$0xFFFFFF60];
	[tilespmem:s1+$0xD0] =	vst v7  }
0x1d3: {  	[tilespmem:s1+$0xFFFFFF00] =	vst v11;
	v7 =	vmul.f32 v12, v15;
	v11 =	vbroadcast v4, $0x2;
	v13 =	vld [tilespmem:s1+$0xFFFFFF70]  }
0x1d4: {  	[tilespmem:s1+$0xFFFFFF10] =	vst v8;
	v8 =	vmul.f32 v16, v12;
	v12 =	vld [tilespmem:s1+$0xFFFFFF80]  }
0x1d5: {  	[tilespmem:s1+$0xFFFFFF20] =	vst v7;
	v7 =	vmul.f32 v9, v11;
	v9 =	vbroadcast v4, $0x3;
	v15 =	vld [tilespmem:s1+$0xFFFFFF90]  }
0x1d6: {  	[tilespmem:s1+$0xFFFFFF30] =	vst v8;
	v8 =	vmul.f32 v14, v11;
	v11 =	vld [tilespmem:s1+$0xFFFFFFA0]  }
0x1d7: {  	[tilespmem:s1+$0xFFFFFF40] =	vst v7;
	v7 =	vmul.f32 v10, v9;
	v10 =	vbroadcast v4, $0x4;
	v14 =	vld [tilespmem:s1+$0xFFFFFFB0]  }
0x1d8: {  	[tilespmem:s1+$0xFFFFFF50] =	vst v8;
	v8 =	vmul.f32 v13, v9;
	v9 =	vld [tilespmem:s1+$0xFFFFFFC0]  }
0x1d9: {  	[tilespmem:s1+$0xFFFFFF60] =	vst v7;
	v7 =	vmul.f32 v12, v10;
	v12 =	vld [tilespmem:s1+$0xFFFFFFD0]  }
0x1da: {  	[tilespmem:s1+$0xFFFFFF70] =	vst v8;
	v8 =	vmul.f32 v15, v10;
	v10 =	vld [tilespmem:s1+$0xFFFFFFE0]  }
0x1db: {  	[tilespmem:s1+$0xFFFFFF80] =	vst v7;
	v7 =	vmul.f32 v11, v6;
	v11 =	vbroadcast v4, $0x6;
	v13 =	vld [tilespmem:s1+$0xFFFFFFF0]  }
0x1dc: {  	[tilespmem:s1+$0xFFFFFF90] =	vst v8;
	v6 =	vmul.f32 v14, v6;
	v8 =	vld [tilespmem:s1+$0x0]  }
0x1dd: {  	[tilespmem:s1+$0xFFFFFFA0] =	vst v7;
	v7 =	vmul.f32 v9, v11;
	v9 =	vld [tilespmem:s1+$0x10]  }
0x1de: {  	[tilespmem:s1+$0xFFFFFFB0] =	vst v6;
	v6 =	vmul.f32 v12, v11;
	v11 =	vld [tilespmem:s1+$0x20]  }
0x1df: {  	[tilespmem:s1+$0xFFFFFFC0] =	vst v7;
	v7 =	vmul.f32 v10, v5;
	v10 =	vbroadcast v4, $0x8;
	v12 =	vld [tilespmem:s1+$0x30]  }
0x1e0: {  	[tilespmem:s1+$0xFFFFFFD0] =	vst v6;
	v5 =	vmul.f32 v13, v5;
	v6 =	vld [tilespmem:s1+$0x40]  }
0x1e1: {  	[tilespmem:s1+$0xFFFFFFE0] =	vst v7;
	v7 =	vmul.f32 v8, v10;
	v8 =	vbroadcast v4, $0x9;
	v13 =	vld [tilespmem:s1+$0x50]  }
0x1e2: {  	[tilespmem:s1+$0xFFFFFFF0] =	vst v5;
	v5 =	vmul.f32 v9, v10;
	v9 =	vld [tilespmem:s1+$0x60]  }
0x1e3: {  	v10 =	vmov s16;
	[tilespmem:s1+$0x0] =	vst v7;
	v7 =	vmul.f32 v11, v8;
	v11 =	vbroadcast v4, $0xA;
	v14 =	vld [tilespmem:s1+$0x70]  }
0x1e4: {  	v10 =	vshll.u32 v10, $0x4;
	[tilespmem:s1+$0x10] =	vst v5;
	v5 =	vmul.f32 v12, v8;
	v8 =	vld [tilespmem:s1+$0x80]  }
0x1e5: {  	v10 =	vor.u32 v2, v10;
	[tilespmem:s1+$0x20] =	vst v7;
	v6 =	vmul.f32 v6, v11;
	v7 =	vbroadcast v4, $0xB;
	v12 =	vld [tilespmem:s1+$0x90]  }
0x1e6: {  	v15 =	vor.u32 v0, v10;
	v10 =	vor.u32 v3, v10;
	[tilespmem:s1+$0x30] =	vst v5;
	v5 =	vmul.f32 v13, v11;
	v11 =	vld [tilespmem:s1+$0xE0]  }
0x1e7: {  	[tilespmem:s1+$0x40] =	vst v6;
	v6 =	vmul.f32 v9, v7;
	v9 =	vbroadcast v4, $0xC;
	v13 =	vld [tilespmem:s1+$0xF0]  }
0x1e8: {  	[tilespmem:s1+$0x50] =	vst v5;
	v5 =	vmul.f32 v14, v7  }
0x1e9: {  	v4 =	vbroadcast v4, $0xF;
	[tilespmem:s1+$0x60] =	vst v6;
	v6 =	vmul.f32 v8, v9  }
0x1ea: {  	[tilespmem:s1+$0x70] =	vst v5;
	v5 =	vmul.f32 v12, v9  }
0x1eb: {  	[tilespmem:s1+$0x80] =	vst v6;
	v6 =	vmul.f32 v11, v4  }
0x1ec: {  	[tilespmem:s1+$0x90] =	vst v5;
	v4 =	vmul.f32 v13, v4  }
0x1ed: {  	[tilespmem:s1+$0xE0] =	vst v6  }
0x1ee: {  	[tilespmem:s1+$0xF0] =	vst v4;
	s1 =	smov.u32 s25  }
0x1ef: {  	v4 =	vld.idx.msk [tilespmem:v15+s19+$0x0], $0xffff  }
0x1f0: {  	v5 =	vld.idx.msk [tilespmem:v10+s22+$0x0], $0xffff;
	_ =	sdelay $0x5  }
0x1f1: {  	v4 =	vadd.f32 v5, v4;
	_ =	sdelay $0x1  }
0x1f2: {  	v5 =	vmul.f32 $2.000000030e-01, v4  }
0x1f3: {  	vm0 =	vgt.f32 v4, $0.0e+00  }
0x1f4: {  	v4 =	vsel vm0, v4, v5  }
0x1f5: {  	v4 =	vmul.f32 $1.442695020e+00, v4;
	_ =	sdelay $0x1  }
0x1f6: {  	(erf) = vpow2.f32 v4;
	_ =	sdelay $0x7  }
.Ltmp7:
0x1f7: {  	(pc) =	sbr.rel @p1 .LBB2_12-.Ltmp7, $4  }
0x1f8: {  	v4 =	vpop (erf)  }
0x1f9: {  	[tilespmem:v15+s14+$0x0] =	vst.idx.msk $0xffff, v4;
	v6 =	vbroadcast v4, $0x5;
	v5 =	vbroadcast v4, $0x7  }
0x1fa: {  	v8 =	vld [tilespmem:s25+$0xA0]  }
0x1fb: {  	v7 =	vld [tilespmem:s25+$0xB0]  }
0x1fc: {  	v9 =	vld [tilespmem:s1+$0xC0]  }
0x1fd: {  	v10 =	vbroadcast v4, $0xD;
	v11 =	vld [tilespmem:s1+$0xD0]  }
0x1fe: {  	v12 =	vld [tilespmem:s1+$0xFFFFFF00]  }
0x1ff: {  	v13 =	vld [tilespmem:s1+$0xFFFFFF10];
	v14 =	vbroadcast v4, $0xE;
	v8 =	vmul.f32 v8, v10  }
0x200: {  	v15 =	vld [tilespmem:s1+$0xFFFFFF20];
	v7 =	vmul.f32 v7, v10  }
0x201: {  	v53 =	vbroadcast v4, $0x0;
	v16 =	vld [tilespmem:s1+$0xFFFFFF30];
	[tilespmem:s1+$0xA0] =	vst v8;
	v54 =	vmul.f32 v9, v14  }
0x202: {  	v55 =	vld [tilespmem:s1+$0xFFFFFF40];
	v56 =	vmul.f32 v11, v14;
	[tilespmem:s1+$0xB0] =	vst v7  }
0x203: {  	v58 =	vbroadcast v4, $0x1;
	v59 =	vld [tilespmem:s1+$0xFFFFFF50];
	v57 =	vmul.f32 v53, v12;
	[tilespmem:s1+$0xC0] =	vst v54  }
0x204: {  	v61 =	vld [tilespmem:s1+$0xFFFFFF60];
	v60 =	vmul.f32 v53, v13;
	[tilespmem:s1+$0xD0] =	vst v56  }
0x205: {  	v63 =	vbroadcast v4, $0x2;
	v18 =	vld [tilespmem:s1+$0xFFFFFF70];
	v62 =	vmul.f32 v58, v15;
	[tilespmem:s1+$0xFFFFFF00] =	vst v57  }
0x206: {  	v20 =	vld [tilespmem:s1+$0xFFFFFF80];
	v19 =	vmul.f32 v16, v58;
	[tilespmem:s1+$0xFFFFFF10] =	vst v60  }
0x207: {  	v22 =	vbroadcast v4, $0x3;
	v23 =	vld [tilespmem:s1+$0xFFFFFF90];
	v21 =	vmul.f32 v55, v63;
	[tilespmem:s1+$0xFFFFFF20] =	vst v62  }
0x208: {  	v25 =	vld [tilespmem:s1+$0xFFFFFFA0];
	v24 =	vmul.f32 v59, v63;
	[tilespmem:s1+$0xFFFFFF30] =	vst v19  }
0x209: {  	v27 =	vbroadcast v4, $0x4;
	v28 =	vld [tilespmem:s1+$0xFFFFFFB0];
	v26 =	vmul.f32 v61, v22;
	[tilespmem:s1+$0xFFFFFF40] =	vst v21  }
0x20a: {  	v30 =	vld [tilespmem:s1+$0xFFFFFFC0];
	v29 =	vmul.f32 v18, v22;
	[tilespmem:s1+$0xFFFFFF50] =	vst v24  }
0x20b: {  	v32 =	vld [tilespmem:s1+$0xFFFFFFD0];
	v31 =	vmul.f32 v20, v27;
	[tilespmem:s1+$0xFFFFFF60] =	vst v26  }
0x20c: {  	v34 =	vld [tilespmem:s1+$0xFFFFFFE0];
	v33 =	vmul.f32 v23, v27;
	[tilespmem:s1+$0xFFFFFF70] =	vst v29  }
0x20d: {  	v36 =	vbroadcast v4, $0x6;
	v37 =	vld [tilespmem:s1+$0xFFFFFFF0];
	v35 =	vmul.f32 v25, v6;
	[tilespmem:s1+$0xFFFFFF80] =	vst v31  }
0x20e: {  	v39 =	vld [tilespmem:s1+$0x0];
	v38 =	vmul.f32 v28, v6;
	[tilespmem:s1+$0xFFFFFF90] =	vst v33  }
0x20f: {  	v43 =	vld [tilespmem:s1+$0x20];
	v40 =	vmul.f32 v30, v36;
	[tilespmem:s1+$0xFFFFFFA0] =	vst v35  }
0x210: {  	v41 =	vld [tilespmem:s1+$0x10];
	v42 =	vmul.f32 v32, v36;
	[tilespmem:s1+$0xFFFFFFB0] =	vst v38  }
0x211: {  	v45 =	vbroadcast v4, $0x8;
	v47 =	vld [tilespmem:s1+$0x40];
	v44 =	vmul.f32 v34, v5;
	[tilespmem:s1+$0xFFFFFFC0] =	vst v40  }
0x212: {  	v46 =	vld [tilespmem:s1+$0x30];
	v49 =	vbroadcast v4, $0x9;
	v5 =	vmul.f32 v37, v5;
	[tilespmem:s1+$0xFFFFFFD0] =	vst v42  }
0x213: {  	v51 =	vld [tilespmem:s1+$0x60];
	v48 =	vmul.f32 v39, v45;
	[tilespmem:s1+$0xFFFFFFE0] =	vst v44  }
0x214: {  	v52 =	vmul.f32 v43, v49;
	v53 =	vbroadcast v4, $0xA;
	v55 =	vld [tilespmem:s1+$0x80];
	[tilespmem:s1+$0xFFFFFFF0] =	vst v5  }
0x215: {  	v50 =	vld [tilespmem:s1+$0x50];
	v5 =	vmul.f32 v41, v45;
	[tilespmem:s1+$0x0] =	vst v48  }
0x216: {  	v58 =	vld [tilespmem:s1+$0xE0];
	[tilespmem:s1+$0x20] =	vst v52;
	v6 =	vmul.f32 v47, v53;
	v56 =	vbroadcast v4, $0xB  }
0x217: {  	v54 =	vld [tilespmem:s1+$0x70];
	v60 =	vbroadcast v4, $0xC;
	[tilespmem:s1+$0x10] =	vst v5;
	v5 =	vmul.f32 v46, v49  }
0x218: {  	v61 =	vld [tilespmem:s1+$0xF0];
	[tilespmem:s1+$0x40] =	vst v6;
	v59 =	vmul.f32 v51, v56  }
0x219: {  	v57 =	vld [tilespmem:s1+$0x90];
	v4 =	vbroadcast v4, $0xF;
	v62 =	vmul.f32 v55, v60;
	[tilespmem:s1+$0x30] =	vst v5  }
0x21a: {  	v5 =	vmul.f32 v50, v53;
	[tilespmem:s1+$0x60] =	vst v59  }
0x21b: {  	v63 =	vmul.f32 v58, v4;
	[tilespmem:s1+$0x80] =	vst v62  }
0x21c: {  	[tilespmem:s1+$0x50] =	vst v5;
	v5 =	vmul.f32 v54, v56  }
0x21d: {  	v4 =	vmul.f32 v61, v4;
	[tilespmem:s1+$0xE0] =	vst v63  }
0x21e: {  	[tilespmem:s1+$0x70] =	vst v5;
	v5 =	vmul.f32 v57, v60  }
0x21f: {  	[tilespmem:s1+$0xF0] =	vst v4  }
0x220: {  	s25 =	rddreg [dreg:$0x3];
	s2 =	simm.s32 $0x19FA0;
	[tilespmem:s1+$0x90] =	vst v5  }
0x221: {  	[spmem:s25] =	stream.indirect.scatter.add.f32 [tilespmem:s14], [sflag:$0x9], $0x10, s2, s15, $0xb8;
	[tilespmem:$0x1D7E0] =	vst v63  }
0x222: {  	_ =	swait.ge [sflag:s13], $0x500  }
0x223: {  	[sflag:s13] =	ssyncset.done $0x0  }
0x224: {  	[sflag:s13] =	ssyncadd.s32 $0xFFFFFB00  }
0x225: {  	s26 =	rddreg [dreg:$0x2]  }
0x226: {  	[spmem:s26] =	stream.indirect.scatter.add.f32 [tilespmem:s11], [sflag:$0x4], $0x80, s2, s15, $0xb8;
	[tilespmem:$0x1D7E0] =	vst v63  }
0x227: {  	_ =	swait.ge [sflag:s9], $0x2800  }
0x228: {  	[sflag:s9] =	ssyncset.done $0x0  }
0x229: {  	[sflag:s9] =	ssyncadd.s32 $0xFFFFD800  }
0x22a: {  	_ =	swait.ge [sflag:s0], $0x500  }
0x22b: {  	[sflag:s0] =	ssyncset.done $0x0  }
0x22c: {  	[sflag:s0] =	ssyncadd.s32 $0xFFFFFB00  }
0x22d: {  	_ =	swait.ge [sflag:s12], $0x500  }
0x22e: {  	[sflag:s12] =	ssyncset.done $0x0  }
0x22f: {  	[sflag:s12] =	ssyncadd.s32 $0xFFFFFB00  }
.Ltmp8:
0x230: {  	_ =	swait.ge [sflag:s21], $0x2800;
	(pc) =	sbr.rel @!p0 .LBB2_14-.Ltmp8, $3  }
0x231: {  	[sflag:s21] =	ssyncset.done $0x0  }
0x232: {  	[sflag:s21] =	ssyncadd.s32 $0xFFFFD800  }
0x233: {  	[bflag:$0x0] =	sbarrier.arrive $0xFFFF;
	_ =	sdelay $0x1  }
0x234: {  	s2 =	rddreg [dreg:$0x9]  }
0x235: {  	[tilespmem:s11], [sflag:$0x9] =	stream.linear.gather [spmem:s2], $0x2800, $0x38;
	[tilespmem:$0x1D7E0] =	vst v63  }
0x236: {  	_ =	swait.ge [sflag:s13], $0x2800  }
0x237: {  	[sflag:s13] =	ssyncset.done $0x0  }
0x238: {  	s16 =	rddreg [dreg:$0x1a];
	[sflag:s13] =	ssyncadd.s32 $0xFFFFD800  }
0x239: {  	[hbm4b:s16+s4] =	stream.linear.scatter [tilespmem:s11], [sflag:$0x9], $0x2800, $0x38;
	[tilespmem:$0x1D7E0] =	vst v63  }
0x23a: {  	_ =	swait.ge [sflag:s13], $0x2800  }
0x23b: {  	[sflag:s13] =	ssyncset.done $0x0  }
0x23c: {  	s25 =	rddreg [dreg:$0x11];
	[sflag:s13] =	ssyncadd.s32 $0xFFFFD800  }
0x23d: {  	[tilespmem:s14], [sflag:$0x9] =	stream.linear.gather [spmem:s25], $0x500, $0x38;
	[tilespmem:$0x1D7E0] =	vst v63  }
0x23e: {  	_ =	swait.ge [sflag:s13], $0x500  }
0x23f: {  	[sflag:s13] =	ssyncset.done $0x0  }
0x240: {  	s1 =	sadd.s32 $0x0, s30;
	[sflag:s13] =	ssyncadd.s32 $0xFFFFFB00  }
0x241: {  	[hbm4b:s1+s4] =	stream.linear.scatter [tilespmem:s14], [sflag:$0x9], $0x500, $0x38;
	[tilespmem:$0x1D7E0] =	vst v63  }
0x242: {  	_ =	swait.ge [sflag:s13], $0x500  }
0x243: {  	s2 =	sadd.s32 $0x2800, s2;
	s1 =	simm.s32 $0xA0;
	[sflag:s13] =	ssyncset.done $0x0  }
.LBB2_18:
0x244: {  	[sflag:s13] =	ssyncadd.s32 $0xFFFFFB00  }
0x245: {  	s16 =	sadd.s32 $0x500, s16;
	s25 =	sadd.s32 $0x500, s25;
	s26 =	smov.u32 s1  }
0x246: {  	[tilespmem:s11], [sflag:$0x9] =	stream.linear.gather [spmem:s2], $0x2800, $0x38;
	[tilespmem:$0x1D7E0] =	vst v63  }
0x247: {  	p1 =	sne.s32 s1, $0x460;
	s1 =	sadd.s32 $0xA0, s1;
	_ =	swait.ge [sflag:s13], $0x2800  }
0x248: {  	[sflag:s13] =	ssyncset.done $0x0  }
0x249: {  	[sflag:s13] =	ssyncadd.s32 $0xFFFFD800  }
0x24a: {  	[hbm4b:s16+s4] =	stream.linear.scatter [tilespmem:s11], [sflag:$0x9], $0x2800, $0x38;
	[tilespmem:$0x1D7E0] =	vst v63  }
0x24b: {  	_ =	swait.ge [sflag:s13], $0x2800  }
0x24c: {  	[sflag:s13] =	ssyncset.done $0x0  }
0x24d: {  	[sflag:s13] =	ssyncadd.s32 $0xFFFFD800  }
0x24e: {  	[tilespmem:s14], [sflag:$0x9] =	stream.linear.gather [spmem:s25], $0x500, $0x38;
	[tilespmem:$0x1D7E0] =	vst v63  }
0x24f: {  	_ =	swait.ge [sflag:s13], $0x500  }
.Ltmp9:
0x250: {  	[sflag:s13] =	ssyncset.done $0x0;
	(pc) =	sbr.rel @p1 .LBB2_18-.Ltmp9, $4  }
0x251: {  	s26 =	sadd.s32 s26, s30;
	[sflag:s13] =	ssyncadd.s32 $0xFFFFFB00  }
0x252: {  	[hbm4b:s26+s4] =	stream.linear.scatter [tilespmem:s14], [sflag:$0x9], $0x500, $0x38;
	[tilespmem:$0x1D7E0] =	vst v63  }
0x253: {  	_ =	swait.ge [sflag:s13], $0x500  }
0x254: {  	s2 =	sadd.s32 $0x2800, s2;
	[sflag:s13] =	ssyncset.done $0x0  }
.Ltmp10:
0x255: {  	(pc) =	sbr.rel .LBB2_20-.Ltmp10, $2  }
0x256: {  	_ =	sdelay $0x2  }
0x257: {  	[sflag:s13] =	ssyncadd.s32 $0xFFFFFB00;
	s2 =	rddreg [dreg:$0x1c]  }
.LBB2_14:
0x258: {  	s2 =	rddreg [dreg:$0x9]  }
0x259: {  	[tilespmem:s11], [sflag:$0x9] =	stream.linear.gather [spmem:s2], $0x2800, $0x38;
	[tilespmem:$0x1D7E0] =	vst v63  }
0x25a: {  	_ =	swait.ge [sflag:s13], $0x2800  }
0x25b: {  	[sflag:s13] =	ssyncset.done $0x0  }
0x25c: {  	s16 =	rddreg [dreg:$0x19];
	[sflag:s13] =	ssyncadd.s32 $0xFFFFD800  }
0x25d: {  	[hbm4b:s16+s4] =	stream.linear.scatter [tilespmem:s11], [sflag:$0x9], $0x2800, $0x38;
	[tilespmem:$0x1D7E0] =	vst v63  }
0x25e: {  	_ =	swait.ge [sflag:s13], $0x2800  }
0x25f: {  	[sflag:s13] =	ssyncset.done $0x0  }
0x260: {  	s25 =	rddreg [dreg:$0x11];
	[sflag:s13] =	ssyncadd.s32 $0xFFFFD800  }
0x261: {  	[tilespmem:s14], [sflag:$0x9] =	stream.linear.gather [spmem:s25], $0x500, $0x38;
	[tilespmem:$0x1D7E0] =	vst v63  }
0x262: {  	_ =	swait.ge [sflag:s13], $0x500  }
0x263: {  	[sflag:s13] =	ssyncset.done $0x0  }
0x264: {  	s1 =	sadd.s32 $0x0, s17;
	[sflag:s13] =	ssyncadd.s32 $0xFFFFFB00  }
0x265: {  	[hbm4b:s1+s4] =	stream.linear.scatter [tilespmem:s14], [sflag:$0x9], $0x500, $0x38;
	[tilespmem:$0x1D7E0] =	vst v63  }
0x266: {  	_ =	swait.ge [sflag:s13], $0x500  }
0x267: {  	s2 =	sadd.s32 $0x2800, s2;
	s1 =	simm.s32 $0xA0;
	[sflag:s13] =	ssyncset.done $0x0  }
.LBB2_15:
0x268: {  	[sflag:s13] =	ssyncadd.s32 $0xFFFFFB00  }
0x269: {  	s16 =	sadd.s32 $0x500, s16;
	s25 =	sadd.s32 $0x500, s25;
	s26 =	smov.u32 s1  }
0x26a: {  	[tilespmem:s11], [sflag:$0x9] =	stream.linear.gather [spmem:s2], $0x2800, $0x38;
	[tilespmem:$0x1D7E0] =	vst v63  }
0x26b: {  	p1 =	seq.s32 s1, $0x460;
	s1 =	sadd.s32 $0xA0, s1;
	_ =	swait.ge [sflag:s13], $0x2800  }
0x26c: {  	[sflag:s13] =	ssyncset.done $0x0  }
0x26d: {  	[sflag:s13] =	ssyncadd.s32 $0xFFFFD800  }
0x26e: {  	[hbm4b:s16+s4] =	stream.linear.scatter [tilespmem:s11], [sflag:$0x9], $0x2800, $0x38;
	[tilespmem:$0x1D7E0] =	vst v63  }
0x26f: {  	_ =	swait.ge [sflag:s13], $0x2800  }
0x270: {  	[sflag:s13] =	ssyncset.done $0x0  }
0x271: {  	[sflag:s13] =	ssyncadd.s32 $0xFFFFD800  }
0x272: {  	[tilespmem:s14], [sflag:$0x9] =	stream.linear.gather [spmem:s25], $0x500, $0x38;
	[tilespmem:$0x1D7E0] =	vst v63  }
0x273: {  	_ =	swait.ge [sflag:s13], $0x500  }
.Ltmp11:
0x274: {  	[sflag:s13] =	ssyncset.done $0x0;
	(pc) =	sbr.rel @!p1 .LBB2_15-.Ltmp11, $4  }
0x275: {  	s26 =	sadd.s32 s26, s17;
	[sflag:s13] =	ssyncadd.s32 $0xFFFFFB00  }
0x276: {  	[hbm4b:s26+s4] =	stream.linear.scatter [tilespmem:s14], [sflag:$0x9], $0x500, $0x38;
	[tilespmem:$0x1D7E0] =	vst v63  }
0x277: {  	_ =	swait.ge [sflag:s13], $0x500  }
0x278: {  	s2 =	sadd.s32 $0x2800, s2;
	[sflag:s13] =	ssyncset.done $0x0  }
.Ltmp12:
0x279: {  	(pc) =	sbr.rel .LBB2_20-.Ltmp12, $2  }
0x27a: {  	_ =	sdelay $0x2  }
0x27b: {  	[sflag:s13] =	ssyncadd.s32 $0xFFFFFB00;
	s2 =	rddreg [dreg:$0x1c]  }
.LBB2_21:
0x27c: {  	_ =	sfence.sel $0x180000  }
0x27d: {  	[bflag:$0x0] =	sbarrier.arrive $0xFFFF  }
0x27e: {  	_ =	strace $0x90000047  }
0x27f: {  	s0 =	stileid.u32;
	[bflag:$0x2] =	sbarrier.arrive $0xFFFF  }
0x280: {  	p0 =	sne.s32 s0, $0x0;
	s0 =	rddreg [dreg:$0x4]  }
0x281: {  	s0 =	sadd.s32 @!p0 $0x100000, s0  }
0x282: {  	[sflag:s0] =	ssyncadd.tile.s32 @!p0 $0x1;
	_ =	shalt  }
.Lfunc_end2:
_tile_overlayer_lowered:
.L_overlay_start_2:
0x283: {  	(tag) =	ssettag $0x2  }
0x284: {  	s0 =	rddreg [dreg:$0x0];
	s2 =	stileid.u32  }
0x285: {  	s1 =	rddreg [dreg:$0x1];
	p0 =	sne.s32 s2, $0x0  }
0x286: {  	s3 =	rddreg [dreg:$0x2];
	[bflag:$0x3] =	sbarrier.arrive $0xFFFF;
	s2 =	simm.s32 @!p0 $0x1C09  }
0x287: {  	[timem:s3], [sflag:s2] =	dma.local @!p0 [hbm:s0], s1  }
0x288: {  	s0 =	simm.s32 @!p0 $0x9  }
0x289: {  	_ =	swait.ge @!p0 [sflag:s0], s1  }
0x28a: {  	s1 =	ssub.s32 @!p0 $0x0, s1;
	[sflag:s0] =	ssyncset.done @!p0 $0x0  }
0x28b: {  	[sflag:s0] =	ssyncadd.s32 @!p0 s1  }
0x28c: {  	[bflag:$0x3] =	sbarrier.arrive $0xFFFF  }
0x28d: {  	_ =	shalt  }

</sc_bundles>
